<compile_context>
chip_gen: v7x
topology: tpu7x:2x2x1
jax: 0.10.2.dev20260603
libtpu: 0.0.44.dev20260713+nightly
codegen_flags: <defaults>
</compile_context>

<pallas_src>
import functools

import jax
import jax.numpy as jnp
from jax import lax
from jax.experimental import pallas as pl
from jax.experimental.pallas import tpu as pltpu
from jax.experimental.pallas import tpu_sc as plsc

N = 10000
D = 128
E = 320000

NC = 2
NS = 16
NW = NC * NS
K = 128
NCH = 80
EW = NCH * K
EPAD = NW * EW
NT = 10240
RPW = NT // NS
RB = 1024
RBF = 1000

_mesh = plsc.VectorSubcoreMesh(core_axis_name="c", subcore_axis_name="s")
_sc_params = pltpu.CompilerParams(needs_layout_passes=False)



def _deg_body(dstc_hbm, out_hbm, idx_v, deg_v):
    c = lax.axis_index("c")
    s = lax.axis_index("s")
    w = s * NC + c
    pltpu.sync_copy(dstc_hbm.at[w], idx_v)
    zero16 = jnp.zeros((16,), jnp.float32)
    def zbody(i, _):
        deg_v[pl.ds(i * 16, 16)] = zero16
        return ()
    lax.fori_loop(0, NT // 16, zbody, ())
    one16 = jnp.ones((16,), jnp.float32)
    def body(i, _):
        plsc.addupdate_scatter(deg_v, [idx_v[i]], one16)
        return ()
    lax.fori_loop(0, EW // 16, body, ())
    pltpu.sync_copy(deg_v, out_hbm.at[w])


_deg_call = functools.partial(
    pl.kernel,
    out_type=jax.ShapeDtypeStruct((NW, NT), jnp.float32),
    mesh=_mesh,
    compiler_params=_sc_params,
    scratch_types=[
        pltpu.VMEM((EW // 16, 16), jnp.int32),
        pltpu.VMEM((NT,), jnp.float32),
    ],
)(_deg_body)


IB = 40
NBLK = NCH // IB
KH = K // 2


def _layer_body(hw_hbm, src_hbm, dst_hbm, out_hbm,
                src_v, dst_v, buf0, buf1, ia0, ib0, ia1, ib1,
                acc, sem0, sem1):
    c = lax.axis_index("c")
    s = lax.axis_index("s")
    w = s * NC + c

    zero16 = jnp.zeros((16,), jnp.float32)
    def zrow(i, _):
        for t in range(8):
            buf0[i, pl.ds(t * 16, 16)] = zero16
        return ()
    lax.fori_loop(0, K, zrow, ())
    for t in range(RPW // K):
        pltpu.sync_copy(buf0, acc.at[pl.ds(s * RPW + t * K, K)])
    plsc.subcore_barrier()

    def gstart(j, buf, sem, ia, ib):
        for q in range(KH // 16):
            ia[pl.ds(q * 16, 16)] = src_v[j, pl.ds(q * 16, 16)]
            ib[pl.ds(q * 16, 16)] = src_v[j, pl.ds(KH + q * 16, 16)]
        pltpu.make_async_copy(hw_hbm.at[ia], buf.at[pl.ds(0, KH)], sem).start()
        pltpu.make_async_copy(hw_hbm.at[ib], buf.at[pl.ds(KH, KH)],
                              sem).start()

    def gwait(buf, sem):
        pltpu.make_async_copy(hw_hbm.at[ia0], buf.at[pl.ds(0, KH)], sem).wait()
        pltpu.make_async_copy(hw_hbm.at[ia0], buf.at[pl.ds(KH, KH)],
                              sem).wait()

    def blk(b, _):
        base = w * NCH + b * IB
        pltpu.sync_copy(src_hbm.at[pl.ds(base, IB)], src_v)
        pltpu.sync_copy(dst_hbm.at[pl.ds(base, IB)], dst_v)
        gstart(0, buf0, sem0, ia0, ib0)
        def body(i, _):
            j = 2 * i
            gstart(j + 1, buf1, sem1, ia1, ib1)
            gwait(buf0, sem0)
            pltpu.sync_copy(buf0, acc.at[dst_v.at[j]], add=True)
            @pl.when(i < IB // 2 - 1)
            def _():
                gstart(j + 2, buf0, sem0, ia0, ib0)
            gwait(buf1, sem1)
            pltpu.sync_copy(buf1, acc.at[dst_v.at[j + 1]], add=True)
            return ()
        lax.fori_loop(0, IB // 2, body, ())
        return ()
    lax.fori_loop(0, NBLK, blk, ())

    plsc.subcore_barrier()
    def ostart(t, buf, sem):
        pltpu.make_async_copy(acc.at[pl.ds(s * RPW + t * K, K)], buf,
                              sem).start()

    def owait(buf, sem):
        pltpu.make_async_copy(acc.at[pl.ds(s * RPW, K)], buf, sem).wait()

    ostart(0, buf0, sem0)
    for t in range(RPW // K):
        buf, sem = (buf0, sem0) if t % 2 == 0 else (buf1, sem1)
        if t + 1 < RPW // K:
            nbuf, nsem = (buf1, sem1) if t % 2 == 0 else (buf0, sem0)
            ostart(t + 1, nbuf, nsem)
        owait(buf, sem)
        pltpu.sync_copy(buf, out_hbm.at[pl.ds(c * NT + s * RPW + t * K, K)])


_layer_call = functools.partial(
    pl.kernel,
    out_type=jax.ShapeDtypeStruct((NC * NT, D), jnp.float32),
    mesh=_mesh,
    compiler_params=_sc_params,
    scratch_types=[
        pltpu.VMEM((IB, K), jnp.int32),
        pltpu.VMEM((IB, K), jnp.int32),
        pltpu.VMEM((K, D), jnp.float32),
        pltpu.VMEM((K, D), jnp.float32),
        pltpu.VMEM((KH,), jnp.int32),
        pltpu.VMEM((KH,), jnp.int32),
        pltpu.VMEM((KH,), jnp.int32),
        pltpu.VMEM((KH,), jnp.int32),
        pltpu.VMEM_SHARED((NT, D), jnp.float32),
        pltpu.SemaphoreType.DMA,
        pltpu.SemaphoreType.DMA,
    ],
)(_layer_body)



def _h0_kernel(x_ref, w_ref, b_ref, o_ref):
    h = jnp.dot(x_ref[...], w_ref[...], preferred_element_type=jnp.float32)
    o_ref[...] = jnp.maximum(h + b_ref[...], 0.0)


def _dis_kernel(degp_ref, o_ref):
    ones = jnp.ones((NW, 1), jnp.float32)
    s = lax.dot_general(degp_ref[...], ones, (((0,), (0,)), ((), ())),
                        preferred_element_type=jnp.float32)
    o_ref[...] = lax.rsqrt(s + 1.0)


def _hw1_kernel(h_ref, w_ref, dis_ref, o_ref):
    hw = jnp.dot(h_ref[...], w_ref[...], preferred_element_type=jnp.float32)
    o_ref[...] = hw * dis_ref[...]


def _comb_kernel(a0_ref, a1_ref, hwp_ref, dis_ref, b_ref, w_ref, o_ref):
    dis = dis_ref[...]
    pre = (a0_ref[...] + a1_ref[...] + hwp_ref[...]) * dis + b_ref[...]
    h = jnp.maximum(pre, 0.0)
    hw = jnp.dot(h, w_ref[...], preferred_element_type=jnp.float32)
    o_ref[...] = hw * dis


def _final_kernel(a0t_ref, a1t_ref, hwt_ref, dst_ref,
                  a0b_ref, a1b_ref, hwb_ref, dsb_ref,
                  b3_ref, w1a_ref, w1b_ref, bc1_ref, w2_ref, bc2_ref, o_ref):
    ht = jnp.maximum((a0t_ref[...] + a1t_ref[...] + hwt_ref[...])
                     * dst_ref[...] + b3_ref[...], 0.0)
    hb = jnp.maximum((a0b_ref[...] + a1b_ref[...] + hwb_ref[...])
                     * dsb_ref[...] + b3_ref[...], 0.0)
    z = jnp.dot(ht, w1a_ref[...], preferred_element_type=jnp.float32)
    z += jnp.dot(hb, w1b_ref[...], preferred_element_type=jnp.float32)
    z = jnp.maximum(z + bc1_ref[...], 0.0)
    o_ref[...] = jnp.dot(z, w2_ref[...],
                         preferred_element_type=jnp.float32) + bc2_ref[...]


def _row_spec(bs=RB):
    return pl.BlockSpec((bs, D), lambda i: (i, 0))


_full = lambda shp: pl.BlockSpec(shp, lambda i: (0, 0))


def _mm_h0(x, w, b):
    return pl.pallas_call(
        _h0_kernel,
        grid=(NT // RB,),
        in_specs=[_row_spec(), _full((D, D)), _full((1, D))],
        out_specs=_row_spec(),
        out_shape=jax.ShapeDtypeStruct((NT, D), jnp.float32),
    )(x, w, b)


def _mk_dis(degp):
    return pl.pallas_call(
        _dis_kernel,
        grid=(1,),
        in_specs=[_full((NW, NT))],
        out_specs=pl.BlockSpec((NT, 1), lambda i: (0, 0)),
        out_shape=jax.ShapeDtypeStruct((NT, 1), jnp.float32),
    )(degp)


def _dis_spec(bs=RB, off=0):
    return pl.BlockSpec((bs, 1), lambda i, off=off: (i + off, 0))


def _mm_hw1(h, w, dis):
    return pl.pallas_call(
        _hw1_kernel,
        grid=(NT // RB,),
        in_specs=[_row_spec(), _full((D, D)), _dis_spec()],
        out_specs=_row_spec(),
        out_shape=jax.ShapeDtypeStruct((NT, D), jnp.float32),
    )(h, w, dis)


def _mm_comb(acc0, acc1, hwp, dis, b, w):
    return pl.pallas_call(
        _comb_kernel,
        grid=(NT // RB,),
        in_specs=[_row_spec(), _row_spec(), _row_spec(), _dis_spec(),
                  _full((1, D)), _full((D, D))],
        out_specs=_row_spec(),
        out_shape=jax.ShapeDtypeStruct((NT, D), jnp.float32),
    )(acc0, acc1, hwp, dis, b, w)


def _mm_final(acc0, acc1, hwp, dis, b3, w1a, w1b, bc1, w2p, bc2p):
    bs = N // 2
    nb = bs // RBF
    top = pl.BlockSpec((RBF, D), lambda i: (i, 0))
    bot = pl.BlockSpec((RBF, D), lambda i: (i + nb, 0))
    return pl.pallas_call(
        _final_kernel,
        grid=(nb,),
        in_specs=[
            top, top, top, _dis_spec(RBF),
            bot, bot, bot, _dis_spec(RBF, nb),
            _full((1, D)), _full((D, D)), _full((D, D)),
            _full((1, D)), _full((D, D)), _full((1, D)),
        ],
        out_specs=pl.BlockSpec((RBF, D), lambda i: (i, 0)),
        out_shape=jax.ShapeDtypeStruct((bs, D), jnp.float32),
    )(acc0, acc1, hwp, dis, acc0, acc1, hwp, dis,
      b3, w1a, w1b, bc1, w2p, bc2p)



def kernel(x, edge_index, W_in, b_in, W_g1, b_g1, W_g2, b_g2, W_g3, b_g3,
           W_c1, b_c1, W_c2, b_c2):
    src = edge_index[0]
    dst = edge_index[1]
    pad = EPAD - E
    srcp = jnp.concatenate([src, jnp.zeros((pad,), jnp.int32)])
    dstp = jnp.concatenate([dst, jnp.full((pad,), N, jnp.int32)])
    src3 = srcp.reshape(NW * NCH, K)
    dst3 = dstp.reshape(NW * NCH, K)
    dstc = dstp.reshape(NW, EW // 16, 16)

    xp = jnp.pad(x, ((0, NT - N), (0, 0)))
    b_in2 = b_in.reshape(1, D)
    b_g12 = b_g1.reshape(1, D)
    b_g22 = b_g2.reshape(1, D)
    b_g32 = b_g3.reshape(1, D)
    bc12 = b_c1.reshape(1, D)
    w1a = W_c1[:D]
    w1b = W_c1[D:]
    w2p = jnp.pad(W_c2, ((0, 0), (0, D - W_c2.shape[1])))
    bc2p = jnp.pad(b_c2, (0, D - b_c2.shape[0])).reshape(1, D)

    def planes(a):
        r = a.reshape(NC, NT, D)
        return r[0], r[1]

    degp = _deg_call(dstc)
    h0 = _mm_h0(xp, W_in, b_in2)
    dis = _mk_dis(degp)
    hw1 = _mm_hw1(h0, W_g1, dis)
    a10, a11 = planes(_layer_call(hw1, src3, dst3))
    hw2 = _mm_comb(a10, a11, hw1, dis, b_g12, W_g2)
    a20, a21 = planes(_layer_call(hw2, src3, dst3))
    hw3 = _mm_comb(a20, a21, hw2, dis, b_g22, W_g3)
    a30, a31 = planes(_layer_call(hw3, src3, dst3))
    out = _mm_final(a30, a31, hw3, dis, b_g32, w1a, w1b, bc12, w2p, bc2p)
    return out[:, :2]

# --- scband reference (transcript-rebuilt; emitter-appended) ---
"""Pipeline reference for scband-gnnmodel-58574763983201 (READ-ONLY COPY).

The authoritative reference and input builder live on the scoring server;
editing this copy changes nothing except your own understanding.
"""

import jax, jax.numpy as jnp
import numpy as np

N = 10000
E = 320000
D_IN = 128
D_H = 128

def setup_inputs(seed: int = 0) -> dict:
    key = jax.random.key(seed)
    ks = jax.random.split(key, 16)
    inp = {}
    inp["x"] = jax.random.normal(ks[0], (N, D_IN), dtype=jnp.float32)
    inp["edge_index"] = jax.random.randint(ks[1], (2, E), 0, N, dtype=jnp.int32)
    inp["W_in"] = jax.random.normal(ks[2], (D_IN, D_H), dtype=jnp.float32) * 0.05
    inp["b_in"] = jnp.zeros((D_H,), dtype=jnp.float32)
    inp["W_g1"] = jax.random.normal(ks[3], (D_H, D_H), dtype=jnp.float32) * 0.05
    inp["b_g1"] = jnp.zeros((D_H,), dtype=jnp.float32)
    inp["W_g2"] = jax.random.normal(ks[4], (D_H, D_H), dtype=jnp.float32) * 0.05
    inp["b_g2"] = jnp.zeros((D_H,), dtype=jnp.float32)
    inp["W_g3"] = jax.random.normal(ks[5], (D_H, D_H), dtype=jnp.float32) * 0.05
    inp["b_g3"] = jnp.zeros((D_H,), dtype=jnp.float32)
    inp["W_c1"] = jax.random.normal(ks[6], (2 * D_H, D_H), dtype=jnp.float32) * 0.05
    inp["b_c1"] = jnp.zeros((D_H,), dtype=jnp.float32)
    inp["W_c2"] = jax.random.normal(ks[7], (D_H, 2), dtype=jnp.float32) * 0.05
    inp["b_c2"] = jnp.zeros((2,), dtype=jnp.float32)
    return inp

def reference(x, edge_index, W_in, b_in, W_g1, b_g1, W_g2, b_g2, W_g3, b_g3, W_c1, b_c1, W_c2, b_c2):
    n = x.shape[0]
    loops = jnp.arange(n, dtype=edge_index.dtype)
    src = jnp.concatenate([edge_index[0], loops])
    dst = jnp.concatenate([edge_index[1], loops])
    deg = jnp.zeros((n,), dtype=jnp.float32).at[dst].add(1.0)
    dis = jnp.where(deg > 0, 1.0 / jnp.sqrt(deg), 0.0)
    norm = dis[src] * dis[dst]
    h = jax.nn.relu(x @ W_in + b_in)
    for W, b in ((W_g1, b_g1), (W_g2, b_g2), (W_g3, b_g3)):
        hw = h @ W
        msgs = hw[src] * norm[:, None]
        h = jax.ops.segment_sum(msgs, dst, num_segments=n) + b
        h = jax.nn.relu(h)
        # dropout is identity in eval mode
    bs = n // 2
    combined = jnp.concatenate([h[:bs], h[bs:2 * bs]], axis=1)
    z = jax.nn.relu(combined @ W_c1 + b_c1)
    return z @ W_c2 + b_c2

if __name__ == "__main__":
    import jax
    _d = setup_inputs()
    print(jax.jit(kernel)(*tuple(_d.values())))

</pallas_src>

<mosaic_0001>
#map = affine_map<(d0, d1) -> (0, 0)>
module attributes {stable_mosaic.version = 14 : i64} {
  func.func @_layer_body(%arg0: i32, %arg1: i32, %arg2: memref<10240x128xf32, #tpu.memory_space<hbm>>, %arg3: memref<2560x128xi32, #tpu.memory_space<hbm>>, %arg4: memref<2560x128xi32, #tpu.memory_space<hbm>>, %arg5: memref<20480x128xf32, #tpu.memory_space<hbm>>, %arg6: memref<40x128xi32, #tpu.memory_space<vmem>>, %arg7: memref<40x128xi32, #tpu.memory_space<vmem>>, %arg8: memref<128x128xf32, #tpu.memory_space<vmem>>, %arg9: memref<128x128xf32, #tpu.memory_space<vmem>>, %arg10: memref<64xi32, #tpu.memory_space<vmem>>, %arg11: memref<64xi32, #tpu.memory_space<vmem>>, %arg12: memref<64xi32, #tpu.memory_space<vmem>>, %arg13: memref<64xi32, #tpu.memory_space<vmem>>, %arg14: memref<10240x128xf32, #tpu.memory_space<vmem_shared>>, %arg15: memref<!tpu.dma_semaphore, #tpu.memory_space<semaphore_mem>>, %arg16: memref<!tpu.dma_semaphore, #tpu.memory_space<semaphore_mem>>) attributes {dimension_semantics = [#tpu.dimension_semantics<core_parallel>, #tpu.dimension_semantics<subcore_parallel>], iteration_bounds = array<i64: 2, 16>, scalar_prefetch = 0 : i64, scratch_operands = 11 : i64, tpu.core_type = #tpu.core_type<sc_vector_subcore>, window_params = [{transform_indices = #map}, {transform_indices = #map}, {transform_indices = #map}, {transform_indices = #map}]} {
    %mul3A = arith.constant 2 : i32
    %mul3A_0 = arith.muli %arg1, %mul3A : i32
    %add3A = arith.addi %mul3A_0, %arg0 : i32
    %broadcast_in_dim3A = arith.constant 0.000000e+00 : f32
    %broadcast_in_dim3A_1 = vector.broadcast %broadcast_in_dim3A : f32 to vector<16xf32>
    %scan3A = arith.constant 0 : i32
    %scan3A_2 = arith.constant 128 : i32
    %scan3A_3 = arith.addi %scan3A, %scan3A_2 : i32
    %scan3A_4 = arith.constant 1 : i32
    scf.for %scan3A_135 = %scan3A to %scan3A_3 step %scan3A_4  : i32 {
      %swap3A = arith.index_cast %scan3A_135 : i32 to index
      %swap3A_136 = arith.constant 0 : index
      %swap3A_137 = tpu.vector_load %arg8[%swap3A, %swap3A_136] {strides = array<i32>} : memref<128x128xf32, #tpu.memory_space<vmem>>, vector<16xf32>,
      tpu.vector_store %arg8[%swap3A, %swap3A_136], %broadcast_in_dim3A_1 {strides = array<i32>} : memref<128x128xf32, #tpu.memory_space<vmem>>, vector<16xf32>,
      %swap3A_138 = arith.index_cast %scan3A_135 : i32 to index
      %swap3A_139 = arith.constant 16 : index
      %swap3A_140 = tpu.vector_load %arg8[%swap3A_138, %swap3A_139] {strides = array<i32>} : memref<128x128xf32, #tpu.memory_space<vmem>>, vector<16xf32>,
      tpu.vector_store %arg8[%swap3A_138, %swap3A_139], %broadcast_in_dim3A_1 {strides = array<i32>} : memref<128x128xf32, #tpu.memory_space<vmem>>, vector<16xf32>,
      %swap3A_141 = arith.index_cast %scan3A_135 : i32 to index
      %swap3A_142 = arith.constant 32 : index
      %swap3A_143 = tpu.vector_load %arg8[%swap3A_141, %swap3A_142] {strides = array<i32>} : memref<128x128xf32, #tpu.memory_space<vmem>>, vector<16xf32>,
      tpu.vector_store %arg8[%swap3A_141, %swap3A_142], %broadcast_in_dim3A_1 {strides = array<i32>} : memref<128x128xf32, #tpu.memory_space<vmem>>, vector<16xf32>,
      %swap3A_144 = arith.index_cast %scan3A_135 : i32 to index
      %swap3A_145 = arith.constant 48 : index
      %swap3A_146 = tpu.vector_load %arg8[%swap3A_144, %swap3A_145] {strides = array<i32>} : memref<128x128xf32, #tpu.memory_space<vmem>>, vector<16xf32>,
      tpu.vector_store %arg8[%swap3A_144, %swap3A_145], %broadcast_in_dim3A_1 {strides = array<i32>} : memref<128x128xf32, #tpu.memory_space<vmem>>, vector<16xf32>,
      %swap3A_147 = arith.index_cast %scan3A_135 : i32 to index
      %swap3A_148 = arith.constant 64 : index
      %swap3A_149 = tpu.vector_load %arg8[%swap3A_147, %swap3A_148] {strides = array<i32>} : memref<128x128xf32, #tpu.memory_space<vmem>>, vector<16xf32>,
      tpu.vector_store %arg8[%swap3A_147, %swap3A_148], %broadcast_in_dim3A_1 {strides = array<i32>} : memref<128x128xf32, #tpu.memory_space<vmem>>, vector<16xf32>,
      %swap3A_150 = arith.index_cast %scan3A_135 : i32 to index
      %swap3A_151 = arith.constant 80 : index
      %swap3A_152 = tpu.vector_load %arg8[%swap3A_150, %swap3A_151] {strides = array<i32>} : memref<128x128xf32, #tpu.memory_space<vmem>>, vector<16xf32>,
      tpu.vector_store %arg8[%swap3A_150, %swap3A_151], %broadcast_in_dim3A_1 {strides = array<i32>} : memref<128x128xf32, #tpu.memory_space<vmem>>, vector<16xf32>,
      %swap3A_153 = arith.index_cast %scan3A_135 : i32 to index
      %swap3A_154 = arith.constant 96 : index
      %swap3A_155 = tpu.vector_load %arg8[%swap3A_153, %swap3A_154] {strides = array<i32>} : memref<128x128xf32, #tpu.memory_space<vmem>>, vector<16xf32>,
      tpu.vector_store %arg8[%swap3A_153, %swap3A_154], %broadcast_in_dim3A_1 {strides = array<i32>} : memref<128x128xf32, #tpu.memory_space<vmem>>, vector<16xf32>,
      %swap3A_156 = arith.index_cast %scan3A_135 : i32 to index
      %swap3A_157 = arith.constant 112 : index
      %swap3A_158 = tpu.vector_load %arg8[%swap3A_156, %swap3A_157] {strides = array<i32>} : memref<128x128xf32, #tpu.memory_space<vmem>>, vector<16xf32>,
      tpu.vector_store %arg8[%swap3A_156, %swap3A_157], %broadcast_in_dim3A_1 {strides = array<i32>} : memref<128x128xf32, #tpu.memory_space<vmem>>, vector<16xf32>,
    }
    %scan3A_5 = arith.constant 128 : i32
    %mul3A_6 = arith.constant 640 : i32
    %mul3A_7 = arith.muli %arg1, %mul3A_6 : i32
    %add3A_8 = arith.constant 0 : i32
    %add3A_9 = arith.addi %mul3A_7, %add3A_8 : i32
    "tpu.region"() ({
      %run_scoped3A = tpu.sem_alloc : memref<!tpu.dma_semaphore, #tpu.memory_space<semaphore_mem>>
      %dma_start3A_135 = arith.constant 0 : i32
      %dma_start3A_136 = tpu.memref_slice %arg14[%add3A_9, %dma_start3A_135] : memref<10240x128xf32, #tpu.memory_space<vmem_shared>> -> memref<128x128xf32, #tpu.memory_space<vmem_shared>>
      %dma_start3A_137 = arith.constant 0 : i32
      %dma_start3A_138 = tpu.memref_slice %arg14[%add3A_9, %dma_start3A_137] : memref<10240x128xf32, #tpu.memory_space<vmem_shared>> -> memref<128x128xf32, #tpu.memory_space<vmem_shared>>
      tpu.enqueue_dma source(%arg8 : memref<128x128xf32, #tpu.memory_space<vmem>>) target(%dma_start3A_138 : memref<128x128xf32, #tpu.memory_space<vmem_shared>>) target_semaphore(%run_scoped3A : memref<!tpu.dma_semaphore, #tpu.memory_space<semaphore_mem>>)
      %dma_wait3A_139 = arith.constant 0 : i32
      %dma_wait3A_140 = tpu.memref_slice %arg14[%add3A_9, %dma_wait3A_139] : memref<10240x128xf32, #tpu.memory_space<vmem_shared>> -> memref<128x128xf32, #tpu.memory_space<vmem_shared>>
      %dma_wait3A_141 = arith.constant 0 : i32
      %dma_wait3A_142 = tpu.memref_slice %arg14[%add3A_9, %dma_wait3A_141] : memref<10240x128xf32, #tpu.memory_space<vmem_shared>> -> memref<128x128xf32, #tpu.memory_space<vmem_shared>>
      tpu.wait_dma2 semaphore(%run_scoped3A : memref<!tpu.dma_semaphore, #tpu.memory_space<semaphore_mem>>) src(%arg8 : memref<128x128xf32, #tpu.memory_space<vmem>>) dst(%dma_wait3A_142 : memref<128x128xf32, #tpu.memory_space<vmem_shared>>)
      tpu.yield
    }) : () -> ()
    %mul3A_10 = arith.constant 640 : i32
    %mul3A_11 = arith.muli %arg1, %mul3A_10 : i32
    %add3A_12 = arith.constant 128 : i32
    %add3A_13 = arith.addi %mul3A_11, %add3A_12 : i32
    "tpu.region"() ({
      %run_scoped3A = tpu.sem_alloc : memref<!tpu.dma_semaphore, #tpu.memory_space<semaphore_mem>>
      %dma_start3A_135 = arith.constant 0 : i32
      %dma_start3A_136 = tpu.memref_slice %arg14[%add3A_13, %dma_start3A_135] : memref<10240x128xf32, #tpu.memory_space<vmem_shared>> -> memref<128x128xf32, #tpu.memory_space<vmem_shared>>
      %dma_start3A_137 = arith.constant 0 : i32
      %dma_start3A_138 = tpu.memref_slice %arg14[%add3A_13, %dma_start3A_137] : memref<10240x128xf32, #tpu.memory_space<vmem_shared>> -> memref<128x128xf32, #tpu.memory_space<vmem_shared>>
      tpu.enqueue_dma source(%arg8 : memref<128x128xf32, #tpu.memory_space<vmem>>) target(%dma_start3A_138 : memref<128x128xf32, #tpu.memory_space<vmem_shared>>) target_semaphore(%run_scoped3A : memref<!tpu.dma_semaphore, #tpu.memory_space<semaphore_mem>>)
      %dma_wait3A_139 = arith.constant 0 : i32
      %dma_wait3A_140 = tpu.memref_slice %arg14[%add3A_13, %dma_wait3A_139] : memref<10240x128xf32, #tpu.memory_space<vmem_shared>> -> memref<128x128xf32, #tpu.memory_space<vmem_shared>>
      %dma_wait3A_141 = arith.constant 0 : i32
      %dma_wait3A_142 = tpu.memref_slice %arg14[%add3A_13, %dma_wait3A_141] : memref<10240x128xf32, #tpu.memory_space<vmem_shared>> -> memref<128x128xf32, #tpu.memory_space<vmem_shared>>
      tpu.wait_dma2 semaphore(%run_scoped3A : memref<!tpu.dma_semaphore, #tpu.memory_space<semaphore_mem>>) src(%arg8 : memref<128x128xf32, #tpu.memory_space<vmem>>) dst(%dma_wait3A_142 : memref<128x128xf32, #tpu.memory_space<vmem_shared>>)
      tpu.yield
    }) : () -> ()
    %mul3A_14 = arith.constant 640 : i32
    %mul3A_15 = arith.muli %arg1, %mul3A_14 : i32
    %add3A_16 = arith.constant 256 : i32
    %add3A_17 = arith.addi %mul3A_15, %add3A_16 : i32
    "tpu.region"() ({
      %run_scoped3A = tpu.sem_alloc : memref<!tpu.dma_semaphore, #tpu.memory_space<semaphore_mem>>
      %dma_start3A_135 = arith.constant 0 : i32
      %dma_start3A_136 = tpu.memref_slice %arg14[%add3A_17, %dma_start3A_135] : memref<10240x128xf32, #tpu.memory_space<vmem_shared>> -> memref<128x128xf32, #tpu.memory_space<vmem_shared>>
      %dma_start3A_137 = arith.constant 0 : i32
      %dma_start3A_138 = tpu.memref_slice %arg14[%add3A_17, %dma_start3A_137] : memref<10240x128xf32, #tpu.memory_space<vmem_shared>> -> memref<128x128xf32, #tpu.memory_space<vmem_shared>>
      tpu.enqueue_dma source(%arg8 : memref<128x128xf32, #tpu.memory_space<vmem>>) target(%dma_start3A_138 : memref<128x128xf32, #tpu.memory_space<vmem_shared>>) target_semaphore(%run_scoped3A : memref<!tpu.dma_semaphore, #tpu.memory_space<semaphore_mem>>)
      %dma_wait3A_139 = arith.constant 0 : i32
      %dma_wait3A_140 = tpu.memref_slice %arg14[%add3A_17, %dma_wait3A_139] : memref<10240x128xf32, #tpu.memory_space<vmem_shared>> -> memref<128x128xf32, #tpu.memory_space<vmem_shared>>
      %dma_wait3A_141 = arith.constant 0 : i32
      %dma_wait3A_142 = tpu.memref_slice %arg14[%add3A_17, %dma_wait3A_141] : memref<10240x128xf32, #tpu.memory_space<vmem_shared>> -> memref<128x128xf32, #tpu.memory_space<vmem_shared>>
      tpu.wait_dma2 semaphore(%run_scoped3A : memref<!tpu.dma_semaphore, #tpu.memory_space<semaphore_mem>>) src(%arg8 : memref<128x128xf32, #tpu.memory_space<vmem>>) dst(%dma_wait3A_142 : memref<128x128xf32, #tpu.memory_space<vmem_shared>>)
      tpu.yield
    }) : () -> ()
    %mul3A_18 = arith.constant 640 : i32
    %mul3A_19 = arith.muli %arg1, %mul3A_18 : i32
    %add3A_20 = arith.constant 384 : i32
    %add3A_21 = arith.addi %mul3A_19, %add3A_20 : i32
    "tpu.region"() ({
      %run_scoped3A = tpu.sem_alloc : memref<!tpu.dma_semaphore, #tpu.memory_space<semaphore_mem>>
      %dma_start3A_135 = arith.constant 0 : i32
      %dma_start3A_136 = tpu.memref_slice %arg14[%add3A_21, %dma_start3A_135] : memref<10240x128xf32, #tpu.memory_space<vmem_shared>> -> memref<128x128xf32, #tpu.memory_space<vmem_shared>>
      %dma_start3A_137 = arith.constant 0 : i32
      %dma_start3A_138 = tpu.memref_slice %arg14[%add3A_21, %dma_start3A_137] : memref<10240x128xf32, #tpu.memory_space<vmem_shared>> -> memref<128x128xf32, #tpu.memory_space<vmem_shared>>
      tpu.enqueue_dma source(%arg8 : memref<128x128xf32, #tpu.memory_space<vmem>>) target(%dma_start3A_138 : memref<128x128xf32, #tpu.memory_space<vmem_shared>>) target_semaphore(%run_scoped3A : memref<!tpu.dma_semaphore, #tpu.memory_space<semaphore_mem>>)
      %dma_wait3A_139 = arith.constant 0 : i32
      %dma_wait3A_140 = tpu.memref_slice %arg14[%add3A_21, %dma_wait3A_139] : memref<10240x128xf32, #tpu.memory_space<vmem_shared>> -> memref<128x128xf32, #tpu.memory_space<vmem_shared>>
      %dma_wait3A_141 = arith.constant 0 : i32
      %dma_wait3A_142 = tpu.memref_slice %arg14[%add3A_21, %dma_wait3A_141] : memref<10240x128xf32, #tpu.memory_space<vmem_shared>> -> memref<128x128xf32, #tpu.memory_space<vmem_shared>>
      tpu.wait_dma2 semaphore(%run_scoped3A : memref<!tpu.dma_semaphore, #tpu.memory_space<semaphore_mem>>) src(%arg8 : memref<128x128xf32, #tpu.memory_space<vmem>>) dst(%dma_wait3A_142 : memref<128x128xf32, #tpu.memory_space<vmem_shared>>)
      tpu.yield
    }) : () -> ()
    %mul3A_22 = arith.constant 640 : i32
    %mul3A_23 = arith.muli %arg1, %mul3A_22 : i32
    %add3A_24 = arith.constant 512 : i32
    %add3A_25 = arith.addi %mul3A_23, %add3A_24 : i32
    "tpu.region"() ({
      %run_scoped3A = tpu.sem_alloc : memref<!tpu.dma_semaphore, #tpu.memory_space<semaphore_mem>>
      %dma_start3A_135 = arith.constant 0 : i32
      %dma_start3A_136 = tpu.memref_slice %arg14[%add3A_25, %dma_start3A_135] : memref<10240x128xf32, #tpu.memory_space<vmem_shared>> -> memref<128x128xf32, #tpu.memory_space<vmem_shared>>
      %dma_start3A_137 = arith.constant 0 : i32
      %dma_start3A_138 = tpu.memref_slice %arg14[%add3A_25, %dma_start3A_137] : memref<10240x128xf32, #tpu.memory_space<vmem_shared>> -> memref<128x128xf32, #tpu.memory_space<vmem_shared>>
      tpu.enqueue_dma source(%arg8 : memref<128x128xf32, #tpu.memory_space<vmem>>) target(%dma_start3A_138 : memref<128x128xf32, #tpu.memory_space<vmem_shared>>) target_semaphore(%run_scoped3A : memref<!tpu.dma_semaphore, #tpu.memory_space<semaphore_mem>>)
      %dma_wait3A_139 = arith.constant 0 : i32
      %dma_wait3A_140 = tpu.memref_slice %arg14[%add3A_25, %dma_wait3A_139] : memref<10240x128xf32, #tpu.memory_space<vmem_shared>> -> memref<128x128xf32, #tpu.memory_space<vmem_shared>>
      %dma_wait3A_141 = arith.constant 0 : i32
      %dma_wait3A_142 = tpu.memref_slice %arg14[%add3A_25, %dma_wait3A_141] : memref<10240x128xf32, #tpu.memory_space<vmem_shared>> -> memref<128x128xf32, #tpu.memory_space<vmem_shared>>
      tpu.wait_dma2 semaphore(%run_scoped3A : memref<!tpu.dma_semaphore, #tpu.memory_space<semaphore_mem>>) src(%arg8 : memref<128x128xf32, #tpu.memory_space<vmem>>) dst(%dma_wait3A_142 : memref<128x128xf32, #tpu.memory_space<vmem_shared>>)
      tpu.yield
    }) : () -> ()
    %barrier3A = arith.constant 0 : index
    tpu.barrier barrier_id(%barrier3A)
    %scan3A_26 = arith.constant 0 : i32
    %scan3A_27 = arith.constant 2 : i32
    %scan3A_28 = arith.addi %scan3A_26, %scan3A_27 : i32
    %scan3A_29 = arith.constant 1 : i32
    scf.for %scan3A_135 = %scan3A_26 to %scan3A_28 step %scan3A_29  : i32 {
      %mul3A_136 = arith.constant 80 : i32
      %mul3A_137 = arith.muli %add3A, %mul3A_136 : i32
      %mul3A_138 = arith.constant 40 : i32
      %mul3A_139 = arith.muli %scan3A_135, %mul3A_138 : i32
      %add3A_140 = arith.addi %mul3A_137, %mul3A_139 : i32
      "tpu.region"() ({
        %run_scoped3A = tpu.sem_alloc : memref<!tpu.dma_semaphore, #tpu.memory_space<semaphore_mem>>
        %dma_start3A_204 = arith.constant 0 : i32
        %dma_start3A_205 = tpu.memref_slice %arg3[%add3A_140, %dma_start3A_204] : memref<2560x128xi32, #tpu.memory_space<hbm>> -> memref<40x128xi32, #tpu.memory_space<hbm>>
        %dma_start3A_206 = arith.constant 0 : i32
        %dma_start3A_207 = tpu.memref_slice %arg3[%add3A_140, %dma_start3A_206] : memref<2560x128xi32, #tpu.memory_space<hbm>> -> memref<40x128xi32, #tpu.memory_space<hbm>>
        tpu.enqueue_dma source(%dma_start3A_207 : memref<40x128xi32, #tpu.memory_space<hbm>>) target(%arg6 : memref<40x128xi32, #tpu.memory_space<vmem>>) target_semaphore(%run_scoped3A : memref<!tpu.dma_semaphore, #tpu.memory_space<semaphore_mem>>)
        %dma_wait3A_208 = arith.constant 0 : i32
        %dma_wait3A_209 = tpu.memref_slice %arg3[%add3A_140, %dma_wait3A_208] : memref<2560x128xi32, #tpu.memory_space<hbm>> -> memref<40x128xi32, #tpu.memory_space<hbm>>
        %dma_wait3A_210 = arith.constant 0 : i32
        %dma_wait3A_211 = tpu.memref_slice %arg3[%add3A_140, %dma_wait3A_210] : memref<2560x128xi32, #tpu.memory_space<hbm>> -> memref<40x128xi32, #tpu.memory_space<hbm>>
        tpu.wait_dma2 semaphore(%run_scoped3A : memref<!tpu.dma_semaphore, #tpu.memory_space<semaphore_mem>>) src(%dma_wait3A_211 : memref<40x128xi32, #tpu.memory_space<hbm>>) dst(%arg6 : memref<40x128xi32, #tpu.memory_space<vmem>>)
        tpu.yield
      }) : () -> ()
      "tpu.region"() ({
        %run_scoped3A = tpu.sem_alloc : memref<!tpu.dma_semaphore, #tpu.memory_space<semaphore_mem>>
        %dma_start3A_204 = arith.constant 0 : i32
        %dma_start3A_205 = tpu.memref_slice %arg4[%add3A_140, %dma_start3A_204] : memref<2560x128xi32, #tpu.memory_space<hbm>> -> memref<40x128xi32, #tpu.memory_space<hbm>>
        %dma_start3A_206 = arith.constant 0 : i32
        %dma_start3A_207 = tpu.memref_slice %arg4[%add3A_140, %dma_start3A_206] : memref<2560x128xi32, #tpu.memory_space<hbm>> -> memref<40x128xi32, #tpu.memory_space<hbm>>
        tpu.enqueue_dma source(%dma_start3A_207 : memref<40x128xi32, #tpu.memory_space<hbm>>) target(%arg7 : memref<40x128xi32, #tpu.memory_space<vmem>>) target_semaphore(%run_scoped3A : memref<!tpu.dma_semaphore, #tpu.memory_space<semaphore_mem>>)
        %dma_wait3A_208 = arith.constant 0 : i32
        %dma_wait3A_209 = tpu.memref_slice %arg4[%add3A_140, %dma_wait3A_208] : memref<2560x128xi32, #tpu.memory_space<hbm>> -> memref<40x128xi32, #tpu.memory_space<hbm>>
        %dma_wait3A_210 = arith.constant 0 : i32
        %dma_wait3A_211 = tpu.memref_slice %arg4[%add3A_140, %dma_wait3A_210] : memref<2560x128xi32, #tpu.memory_space<hbm>> -> memref<40x128xi32, #tpu.memory_space<hbm>>
        tpu.wait_dma2 semaphore(%run_scoped3A : memref<!tpu.dma_semaphore, #tpu.memory_space<semaphore_mem>>) src(%dma_wait3A_211 : memref<40x128xi32, #tpu.memory_space<hbm>>) dst(%arg7 : memref<40x128xi32, #tpu.memory_space<vmem>>)
        tpu.yield
      }) : () -> ()
      %get3A = arith.constant 0 : i32
      %get3A_141 = arith.index_cast %get3A : i32 to index
      %get3A_142 = arith.constant 0 : index
      %get3A_143 = tpu.vector_load %arg6[%get3A_141, %get3A_142] {strides = array<i32>} : memref<40x128xi32, #tpu.memory_space<vmem>>, vector<16xi32>,
      %swap3A = arith.constant 0 : index
      %swap3A_144 = tpu.vector_load %arg10[%swap3A] {strides = array<i32>} : memref<64xi32, #tpu.memory_space<vmem>>, vector<16xi32>,
      tpu.vector_store %arg10[%swap3A], %get3A_143 {strides = array<i32>} : memref<64xi32, #tpu.memory_space<vmem>>, vector<16xi32>,
      %get3A_145 = arith.constant 0 : i32
      %get3A_146 = arith.index_cast %get3A_145 : i32 to index
      %get3A_147 = arith.constant 64 : index
      %get3A_148 = tpu.vector_load %arg6[%get3A_146, %get3A_147] {strides = array<i32>} : memref<40x128xi32, #tpu.memory_space<vmem>>, vector<16xi32>,
      %swap3A_149 = arith.constant 0 : index
      %swap3A_150 = tpu.vector_load %arg11[%swap3A_149] {strides = array<i32>} : memref<64xi32, #tpu.memory_space<vmem>>, vector<16xi32>,
      tpu.vector_store %arg11[%swap3A_149], %get3A_148 {strides = array<i32>} : memref<64xi32, #tpu.memory_space<vmem>>, vector<16xi32>,
      %get3A_151 = arith.constant 0 : i32
      %get3A_152 = arith.index_cast %get3A_151 : i32 to index
      %get3A_153 = arith.constant 16 : index
      %get3A_154 = tpu.vector_load %arg6[%get3A_152, %get3A_153] {strides = array<i32>} : memref<40x128xi32, #tpu.memory_space<vmem>>, vector<16xi32>,
      %swap3A_155 = arith.constant 16 : index
      %swap3A_156 = tpu.vector_load %arg10[%swap3A_155] {strides = array<i32>} : memref<64xi32, #tpu.memory_space<vmem>>, vector<16xi32>,
      tpu.vector_store %arg10[%swap3A_155], %get3A_154 {strides = array<i32>} : memref<64xi32, #tpu.memory_space<vmem>>, vector<16xi32>,
      %get3A_157 = arith.constant 0 : i32
      %get3A_158 = arith.index_cast %get3A_157 : i32 to index
      %get3A_159 = arith.constant 80 : index
      %get3A_160 = tpu.vector_load %arg6[%get3A_158, %get3A_159] {strides = array<i32>} : memref<40x128xi32, #tpu.memory_space<vmem>>, vector<16xi32>,
      %swap3A_161 = arith.constant 16 : index
      %swap3A_162 = tpu.vector_load %arg11[%swap3A_161] {strides = array<i32>} : memref<64xi32, #tpu.memory_space<vmem>>, vector<16xi32>,
      tpu.vector_store %arg11[%swap3A_161], %get3A_160 {strides = array<i32>} : memref<64xi32, #tpu.memory_space<vmem>>, vector<16xi32>,
      %get3A_163 = arith.constant 0 : i32
      %get3A_164 = arith.index_cast %get3A_163 : i32 to index
      %get3A_165 = arith.constant 32 : index
      %get3A_166 = tpu.vector_load %arg6[%get3A_164, %get3A_165] {strides = array<i32>} : memref<40x128xi32, #tpu.memory_space<vmem>>, vector<16xi32>,
      %swap3A_167 = arith.constant 32 : index
      %swap3A_168 = tpu.vector_load %arg10[%swap3A_167] {strides = array<i32>} : memref<64xi32, #tpu.memory_space<vmem>>, vector<16xi32>,
      tpu.vector_store %arg10[%swap3A_167], %get3A_166 {strides = array<i32>} : memref<64xi32, #tpu.memory_space<vmem>>, vector<16xi32>,
      %get3A_169 = arith.constant 0 : i32
      %get3A_170 = arith.index_cast %get3A_169 : i32 to index
      %get3A_171 = arith.constant 96 : index
      %get3A_172 = tpu.vector_load %arg6[%get3A_170, %get3A_171] {strides = array<i32>} : memref<40x128xi32, #tpu.memory_space<vmem>>, vector<16xi32>,
      %swap3A_173 = arith.constant 32 : index
      %swap3A_174 = tpu.vector_load %arg11[%swap3A_173] {strides = array<i32>} : memref<64xi32, #tpu.memory_space<vmem>>, vector<16xi32>,
      tpu.vector_store %arg11[%swap3A_173], %get3A_172 {strides = array<i32>} : memref<64xi32, #tpu.memory_space<vmem>>, vector<16xi32>,
      %get3A_175 = arith.constant 0 : i32
      %get3A_176 = arith.index_cast %get3A_175 : i32 to index
      %get3A_177 = arith.constant 48 : index
      %get3A_178 = tpu.vector_load %arg6[%get3A_176, %get3A_177] {strides = array<i32>} : memref<40x128xi32, #tpu.memory_space<vmem>>, vector<16xi32>,
      %swap3A_179 = arith.constant 48 : index
      %swap3A_180 = tpu.vector_load %arg10[%swap3A_179] {strides = array<i32>} : memref<64xi32, #tpu.memory_space<vmem>>, vector<16xi32>,
      tpu.vector_store %arg10[%swap3A_179], %get3A_178 {strides = array<i32>} : memref<64xi32, #tpu.memory_space<vmem>>, vector<16xi32>,
      %get3A_181 = arith.constant 0 : i32
      %get3A_182 = arith.index_cast %get3A_181 : i32 to index
      %get3A_183 = arith.constant 112 : index
      %get3A_184 = tpu.vector_load %arg6[%get3A_182, %get3A_183] {strides = array<i32>} : memref<40x128xi32, #tpu.memory_space<vmem>>, vector<16xi32>,
      %swap3A_185 = arith.constant 48 : index
      %swap3A_186 = tpu.vector_load %arg11[%swap3A_185] {strides = array<i32>} : memref<64xi32, #tpu.memory_space<vmem>>, vector<16xi32>,
      tpu.vector_store %arg11[%swap3A_185], %get3A_184 {strides = array<i32>} : memref<64xi32, #tpu.memory_space<vmem>>, vector<16xi32>,
      %dma_start3A_187 = arith.constant 0 : i32
      %dma_start3A_188 = arith.constant 0 : i32
      %dma_start3A_189 = tpu.memref_slice %arg8[%dma_start3A_187, %dma_start3A_188] : memref<128x128xf32, #tpu.memory_space<vmem>> -> memref<64x128xf32, #tpu.memory_space<vmem>>
      %dma_start3A_190 = arith.constant 0 : i32
      %dma_start3A_191 = arith.constant 0 : i32
      %dma_start3A_192 = tpu.memref_slice %arg2[%dma_start3A_190, %dma_start3A_191] : memref<10240x128xf32, #tpu.memory_space<hbm>> -> memref<10240x128xf32, #tpu.memory_space<hbm>>
      tpu.enqueue_indirect_dma source(%dma_start3A_192 : memref<10240x128xf32, #tpu.memory_space<hbm>>) target(%dma_start3A_189 : memref<64x128xf32, #tpu.memory_space<vmem>>) offsets(%arg10 : memref<64xi32, #tpu.memory_space<vmem>>) semaphore(%arg15 : memref<!tpu.dma_semaphore, #tpu.memory_space<semaphore_mem>>)
      %dma_start3A_193 = arith.constant 64 : i32
      %dma_start3A_194 = arith.constant 0 : i32
      %dma_start3A_195 = tpu.memref_slice %arg8[%dma_start3A_193, %dma_start3A_194] : memref<128x128xf32, #tpu.memory_space<vmem>> -> memref<64x128xf32, #tpu.memory_space<vmem>>
      %dma_start3A_196 = arith.constant 0 : i32
      %dma_start3A_197 = arith.constant 0 : i32
      %dma_start3A_198 = tpu.memref_slice %arg2[%dma_start3A_196, %dma_start3A_197] : memref<10240x128xf32, #tpu.memory_space<hbm>> -> memref<10240x128xf32, #tpu.memory_space<hbm>>
      tpu.enqueue_indirect_dma source(%dma_start3A_198 : memref<10240x128xf32, #tpu.memory_space<hbm>>) target(%dma_start3A_195 : memref<64x128xf32, #tpu.memory_space<vmem>>) offsets(%arg11 : memref<64xi32, #tpu.memory_space<vmem>>) semaphore(%arg15 : memref<!tpu.dma_semaphore, #tpu.memory_space<semaphore_mem>>)
      %scan3A_199 = arith.constant 0 : i32
      %scan3A_200 = arith.constant 20 : i32
      %scan3A_201 = arith.addi %scan3A_199, %scan3A_200 : i32
      %scan3A_202 = arith.constant 1 : i32
      scf.for %scan3A_204 = %scan3A_199 to %scan3A_201 step %scan3A_202  : i32 {
        %mul3A_205 = arith.constant 2 : i32
        %mul3A_206 = arith.muli %mul3A_205, %scan3A_204 : i32
        %add3A_207 = arith.constant 1 : i32
        %add3A_208 = arith.addi %mul3A_206, %add3A_207 : i32
        %get3A_209 = arith.index_cast %add3A_208 : i32 to index
        %get3A_210 = arith.constant 0 : index
        %get3A_211 = tpu.vector_load %arg6[%get3A_209, %get3A_210] {strides = array<i32>} : memref<40x128xi32, #tpu.memory_space<vmem>>, vector<16xi32>,
        %swap3A_212 = arith.constant 0 : index
        %swap3A_213 = tpu.vector_load %arg12[%swap3A_212] {strides = array<i32>} : memref<64xi32, #tpu.memory_space<vmem>>, vector<16xi32>,
        tpu.vector_store %arg12[%swap3A_212], %get3A_211 {strides = array<i32>} : memref<64xi32, #tpu.memory_space<vmem>>, vector<16xi32>,
        %get3A_214 = arith.index_cast %add3A_208 : i32 to index
        %get3A_215 = arith.constant 64 : index
        %get3A_216 = tpu.vector_load %arg6[%get3A_214, %get3A_215] {strides = array<i32>} : memref<40x128xi32, #tpu.memory_space<vmem>>, vector<16xi32>,
        %swap3A_217 = arith.constant 0 : index
        %swap3A_218 = tpu.vector_load %arg13[%swap3A_217] {strides = array<i32>} : memref<64xi32, #tpu.memory_space<vmem>>, vector<16xi32>,
        tpu.vector_store %arg13[%swap3A_217], %get3A_216 {strides = array<i32>} : memref<64xi32, #tpu.memory_space<vmem>>, vector<16xi32>,
        %get3A_219 = arith.index_cast %add3A_208 : i32 to index
        %get3A_220 = arith.constant 16 : index
        %get3A_221 = tpu.vector_load %arg6[%get3A_219, %get3A_220] {strides = array<i32>} : memref<40x128xi32, #tpu.memory_space<vmem>>, vector<16xi32>,
        %swap3A_222 = arith.constant 16 : index
        %swap3A_223 = tpu.vector_load %arg12[%swap3A_222] {strides = array<i32>} : memref<64xi32, #tpu.memory_space<vmem>>, vector<16xi32>,
        tpu.vector_store %arg12[%swap3A_222], %get3A_221 {strides = array<i32>} : memref<64xi32, #tpu.memory_space<vmem>>, vector<16xi32>,
        %get3A_224 = arith.index_cast %add3A_208 : i32 to index
        %get3A_225 = arith.constant 80 : index
        %get3A_226 = tpu.vector_load %arg6[%get3A_224, %get3A_225] {strides = array<i32>} : memref<40x128xi32, #tpu.memory_space<vmem>>, vector<16xi32>,
        %swap3A_227 = arith.constant 16 : index
        %swap3A_228 = tpu.vector_load %arg13[%swap3A_227] {strides = array<i32>} : memref<64xi32, #tpu.memory_space<vmem>>, vector<16xi32>,
        tpu.vector_store %arg13[%swap3A_227], %get3A_226 {strides = array<i32>} : memref<64xi32, #tpu.memory_space<vmem>>, vector<16xi32>,
        %get3A_229 = arith.index_cast %add3A_208 : i32 to index
        %get3A_230 = arith.constant 32 : index
        %get3A_231 = tpu.vector_load %arg6[%get3A_229, %get3A_230] {strides = array<i32>} : memref<40x128xi32, #tpu.memory_space<vmem>>, vector<16xi32>,
        %swap3A_232 = arith.constant 32 : index
        %swap3A_233 = tpu.vector_load %arg12[%swap3A_232] {strides = array<i32>} : memref<64xi32, #tpu.memory_space<vmem>>, vector<16xi32>,
        tpu.vector_store %arg12[%swap3A_232], %get3A_231 {strides = array<i32>} : memref<64xi32, #tpu.memory_space<vmem>>, vector<16xi32>,
        %get3A_234 = arith.index_cast %add3A_208 : i32 to index
        %get3A_235 = arith.constant 96 : index
        %get3A_236 = tpu.vector_load %arg6[%get3A_234, %get3A_235] {strides = array<i32>} : memref<40x128xi32, #tpu.memory_space<vmem>>, vector<16xi32>,
        %swap3A_237 = arith.constant 32 : index
        %swap3A_238 = tpu.vector_load %arg13[%swap3A_237] {strides = array<i32>} : memref<64xi32, #tpu.memory_space<vmem>>, vector<16xi32>,
        tpu.vector_store %arg13[%swap3A_237], %get3A_236 {strides = array<i32>} : memref<64xi32, #tpu.memory_space<vmem>>, vector<16xi32>,
        %get3A_239 = arith.index_cast %add3A_208 : i32 to index
        %get3A_240 = arith.constant 48 : index
        %get3A_241 = tpu.vector_load %arg6[%get3A_239, %get3A_240] {strides = array<i32>} : memref<40x128xi32, #tpu.memory_space<vmem>>, vector<16xi32>,
        %swap3A_242 = arith.constant 48 : index
        %swap3A_243 = tpu.vector_load %arg12[%swap3A_242] {strides = array<i32>} : memref<64xi32, #tpu.memory_space<vmem>>, vector<16xi32>,
        tpu.vector_store %arg12[%swap3A_242], %get3A_241 {strides = array<i32>} : memref<64xi32, #tpu.memory_space<vmem>>, vector<16xi32>,
        %get3A_244 = arith.index_cast %add3A_208 : i32 to index
        %get3A_245 = arith.constant 112 : index
        %get3A_246 = tpu.vector_load %arg6[%get3A_244, %get3A_245] {strides = array<i32>} : memref<40x128xi32, #tpu.memory_space<vmem>>, vector<16xi32>,
        %swap3A_247 = arith.constant 48 : index
        %swap3A_248 = tpu.vector_load %arg13[%swap3A_247] {strides = array<i32>} : memref<64xi32, #tpu.memory_space<vmem>>, vector<16xi32>,
        tpu.vector_store %arg13[%swap3A_247], %get3A_246 {strides = array<i32>} : memref<64xi32, #tpu.memory_space<vmem>>, vector<16xi32>,
        %dma_start3A_249 = arith.constant 0 : i32
        %dma_start3A_250 = arith.constant 0 : i32
        %dma_start3A_251 = tpu.memref_slice %arg9[%dma_start3A_249, %dma_start3A_250] : memref<128x128xf32, #tpu.memory_space<vmem>> -> memref<64x128xf32, #tpu.memory_space<vmem>>
        %dma_start3A_252 = arith.constant 0 : i32
        %dma_start3A_253 = arith.constant 0 : i32
        %dma_start3A_254 = tpu.memref_slice %arg2[%dma_start3A_252, %dma_start3A_253] : memref<10240x128xf32, #tpu.memory_space<hbm>> -> memref<10240x128xf32, #tpu.memory_space<hbm>>
        tpu.enqueue_indirect_dma source(%dma_start3A_254 : memref<10240x128xf32, #tpu.memory_space<hbm>>) target(%dma_start3A_251 : memref<64x128xf32, #tpu.memory_space<vmem>>) offsets(%arg12 : memref<64xi32, #tpu.memory_space<vmem>>) semaphore(%arg16 : memref<!tpu.dma_semaphore, #tpu.memory_space<semaphore_mem>>)
        %dma_start3A_255 = arith.constant 64 : i32
        %dma_start3A_256 = arith.constant 0 : i32
        %dma_start3A_257 = tpu.memref_slice %arg9[%dma_start3A_255, %dma_start3A_256] : memref<128x128xf32, #tpu.memory_space<vmem>> -> memref<64x128xf32, #tpu.memory_space<vmem>>
        %dma_start3A_258 = arith.constant 0 : i32
        %dma_start3A_259 = arith.constant 0 : i32
        %dma_start3A_260 = tpu.memref_slice %arg2[%dma_start3A_258, %dma_start3A_259] : memref<10240x128xf32, #tpu.memory_space<hbm>> -> memref<10240x128xf32, #tpu.memory_space<hbm>>
        tpu.enqueue_indirect_dma source(%dma_start3A_260 : memref<10240x128xf32, #tpu.memory_space<hbm>>) target(%dma_start3A_257 : memref<64x128xf32, #tpu.memory_space<vmem>>) offsets(%arg13 : memref<64xi32, #tpu.memory_space<vmem>>) semaphore(%arg16 : memref<!tpu.dma_semaphore, #tpu.memory_space<semaphore_mem>>)
        %dma_wait3A_261 = arith.constant 0 : i32
        %dma_wait3A_262 = arith.constant 0 : i32
        %dma_wait3A_263 = tpu.memref_slice %arg8[%dma_wait3A_261, %dma_wait3A_262] : memref<128x128xf32, #tpu.memory_space<vmem>> -> memref<64x128xf32, #tpu.memory_space<vmem>>
        %dma_wait3A_264 = arith.constant 0 : i32
        %dma_wait3A_265 = arith.constant 0 : i32
        %dma_wait3A_266 = tpu.memref_slice %arg2[%dma_wait3A_264, %dma_wait3A_265] : memref<10240x128xf32, #tpu.memory_space<hbm>> -> memref<10240x128xf32, #tpu.memory_space<hbm>>
        tpu.wait_indirect_dma semaphore(%arg15 : memref<!tpu.dma_semaphore, #tpu.memory_space<semaphore_mem>>) src(%dma_wait3A_266 : memref<10240x128xf32, #tpu.memory_space<hbm>>) dst(%dma_wait3A_263 : memref<64x128xf32, #tpu.memory_space<vmem>>)
        %dma_wait3A_267 = arith.constant 64 : i32
        %dma_wait3A_268 = arith.constant 0 : i32
        %dma_wait3A_269 = tpu.memref_slice %arg8[%dma_wait3A_267, %dma_wait3A_268] : memref<128x128xf32, #tpu.memory_space<vmem>> -> memref<64x128xf32, #tpu.memory_space<vmem>>
        %dma_wait3A_270 = arith.constant 0 : i32
        %dma_wait3A_271 = arith.constant 0 : i32
        %dma_wait3A_272 = tpu.memref_slice %arg2[%dma_wait3A_270, %dma_wait3A_271] : memref<10240x128xf32, #tpu.memory_space<hbm>> -> memref<10240x128xf32, #tpu.memory_space<hbm>>
        tpu.wait_indirect_dma semaphore(%arg15 : memref<!tpu.dma_semaphore, #tpu.memory_space<semaphore_mem>>) src(%dma_wait3A_272 : memref<10240x128xf32, #tpu.memory_space<hbm>>) dst(%dma_wait3A_269 : memref<64x128xf32, #tpu.memory_space<vmem>>)
        "tpu.region"() ({
          %run_scoped3A = tpu.sem_alloc : memref<!tpu.dma_semaphore, #tpu.memory_space<semaphore_mem>>
          %dma_start3A_289 = arith.constant 0 : i32
          %dma_start3A_290 = tpu.memref_slice %arg7[%mul3A_206, %dma_start3A_289] : memref<40x128xi32, #tpu.memory_space<vmem>> -> memref<1x128xi32, #tpu.memory_space<vmem>>
          %dma_start3A_291 = tpu.memref_squeeze %dma_start3A_290 : memref<1x128xi32, #tpu.memory_space<vmem>> -> memref<128xi32, #tpu.memory_space<vmem>>
          %dma_start3A_292 = arith.constant 0 : i32
          %dma_start3A_293 = arith.constant 0 : i32
          %dma_start3A_294 = tpu.memref_slice %arg14[%dma_start3A_292, %dma_start3A_293] : memref<10240x128xf32, #tpu.memory_space<vmem_shared>> -> memref<10240x128xf32, #tpu.memory_space<vmem_shared>>
          tpu.enqueue_indirect_dma source(%arg8 : memref<128x128xf32, #tpu.memory_space<vmem>>) target(%dma_start3A_294 : memref<10240x128xf32, #tpu.memory_space<vmem_shared>>) offsets(%dma_start3A_291 : memref<128xi32, #tpu.memory_space<vmem>>) semaphore(%run_scoped3A : memref<!tpu.dma_semaphore, #tpu.memory_space<semaphore_mem>>) {add = true}
          %dma_wait3A_295 = arith.constant 0 : i32
          %dma_wait3A_296 = tpu.memref_slice %arg7[%mul3A_206, %dma_wait3A_295] : memref<40x128xi32, #tpu.memory_space<vmem>> -> memref<1x128xi32, #tpu.memory_space<vmem>>
          %dma_wait3A_297 = tpu.memref_squeeze %dma_wait3A_296 : memref<1x128xi32, #tpu.memory_space<vmem>> -> memref<128xi32, #tpu.memory_space<vmem>>
          %dma_wait3A_298 = arith.constant 0 : i32
          %dma_wait3A_299 = arith.constant 0 : i32
          %dma_wait3A_300 = tpu.memref_slice %arg14[%dma_wait3A_298, %dma_wait3A_299] : memref<10240x128xf32, #tpu.memory_space<vmem_shared>> -> memref<10240x128xf32, #tpu.memory_space<vmem_shared>>
          tpu.wait_indirect_dma semaphore(%run_scoped3A : memref<!tpu.dma_semaphore, #tpu.memory_space<semaphore_mem>>) src(%arg8 : memref<128x128xf32, #tpu.memory_space<vmem>>) dst(%dma_wait3A_300 : memref<10240x128xf32, #tpu.memory_space<vmem_shared>>)
          tpu.yield
        }) : () -> ()
        %lt3A = arith.constant 19 : i32
        %lt3A_273 = arith.cmpi slt, %scan3A_204, %lt3A : i32
        %convert_element_type3A = arith.extui %lt3A_273 : i1 to i32
        %cond3A = arith.constant 0 : i32
        %cond3A_274 = arith.cmpi ne, %convert_element_type3A, %cond3A : i32
        scf.if %cond3A_274 {
          %add3A_289 = arith.constant 2 : i32
          %add3A_290 = arith.addi %mul3A_206, %add3A_289 : i32
          %get3A_291 = arith.index_cast %add3A_290 : i32 to index
          %get3A_292 = arith.constant 0 : index
          %get3A_293 = tpu.vector_load %arg6[%get3A_291, %get3A_292] {strides = array<i32>} : memref<40x128xi32, #tpu.memory_space<vmem>>, vector<16xi32>,
          %swap3A_294 = arith.constant 0 : index
          %swap3A_295 = tpu.vector_load %arg10[%swap3A_294] {strides = array<i32>} : memref<64xi32, #tpu.memory_space<vmem>>, vector<16xi32>,
          tpu.vector_store %arg10[%swap3A_294], %get3A_293 {strides = array<i32>} : memref<64xi32, #tpu.memory_space<vmem>>, vector<16xi32>,
          %get3A_296 = arith.index_cast %add3A_290 : i32 to index
          %get3A_297 = arith.constant 64 : index
          %get3A_298 = tpu.vector_load %arg6[%get3A_296, %get3A_297] {strides = array<i32>} : memref<40x128xi32, #tpu.memory_space<vmem>>, vector<16xi32>,
          %swap3A_299 = arith.constant 0 : index
          %swap3A_300 = tpu.vector_load %arg11[%swap3A_299] {strides = array<i32>} : memref<64xi32, #tpu.memory_space<vmem>>, vector<16xi32>,
          tpu.vector_store %arg11[%swap3A_299], %get3A_298 {strides = array<i32>} : memref<64xi32, #tpu.memory_space<vmem>>, vector<16xi32>,
          %get3A_301 = arith.index_cast %add3A_290 : i32 to index
          %get3A_302 = arith.constant 16 : index
          %get3A_303 = tpu.vector_load %arg6[%get3A_301, %get3A_302] {strides = array<i32>} : memref<40x128xi32, #tpu.memory_space<vmem>>, vector<16xi32>,
          %swap3A_304 = arith.constant 16 : index
          %swap3A_305 = tpu.vector_load %arg10[%swap3A_304] {strides = array<i32>} : memref<64xi32, #tpu.memory_space<vmem>>, vector<16xi32>,
          tpu.vector_store %arg10[%swap3A_304], %get3A_303 {strides = array<i32>} : memref<64xi32, #tpu.memory_space<vmem>>, vector<16xi32>,
          %get3A_306 = arith.index_cast %add3A_290 : i32 to index
          %get3A_307 = arith.constant 80 : index
          %get3A_308 = tpu.vector_load %arg6[%get3A_306, %get3A_307] {strides = array<i32>} : memref<40x128xi32, #tpu.memory_space<vmem>>, vector<16xi32>,
          %swap3A_309 = arith.constant 16 : index
          %swap3A_310 = tpu.vector_load %arg11[%swap3A_309] {strides = array<i32>} : memref<64xi32, #tpu.memory_space<vmem>>, vector<16xi32>,
          tpu.vector_store %arg11[%swap3A_309], %get3A_308 {strides = array<i32>} : memref<64xi32, #tpu.memory_space<vmem>>, vector<16xi32>,
          %get3A_311 = arith.index_cast %add3A_290 : i32 to index
          %get3A_312 = arith.constant 32 : index
          %get3A_313 = tpu.vector_load %arg6[%get3A_311, %get3A_312] {strides = array<i32>} : memref<40x128xi32, #tpu.memory_space<vmem>>, vector<16xi32>,
          %swap3A_314 = arith.constant 32 : index
          %swap3A_315 = tpu.vector_load %arg10[%swap3A_314] {strides = array<i32>} : memref<64xi32, #tpu.memory_space<vmem>>, vector<16xi32>,
          tpu.vector_store %arg10[%swap3A_314], %get3A_313 {strides = array<i32>} : memref<64xi32, #tpu.memory_space<vmem>>, vector<16xi32>,
          %get3A_316 = arith.index_cast %add3A_290 : i32 to index
          %get3A_317 = arith.constant 96 : index
          %get3A_318 = tpu.vector_load %arg6[%get3A_316, %get3A_317] {strides = array<i32>} : memref<40x128xi32, #tpu.memory_space<vmem>>, vector<16xi32>,
          %swap3A_319 = arith.constant 32 : index
          %swap3A_320 = tpu.vector_load %arg11[%swap3A_319] {strides = array<i32>} : memref<64xi32, #tpu.memory_space<vmem>>, vector<16xi32>,
          tpu.vector_store %arg11[%swap3A_319], %get3A_318 {strides = array<i32>} : memref<64xi32, #tpu.memory_space<vmem>>, vector<16xi32>,
          %get3A_321 = arith.index_cast %add3A_290 : i32 to index
          %get3A_322 = arith.constant 48 : index
          %get3A_323 = tpu.vector_load %arg6[%get3A_321, %get3A_322] {strides = array<i32>} : memref<40x128xi32, #tpu.memory_space<vmem>>, vector<16xi32>,
          %swap3A_324 = arith.constant 48 : index
          %swap3A_325 = tpu.vector_load %arg10[%swap3A_324] {strides = array<i32>} : memref<64xi32, #tpu.memory_space<vmem>>, vector<16xi32>,
          tpu.vector_store %arg10[%swap3A_324], %get3A_323 {strides = array<i32>} : memref<64xi32, #tpu.memory_space<vmem>>, vector<16xi32>,
          %get3A_326 = arith.index_cast %add3A_290 : i32 to index
          %get3A_327 = arith.constant 112 : index
          %get3A_328 = tpu.vector_load %arg6[%get3A_326, %get3A_327] {strides = array<i32>} : memref<40x128xi32, #tpu.memory_space<vmem>>, vector<16xi32>,
          %swap3A_329 = arith.constant 48 : index
          %swap3A_330 = tpu.vector_load %arg11[%swap3A_329] {strides = array<i32>} : memref<64xi32, #tpu.memory_space<vmem>>, vector<16xi32>,
          tpu.vector_store %arg11[%swap3A_329], %get3A_328 {strides = array<i32>} : memref<64xi32, #tpu.memory_space<vmem>>, vector<16xi32>,
          %dma_start3A_331 = arith.constant 0 : i32
          %dma_start3A_332 = arith.constant 0 : i32
          %dma_start3A_333 = tpu.memref_slice %arg8[%dma_start3A_331, %dma_start3A_332] : memref<128x128xf32, #tpu.memory_space<vmem>> -> memref<64x128xf32, #tpu.memory_space<vmem>>
          %dma_start3A_334 = arith.constant 0 : i32
          %dma_start3A_335 = arith.constant 0 : i32
          %dma_start3A_336 = tpu.memref_slice %arg2[%dma_start3A_334, %dma_start3A_335] : memref<10240x128xf32, #tpu.memory_space<hbm>> -> memref<10240x128xf32, #tpu.memory_space<hbm>>
          tpu.enqueue_indirect_dma source(%dma_start3A_336 : memref<10240x128xf32, #tpu.memory_space<hbm>>) target(%dma_start3A_333 : memref<64x128xf32, #tpu.memory_space<vmem>>) offsets(%arg10 : memref<64xi32, #tpu.memory_space<vmem>>) semaphore(%arg15 : memref<!tpu.dma_semaphore, #tpu.memory_space<semaphore_mem>>)
          %dma_start3A_337 = arith.constant 64 : i32
          %dma_start3A_338 = arith.constant 0 : i32
          %dma_start3A_339 = tpu.memref_slice %arg8[%dma_start3A_337, %dma_start3A_338] : memref<128x128xf32, #tpu.memory_space<vmem>> -> memref<64x128xf32, #tpu.memory_space<vmem>>
          %dma_start3A_340 = arith.constant 0 : i32
          %dma_start3A_341 = arith.constant 0 : i32
          %dma_start3A_342 = tpu.memref_slice %arg2[%dma_start3A_340, %dma_start3A_341] : memref<10240x128xf32, #tpu.memory_space<hbm>> -> memref<10240x128xf32, #tpu.memory_space<hbm>>
          tpu.enqueue_indirect_dma source(%dma_start3A_342 : memref<10240x128xf32, #tpu.memory_space<hbm>>) target(%dma_start3A_339 : memref<64x128xf32, #tpu.memory_space<vmem>>) offsets(%arg11 : memref<64xi32, #tpu.memory_space<vmem>>) semaphore(%arg15 : memref<!tpu.dma_semaphore, #tpu.memory_space<semaphore_mem>>)
        } else {
        }
        %dma_wait3A_275 = arith.constant 0 : i32
        %dma_wait3A_276 = arith.constant 0 : i32
        %dma_wait3A_277 = tpu.memref_slice %arg9[%dma_wait3A_275, %dma_wait3A_276] : memref<128x128xf32, #tpu.memory_space<vmem>> -> memref<64x128xf32, #tpu.memory_space<vmem>>
        %dma_wait3A_278 = arith.constant 0 : i32
        %dma_wait3A_279 = arith.constant 0 : i32
        %dma_wait3A_280 = tpu.memref_slice %arg2[%dma_wait3A_278, %dma_wait3A_279] : memref<10240x128xf32, #tpu.memory_space<hbm>> -> memref<10240x128xf32, #tpu.memory_space<hbm>>
        tpu.wait_indirect_dma semaphore(%arg16 : memref<!tpu.dma_semaphore, #tpu.memory_space<semaphore_mem>>) src(%dma_wait3A_280 : memref<10240x128xf32, #tpu.memory_space<hbm>>) dst(%dma_wait3A_277 : memref<64x128xf32, #tpu.memory_space<vmem>>)
        %dma_wait3A_281 = arith.constant 64 : i32
        %dma_wait3A_282 = arith.constant 0 : i32
        %dma_wait3A_283 = tpu.memref_slice %arg9[%dma_wait3A_281, %dma_wait3A_282] : memref<128x128xf32, #tpu.memory_space<vmem>> -> memref<64x128xf32, #tpu.memory_space<vmem>>
        %dma_wait3A_284 = arith.constant 0 : i32
        %dma_wait3A_285 = arith.constant 0 : i32
        %dma_wait3A_286 = tpu.memref_slice %arg2[%dma_wait3A_284, %dma_wait3A_285] : memref<10240x128xf32, #tpu.memory_space<hbm>> -> memref<10240x128xf32, #tpu.memory_space<hbm>>
        tpu.wait_indirect_dma semaphore(%arg16 : memref<!tpu.dma_semaphore, #tpu.memory_space<semaphore_mem>>) src(%dma_wait3A_286 : memref<10240x128xf32, #tpu.memory_space<hbm>>) dst(%dma_wait3A_283 : memref<64x128xf32, #tpu.memory_space<vmem>>)
        %add3A_287 = arith.constant 1 : i32
        %add3A_288 = arith.addi %mul3A_206, %add3A_287 : i32
        "tpu.region"() ({
          %run_scoped3A = tpu.sem_alloc : memref<!tpu.dma_semaphore, #tpu.memory_space<semaphore_mem>>
          %dma_start3A_289 = arith.constant 0 : i32
          %dma_start3A_290 = tpu.memref_slice %arg7[%add3A_288, %dma_start3A_289] : memref<40x128xi32, #tpu.memory_space<vmem>> -> memref<1x128xi32, #tpu.memory_space<vmem>>
          %dma_start3A_291 = tpu.memref_squeeze %dma_start3A_290 : memref<1x128xi32, #tpu.memory_space<vmem>> -> memref<128xi32, #tpu.memory_space<vmem>>
          %dma_start3A_292 = arith.constant 0 : i32
          %dma_start3A_293 = arith.constant 0 : i32
          %dma_start3A_294 = tpu.memref_slice %arg14[%dma_start3A_292, %dma_start3A_293] : memref<10240x128xf32, #tpu.memory_space<vmem_shared>> -> memref<10240x128xf32, #tpu.memory_space<vmem_shared>>
          tpu.enqueue_indirect_dma source(%arg9 : memref<128x128xf32, #tpu.memory_space<vmem>>) target(%dma_start3A_294 : memref<10240x128xf32, #tpu.memory_space<vmem_shared>>) offsets(%dma_start3A_291 : memref<128xi32, #tpu.memory_space<vmem>>) semaphore(%run_scoped3A : memref<!tpu.dma_semaphore, #tpu.memory_space<semaphore_mem>>) {add = true}
          %dma_wait3A_295 = arith.constant 0 : i32
          %dma_wait3A_296 = tpu.memref_slice %arg7[%add3A_288, %dma_wait3A_295] : memref<40x128xi32, #tpu.memory_space<vmem>> -> memref<1x128xi32, #tpu.memory_space<vmem>>
          %dma_wait3A_297 = tpu.memref_squeeze %dma_wait3A_296 : memref<1x128xi32, #tpu.memory_space<vmem>> -> memref<128xi32, #tpu.memory_space<vmem>>
          %dma_wait3A_298 = arith.constant 0 : i32
          %dma_wait3A_299 = arith.constant 0 : i32
          %dma_wait3A_300 = tpu.memref_slice %arg14[%dma_wait3A_298, %dma_wait3A_299] : memref<10240x128xf32, #tpu.memory_space<vmem_shared>> -> memref<10240x128xf32, #tpu.memory_space<vmem_shared>>
          tpu.wait_indirect_dma semaphore(%run_scoped3A : memref<!tpu.dma_semaphore, #tpu.memory_space<semaphore_mem>>) src(%arg9 : memref<128x128xf32, #tpu.memory_space<vmem>>) dst(%dma_wait3A_300 : memref<10240x128xf32, #tpu.memory_space<vmem_shared>>)
          tpu.yield
        }) : () -> ()
      }
      %scan3A_203 = arith.constant 20 : i32
    }
    %scan3A_30 = arith.constant 2 : i32
    %barrier3A_31 = arith.constant 0 : index
    tpu.barrier barrier_id(%barrier3A_31)
    %mul3A_32 = arith.constant 640 : i32
    %mul3A_33 = arith.muli %arg1, %mul3A_32 : i32
    %add3A_34 = arith.constant 0 : i32
    %add3A_35 = arith.addi %mul3A_33, %add3A_34 : i32
    %dma_start3A = arith.constant 0 : i32
    %dma_start3A_36 = tpu.memref_slice %arg14[%add3A_35, %dma_start3A] : memref<10240x128xf32, #tpu.memory_space<vmem_shared>> -> memref<128x128xf32, #tpu.memory_space<vmem_shared>>
    %dma_start3A_37 = arith.constant 0 : i32
    %dma_start3A_38 = tpu.memref_slice %arg14[%add3A_35, %dma_start3A_37] : memref<10240x128xf32, #tpu.memory_space<vmem_shared>> -> memref<128x128xf32, #tpu.memory_space<vmem_shared>>
    tpu.enqueue_dma source(%dma_start3A_38 : memref<128x128xf32, #tpu.memory_space<vmem_shared>>) target(%arg8 : memref<128x128xf32, #tpu.memory_space<vmem>>) target_semaphore(%arg15 : memref<!tpu.dma_semaphore, #tpu.memory_space<semaphore_mem>>)
    %mul3A_39 = arith.constant 640 : i32
    %mul3A_40 = arith.muli %arg1, %mul3A_39 : i32
    %add3A_41 = arith.constant 128 : i32
    %add3A_42 = arith.addi %mul3A_40, %add3A_41 : i32
    %dma_start3A_43 = arith.constant 0 : i32
    %dma_start3A_44 = tpu.memref_slice %arg14[%add3A_42, %dma_start3A_43] : memref<10240x128xf32, #tpu.memory_space<vmem_shared>> -> memref<128x128xf32, #tpu.memory_space<vmem_shared>>
    %dma_start3A_45 = arith.constant 0 : i32
    %dma_start3A_46 = tpu.memref_slice %arg14[%add3A_42, %dma_start3A_45] : memref<10240x128xf32, #tpu.memory_space<vmem_shared>> -> memref<128x128xf32, #tpu.memory_space<vmem_shared>>
    tpu.enqueue_dma source(%dma_start3A_46 : memref<128x128xf32, #tpu.memory_space<vmem_shared>>) target(%arg9 : memref<128x128xf32, #tpu.memory_space<vmem>>) target_semaphore(%arg16 : memref<!tpu.dma_semaphore, #tpu.memory_space<semaphore_mem>>)
    %mul3A_47 = arith.constant 640 : i32
    %mul3A_48 = arith.muli %arg1, %mul3A_47 : i32
    %dma_wait3A = arith.constant 0 : i32
    %dma_wait3A_49 = tpu.memref_slice %arg14[%mul3A_48, %dma_wait3A] : memref<10240x128xf32, #tpu.memory_space<vmem_shared>> -> memref<128x128xf32, #tpu.memory_space<vmem_shared>>
    %dma_wait3A_50 = arith.constant 0 : i32
    %dma_wait3A_51 = tpu.memref_slice %arg14[%mul3A_48, %dma_wait3A_50] : memref<10240x128xf32, #tpu.memory_space<vmem_shared>> -> memref<128x128xf32, #tpu.memory_space<vmem_shared>>
    tpu.wait_dma2 semaphore(%arg15 : memref<!tpu.dma_semaphore, #tpu.memory_space<semaphore_mem>>) src(%dma_wait3A_51 : memref<128x128xf32, #tpu.memory_space<vmem_shared>>) dst(%arg8 : memref<128x128xf32, #tpu.memory_space<vmem>>)
    %mul3A_52 = arith.constant 10240 : i32
    %mul3A_53 = arith.muli %arg0, %mul3A_52 : i32
    %mul3A_54 = arith.constant 640 : i32
    %mul3A_55 = arith.muli %arg1, %mul3A_54 : i32
    %add3A_56 = arith.addi %mul3A_53, %mul3A_55 : i32
    %add3A_57 = arith.constant 0 : i32
    %add3A_58 = arith.addi %add3A_56, %add3A_57 : i32
    "tpu.region"() ({
      %run_scoped3A = tpu.sem_alloc : memref<!tpu.dma_semaphore, #tpu.memory_space<semaphore_mem>>
      %dma_start3A_135 = arith.constant 0 : i32
      %dma_start3A_136 = tpu.memref_slice %arg5[%add3A_58, %dma_start3A_135] : memref<20480x128xf32, #tpu.memory_space<hbm>> -> memref<128x128xf32, #tpu.memory_space<hbm>>
      %dma_start3A_137 = arith.constant 0 : i32
      %dma_start3A_138 = tpu.memref_slice %arg5[%add3A_58, %dma_start3A_137] : memref<20480x128xf32, #tpu.memory_space<hbm>> -> memref<128x128xf32, #tpu.memory_space<hbm>>
      tpu.enqueue_dma source(%arg8 : memref<128x128xf32, #tpu.memory_space<vmem>>) target(%dma_start3A_138 : memref<128x128xf32, #tpu.memory_space<hbm>>) target_semaphore(%run_scoped3A : memref<!tpu.dma_semaphore, #tpu.memory_space<semaphore_mem>>)
      %dma_wait3A_139 = arith.constant 0 : i32
      %dma_wait3A_140 = tpu.memref_slice %arg5[%add3A_58, %dma_wait3A_139] : memref<20480x128xf32, #tpu.memory_space<hbm>> -> memref<128x128xf32, #tpu.memory_space<hbm>>
      %dma_wait3A_141 = arith.constant 0 : i32
      %dma_wait3A_142 = tpu.memref_slice %arg5[%add3A_58, %dma_wait3A_141] : memref<20480x128xf32, #tpu.memory_space<hbm>> -> memref<128x128xf32, #tpu.memory_space<hbm>>
      tpu.wait_dma2 semaphore(%run_scoped3A : memref<!tpu.dma_semaphore, #tpu.memory_space<semaphore_mem>>) src(%arg8 : memref<128x128xf32, #tpu.memory_space<vmem>>) dst(%dma_wait3A_142 : memref<128x128xf32, #tpu.memory_space<hbm>>)
      tpu.yield
    }) : () -> ()
    %mul3A_59 = arith.constant 640 : i32
    %mul3A_60 = arith.muli %arg1, %mul3A_59 : i32
    %add3A_61 = arith.constant 256 : i32
    %add3A_62 = arith.addi %mul3A_60, %add3A_61 : i32
    %dma_start3A_63 = arith.constant 0 : i32
    %dma_start3A_64 = tpu.memref_slice %arg14[%add3A_62, %dma_start3A_63] : memref<10240x128xf32, #tpu.memory_space<vmem_shared>> -> memref<128x128xf32, #tpu.memory_space<vmem_shared>>
    %dma_start3A_65 = arith.constant 0 : i32
    %dma_start3A_66 = tpu.memref_slice %arg14[%add3A_62, %dma_start3A_65] : memref<10240x128xf32, #tpu.memory_space<vmem_shared>> -> memref<128x128xf32, #tpu.memory_space<vmem_shared>>
    tpu.enqueue_dma source(%dma_start3A_66 : memref<128x128xf32, #tpu.memory_space<vmem_shared>>) target(%arg8 : memref<128x128xf32, #tpu.memory_space<vmem>>) target_semaphore(%arg15 : memref<!tpu.dma_semaphore, #tpu.memory_space<semaphore_mem>>)
    %mul3A_67 = arith.constant 640 : i32
    %mul3A_68 = arith.muli %arg1, %mul3A_67 : i32
    %dma_wait3A_69 = arith.constant 0 : i32
    %dma_wait3A_70 = tpu.memref_slice %arg14[%mul3A_68, %dma_wait3A_69] : memref<10240x128xf32, #tpu.memory_space<vmem_shared>> -> memref<128x128xf32, #tpu.memory_space<vmem_shared>>
    %dma_wait3A_71 = arith.constant 0 : i32
    %dma_wait3A_72 = tpu.memref_slice %arg14[%mul3A_68, %dma_wait3A_71] : memref<10240x128xf32, #tpu.memory_space<vmem_shared>> -> memref<128x128xf32, #tpu.memory_space<vmem_shared>>
    tpu.wait_dma2 semaphore(%arg16 : memref<!tpu.dma_semaphore, #tpu.memory_space<semaphore_mem>>) src(%dma_wait3A_72 : memref<128x128xf32, #tpu.memory_space<vmem_shared>>) dst(%arg9 : memref<128x128xf32, #tpu.memory_space<vmem>>)
    %mul3A_73 = arith.constant 10240 : i32
    %mul3A_74 = arith.muli %arg0, %mul3A_73 : i32
    %mul3A_75 = arith.constant 640 : i32
    %mul3A_76 = arith.muli %arg1, %mul3A_75 : i32
    %add3A_77 = arith.addi %mul3A_74, %mul3A_76 : i32
    %add3A_78 = arith.constant 128 : i32
    %add3A_79 = arith.addi %add3A_77, %add3A_78 : i32
    "tpu.region"() ({
      %run_scoped3A = tpu.sem_alloc : memref<!tpu.dma_semaphore, #tpu.memory_space<semaphore_mem>>
      %dma_start3A_135 = arith.constant 0 : i32
      %dma_start3A_136 = tpu.memref_slice %arg5[%add3A_79, %dma_start3A_135] : memref<20480x128xf32, #tpu.memory_space<hbm>> -> memref<128x128xf32, #tpu.memory_space<hbm>>
      %dma_start3A_137 = arith.constant 0 : i32
      %dma_start3A_138 = tpu.memref_slice %arg5[%add3A_79, %dma_start3A_137] : memref<20480x128xf32, #tpu.memory_space<hbm>> -> memref<128x128xf32, #tpu.memory_space<hbm>>
      tpu.enqueue_dma source(%arg9 : memref<128x128xf32, #tpu.memory_space<vmem>>) target(%dma_start3A_138 : memref<128x128xf32, #tpu.memory_space<hbm>>) target_semaphore(%run_scoped3A : memref<!tpu.dma_semaphore, #tpu.memory_space<semaphore_mem>>)
      %dma_wait3A_139 = arith.constant 0 : i32
      %dma_wait3A_140 = tpu.memref_slice %arg5[%add3A_79, %dma_wait3A_139] : memref<20480x128xf32, #tpu.memory_space<hbm>> -> memref<128x128xf32, #tpu.memory_space<hbm>>
      %dma_wait3A_141 = arith.constant 0 : i32
      %dma_wait3A_142 = tpu.memref_slice %arg5[%add3A_79, %dma_wait3A_141] : memref<20480x128xf32, #tpu.memory_space<hbm>> -> memref<128x128xf32, #tpu.memory_space<hbm>>
      tpu.wait_dma2 semaphore(%run_scoped3A : memref<!tpu.dma_semaphore, #tpu.memory_space<semaphore_mem>>) src(%arg9 : memref<128x128xf32, #tpu.memory_space<vmem>>) dst(%dma_wait3A_142 : memref<128x128xf32, #tpu.memory_space<hbm>>)
      tpu.yield
    }) : () -> ()
    %mul3A_80 = arith.constant 640 : i32
    %mul3A_81 = arith.muli %arg1, %mul3A_80 : i32
    %add3A_82 = arith.constant 384 : i32
    %add3A_83 = arith.addi %mul3A_81, %add3A_82 : i32
    %dma_start3A_84 = arith.constant 0 : i32
    %dma_start3A_85 = tpu.memref_slice %arg14[%add3A_83, %dma_start3A_84] : memref<10240x128xf32, #tpu.memory_space<vmem_shared>> -> memref<128x128xf32, #tpu.memory_space<vmem_shared>>
    %dma_start3A_86 = arith.constant 0 : i32
    %dma_start3A_87 = tpu.memref_slice %arg14[%add3A_83, %dma_start3A_86] : memref<10240x128xf32, #tpu.memory_space<vmem_shared>> -> memref<128x128xf32, #tpu.memory_space<vmem_shared>>
    tpu.enqueue_dma source(%dma_start3A_87 : memref<128x128xf32, #tpu.memory_space<vmem_shared>>) target(%arg9 : memref<128x128xf32, #tpu.memory_space<vmem>>) target_semaphore(%arg16 : memref<!tpu.dma_semaphore, #tpu.memory_space<semaphore_mem>>)
    %mul3A_88 = arith.constant 640 : i32
    %mul3A_89 = arith.muli %arg1, %mul3A_88 : i32
    %dma_wait3A_90 = arith.constant 0 : i32
    %dma_wait3A_91 = tpu.memref_slice %arg14[%mul3A_89, %dma_wait3A_90] : memref<10240x128xf32, #tpu.memory_space<vmem_shared>> -> memref<128x128xf32, #tpu.memory_space<vmem_shared>>
    %dma_wait3A_92 = arith.constant 0 : i32
    %dma_wait3A_93 = tpu.memref_slice %arg14[%mul3A_89, %dma_wait3A_92] : memref<10240x128xf32, #tpu.memory_space<vmem_shared>> -> memref<128x128xf32, #tpu.memory_space<vmem_shared>>
    tpu.wait_dma2 semaphore(%arg15 : memref<!tpu.dma_semaphore, #tpu.memory_space<semaphore_mem>>) src(%dma_wait3A_93 : memref<128x128xf32, #tpu.memory_space<vmem_shared>>) dst(%arg8 : memref<128x128xf32, #tpu.memory_space<vmem>>)
    %mul3A_94 = arith.constant 10240 : i32
    %mul3A_95 = arith.muli %arg0, %mul3A_94 : i32
    %mul3A_96 = arith.constant 640 : i32
    %mul3A_97 = arith.muli %arg1, %mul3A_96 : i32
    %add3A_98 = arith.addi %mul3A_95, %mul3A_97 : i32
    %add3A_99 = arith.constant 256 : i32
    %add3A_100 = arith.addi %add3A_98, %add3A_99 : i32
    "tpu.region"() ({
      %run_scoped3A = tpu.sem_alloc : memref<!tpu.dma_semaphore, #tpu.memory_space<semaphore_mem>>
      %dma_start3A_135 = arith.constant 0 : i32
      %dma_start3A_136 = tpu.memref_slice %arg5[%add3A_100, %dma_start3A_135] : memref<20480x128xf32, #tpu.memory_space<hbm>> -> memref<128x128xf32, #tpu.memory_space<hbm>>
      %dma_start3A_137 = arith.constant 0 : i32
      %dma_start3A_138 = tpu.memref_slice %arg5[%add3A_100, %dma_start3A_137] : memref<20480x128xf32, #tpu.memory_space<hbm>> -> memref<128x128xf32, #tpu.memory_space<hbm>>
      tpu.enqueue_dma source(%arg8 : memref<128x128xf32, #tpu.memory_space<vmem>>) target(%dma_start3A_138 : memref<128x128xf32, #tpu.memory_space<hbm>>) target_semaphore(%run_scoped3A : memref<!tpu.dma_semaphore, #tpu.memory_space<semaphore_mem>>)
      %dma_wait3A_139 = arith.constant 0 : i32
      %dma_wait3A_140 = tpu.memref_slice %arg5[%add3A_100, %dma_wait3A_139] : memref<20480x128xf32, #tpu.memory_space<hbm>> -> memref<128x128xf32, #tpu.memory_space<hbm>>
      %dma_wait3A_141 = arith.constant 0 : i32
      %dma_wait3A_142 = tpu.memref_slice %arg5[%add3A_100, %dma_wait3A_141] : memref<20480x128xf32, #tpu.memory_space<hbm>> -> memref<128x128xf32, #tpu.memory_space<hbm>>
      tpu.wait_dma2 semaphore(%run_scoped3A : memref<!tpu.dma_semaphore, #tpu.memory_space<semaphore_mem>>) src(%arg8 : memref<128x128xf32, #tpu.memory_space<vmem>>) dst(%dma_wait3A_142 : memref<128x128xf32, #tpu.memory_space<hbm>>)
      tpu.yield
    }) : () -> ()
    %mul3A_101 = arith.constant 640 : i32
    %mul3A_102 = arith.muli %arg1, %mul3A_101 : i32
    %add3A_103 = arith.constant 512 : i32
    %add3A_104 = arith.addi %mul3A_102, %add3A_103 : i32
    %dma_start3A_105 = arith.constant 0 : i32
    %dma_start3A_106 = tpu.memref_slice %arg14[%add3A_104, %dma_start3A_105] : memref<10240x128xf32, #tpu.memory_space<vmem_shared>> -> memref<128x128xf32, #tpu.memory_space<vmem_shared>>
    %dma_start3A_107 = arith.constant 0 : i32
    %dma_start3A_108 = tpu.memref_slice %arg14[%add3A_104, %dma_start3A_107] : memref<10240x128xf32, #tpu.memory_space<vmem_shared>> -> memref<128x128xf32, #tpu.memory_space<vmem_shared>>
    tpu.enqueue_dma source(%dma_start3A_108 : memref<128x128xf32, #tpu.memory_space<vmem_shared>>) target(%arg8 : memref<128x128xf32, #tpu.memory_space<vmem>>) target_semaphore(%arg15 : memref<!tpu.dma_semaphore, #tpu.memory_space<semaphore_mem>>)
    %mul3A_109 = arith.constant 640 : i32
    %mul3A_110 = arith.muli %arg1, %mul3A_109 : i32
    %dma_wait3A_111 = arith.constant 0 : i32
    %dma_wait3A_112 = tpu.memref_slice %arg14[%mul3A_110, %dma_wait3A_111] : memref<10240x128xf32, #tpu.memory_space<vmem_shared>> -> memref<128x128xf32, #tpu.memory_space<vmem_shared>>
    %dma_wait3A_113 = arith.constant 0 : i32
    %dma_wait3A_114 = tpu.memref_slice %arg14[%mul3A_110, %dma_wait3A_113] : memref<10240x128xf32, #tpu.memory_space<vmem_shared>> -> memref<128x128xf32, #tpu.memory_space<vmem_shared>>
    tpu.wait_dma2 semaphore(%arg16 : memref<!tpu.dma_semaphore, #tpu.memory_space<semaphore_mem>>) src(%dma_wait3A_114 : memref<128x128xf32, #tpu.memory_space<vmem_shared>>) dst(%arg9 : memref<128x128xf32, #tpu.memory_space<vmem>>)
    %mul3A_115 = arith.constant 10240 : i32
    %mul3A_116 = arith.muli %arg0, %mul3A_115 : i32
    %mul3A_117 = arith.constant 640 : i32
    %mul3A_118 = arith.muli %arg1, %mul3A_117 : i32
    %add3A_119 = arith.addi %mul3A_116, %mul3A_118 : i32
    %add3A_120 = arith.constant 384 : i32
    %add3A_121 = arith.addi %add3A_119, %add3A_120 : i32
    "tpu.region"() ({
      %run_scoped3A = tpu.sem_alloc : memref<!tpu.dma_semaphore, #tpu.memory_space<semaphore_mem>>
      %dma_start3A_135 = arith.constant 0 : i32
      %dma_start3A_136 = tpu.memref_slice %arg5[%add3A_121, %dma_start3A_135] : memref<20480x128xf32, #tpu.memory_space<hbm>> -> memref<128x128xf32, #tpu.memory_space<hbm>>
      %dma_start3A_137 = arith.constant 0 : i32
      %dma_start3A_138 = tpu.memref_slice %arg5[%add3A_121, %dma_start3A_137] : memref<20480x128xf32, #tpu.memory_space<hbm>> -> memref<128x128xf32, #tpu.memory_space<hbm>>
      tpu.enqueue_dma source(%arg9 : memref<128x128xf32, #tpu.memory_space<vmem>>) target(%dma_start3A_138 : memref<128x128xf32, #tpu.memory_space<hbm>>) target_semaphore(%run_scoped3A : memref<!tpu.dma_semaphore, #tpu.memory_space<semaphore_mem>>)
      %dma_wait3A_139 = arith.constant 0 : i32
      %dma_wait3A_140 = tpu.memref_slice %arg5[%add3A_121, %dma_wait3A_139] : memref<20480x128xf32, #tpu.memory_space<hbm>> -> memref<128x128xf32, #tpu.memory_space<hbm>>
      %dma_wait3A_141 = arith.constant 0 : i32
      %dma_wait3A_142 = tpu.memref_slice %arg5[%add3A_121, %dma_wait3A_141] : memref<20480x128xf32, #tpu.memory_space<hbm>> -> memref<128x128xf32, #tpu.memory_space<hbm>>
      tpu.wait_dma2 semaphore(%run_scoped3A : memref<!tpu.dma_semaphore, #tpu.memory_space<semaphore_mem>>) src(%arg9 : memref<128x128xf32, #tpu.memory_space<vmem>>) dst(%dma_wait3A_142 : memref<128x128xf32, #tpu.memory_space<hbm>>)
      tpu.yield
    }) : () -> ()
    %mul3A_122 = arith.constant 640 : i32
    %mul3A_123 = arith.muli %arg1, %mul3A_122 : i32
    %dma_wait3A_124 = arith.constant 0 : i32
    %dma_wait3A_125 = tpu.memref_slice %arg14[%mul3A_123, %dma_wait3A_124] : memref<10240x128xf32, #tpu.memory_space<vmem_shared>> -> memref<128x128xf32, #tpu.memory_space<vmem_shared>>
    %dma_wait3A_126 = arith.constant 0 : i32
    %dma_wait3A_127 = tpu.memref_slice %arg14[%mul3A_123, %dma_wait3A_126] : memref<10240x128xf32, #tpu.memory_space<vmem_shared>> -> memref<128x128xf32, #tpu.memory_space<vmem_shared>>
    tpu.wait_dma2 semaphore(%arg15 : memref<!tpu.dma_semaphore, #tpu.memory_space<semaphore_mem>>) src(%dma_wait3A_127 : memref<128x128xf32, #tpu.memory_space<vmem_shared>>) dst(%arg8 : memref<128x128xf32, #tpu.memory_space<vmem>>)
    %mul3A_128 = arith.constant 10240 : i32
    %mul3A_129 = arith.muli %arg0, %mul3A_128 : i32
    %mul3A_130 = arith.constant 640 : i32
    %mul3A_131 = arith.muli %arg1, %mul3A_130 : i32
    %add3A_132 = arith.addi %mul3A_129, %mul3A_131 : i32
    %add3A_133 = arith.constant 512 : i32
    %add3A_134 = arith.addi %add3A_132, %add3A_133 : i32
    "tpu.region"() ({
      %run_scoped3A = tpu.sem_alloc : memref<!tpu.dma_semaphore, #tpu.memory_space<semaphore_mem>>
      %dma_start3A_135 = arith.constant 0 : i32
      %dma_start3A_136 = tpu.memref_slice %arg5[%add3A_134, %dma_start3A_135] : memref<20480x128xf32, #tpu.memory_space<hbm>> -> memref<128x128xf32, #tpu.memory_space<hbm>>
      %dma_start3A_137 = arith.constant 0 : i32
      %dma_start3A_138 = tpu.memref_slice %arg5[%add3A_134, %dma_start3A_137] : memref<20480x128xf32, #tpu.memory_space<hbm>> -> memref<128x128xf32, #tpu.memory_space<hbm>>
      tpu.enqueue_dma source(%arg8 : memref<128x128xf32, #tpu.memory_space<vmem>>) target(%dma_start3A_138 : memref<128x128xf32, #tpu.memory_space<hbm>>) target_semaphore(%run_scoped3A : memref<!tpu.dma_semaphore, #tpu.memory_space<semaphore_mem>>)
      %dma_wait3A_139 = arith.constant 0 : i32
      %dma_wait3A_140 = tpu.memref_slice %arg5[%add3A_134, %dma_wait3A_139] : memref<20480x128xf32, #tpu.memory_space<hbm>> -> memref<128x128xf32, #tpu.memory_space<hbm>>
      %dma_wait3A_141 = arith.constant 0 : i32
      %dma_wait3A_142 = tpu.memref_slice %arg5[%add3A_134, %dma_wait3A_141] : memref<20480x128xf32, #tpu.memory_space<hbm>> -> memref<128x128xf32, #tpu.memory_space<hbm>>
      tpu.wait_dma2 semaphore(%run_scoped3A : memref<!tpu.dma_semaphore, #tpu.memory_space<semaphore_mem>>) src(%arg8 : memref<128x128xf32, #tpu.memory_space<vmem>>) dst(%dma_wait3A_142 : memref<128x128xf32, #tpu.memory_space<hbm>>)
      tpu.yield
    }) : () -> ()
    return
  }
}

#map = affine_map<(d0, d1) -> (0, 0)>
module attributes {stable_mosaic.version = 14 : i64} {
  func.func @_layer_body(%arg0: i32, %arg1: i32, %arg2: memref<10240x128xf32, #tpu.memory_space<hbm>>, %arg3: memref<2560x128xi32, #tpu.memory_space<hbm>>, %arg4: memref<2560x128xi32, #tpu.memory_space<hbm>>, %arg5: memref<20480x128xf32, #tpu.memory_space<hbm>>, %arg6: memref<40x128xi32, #tpu.memory_space<vmem>>, %arg7: memref<40x128xi32, #tpu.memory_space<vmem>>, %arg8: memref<128x128xf32, #tpu.memory_space<vmem>>, %arg9: memref<128x128xf32, #tpu.memory_space<vmem>>, %arg10: memref<64xi32, #tpu.memory_space<vmem>>, %arg11: memref<64xi32, #tpu.memory_space<vmem>>, %arg12: memref<64xi32, #tpu.memory_space<vmem>>, %arg13: memref<64xi32, #tpu.memory_space<vmem>>, %arg14: memref<10240x128xf32, #tpu.memory_space<vmem_shared>>, %arg15: memref<!tpu.dma_semaphore, #tpu.memory_space<semaphore_mem>>, %arg16: memref<!tpu.dma_semaphore, #tpu.memory_space<semaphore_mem>>) attributes {dimension_semantics = [#tpu.dimension_semantics<core_parallel>, #tpu.dimension_semantics<subcore_parallel>], iteration_bounds = array<i64: 2, 16>, scalar_prefetch = 0 : i64, scratch_operands = 11 : i64, tpu.core_type = #tpu.core_type<sc_vector_subcore>, window_params = [{transform_indices = #map}, {transform_indices = #map}, {transform_indices = #map}, {transform_indices = #map}]} {
    %mul3A = arith.constant 2 : i32
    %mul3A_0 = arith.muli %arg1, %mul3A : i32
    %add3A = arith.addi %mul3A_0, %arg0 : i32
    %broadcast_in_dim3A = arith.constant 0.000000e+00 : f32
    %broadcast_in_dim3A_1 = vector.broadcast %broadcast_in_dim3A : f32 to vector<16xf32>
    %scan3A = arith.constant 0 : i32
    %scan3A_2 = arith.constant 128 : i32
    %scan3A_3 = arith.addi %scan3A, %scan3A_2 : i32
    %scan3A_4 = arith.constant 1 : i32
    scf.for %scan3A_135 = %scan3A to %scan3A_3 step %scan3A_4  : i32 {
      %swap3A = arith.index_cast %scan3A_135 : i32 to index
      %swap3A_136 = arith.constant 0 : index
      %swap3A_137 = tpu.vector_load %arg8[%swap3A, %swap3A_136] {strides = array<i32>} : memref<128x128xf32, #tpu.memory_space<vmem>>, vector<16xf32>,
      tpu.vector_store %arg8[%swap3A, %swap3A_136], %broadcast_in_dim3A_1 {strides = array<i32>} : memref<128x128xf32, #tpu.memory_space<vmem>>, vector<16xf32>,
      %swap3A_138 = arith.index_cast %scan3A_135 : i32 to index
      %swap3A_139 = arith.constant 16 : index
      %swap3A_140 = tpu.vector_load %arg8[%swap3A_138, %swap3A_139] {strides = array<i32>} : memref<128x128xf32, #tpu.memory_space<vmem>>, vector<16xf32>,
      tpu.vector_store %arg8[%swap3A_138, %swap3A_139], %broadcast_in_dim3A_1 {strides = array<i32>} : memref<128x128xf32, #tpu.memory_space<vmem>>, vector<16xf32>,
      %swap3A_141 = arith.index_cast %scan3A_135 : i32 to index
      %swap3A_142 = arith.constant 32 : index
      %swap3A_143 = tpu.vector_load %arg8[%swap3A_141, %swap3A_142] {strides = array<i32>} : memref<128x128xf32, #tpu.memory_space<vmem>>, vector<16xf32>,
      tpu.vector_store %arg8[%swap3A_141, %swap3A_142], %broadcast_in_dim3A_1 {strides = array<i32>} : memref<128x128xf32, #tpu.memory_space<vmem>>, vector<16xf32>,
      %swap3A_144 = arith.index_cast %scan3A_135 : i32 to index
      %swap3A_145 = arith.constant 48 : index
      %swap3A_146 = tpu.vector_load %arg8[%swap3A_144, %swap3A_145] {strides = array<i32>} : memref<128x128xf32, #tpu.memory_space<vmem>>, vector<16xf32>,
      tpu.vector_store %arg8[%swap3A_144, %swap3A_145], %broadcast_in_dim3A_1 {strides = array<i32>} : memref<128x128xf32, #tpu.memory_space<vmem>>, vector<16xf32>,
      %swap3A_147 = arith.index_cast %scan3A_135 : i32 to index
      %swap3A_148 = arith.constant 64 : index
      %swap3A_149 = tpu.vector_load %arg8[%swap3A_147, %swap3A_148] {strides = array<i32>} : memref<128x128xf32, #tpu.memory_space<vmem>>, vector<16xf32>,
      tpu.vector_store %arg8[%swap3A_147, %swap3A_148], %broadcast_in_dim3A_1 {strides = array<i32>} : memref<128x128xf32, #tpu.memory_space<vmem>>, vector<16xf32>,
      %swap3A_150 = arith.index_cast %scan3A_135 : i32 to index
      %swap3A_151 = arith.constant 80 : index
      %swap3A_152 = tpu.vector_load %arg8[%swap3A_150, %swap3A_151] {strides = array<i32>} : memref<128x128xf32, #tpu.memory_space<vmem>>, vector<16xf32>,
      tpu.vector_store %arg8[%swap3A_150, %swap3A_151], %broadcast_in_dim3A_1 {strides = array<i32>} : memref<128x128xf32, #tpu.memory_space<vmem>>, vector<16xf32>,
      %swap3A_153 = arith.index_cast %scan3A_135 : i32 to index
      %swap3A_154 = arith.constant 96 : index
      %swap3A_155 = tpu.vector_load %arg8[%swap3A_153, %swap3A_154] {strides = array<i32>} : memref<128x128xf32, #tpu.memory_space<vmem>>, vector<16xf32>,
      tpu.vector_store %arg8[%swap3A_153, %swap3A_154], %broadcast_in_dim3A_1 {strides = array<i32>} : memref<128x128xf32, #tpu.memory_space<vmem>>, vector<16xf32>,
      %swap3A_156 = arith.index_cast %scan3A_135 : i32 to index
      %swap3A_157 = arith.constant 112 : index
      %swap3A_158 = tpu.vector_load %arg8[%swap3A_156, %swap3A_157] {strides = array<i32>} : memref<128x128xf32, #tpu.memory_space<vmem>>, vector<16xf32>,
      tpu.vector_store %arg8[%swap3A_156, %swap3A_157], %broadcast_in_dim3A_1 {strides = array<i32>} : memref<128x128xf32, #tpu.memory_space<vmem>>, vector<16xf32>,
    }
    %scan3A_5 = arith.constant 128 : i32
    %mul3A_6 = arith.constant 640 : i32
    %mul3A_7 = arith.muli %arg1, %mul3A_6 : i32
    %add3A_8 = arith.constant 0 : i32
    %add3A_9 = arith.addi %mul3A_7, %add3A_8 : i32
    "tpu.region"() ({
      %run_scoped3A = tpu.sem_alloc : memref<!tpu.dma_semaphore, #tpu.memory_space<semaphore_mem>>
      %dma_start3A_135 = arith.constant 0 : i32
      %dma_start3A_136 = tpu.memref_slice %arg14[%add3A_9, %dma_start3A_135] : memref<10240x128xf32, #tpu.memory_space<vmem_shared>> -> memref<128x128xf32, #tpu.memory_space<vmem_shared>>
      %dma_start3A_137 = arith.constant 0 : i32
      %dma_start3A_138 = tpu.memref_slice %arg14[%add3A_9, %dma_start3A_137] : memref<10240x128xf32, #tpu.memory_space<vmem_shared>> -> memref<128x128xf32, #tpu.memory_space<vmem_shared>>
      tpu.enqueue_dma source(%arg8 : memref<128x128xf32, #tpu.memory_space<vmem>>) target(%dma_start3A_138 : memref<128x128xf32, #tpu.memory_space<vmem_shared>>) target_semaphore(%run_scoped3A : memref<!tpu.dma_semaphore, #tpu.memory_space<semaphore_mem>>)
      %dma_wait3A_139 = arith.constant 0 : i32
      %dma_wait3A_140 = tpu.memref_slice %arg14[%add3A_9, %dma_wait3A_139] : memref<10240x128xf32, #tpu.memory_space<vmem_shared>> -> memref<128x128xf32, #tpu.memory_space<vmem_shared>>
      %dma_wait3A_141 = arith.constant 0 : i32
      %dma_wait3A_142 = tpu.memref_slice %arg14[%add3A_9, %dma_wait3A_141] : memref<10240x128xf32, #tpu.memory_space<vmem_shared>> -> memref<128x128xf32, #tpu.memory_space<vmem_shared>>
      tpu.wait_dma2 semaphore(%run_scoped3A : memref<!tpu.dma_semaphore, #tpu.memory_space<semaphore_mem>>) src(%arg8 : memref<128x128xf32, #tpu.memory_space<vmem>>) dst(%dma_wait3A_142 : memref<128x128xf32, #tpu.memory_space<vmem_shared>>)
      tpu.yield
    }) : () -> ()
    %mul3A_10 = arith.constant 640 : i32
    %mul3A_11 = arith.muli %arg1, %mul3A_10 : i32
    %add3A_12 = arith.constant 128 : i32
    %add3A_13 = arith.addi %mul3A_11, %add3A_12 : i32
    "tpu.region"() ({
      %run_scoped3A = tpu.sem_alloc : memref<!tpu.dma_semaphore, #tpu.memory_space<semaphore_mem>>
      %dma_start3A_135 = arith.constant 0 : i32
      %dma_start3A_136 = tpu.memref_slice %arg14[%add3A_13, %dma_start3A_135] : memref<10240x128xf32, #tpu.memory_space<vmem_shared>> -> memref<128x128xf32, #tpu.memory_space<vmem_shared>>
      %dma_start3A_137 = arith.constant 0 : i32
      %dma_start3A_138 = tpu.memref_slice %arg14[%add3A_13, %dma_start3A_137] : memref<10240x128xf32, #tpu.memory_space<vmem_shared>> -> memref<128x128xf32, #tpu.memory_space<vmem_shared>>
      tpu.enqueue_dma source(%arg8 : memref<128x128xf32, #tpu.memory_space<vmem>>) target(%dma_start3A_138 : memref<128x128xf32, #tpu.memory_space<vmem_shared>>) target_semaphore(%run_scoped3A : memref<!tpu.dma_semaphore, #tpu.memory_space<semaphore_mem>>)
      %dma_wait3A_139 = arith.constant 0 : i32
      %dma_wait3A_140 = tpu.memref_slice %arg14[%add3A_13, %dma_wait3A_139] : memref<10240x128xf32, #tpu.memory_space<vmem_shared>> -> memref<128x128xf32, #tpu.memory_space<vmem_shared>>
      %dma_wait3A_141 = arith.constant 0 : i32
      %dma_wait3A_142 = tpu.memref_slice %arg14[%add3A_13, %dma_wait3A_141] : memref<10240x128xf32, #tpu.memory_space<vmem_shared>> -> memref<128x128xf32, #tpu.memory_space<vmem_shared>>
      tpu.wait_dma2 semaphore(%run_scoped3A : memref<!tpu.dma_semaphore, #tpu.memory_space<semaphore_mem>>) src(%arg8 : memref<128x128xf32, #tpu.memory_space<vmem>>) dst(%dma_wait3A_142 : memref<128x128xf32, #tpu.memory_space<vmem_shared>>)
      tpu.yield
    }) : () -> ()
    %mul3A_14 = arith.constant 640 : i32
    %mul3A_15 = arith.muli %arg1, %mul3A_14 : i32
    %add3A_16 = arith.constant 256 : i32
    %add3A_17 = arith.addi %mul3A_15, %add3A_16 : i32
    "tpu.region"() ({
      %run_scoped3A = tpu.sem_alloc : memref<!tpu.dma_semaphore, #tpu.memory_space<semaphore_mem>>
      %dma_start3A_135 = arith.constant 0 : i32
      %dma_start3A_136 = tpu.memref_slice %arg14[%add3A_17, %dma_start3A_135] : memref<10240x128xf32, #tpu.memory_space<vmem_shared>> -> memref<128x128xf32, #tpu.memory_space<vmem_shared>>
      %dma_start3A_137 = arith.constant 0 : i32
      %dma_start3A_138 = tpu.memref_slice %arg14[%add3A_17, %dma_start3A_137] : memref<10240x128xf32, #tpu.memory_space<vmem_shared>> -> memref<128x128xf32, #tpu.memory_space<vmem_shared>>
      tpu.enqueue_dma source(%arg8 : memref<128x128xf32, #tpu.memory_space<vmem>>) target(%dma_start3A_138 : memref<128x128xf32, #tpu.memory_space<vmem_shared>>) target_semaphore(%run_scoped3A : memref<!tpu.dma_semaphore, #tpu.memory_space<semaphore_mem>>)
      %dma_wait3A_139 = arith.constant 0 : i32
      %dma_wait3A_140 = tpu.memref_slice %arg14[%add3A_17, %dma_wait3A_139] : memref<10240x128xf32, #tpu.memory_space<vmem_shared>> -> memref<128x128xf32, #tpu.memory_space<vmem_shared>>
      %dma_wait3A_141 = arith.constant 0 : i32
      %dma_wait3A_142 = tpu.memref_slice %arg14[%add3A_17, %dma_wait3A_141] : memref<10240x128xf32, #tpu.memory_space<vmem_shared>> -> memref<128x128xf32, #tpu.memory_space<vmem_shared>>
      tpu.wait_dma2 semaphore(%run_scoped3A : memref<!tpu.dma_semaphore, #tpu.memory_space<semaphore_mem>>) src(%arg8 : memref<128x128xf32, #tpu.memory_space<vmem>>) dst(%dma_wait3A_142 : memref<128x128xf32, #tpu.memory_space<vmem_shared>>)
      tpu.yield
    }) : () -> ()
    %mul3A_18 = arith.constant 640 : i32
    %mul3A_19 = arith.muli %arg1, %mul3A_18 : i32
    %add3A_20 = arith.constant 384 : i32
    %add3A_21 = arith.addi %mul3A_19, %add3A_20 : i32
    "tpu.region"() ({
      %run_scoped3A = tpu.sem_alloc : memref<!tpu.dma_semaphore, #tpu.memory_space<semaphore_mem>>
      %dma_start3A_135 = arith.constant 0 : i32
      %dma_start3A_136 = tpu.memref_slice %arg14[%add3A_21, %dma_start3A_135] : memref<10240x128xf32, #tpu.memory_space<vmem_shared>> -> memref<128x128xf32, #tpu.memory_space<vmem_shared>>
      %dma_start3A_137 = arith.constant 0 : i32
      %dma_start3A_138 = tpu.memref_slice %arg14[%add3A_21, %dma_start3A_137] : memref<10240x128xf32, #tpu.memory_space<vmem_shared>> -> memref<128x128xf32, #tpu.memory_space<vmem_shared>>
      tpu.enqueue_dma source(%arg8 : memref<128x128xf32, #tpu.memory_space<vmem>>) target(%dma_start3A_138 : memref<128x128xf32, #tpu.memory_space<vmem_shared>>) target_semaphore(%run_scoped3A : memref<!tpu.dma_semaphore, #tpu.memory_space<semaphore_mem>>)
      %dma_wait3A_139 = arith.constant 0 : i32
      %dma_wait3A_140 = tpu.memref_slice %arg14[%add3A_21, %dma_wait3A_139] : memref<10240x128xf32, #tpu.memory_space<vmem_shared>> -> memref<128x128xf32, #tpu.memory_space<vmem_shared>>
      %dma_wait3A_141 = arith.constant 0 : i32
      %dma_wait3A_142 = tpu.memref_slice %arg14[%add3A_21, %dma_wait3A_141] : memref<10240x128xf32, #tpu.memory_space<vmem_shared>> -> memref<128x128xf32, #tpu.memory_space<vmem_shared>>
      tpu.wait_dma2 semaphore(%run_scoped3A : memref<!tpu.dma_semaphore, #tpu.memory_space<semaphore_mem>>) src(%arg8 : memref<128x128xf32, #tpu.memory_space<vmem>>) dst(%dma_wait3A_142 : memref<128x128xf32, #tpu.memory_space<vmem_shared>>)
      tpu.yield
    }) : () -> ()
    %mul3A_22 = arith.constant 640 : i32
    %mul3A_23 = arith.muli %arg1, %mul3A_22 : i32
    %add3A_24 = arith.constant 512 : i32
    %add3A_25 = arith.addi %mul3A_23, %add3A_24 : i32
    "tpu.region"() ({
      %run_scoped3A = tpu.sem_alloc : memref<!tpu.dma_semaphore, #tpu.memory_space<semaphore_mem>>
      %dma_start3A_135 = arith.constant 0 : i32
      %dma_start3A_136 = tpu.memref_slice %arg14[%add3A_25, %dma_start3A_135] : memref<10240x128xf32, #tpu.memory_space<vmem_shared>> -> memref<128x128xf32, #tpu.memory_space<vmem_shared>>
      %dma_start3A_137 = arith.constant 0 : i32
      %dma_start3A_138 = tpu.memref_slice %arg14[%add3A_25, %dma_start3A_137] : memref<10240x128xf32, #tpu.memory_space<vmem_shared>> -> memref<128x128xf32, #tpu.memory_space<vmem_shared>>
      tpu.enqueue_dma source(%arg8 : memref<128x128xf32, #tpu.memory_space<vmem>>) target(%dma_start3A_138 : memref<128x128xf32, #tpu.memory_space<vmem_shared>>) target_semaphore(%run_scoped3A : memref<!tpu.dma_semaphore, #tpu.memory_space<semaphore_mem>>)
      %dma_wait3A_139 = arith.constant 0 : i32
      %dma_wait3A_140 = tpu.memref_slice %arg14[%add3A_25, %dma_wait3A_139] : memref<10240x128xf32, #tpu.memory_space<vmem_shared>> -> memref<128x128xf32, #tpu.memory_space<vmem_shared>>
      %dma_wait3A_141 = arith.constant 0 : i32
      %dma_wait3A_142 = tpu.memref_slice %arg14[%add3A_25, %dma_wait3A_141] : memref<10240x128xf32, #tpu.memory_space<vmem_shared>> -> memref<128x128xf32, #tpu.memory_space<vmem_shared>>
      tpu.wait_dma2 semaphore(%run_scoped3A : memref<!tpu.dma_semaphore, #tpu.memory_space<semaphore_mem>>) src(%arg8 : memref<128x128xf32, #tpu.memory_space<vmem>>) dst(%dma_wait3A_142 : memref<128x128xf32, #tpu.memory_space<vmem_shared>>)
      tpu.yield
    }) : () -> ()
    %barrier3A = arith.constant 0 : index
    tpu.barrier barrier_id(%barrier3A)
    %scan3A_26 = arith.constant 0 : i32
    %scan3A_27 = arith.constant 2 : i32
    %scan3A_28 = arith.addi %scan3A_26, %scan3A_27 : i32
    %scan3A_29 = arith.constant 1 : i32
    scf.for %scan3A_135 = %scan3A_26 to %scan3A_28 step %scan3A_29  : i32 {
      %mul3A_136 = arith.constant 80 : i32
      %mul3A_137 = arith.muli %add3A, %mul3A_136 : i32
      %mul3A_138 = arith.constant 40 : i32
      %mul3A_139 = arith.muli %scan3A_135, %mul3A_138 : i32
      %add3A_140 = arith.addi %mul3A_137, %mul3A_139 : i32
      "tpu.region"() ({
        %run_scoped3A = tpu.sem_alloc : memref<!tpu.dma_semaphore, #tpu.memory_space<semaphore_mem>>
        %dma_start3A_204 = arith.constant 0 : i32
        %dma_start3A_205 = tpu.memref_slice %arg3[%add3A_140, %dma_start3A_204] : memref<2560x128xi32, #tpu.memory_space<hbm>> -> memref<40x128xi32, #tpu.memory_space<hbm>>
        %dma_start3A_206 = arith.constant 0 : i32
        %dma_start3A_207 = tpu.memref_slice %arg3[%add3A_140, %dma_start3A_206] : memref<2560x128xi32, #tpu.memory_space<hbm>> -> memref<40x128xi32, #tpu.memory_space<hbm>>
        tpu.enqueue_dma source(%dma_start3A_207 : memref<40x128xi32, #tpu.memory_space<hbm>>) target(%arg6 : memref<40x128xi32, #tpu.memory_space<vmem>>) target_semaphore(%run_scoped3A : memref<!tpu.dma_semaphore, #tpu.memory_space<semaphore_mem>>)
        %dma_wait3A_208 = arith.constant 0 : i32
        %dma_wait3A_209 = tpu.memref_slice %arg3[%add3A_140, %dma_wait3A_208] : memref<2560x128xi32, #tpu.memory_space<hbm>> -> memref<40x128xi32, #tpu.memory_space<hbm>>
        %dma_wait3A_210 = arith.constant 0 : i32
        %dma_wait3A_211 = tpu.memref_slice %arg3[%add3A_140, %dma_wait3A_210] : memref<2560x128xi32, #tpu.memory_space<hbm>> -> memref<40x128xi32, #tpu.memory_space<hbm>>
        tpu.wait_dma2 semaphore(%run_scoped3A : memref<!tpu.dma_semaphore, #tpu.memory_space<semaphore_mem>>) src(%dma_wait3A_211 : memref<40x128xi32, #tpu.memory_space<hbm>>) dst(%arg6 : memref<40x128xi32, #tpu.memory_space<vmem>>)
        tpu.yield
      }) : () -> ()
      "tpu.region"() ({
        %run_scoped3A = tpu.sem_alloc : memref<!tpu.dma_semaphore, #tpu.memory_space<semaphore_mem>>
        %dma_start3A_204 = arith.constant 0 : i32
        %dma_start3A_205 = tpu.memref_slice %arg4[%add3A_140, %dma_start3A_204] : memref<2560x128xi32, #tpu.memory_space<hbm>> -> memref<40x128xi32, #tpu.memory_space<hbm>>
        %dma_start3A_206 = arith.constant 0 : i32
        %dma_start3A_207 = tpu.memref_slice %arg4[%add3A_140, %dma_start3A_206] : memref<2560x128xi32, #tpu.memory_space<hbm>> -> memref<40x128xi32, #tpu.memory_space<hbm>>
        tpu.enqueue_dma source(%dma_start3A_207 : memref<40x128xi32, #tpu.memory_space<hbm>>) target(%arg7 : memref<40x128xi32, #tpu.memory_space<vmem>>) target_semaphore(%run_scoped3A : memref<!tpu.dma_semaphore, #tpu.memory_space<semaphore_mem>>)
        %dma_wait3A_208 = arith.constant 0 : i32
        %dma_wait3A_209 = tpu.memref_slice %arg4[%add3A_140, %dma_wait3A_208] : memref<2560x128xi32, #tpu.memory_space<hbm>> -> memref<40x128xi32, #tpu.memory_space<hbm>>
        %dma_wait3A_210 = arith.constant 0 : i32
        %dma_wait3A_211 = tpu.memref_slice %arg4[%add3A_140, %dma_wait3A_210] : memref<2560x128xi32, #tpu.memory_space<hbm>> -> memref<40x128xi32, #tpu.memory_space<hbm>>
        tpu.wait_dma2 semaphore(%run_scoped3A : memref<!tpu.dma_semaphore, #tpu.memory_space<semaphore_mem>>) src(%dma_wait3A_211 : memref<40x128xi32, #tpu.memory_space<hbm>>) dst(%arg7 : memref<40x128xi32, #tpu.memory_space<vmem>>)
        tpu.yield
      }) : () -> ()
      %get3A = arith.constant 0 : i32
      %get3A_141 = arith.index_cast %get3A : i32 to index
      %get3A_142 = arith.constant 0 : index
      %get3A_143 = tpu.vector_load %arg6[%get3A_141, %get3A_142] {strides = array<i32>} : memref<40x128xi32, #tpu.memory_space<vmem>>, vector<16xi32>,
      %swap3A = arith.constant 0 : index
      %swap3A_144 = tpu.vector_load %arg10[%swap3A] {strides = array<i32>} : memref<64xi32, #tpu.memory_space<vmem>>, vector<16xi32>,
      tpu.vector_store %arg10[%swap3A], %get3A_143 {strides = array<i32>} : memref<64xi32, #tpu.memory_space<vmem>>, vector<16xi32>,
      %get3A_145 = arith.constant 0 : i32
      %get3A_146 = arith.index_cast %get3A_145 : i32 to index
      %get3A_147 = arith.constant 64 : index
      %get3A_148 = tpu.vector_load %arg6[%get3A_146, %get3A_147] {strides = array<i32>} : memref<40x128xi32, #tpu.memory_space<vmem>>, vector<16xi32>,
      %swap3A_149 = arith.constant 0 : index
      %swap3A_150 = tpu.vector_load %arg11[%swap3A_149] {strides = array<i32>} : memref<64xi32, #tpu.memory_space<vmem>>, vector<16xi32>,
      tpu.vector_store %arg11[%swap3A_149], %get3A_148 {strides = array<i32>} : memref<64xi32, #tpu.memory_space<vmem>>, vector<16xi32>,
      %get3A_151 = arith.constant 0 : i32
      %get3A_152 = arith.index_cast %get3A_151 : i32 to index
      %get3A_153 = arith.constant 16 : index
      %get3A_154 = tpu.vector_load %arg6[%get3A_152, %get3A_153] {strides = array<i32>} : memref<40x128xi32, #tpu.memory_space<vmem>>, vector<16xi32>,
      %swap3A_155 = arith.constant 16 : index
      %swap3A_156 = tpu.vector_load %arg10[%swap3A_155] {strides = array<i32>} : memref<64xi32, #tpu.memory_space<vmem>>, vector<16xi32>,
      tpu.vector_store %arg10[%swap3A_155], %get3A_154 {strides = array<i32>} : memref<64xi32, #tpu.memory_space<vmem>>, vector<16xi32>,
      %get3A_157 = arith.constant 0 : i32
      %get3A_158 = arith.index_cast %get3A_157 : i32 to index
      %get3A_159 = arith.constant 80 : index
      %get3A_160 = tpu.vector_load %arg6[%get3A_158, %get3A_159] {strides = array<i32>} : memref<40x128xi32, #tpu.memory_space<vmem>>, vector<16xi32>,
      %swap3A_161 = arith.constant 16 : index
      %swap3A_162 = tpu.vector_load %arg11[%swap3A_161] {strides = array<i32>} : memref<64xi32, #tpu.memory_space<vmem>>, vector<16xi32>,
      tpu.vector_store %arg11[%swap3A_161], %get3A_160 {strides = array<i32>} : memref<64xi32, #tpu.memory_space<vmem>>, vector<16xi32>,
      %get3A_163 = arith.constant 0 : i32
      %get3A_164 = arith.index_cast %get3A_163 : i32 to index
      %get3A_165 = arith.constant 32 : index
      %get3A_166 = tpu.vector_load %arg6[%get3A_164, %get3A_165] {strides = array<i32>} : memref<40x128xi32, #tpu.memory_space<vmem>>, vector<16xi32>,
      %swap3A_167 = arith.constant 32 : index
      %swap3A_168 = tpu.vector_load %arg10[%swap3A_167] {strides = array<i32>} : memref<64xi32, #tpu.memory_space<vmem>>, vector<16xi32>,
      tpu.vector_store %arg10[%swap3A_167], %get3A_166 {strides = array<i32>} : memref<64xi32, #tpu.memory_space<vmem>>, vector<16xi32>,
      %get3A_169 = arith.constant 0 : i32
      %get3A_170 = arith.index_cast %get3A_169 : i32 to index
      %get3A_171 = arith.constant 96 : index
      %get3A_172 = tpu.vector_load %arg6[%get3A_170, %get3A_171] {strides = array<i32>} : memref<40x128xi32, #tpu.memory_space<vmem>>, vector<16xi32>,
      %swap3A_173 = arith.constant 32 : index
      %swap3A_174 = tpu.vector_load %arg11[%swap3A_173] {strides = array<i32>} : memref<64xi32, #tpu.memory_space<vmem>>, vector<16xi32>,
      tpu.vector_store %arg11[%swap3A_173], %get3A_172 {strides = array<i32>} : memref<64xi32, #tpu.memory_space<vmem>>, vector<16xi32>,
      %get3A_175 = arith.constant 0 : i32
      %get3A_176 = arith.index_cast %get3A_175 : i32 to index
      %get3A_177 = arith.constant 48 : index
      %get3A_178 = tpu.vector_load %arg6[%get3A_176, %get3A_177] {strides = array<i32>} : memref<40x128xi32, #tpu.memory_space<vmem>>, vector<16xi32>,
      %swap3A_179 = arith.constant 48 : index
      %swap3A_180 = tpu.vector_load %arg10[%swap3A_179] {strides = array<i32>} : memref<64xi32, #tpu.memory_space<vmem>>, vector<16xi32>,
      tpu.vector_store %arg10[%swap3A_179], %get3A_178 {strides = array<i32>} : memref<64xi32, #tpu.memory_space<vmem>>, vector<16xi32>,
      %get3A_181 = arith.constant 0 : i32
      %get3A_182 = arith.index_cast %get3A_181 : i32 to index
      %get3A_183 = arith.constant 112 : index
      %get3A_184 = tpu.vector_load %arg6[%get3A_182, %get3A_183] {strides = array<i32>} : memref<40x128xi32, #tpu.memory_space<vmem>>, vector<16xi32>,
      %swap3A_185 = arith.constant 48 : index
      %swap3A_186 = tpu.vector_load %arg11[%swap3A_185] {strides = array<i32>} : memref<64xi32, #tpu.memory_space<vmem>>, vector<16xi32>,
      tpu.vector_store %arg11[%swap3A_185], %get3A_184 {strides = array<i32>} : memref<64xi32, #tpu.memory_space<vmem>>, vector<16xi32>,
      %dma_start3A_187 = arith.constant 0 : i32
      %dma_start3A_188 = arith.constant 0 : i32
      %dma_start3A_189 = tpu.memref_slice %arg8[%dma_start3A_187, %dma_start3A_188] : memref<128x128xf32, #tpu.memory_space<vmem>> -> memref<64x128xf32, #tpu.memory_space<vmem>>
      %dma_start3A_190 = arith.constant 0 : i32
      %dma_start3A_191 = arith.constant 0 : i32
      %dma_start3A_192 = tpu.memref_slice %arg2[%dma_start3A_190, %dma_start3A_191] : memref<10240x128xf32, #tpu.memory_space<hbm>> -> memref<10240x128xf32, #tpu.memory_space<hbm>>
      tpu.enqueue_indirect_dma source(%dma_start3A_192 : memref<10240x128xf32, #tpu.memory_space<hbm>>) target(%dma_start3A_189 : memref<64x128xf32, #tpu.memory_space<vmem>>) offsets(%arg10 : memref<64xi32, #tpu.memory_space<vmem>>) semaphore(%arg15 : memref<!tpu.dma_semaphore, #tpu.memory_space<semaphore_mem>>)
      %dma_start3A_193 = arith.constant 64 : i32
      %dma_start3A_194 = arith.constant 0 : i32
      %dma_start3A_195 = tpu.memref_slice %arg8[%dma_start3A_193, %dma_start3A_194] : memref<128x128xf32, #tpu.memory_space<vmem>> -> memref<64x128xf32, #tpu.memory_space<vmem>>
      %dma_start3A_196 = arith.constant 0 : i32
      %dma_start3A_197 = arith.constant 0 : i32
      %dma_start3A_198 = tpu.memref_slice %arg2[%dma_start3A_196, %dma_start3A_197] : memref<10240x128xf32, #tpu.memory_space<hbm>> -> memref<10240x128xf32, #tpu.memory_space<hbm>>
      tpu.enqueue_indirect_dma source(%dma_start3A_198 : memref<10240x128xf32, #tpu.memory_space<hbm>>) target(%dma_start3A_195 : memref<64x128xf32, #tpu.memory_space<vmem>>) offsets(%arg11 : memref<64xi32, #tpu.memory_space<vmem>>) semaphore(%arg15 : memref<!tpu.dma_semaphore, #tpu.memory_space<semaphore_mem>>)
      %scan3A_199 = arith.constant 0 : i32
      %scan3A_200 = arith.constant 20 : i32
      %scan3A_201 = arith.addi %scan3A_199, %scan3A_200 : i32
      %scan3A_202 = arith.constant 1 : i32
      scf.for %scan3A_204 = %scan3A_199 to %scan3A_201 step %scan3A_202  : i32 {
        %mul3A_205 = arith.constant 2 : i32
        %mul3A_206 = arith.muli %mul3A_205, %scan3A_204 : i32
        %add3A_207 = arith.constant 1 : i32
        %add3A_208 = arith.addi %mul3A_206, %add3A_207 : i32
        %get3A_209 = arith.index_cast %add3A_208 : i32 to index
        %get3A_210 = arith.constant 0 : index
        %get3A_211 = tpu.vector_load %arg6[%get3A_209, %get3A_210] {strides = array<i32>} : memref<40x128xi32, #tpu.memory_space<vmem>>, vector<16xi32>,
        %swap3A_212 = arith.constant 0 : index
        %swap3A_213 = tpu.vector_load %arg12[%swap3A_212] {strides = array<i32>} : memref<64xi32, #tpu.memory_space<vmem>>, vector<16xi32>,
        tpu.vector_store %arg12[%swap3A_212], %get3A_211 {strides = array<i32>} : memref<64xi32, #tpu.memory_space<vmem>>, vector<16xi32>,
        %get3A_214 = arith.index_cast %add3A_208 : i32 to index
        %get3A_215 = arith.constant 64 : index
        %get3A_216 = tpu.vector_load %arg6[%get3A_214, %get3A_215] {strides = array<i32>} : memref<40x128xi32, #tpu.memory_space<vmem>>, vector<16xi32>,
        %swap3A_217 = arith.constant 0 : index
        %swap3A_218 = tpu.vector_load %arg13[%swap3A_217] {strides = array<i32>} : memref<64xi32, #tpu.memory_space<vmem>>, vector<16xi32>,
        tpu.vector_store %arg13[%swap3A_217], %get3A_216 {strides = array<i32>} : memref<64xi32, #tpu.memory_space<vmem>>, vector<16xi32>,
        %get3A_219 = arith.index_cast %add3A_208 : i32 to index
        %get3A_220 = arith.constant 16 : index
        %get3A_221 = tpu.vector_load %arg6[%get3A_219, %get3A_220] {strides = array<i32>} : memref<40x128xi32, #tpu.memory_space<vmem>>, vector<16xi32>,
        %swap3A_222 = arith.constant 16 : index
        %swap3A_223 = tpu.vector_load %arg12[%swap3A_222] {strides = array<i32>} : memref<64xi32, #tpu.memory_space<vmem>>, vector<16xi32>,
        tpu.vector_store %arg12[%swap3A_222], %get3A_221 {strides = array<i32>} : memref<64xi32, #tpu.memory_space<vmem>>, vector<16xi32>,
        %get3A_224 = arith.index_cast %add3A_208 : i32 to index
        %get3A_225 = arith.constant 80 : index
        %get3A_226 = tpu.vector_load %arg6[%get3A_224, %get3A_225] {strides = array<i32>} : memref<40x128xi32, #tpu.memory_space<vmem>>, vector<16xi32>,
        %swap3A_227 = arith.constant 16 : index
        %swap3A_228 = tpu.vector_load %arg13[%swap3A_227] {strides = array<i32>} : memref<64xi32, #tpu.memory_space<vmem>>, vector<16xi32>,
        tpu.vector_store %arg13[%swap3A_227], %get3A_226 {strides = array<i32>} : memref<64xi32, #tpu.memory_space<vmem>>, vector<16xi32>,
        %get3A_229 = arith.index_cast %add3A_208 : i32 to index
        %get3A_230 = arith.constant 32 : index
        %get3A_231 = tpu.vector_load %arg6[%get3A_229, %get3A_230] {strides = array<i32>} : memref<40x128xi32, #tpu.memory_space<vmem>>, vector<16xi32>,
        %swap3A_232 = arith.constant 32 : index
        %swap3A_233 = tpu.vector_load %arg12[%swap3A_232] {strides = array<i32>} : memref<64xi32, #tpu.memory_space<vmem>>, vector<16xi32>,
        tpu.vector_store %arg12[%swap3A_232], %get3A_231 {strides = array<i32>} : memref<64xi32, #tpu.memory_space<vmem>>, vector<16xi32>,
        %get3A_234 = arith.index_cast %add3A_208 : i32 to index
        %get3A_235 = arith.constant 96 : index
        %get3A_236 = tpu.vector_load %arg6[%get3A_234, %get3A_235] {strides = array<i32>} : memref<40x128xi32, #tpu.memory_space<vmem>>, vector<16xi32>,
        %swap3A_237 = arith.constant 32 : index
        %swap3A_238 = tpu.vector_load %arg13[%swap3A_237] {strides = array<i32>} : memref<64xi32, #tpu.memory_space<vmem>>, vector<16xi32>,
        tpu.vector_store %arg13[%swap3A_237], %get3A_236 {strides = array<i32>} : memref<64xi32, #tpu.memory_space<vmem>>, vector<16xi32>,
        %get3A_239 = arith.index_cast %add3A_208 : i32 to index
        %get3A_240 = arith.constant 48 : index
        %get3A_241 = tpu.vector_load %arg6[%get3A_239, %get3A_240] {strides = array<i32>} : memref<40x128xi32, #tpu.memory_space<vmem>>, vector<16xi32>,
        %swap3A_242 = arith.constant 48 : index
        %swap3A_243 = tpu.vector_load %arg12[%swap3A_242] {strides = array<i32>} : memref<64xi32, #tpu.memory_space<vmem>>, vector<16xi32>,
        tpu.vector_store %arg12[%swap3A_242], %get3A_241 {strides = array<i32>} : memref<64xi32, #tpu.memory_space<vmem>>, vector<16xi32>,
        %get3A_244 = arith.index_cast %add3A_208 : i32 to index
        %get3A_245 = arith.constant 112 : index
        %get3A_246 = tpu.vector_load %arg6[%get3A_244, %get3A_245] {strides = array<i32>} : memref<40x128xi32, #tpu.memory_space<vmem>>, vector<16xi32>,
        %swap3A_247 = arith.constant 48 : index
        %swap3A_248 = tpu.vector_load %arg13[%swap3A_247] {strides = array<i32>} : memref<64xi32, #tpu.memory_space<vmem>>, vector<16xi32>,
        tpu.vector_store %arg13[%swap3A_247], %get3A_246 {strides = array<i32>} : memref<64xi32, #tpu.memory_space<vmem>>, vector<16xi32>,
        %dma_start3A_249 = arith.constant 0 : i32
        %dma_start3A_250 = arith.constant 0 : i32
        %dma_start3A_251 = tpu.memref_slice %arg9[%dma_start3A_249, %dma_start3A_250] : memref<128x128xf32, #tpu.memory_space<vmem>> -> memref<64x128xf32, #tpu.memory_space<vmem>>
        %dma_start3A_252 = arith.constant 0 : i32
        %dma_start3A_253 = arith.constant 0 : i32
        %dma_start3A_254 = tpu.memref_slice %arg2[%dma_start3A_252, %dma_start3A_253] : memref<10240x128xf32, #tpu.memory_space<hbm>> -> memref<10240x128xf32, #tpu.memory_space<hbm>>
        tpu.enqueue_indirect_dma source(%dma_start3A_254 : memref<10240x128xf32, #tpu.memory_space<hbm>>) target(%dma_start3A_251 : memref<64x128xf32, #tpu.memory_space<vmem>>) offsets(%arg12 : memref<64xi32, #tpu.memory_space<vmem>>) semaphore(%arg16 : memref<!tpu.dma_semaphore, #tpu.memory_space<semaphore_mem>>)
        %dma_start3A_255 = arith.constant 64 : i32
        %dma_start3A_256 = arith.constant 0 : i32
        %dma_start3A_257 = tpu.memref_slice %arg9[%dma_start3A_255, %dma_start3A_256] : memref<128x128xf32, #tpu.memory_space<vmem>> -> memref<64x128xf32, #tpu.memory_space<vmem>>
        %dma_start3A_258 = arith.constant 0 : i32
        %dma_start3A_259 = arith.constant 0 : i32
        %dma_start3A_260 = tpu.memref_slice %arg2[%dma_start3A_258, %dma_start3A_259] : memref<10240x128xf32, #tpu.memory_space<hbm>> -> memref<10240x128xf32, #tpu.memory_space<hbm>>
        tpu.enqueue_indirect_dma source(%dma_start3A_260 : memref<10240x128xf32, #tpu.memory_space<hbm>>) target(%dma_start3A_257 : memref<64x128xf32, #tpu.memory_space<vmem>>) offsets(%arg13 : memref<64xi32, #tpu.memory_space<vmem>>) semaphore(%arg16 : memref<!tpu.dma_semaphore, #tpu.memory_space<semaphore_mem>>)
        %dma_wait3A_261 = arith.constant 0 : i32
        %dma_wait3A_262 = arith.constant 0 : i32
        %dma_wait3A_263 = tpu.memref_slice %arg8[%dma_wait3A_261, %dma_wait3A_262] : memref<128x128xf32, #tpu.memory_space<vmem>> -> memref<64x128xf32, #tpu.memory_space<vmem>>
        %dma_wait3A_264 = arith.constant 0 : i32
        %dma_wait3A_265 = arith.constant 0 : i32
        %dma_wait3A_266 = tpu.memref_slice %arg2[%dma_wait3A_264, %dma_wait3A_265] : memref<10240x128xf32, #tpu.memory_space<hbm>> -> memref<10240x128xf32, #tpu.memory_space<hbm>>
        tpu.wait_indirect_dma semaphore(%arg15 : memref<!tpu.dma_semaphore, #tpu.memory_space<semaphore_mem>>) src(%dma_wait3A_266 : memref<10240x128xf32, #tpu.memory_space<hbm>>) dst(%dma_wait3A_263 : memref<64x128xf32, #tpu.memory_space<vmem>>)
        %dma_wait3A_267 = arith.constant 64 : i32
        %dma_wait3A_268 = arith.constant 0 : i32
        %dma_wait3A_269 = tpu.memref_slice %arg8[%dma_wait3A_267, %dma_wait3A_268] : memref<128x128xf32, #tpu.memory_space<vmem>> -> memref<64x128xf32, #tpu.memory_space<vmem>>
        %dma_wait3A_270 = arith.constant 0 : i32
        %dma_wait3A_271 = arith.constant 0 : i32
        %dma_wait3A_272 = tpu.memref_slice %arg2[%dma_wait3A_270, %dma_wait3A_271] : memref<10240x128xf32, #tpu.memory_space<hbm>> -> memref<10240x128xf32, #tpu.memory_space<hbm>>
        tpu.wait_indirect_dma semaphore(%arg15 : memref<!tpu.dma_semaphore, #tpu.memory_space<semaphore_mem>>) src(%dma_wait3A_272 : memref<10240x128xf32, #tpu.memory_space<hbm>>) dst(%dma_wait3A_269 : memref<64x128xf32, #tpu.memory_space<vmem>>)
        "tpu.region"() ({
          %run_scoped3A = tpu.sem_alloc : memref<!tpu.dma_semaphore, #tpu.memory_space<semaphore_mem>>
          %dma_start3A_289 = arith.constant 0 : i32
          %dma_start3A_290 = tpu.memref_slice %arg7[%mul3A_206, %dma_start3A_289] : memref<40x128xi32, #tpu.memory_space<vmem>> -> memref<1x128xi32, #tpu.memory_space<vmem>>
          %dma_start3A_291 = tpu.memref_squeeze %dma_start3A_290 : memref<1x128xi32, #tpu.memory_space<vmem>> -> memref<128xi32, #tpu.memory_space<vmem>>
          %dma_start3A_292 = arith.constant 0 : i32
          %dma_start3A_293 = arith.constant 0 : i32
          %dma_start3A_294 = tpu.memref_slice %arg14[%dma_start3A_292, %dma_start3A_293] : memref<10240x128xf32, #tpu.memory_space<vmem_shared>> -> memref<10240x128xf32, #tpu.memory_space<vmem_shared>>
          tpu.enqueue_indirect_dma source(%arg8 : memref<128x128xf32, #tpu.memory_space<vmem>>) target(%dma_start3A_294 : memref<10240x128xf32, #tpu.memory_space<vmem_shared>>) offsets(%dma_start3A_291 : memref<128xi32, #tpu.memory_space<vmem>>) semaphore(%run_scoped3A : memref<!tpu.dma_semaphore, #tpu.memory_space<semaphore_mem>>) {add = true}
          %dma_wait3A_295 = arith.constant 0 : i32
          %dma_wait3A_296 = tpu.memref_slice %arg7[%mul3A_206, %dma_wait3A_295] : memref<40x128xi32, #tpu.memory_space<vmem>> -> memref<1x128xi32, #tpu.memory_space<vmem>>
          %dma_wait3A_297 = tpu.memref_squeeze %dma_wait3A_296 : memref<1x128xi32, #tpu.memory_space<vmem>> -> memref<128xi32, #tpu.memory_space<vmem>>
          %dma_wait3A_298 = arith.constant 0 : i32
          %dma_wait3A_299 = arith.constant 0 : i32
          %dma_wait3A_300 = tpu.memref_slice %arg14[%dma_wait3A_298, %dma_wait3A_299] : memref<10240x128xf32, #tpu.memory_space<vmem_shared>> -> memref<10240x128xf32, #tpu.memory_space<vmem_shared>>
          tpu.wait_indirect_dma semaphore(%run_scoped3A : memref<!tpu.dma_semaphore, #tpu.memory_space<semaphore_mem>>) src(%arg8 : memref<128x128xf32, #tpu.memory_space<vmem>>) dst(%dma_wait3A_300 : memref<10240x128xf32, #tpu.memory_space<vmem_shared>>)
          tpu.yield
        }) : () -> ()
        %lt3A = arith.constant 19 : i32
        %lt3A_273 = arith.cmpi slt, %scan3A_204, %lt3A : i32
        %convert_element_type3A = arith.extui %lt3A_273 : i1 to i32
        %cond3A = arith.constant 0 : i32
        %cond3A_274 = arith.cmpi ne, %convert_element_type3A, %cond3A : i32
        scf.if %cond3A_274 {
          %add3A_289 = arith.constant 2 : i32
          %add3A_290 = arith.addi %mul3A_206, %add3A_289 : i32
          %get3A_291 = arith.index_cast %add3A_290 : i32 to index
          %get3A_292 = arith.constant 0 : index
          %get3A_293 = tpu.vector_load %arg6[%get3A_291, %get3A_292] {strides = array<i32>} : memref<40x128xi32, #tpu.memory_space<vmem>>, vector<16xi32>,
          %swap3A_294 = arith.constant 0 : index
          %swap3A_295 = tpu.vector_load %arg10[%swap3A_294] {strides = array<i32>} : memref<64xi32, #tpu.memory_space<vmem>>, vector<16xi32>,
          tpu.vector_store %arg10[%swap3A_294], %get3A_293 {strides = array<i32>} : memref<64xi32, #tpu.memory_space<vmem>>, vector<16xi32>,
          %get3A_296 = arith.index_cast %add3A_290 : i32 to index
          %get3A_297 = arith.constant 64 : index
          %get3A_298 = tpu.vector_load %arg6[%get3A_296, %get3A_297] {strides = array<i32>} : memref<40x128xi32, #tpu.memory_space<vmem>>, vector<16xi32>,
          %swap3A_299 = arith.constant 0 : index
          %swap3A_300 = tpu.vector_load %arg11[%swap3A_299] {strides = array<i32>} : memref<64xi32, #tpu.memory_space<vmem>>, vector<16xi32>,
          tpu.vector_store %arg11[%swap3A_299], %get3A_298 {strides = array<i32>} : memref<64xi32, #tpu.memory_space<vmem>>, vector<16xi32>,
          %get3A_301 = arith.index_cast %add3A_290 : i32 to index
          %get3A_302 = arith.constant 16 : index
          %get3A_303 = tpu.vector_load %arg6[%get3A_301, %get3A_302] {strides = array<i32>} : memref<40x128xi32, #tpu.memory_space<vmem>>, vector<16xi32>,
          %swap3A_304 = arith.constant 16 : index
          %swap3A_305 = tpu.vector_load %arg10[%swap3A_304] {strides = array<i32>} : memref<64xi32, #tpu.memory_space<vmem>>, vector<16xi32>,
          tpu.vector_store %arg10[%swap3A_304], %get3A_303 {strides = array<i32>} : memref<64xi32, #tpu.memory_space<vmem>>, vector<16xi32>,
          %get3A_306 = arith.index_cast %add3A_290 : i32 to index
          %get3A_307 = arith.constant 80 : index
          %get3A_308 = tpu.vector_load %arg6[%get3A_306, %get3A_307] {strides = array<i32>} : memref<40x128xi32, #tpu.memory_space<vmem>>, vector<16xi32>,
          %swap3A_309 = arith.constant 16 : index
          %swap3A_310 = tpu.vector_load %arg11[%swap3A_309] {strides = array<i32>} : memref<64xi32, #tpu.memory_space<vmem>>, vector<16xi32>,
          tpu.vector_store %arg11[%swap3A_309], %get3A_308 {strides = array<i32>} : memref<64xi32, #tpu.memory_space<vmem>>, vector<16xi32>,
          %get3A_311 = arith.index_cast %add3A_290 : i32 to index
          %get3A_312 = arith.constant 32 : index
          %get3A_313 = tpu.vector_load %arg6[%get3A_311, %get3A_312] {strides = array<i32>} : memref<40x128xi32, #tpu.memory_space<vmem>>, vector<16xi32>,
          %swap3A_314 = arith.constant 32 : index
          %swap3A_315 = tpu.vector_load %arg10[%swap3A_314] {strides = array<i32>} : memref<64xi32, #tpu.memory_space<vmem>>, vector<16xi32>,
          tpu.vector_store %arg10[%swap3A_314], %get3A_313 {strides = array<i32>} : memref<64xi32, #tpu.memory_space<vmem>>, vector<16xi32>,
          %get3A_316 = arith.index_cast %add3A_290 : i32 to index
          %get3A_317 = arith.constant 96 : index
          %get3A_318 = tpu.vector_load %arg6[%get3A_316, %get3A_317] {strides = array<i32>} : memref<40x128xi32, #tpu.memory_space<vmem>>, vector<16xi32>,
          %swap3A_319 = arith.constant 32 : index
          %swap3A_320 = tpu.vector_load %arg11[%swap3A_319] {strides = array<i32>} : memref<64xi32, #tpu.memory_space<vmem>>, vector<16xi32>,
          tpu.vector_store %arg11[%swap3A_319], %get3A_318 {strides = array<i32>} : memref<64xi32, #tpu.memory_space<vmem>>, vector<16xi32>,
          %get3A_321 = arith.index_cast %add3A_290 : i32 to index
          %get3A_322 = arith.constant 48 : index
          %get3A_323 = tpu.vector_load %arg6[%get3A_321, %get3A_322] {strides = array<i32>} : memref<40x128xi32, #tpu.memory_space<vmem>>, vector<16xi32>,
          %swap3A_324 = arith.constant 48 : index
          %swap3A_325 = tpu.vector_load %arg10[%swap3A_324] {strides = array<i32>} : memref<64xi32, #tpu.memory_space<vmem>>, vector<16xi32>,
          tpu.vector_store %arg10[%swap3A_324], %get3A_323 {strides = array<i32>} : memref<64xi32, #tpu.memory_space<vmem>>, vector<16xi32>,
          %get3A_326 = arith.index_cast %add3A_290 : i32 to index
          %get3A_327 = arith.constant 112 : index
          %get3A_328 = tpu.vector_load %arg6[%get3A_326, %get3A_327] {strides = array<i32>} : memref<40x128xi32, #tpu.memory_space<vmem>>, vector<16xi32>,
          %swap3A_329 = arith.constant 48 : index
          %swap3A_330 = tpu.vector_load %arg11[%swap3A_329] {strides = array<i32>} : memref<64xi32, #tpu.memory_space<vmem>>, vector<16xi32>,
          tpu.vector_store %arg11[%swap3A_329], %get3A_328 {strides = array<i32>} : memref<64xi32, #tpu.memory_space<vmem>>, vector<16xi32>,
          %dma_start3A_331 = arith.constant 0 : i32
          %dma_start3A_332 = arith.constant 0 : i32
          %dma_start3A_333 = tpu.memref_slice %arg8[%dma_start3A_331, %dma_start3A_332] : memref<128x128xf32, #tpu.memory_space<vmem>> -> memref<64x128xf32, #tpu.memory_space<vmem>>
          %dma_start3A_334 = arith.constant 0 : i32
          %dma_start3A_335 = arith.constant 0 : i32
          %dma_start3A_336 = tpu.memref_slice %arg2[%dma_start3A_334, %dma_start3A_335] : memref<10240x128xf32, #tpu.memory_space<hbm>> -> memref<10240x128xf32, #tpu.memory_space<hbm>>
          tpu.enqueue_indirect_dma source(%dma_start3A_336 : memref<10240x128xf32, #tpu.memory_space<hbm>>) target(%dma_start3A_333 : memref<64x128xf32, #tpu.memory_space<vmem>>) offsets(%arg10 : memref<64xi32, #tpu.memory_space<vmem>>) semaphore(%arg15 : memref<!tpu.dma_semaphore, #tpu.memory_space<semaphore_mem>>)
          %dma_start3A_337 = arith.constant 64 : i32
          %dma_start3A_338 = arith.constant 0 : i32
          %dma_start3A_339 = tpu.memref_slice %arg8[%dma_start3A_337, %dma_start3A_338] : memref<128x128xf32, #tpu.memory_space<vmem>> -> memref<64x128xf32, #tpu.memory_space<vmem>>
          %dma_start3A_340 = arith.constant 0 : i32
          %dma_start3A_341 = arith.constant 0 : i32
          %dma_start3A_342 = tpu.memref_slice %arg2[%dma_start3A_340, %dma_start3A_341] : memref<10240x128xf32, #tpu.memory_space<hbm>> -> memref<10240x128xf32, #tpu.memory_space<hbm>>
          tpu.enqueue_indirect_dma source(%dma_start3A_342 : memref<10240x128xf32, #tpu.memory_space<hbm>>) target(%dma_start3A_339 : memref<64x128xf32, #tpu.memory_space<vmem>>) offsets(%arg11 : memref<64xi32, #tpu.memory_space<vmem>>) semaphore(%arg15 : memref<!tpu.dma_semaphore, #tpu.memory_space<semaphore_mem>>)
        } else {
        }
        %dma_wait3A_275 = arith.constant 0 : i32
        %dma_wait3A_276 = arith.constant 0 : i32
        %dma_wait3A_277 = tpu.memref_slice %arg9[%dma_wait3A_275, %dma_wait3A_276] : memref<128x128xf32, #tpu.memory_space<vmem>> -> memref<64x128xf32, #tpu.memory_space<vmem>>
        %dma_wait3A_278 = arith.constant 0 : i32
        %dma_wait3A_279 = arith.constant 0 : i32
        %dma_wait3A_280 = tpu.memref_slice %arg2[%dma_wait3A_278, %dma_wait3A_279] : memref<10240x128xf32, #tpu.memory_space<hbm>> -> memref<10240x128xf32, #tpu.memory_space<hbm>>
        tpu.wait_indirect_dma semaphore(%arg16 : memref<!tpu.dma_semaphore, #tpu.memory_space<semaphore_mem>>) src(%dma_wait3A_280 : memref<10240x128xf32, #tpu.memory_space<hbm>>) dst(%dma_wait3A_277 : memref<64x128xf32, #tpu.memory_space<vmem>>)
        %dma_wait3A_281 = arith.constant 64 : i32
        %dma_wait3A_282 = arith.constant 0 : i32
        %dma_wait3A_283 = tpu.memref_slice %arg9[%dma_wait3A_281, %dma_wait3A_282] : memref<128x128xf32, #tpu.memory_space<vmem>> -> memref<64x128xf32, #tpu.memory_space<vmem>>
        %dma_wait3A_284 = arith.constant 0 : i32
        %dma_wait3A_285 = arith.constant 0 : i32
        %dma_wait3A_286 = tpu.memref_slice %arg2[%dma_wait3A_284, %dma_wait3A_285] : memref<10240x128xf32, #tpu.memory_space<hbm>> -> memref<10240x128xf32, #tpu.memory_space<hbm>>
        tpu.wait_indirect_dma semaphore(%arg16 : memref<!tpu.dma_semaphore, #tpu.memory_space<semaphore_mem>>) src(%dma_wait3A_286 : memref<10240x128xf32, #tpu.memory_space<hbm>>) dst(%dma_wait3A_283 : memref<64x128xf32, #tpu.memory_space<vmem>>)
        %add3A_287 = arith.constant 1 : i32
        %add3A_288 = arith.addi %mul3A_206, %add3A_287 : i32
        "tpu.region"() ({
          %run_scoped3A = tpu.sem_alloc : memref<!tpu.dma_semaphore, #tpu.memory_space<semaphore_mem>>
          %dma_start3A_289 = arith.constant 0 : i32
          %dma_start3A_290 = tpu.memref_slice %arg7[%add3A_288, %dma_start3A_289] : memref<40x128xi32, #tpu.memory_space<vmem>> -> memref<1x128xi32, #tpu.memory_space<vmem>>
          %dma_start3A_291 = tpu.memref_squeeze %dma_start3A_290 : memref<1x128xi32, #tpu.memory_space<vmem>> -> memref<128xi32, #tpu.memory_space<vmem>>
          %dma_start3A_292 = arith.constant 0 : i32
          %dma_start3A_293 = arith.constant 0 : i32
          %dma_start3A_294 = tpu.memref_slice %arg14[%dma_start3A_292, %dma_start3A_293] : memref<10240x128xf32, #tpu.memory_space<vmem_shared>> -> memref<10240x128xf32, #tpu.memory_space<vmem_shared>>
          tpu.enqueue_indirect_dma source(%arg9 : memref<128x128xf32, #tpu.memory_space<vmem>>) target(%dma_start3A_294 : memref<10240x128xf32, #tpu.memory_space<vmem_shared>>) offsets(%dma_start3A_291 : memref<128xi32, #tpu.memory_space<vmem>>) semaphore(%run_scoped3A : memref<!tpu.dma_semaphore, #tpu.memory_space<semaphore_mem>>) {add = true}
          %dma_wait3A_295 = arith.constant 0 : i32
          %dma_wait3A_296 = tpu.memref_slice %arg7[%add3A_288, %dma_wait3A_295] : memref<40x128xi32, #tpu.memory_space<vmem>> -> memref<1x128xi32, #tpu.memory_space<vmem>>
          %dma_wait3A_297 = tpu.memref_squeeze %dma_wait3A_296 : memref<1x128xi32, #tpu.memory_space<vmem>> -> memref<128xi32, #tpu.memory_space<vmem>>
          %dma_wait3A_298 = arith.constant 0 : i32
          %dma_wait3A_299 = arith.constant 0 : i32
          %dma_wait3A_300 = tpu.memref_slice %arg14[%dma_wait3A_298, %dma_wait3A_299] : memref<10240x128xf32, #tpu.memory_space<vmem_shared>> -> memref<10240x128xf32, #tpu.memory_space<vmem_shared>>
          tpu.wait_indirect_dma semaphore(%run_scoped3A : memref<!tpu.dma_semaphore, #tpu.memory_space<semaphore_mem>>) src(%arg9 : memref<128x128xf32, #tpu.memory_space<vmem>>) dst(%dma_wait3A_300 : memref<10240x128xf32, #tpu.memory_space<vmem_shared>>)
          tpu.yield
        }) : () -> ()
      }
      %scan3A_203 = arith.constant 20 : i32
    }
    %scan3A_30 = arith.constant 2 : i32
    %barrier3A_31 = arith.constant 0 : index
    tpu.barrier barrier_id(%barrier3A_31)
    %mul3A_32 = arith.constant 640 : i32
    %mul3A_33 = arith.muli %arg1, %mul3A_32 : i32
    %add3A_34 = arith.constant 0 : i32
    %add3A_35 = arith.addi %mul3A_33, %add3A_34 : i32
    %dma_start3A = arith.constant 0 : i32
    %dma_start3A_36 = tpu.memref_slice %arg14[%add3A_35, %dma_start3A] : memref<10240x128xf32, #tpu.memory_space<vmem_shared>> -> memref<128x128xf32, #tpu.memory_space<vmem_shared>>
    %dma_start3A_37 = arith.constant 0 : i32
    %dma_start3A_38 = tpu.memref_slice %arg14[%add3A_35, %dma_start3A_37] : memref<10240x128xf32, #tpu.memory_space<vmem_shared>> -> memref<128x128xf32, #tpu.memory_space<vmem_shared>>
    tpu.enqueue_dma source(%dma_start3A_38 : memref<128x128xf32, #tpu.memory_space<vmem_shared>>) target(%arg8 : memref<128x128xf32, #tpu.memory_space<vmem>>) target_semaphore(%arg15 : memref<!tpu.dma_semaphore, #tpu.memory_space<semaphore_mem>>)
    %mul3A_39 = arith.constant 640 : i32
    %mul3A_40 = arith.muli %arg1, %mul3A_39 : i32
    %add3A_41 = arith.constant 128 : i32
    %add3A_42 = arith.addi %mul3A_40, %add3A_41 : i32
    %dma_start3A_43 = arith.constant 0 : i32
    %dma_start3A_44 = tpu.memref_slice %arg14[%add3A_42, %dma_start3A_43] : memref<10240x128xf32, #tpu.memory_space<vmem_shared>> -> memref<128x128xf32, #tpu.memory_space<vmem_shared>>
    %dma_start3A_45 = arith.constant 0 : i32
    %dma_start3A_46 = tpu.memref_slice %arg14[%add3A_42, %dma_start3A_45] : memref<10240x128xf32, #tpu.memory_space<vmem_shared>> -> memref<128x128xf32, #tpu.memory_space<vmem_shared>>
    tpu.enqueue_dma source(%dma_start3A_46 : memref<128x128xf32, #tpu.memory_space<vmem_shared>>) target(%arg9 : memref<128x128xf32, #tpu.memory_space<vmem>>) target_semaphore(%arg16 : memref<!tpu.dma_semaphore, #tpu.memory_space<semaphore_mem>>)
    %mul3A_47 = arith.constant 640 : i32
    %mul3A_48 = arith.muli %arg1, %mul3A_47 : i32
    %dma_wait3A = arith.constant 0 : i32
    %dma_wait3A_49 = tpu.memref_slice %arg14[%mul3A_48, %dma_wait3A] : memref<10240x128xf32, #tpu.memory_space<vmem_shared>> -> memref<128x128xf32, #tpu.memory_space<vmem_shared>>
    %dma_wait3A_50 = arith.constant 0 : i32
    %dma_wait3A_51 = tpu.memref_slice %arg14[%mul3A_48, %dma_wait3A_50] : memref<10240x128xf32, #tpu.memory_space<vmem_shared>> -> memref<128x128xf32, #tpu.memory_space<vmem_shared>>
    tpu.wait_dma2 semaphore(%arg15 : memref<!tpu.dma_semaphore, #tpu.memory_space<semaphore_mem>>) src(%dma_wait3A_51 : memref<128x128xf32, #tpu.memory_space<vmem_shared>>) dst(%arg8 : memref<128x128xf32, #tpu.memory_space<vmem>>)
    %mul3A_52 = arith.constant 10240 : i32
    %mul3A_53 = arith.muli %arg0, %mul3A_52 : i32
    %mul3A_54 = arith.constant 640 : i32
    %mul3A_55 = arith.muli %arg1, %mul3A_54 : i32
    %add3A_56 = arith.addi %mul3A_53, %mul3A_55 : i32
    %add3A_57 = arith.constant 0 : i32
    %add3A_58 = arith.addi %add3A_56, %add3A_57 : i32
    "tpu.region"() ({
      %run_scoped3A = tpu.sem_alloc : memref<!tpu.dma_semaphore, #tpu.memory_space<semaphore_mem>>
      %dma_start3A_135 = arith.constant 0 : i32
      %dma_start3A_136 = tpu.memref_slice %arg5[%add3A_58, %dma_start3A_135] : memref<20480x128xf32, #tpu.memory_space<hbm>> -> memref<128x128xf32, #tpu.memory_space<hbm>>
      %dma_start3A_137 = arith.constant 0 : i32
      %dma_start3A_138 = tpu.memref_slice %arg5[%add3A_58, %dma_start3A_137] : memref<20480x128xf32, #tpu.memory_space<hbm>> -> memref<128x128xf32, #tpu.memory_space<hbm>>
      tpu.enqueue_dma source(%arg8 : memref<128x128xf32, #tpu.memory_space<vmem>>) target(%dma_start3A_138 : memref<128x128xf32, #tpu.memory_space<hbm>>) target_semaphore(%run_scoped3A : memref<!tpu.dma_semaphore, #tpu.memory_space<semaphore_mem>>)
      %dma_wait3A_139 = arith.constant 0 : i32
      %dma_wait3A_140 = tpu.memref_slice %arg5[%add3A_58, %dma_wait3A_139] : memref<20480x128xf32, #tpu.memory_space<hbm>> -> memref<128x128xf32, #tpu.memory_space<hbm>>
      %dma_wait3A_141 = arith.constant 0 : i32
      %dma_wait3A_142 = tpu.memref_slice %arg5[%add3A_58, %dma_wait3A_141] : memref<20480x128xf32, #tpu.memory_space<hbm>> -> memref<128x128xf32, #tpu.memory_space<hbm>>
      tpu.wait_dma2 semaphore(%run_scoped3A : memref<!tpu.dma_semaphore, #tpu.memory_space<semaphore_mem>>) src(%arg8 : memref<128x128xf32, #tpu.memory_space<vmem>>) dst(%dma_wait3A_142 : memref<128x128xf32, #tpu.memory_space<hbm>>)
      tpu.yield
    }) : () -> ()
    %mul3A_59 = arith.constant 640 : i32
    %mul3A_60 = arith.muli %arg1, %mul3A_59 : i32
    %add3A_61 = arith.constant 256 : i32
    %add3A_62 = arith.addi %mul3A_60, %add3A_61 : i32
    %dma_start3A_63 = arith.constant 0 : i32
    %dma_start3A_64 = tpu.memref_slice %arg14[%add3A_62, %dma_start3A_63] : memref<10240x128xf32, #tpu.memory_space<vmem_shared>> -> memref<128x128xf32, #tpu.memory_space<vmem_shared>>
    %dma_start3A_65 = arith.constant 0 : i32
    %dma_start3A_66 = tpu.memref_slice %arg14[%add3A_62, %dma_start3A_65] : memref<10240x128xf32, #tpu.memory_space<vmem_shared>> -> memref<128x128xf32, #tpu.memory_space<vmem_shared>>
    tpu.enqueue_dma source(%dma_start3A_66 : memref<128x128xf32, #tpu.memory_space<vmem_shared>>) target(%arg8 : memref<128x128xf32, #tpu.memory_space<vmem>>) target_semaphore(%arg15 : memref<!tpu.dma_semaphore, #tpu.memory_space<semaphore_mem>>)
    %mul3A_67 = arith.constant 640 : i32
    %mul3A_68 = arith.muli %arg1, %mul3A_67 : i32
    %dma_wait3A_69 = arith.constant 0 : i32
    %dma_wait3A_70 = tpu.memref_slice %arg14[%mul3A_68, %dma_wait3A_69] : memref<10240x128xf32, #tpu.memory_space<vmem_shared>> -> memref<128x128xf32, #tpu.memory_space<vmem_shared>>
    %dma_wait3A_71 = arith.constant 0 : i32
    %dma_wait3A_72 = tpu.memref_slice %arg14[%mul3A_68, %dma_wait3A_71] : memref<10240x128xf32, #tpu.memory_space<vmem_shared>> -> memref<128x128xf32, #tpu.memory_space<vmem_shared>>
    tpu.wait_dma2 semaphore(%arg16 : memref<!tpu.dma_semaphore, #tpu.memory_space<semaphore_mem>>) src(%dma_wait3A_72 : memref<128x128xf32, #tpu.memory_space<vmem_shared>>) dst(%arg9 : memref<128x128xf32, #tpu.memory_space<vmem>>)
    %mul3A_73 = arith.constant 10240 : i32
    %mul3A_74 = arith.muli %arg0, %mul3A_73 : i32
    %mul3A_75 = arith.constant 640 : i32
    %mul3A_76 = arith.muli %arg1, %mul3A_75 : i32
    %add3A_77 = arith.addi %mul3A_74, %mul3A_76 : i32
    %add3A_78 = arith.constant 128 : i32
    %add3A_79 = arith.addi %add3A_77, %add3A_78 : i32
    "tpu.region"() ({
      %run_scoped3A = tpu.sem_alloc : memref<!tpu.dma_semaphore, #tpu.memory_space<semaphore_mem>>
      %dma_start3A_135 = arith.constant 0 : i32
      %dma_start3A_136 = tpu.memref_slice %arg5[%add3A_79, %dma_start3A_135] : memref<20480x128xf32, #tpu.memory_space<hbm>> -> memref<128x128xf32, #tpu.memory_space<hbm>>
      %dma_start3A_137 = arith.constant 0 : i32
      %dma_start3A_138 = tpu.memref_slice %arg5[%add3A_79, %dma_start3A_137] : memref<20480x128xf32, #tpu.memory_space<hbm>> -> memref<128x128xf32, #tpu.memory_space<hbm>>
      tpu.enqueue_dma source(%arg9 : memref<128x128xf32, #tpu.memory_space<vmem>>) target(%dma_start3A_138 : memref<128x128xf32, #tpu.memory_space<hbm>>) target_semaphore(%run_scoped3A : memref<!tpu.dma_semaphore, #tpu.memory_space<semaphore_mem>>)
      %dma_wait3A_139 = arith.constant 0 : i32
      %dma_wait3A_140 = tpu.memref_slice %arg5[%add3A_79, %dma_wait3A_139] : memref<20480x128xf32, #tpu.memory_space<hbm>> -> memref<128x128xf32, #tpu.memory_space<hbm>>
      %dma_wait3A_141 = arith.constant 0 : i32
      %dma_wait3A_142 = tpu.memref_slice %arg5[%add3A_79, %dma_wait3A_141] : memref<20480x128xf32, #tpu.memory_space<hbm>> -> memref<128x128xf32, #tpu.memory_space<hbm>>
      tpu.wait_dma2 semaphore(%run_scoped3A : memref<!tpu.dma_semaphore, #tpu.memory_space<semaphore_mem>>) src(%arg9 : memref<128x128xf32, #tpu.memory_space<vmem>>) dst(%dma_wait3A_142 : memref<128x128xf32, #tpu.memory_space<hbm>>)
      tpu.yield
    }) : () -> ()
    %mul3A_80 = arith.constant 640 : i32
    %mul3A_81 = arith.muli %arg1, %mul3A_80 : i32
    %add3A_82 = arith.constant 384 : i32
    %add3A_83 = arith.addi %mul3A_81, %add3A_82 : i32
    %dma_start3A_84 = arith.constant 0 : i32
    %dma_start3A_85 = tpu.memref_slice %arg14[%add3A_83, %dma_start3A_84] : memref<10240x128xf32, #tpu.memory_space<vmem_shared>> -> memref<128x128xf32, #tpu.memory_space<vmem_shared>>
    %dma_start3A_86 = arith.constant 0 : i32
    %dma_start3A_87 = tpu.memref_slice %arg14[%add3A_83, %dma_start3A_86] : memref<10240x128xf32, #tpu.memory_space<vmem_shared>> -> memref<128x128xf32, #tpu.memory_space<vmem_shared>>
    tpu.enqueue_dma source(%dma_start3A_87 : memref<128x128xf32, #tpu.memory_space<vmem_shared>>) target(%arg9 : memref<128x128xf32, #tpu.memory_space<vmem>>) target_semaphore(%arg16 : memref<!tpu.dma_semaphore, #tpu.memory_space<semaphore_mem>>)
    %mul3A_88 = arith.constant 640 : i32
    %mul3A_89 = arith.muli %arg1, %mul3A_88 : i32
    %dma_wait3A_90 = arith.constant 0 : i32
    %dma_wait3A_91 = tpu.memref_slice %arg14[%mul3A_89, %dma_wait3A_90] : memref<10240x128xf32, #tpu.memory_space<vmem_shared>> -> memref<128x128xf32, #tpu.memory_space<vmem_shared>>
    %dma_wait3A_92 = arith.constant 0 : i32
    %dma_wait3A_93 = tpu.memref_slice %arg14[%mul3A_89, %dma_wait3A_92] : memref<10240x128xf32, #tpu.memory_space<vmem_shared>> -> memref<128x128xf32, #tpu.memory_space<vmem_shared>>
    tpu.wait_dma2 semaphore(%arg15 : memref<!tpu.dma_semaphore, #tpu.memory_space<semaphore_mem>>) src(%dma_wait3A_93 : memref<128x128xf32, #tpu.memory_space<vmem_shared>>) dst(%arg8 : memref<128x128xf32, #tpu.memory_space<vmem>>)
    %mul3A_94 = arith.constant 10240 : i32
    %mul3A_95 = arith.muli %arg0, %mul3A_94 : i32
    %mul3A_96 = arith.constant 640 : i32
    %mul3A_97 = arith.muli %arg1, %mul3A_96 : i32
    %add3A_98 = arith.addi %mul3A_95, %mul3A_97 : i32
    %add3A_99 = arith.constant 256 : i32
    %add3A_100 = arith.addi %add3A_98, %add3A_99 : i32
    "tpu.region"() ({
      %run_scoped3A = tpu.sem_alloc : memref<!tpu.dma_semaphore, #tpu.memory_space<semaphore_mem>>
      %dma_start3A_135 = arith.constant 0 : i32
      %dma_start3A_136 = tpu.memref_slice %arg5[%add3A_100, %dma_start3A_135] : memref<20480x128xf32, #tpu.memory_space<hbm>> -> memref<128x128xf32, #tpu.memory_space<hbm>>
      %dma_start3A_137 = arith.constant 0 : i32
      %dma_start3A_138 = tpu.memref_slice %arg5[%add3A_100, %dma_start3A_137] : memref<20480x128xf32, #tpu.memory_space<hbm>> -> memref<128x128xf32, #tpu.memory_space<hbm>>
      tpu.enqueue_dma source(%arg8 : memref<128x128xf32, #tpu.memory_space<vmem>>) target(%dma_start3A_138 : memref<128x128xf32, #tpu.memory_space<hbm>>) target_semaphore(%run_scoped3A : memref<!tpu.dma_semaphore, #tpu.memory_space<semaphore_mem>>)
      %dma_wait3A_139 = arith.constant 0 : i32
      %dma_wait3A_140 = tpu.memref_slice %arg5[%add3A_100, %dma_wait3A_139] : memref<20480x128xf32, #tpu.memory_space<hbm>> -> memref<128x128xf32, #tpu.memory_space<hbm>>
      %dma_wait3A_141 = arith.constant 0 : i32
      %dma_wait3A_142 = tpu.memref_slice %arg5[%add3A_100, %dma_wait3A_141] : memref<20480x128xf32, #tpu.memory_space<hbm>> -> memref<128x128xf32, #tpu.memory_space<hbm>>
      tpu.wait_dma2 semaphore(%run_scoped3A : memref<!tpu.dma_semaphore, #tpu.memory_space<semaphore_mem>>) src(%arg8 : memref<128x128xf32, #tpu.memory_space<vmem>>) dst(%dma_wait3A_142 : memref<128x128xf32, #tpu.memory_space<hbm>>)
      tpu.yield
    }) : () -> ()
    %mul3A_101 = arith.constant 640 : i32
    %mul3A_102 = arith.muli %arg1, %mul3A_101 : i32
    %add3A_103 = arith.constant 512 : i32
    %add3A_104 = arith.addi %mul3A_102, %add3A_103 : i32
    %dma_start3A_105 = arith.constant 0 : i32
    %dma_start3A_106 = tpu.memref_slice %arg14[%add3A_104, %dma_start3A_105] : memref<10240x128xf32, #tpu.memory_space<vmem_shared>> -> memref<128x128xf32, #tpu.memory_space<vmem_shared>>
    %dma_start3A_107 = arith.constant 0 : i32
    %dma_start3A_108 = tpu.memref_slice %arg14[%add3A_104, %dma_start3A_107] : memref<10240x128xf32, #tpu.memory_space<vmem_shared>> -> memref<128x128xf32, #tpu.memory_space<vmem_shared>>
    tpu.enqueue_dma source(%dma_start3A_108 : memref<128x128xf32, #tpu.memory_space<vmem_shared>>) target(%arg8 : memref<128x128xf32, #tpu.memory_space<vmem>>) target_semaphore(%arg15 : memref<!tpu.dma_semaphore, #tpu.memory_space<semaphore_mem>>)
    %mul3A_109 = arith.constant 640 : i32
    %mul3A_110 = arith.muli %arg1, %mul3A_109 : i32
    %dma_wait3A_111 = arith.constant 0 : i32
    %dma_wait3A_112 = tpu.memref_slice %arg14[%mul3A_110, %dma_wait3A_111] : memref<10240x128xf32, #tpu.memory_space<vmem_shared>> -> memref<128x128xf32, #tpu.memory_space<vmem_shared>>
    %dma_wait3A_113 = arith.constant 0 : i32
    %dma_wait3A_114 = tpu.memref_slice %arg14[%mul3A_110, %dma_wait3A_113] : memref<10240x128xf32, #tpu.memory_space<vmem_shared>> -> memref<128x128xf32, #tpu.memory_space<vmem_shared>>
    tpu.wait_dma2 semaphore(%arg16 : memref<!tpu.dma_semaphore, #tpu.memory_space<semaphore_mem>>) src(%dma_wait3A_114 : memref<128x128xf32, #tpu.memory_space<vmem_shared>>) dst(%arg9 : memref<128x128xf32, #tpu.memory_space<vmem>>)
    %mul3A_115 = arith.constant 10240 : i32
    %mul3A_116 = arith.muli %arg0, %mul3A_115 : i32
    %mul3A_117 = arith.constant 640 : i32
    %mul3A_118 = arith.muli %arg1, %mul3A_117 : i32
    %add3A_119 = arith.addi %mul3A_116, %mul3A_118 : i32
    %add3A_120 = arith.constant 384 : i32
    %add3A_121 = arith.addi %add3A_119, %add3A_120 : i32
    "tpu.region"() ({
      %run_scoped3A = tpu.sem_alloc : memref<!tpu.dma_semaphore, #tpu.memory_space<semaphore_mem>>
      %dma_start3A_135 = arith.constant 0 : i32
      %dma_start3A_136 = tpu.memref_slice %arg5[%add3A_121, %dma_start3A_135] : memref<20480x128xf32, #tpu.memory_space<hbm>> -> memref<128x128xf32, #tpu.memory_space<hbm>>
      %dma_start3A_137 = arith.constant 0 : i32
      %dma_start3A_138 = tpu.memref_slice %arg5[%add3A_121, %dma_start3A_137] : memref<20480x128xf32, #tpu.memory_space<hbm>> -> memref<128x128xf32, #tpu.memory_space<hbm>>
      tpu.enqueue_dma source(%arg9 : memref<128x128xf32, #tpu.memory_space<vmem>>) target(%dma_start3A_138 : memref<128x128xf32, #tpu.memory_space<hbm>>) target_semaphore(%run_scoped3A : memref<!tpu.dma_semaphore, #tpu.memory_space<semaphore_mem>>)
      %dma_wait3A_139 = arith.constant 0 : i32
      %dma_wait3A_140 = tpu.memref_slice %arg5[%add3A_121, %dma_wait3A_139] : memref<20480x128xf32, #tpu.memory_space<hbm>> -> memref<128x128xf32, #tpu.memory_space<hbm>>
      %dma_wait3A_141 = arith.constant 0 : i32
      %dma_wait3A_142 = tpu.memref_slice %arg5[%add3A_121, %dma_wait3A_141] : memref<20480x128xf32, #tpu.memory_space<hbm>> -> memref<128x128xf32, #tpu.memory_space<hbm>>
      tpu.wait_dma2 semaphore(%run_scoped3A : memref<!tpu.dma_semaphore, #tpu.memory_space<semaphore_mem>>) src(%arg9 : memref<128x128xf32, #tpu.memory_space<vmem>>) dst(%dma_wait3A_142 : memref<128x128xf32, #tpu.memory_space<hbm>>)
      tpu.yield
    }) : () -> ()
    %mul3A_122 = arith.constant 640 : i32
    %mul3A_123 = arith.muli %arg1, %mul3A_122 : i32
    %dma_wait3A_124 = arith.constant 0 : i32
    %dma_wait3A_125 = tpu.memref_slice %arg14[%mul3A_123, %dma_wait3A_124] : memref<10240x128xf32, #tpu.memory_space<vmem_shared>> -> memref<128x128xf32, #tpu.memory_space<vmem_shared>>
    %dma_wait3A_126 = arith.constant 0 : i32
    %dma_wait3A_127 = tpu.memref_slice %arg14[%mul3A_123, %dma_wait3A_126] : memref<10240x128xf32, #tpu.memory_space<vmem_shared>> -> memref<128x128xf32, #tpu.memory_space<vmem_shared>>
    tpu.wait_dma2 semaphore(%arg15 : memref<!tpu.dma_semaphore, #tpu.memory_space<semaphore_mem>>) src(%dma_wait3A_127 : memref<128x128xf32, #tpu.memory_space<vmem_shared>>) dst(%arg8 : memref<128x128xf32, #tpu.memory_space<vmem>>)
    %mul3A_128 = arith.constant 10240 : i32
    %mul3A_129 = arith.muli %arg0, %mul3A_128 : i32
    %mul3A_130 = arith.constant 640 : i32
    %mul3A_131 = arith.muli %arg1, %mul3A_130 : i32
    %add3A_132 = arith.addi %mul3A_129, %mul3A_131 : i32
    %add3A_133 = arith.constant 512 : i32
    %add3A_134 = arith.addi %add3A_132, %add3A_133 : i32
    "tpu.region"() ({
      %run_scoped3A = tpu.sem_alloc : memref<!tpu.dma_semaphore, #tpu.memory_space<semaphore_mem>>
      %dma_start3A_135 = arith.constant 0 : i32
      %dma_start3A_136 = tpu.memref_slice %arg5[%add3A_134, %dma_start3A_135] : memref<20480x128xf32, #tpu.memory_space<hbm>> -> memref<128x128xf32, #tpu.memory_space<hbm>>
      %dma_start3A_137 = arith.constant 0 : i32
      %dma_start3A_138 = tpu.memref_slice %arg5[%add3A_134, %dma_start3A_137] : memref<20480x128xf32, #tpu.memory_space<hbm>> -> memref<128x128xf32, #tpu.memory_space<hbm>>
      tpu.enqueue_dma source(%arg8 : memref<128x128xf32, #tpu.memory_space<vmem>>) target(%dma_start3A_138 : memref<128x128xf32, #tpu.memory_space<hbm>>) target_semaphore(%run_scoped3A : memref<!tpu.dma_semaphore, #tpu.memory_space<semaphore_mem>>)
      %dma_wait3A_139 = arith.constant 0 : i32
      %dma_wait3A_140 = tpu.memref_slice %arg5[%add3A_134, %dma_wait3A_139] : memref<20480x128xf32, #tpu.memory_space<hbm>> -> memref<128x128xf32, #tpu.memory_space<hbm>>
      %dma_wait3A_141 = arith.constant 0 : i32
      %dma_wait3A_142 = tpu.memref_slice %arg5[%add3A_134, %dma_wait3A_141] : memref<20480x128xf32, #tpu.memory_space<hbm>> -> memref<128x128xf32, #tpu.memory_space<hbm>>
      tpu.wait_dma2 semaphore(%run_scoped3A : memref<!tpu.dma_semaphore, #tpu.memory_space<semaphore_mem>>) src(%arg8 : memref<128x128xf32, #tpu.memory_space<vmem>>) dst(%dma_wait3A_142 : memref<128x128xf32, #tpu.memory_space<hbm>>)
      tpu.yield
    }) : () -> ()
    return
  }
}

#map = affine_map<(d0, d1) -> (0, 0, 0)>
#map1 = affine_map<(d0, d1) -> (0, 0)>
module attributes {stable_mosaic.version = 14 : i64} {
  func.func @_deg_body(%arg0: i32, %arg1: i32, %arg2: memref<32x640x16xi32, #tpu.memory_space<hbm>>, %arg3: memref<32x10240xf32, #tpu.memory_space<hbm>>, %arg4: memref<640x16xi32, #tpu.memory_space<vmem>>, %arg5: memref<10240xf32, #tpu.memory_space<vmem>>) attributes {dimension_semantics = [#tpu.dimension_semantics<core_parallel>, #tpu.dimension_semantics<subcore_parallel>], iteration_bounds = array<i64: 2, 16>, scalar_prefetch = 0 : i64, scratch_operands = 2 : i64, tpu.core_type = #tpu.core_type<sc_vector_subcore>, window_params = [{transform_indices = #map}, {transform_indices = #map1}]} {
    %mul3A = arith.constant 2 : i32
    %mul3A_0 = arith.muli %arg1, %mul3A : i32
    %add3A = arith.addi %mul3A_0, %arg0 : i32
    "tpu.region"() ({
      %run_scoped3A = tpu.sem_alloc : memref<!tpu.dma_semaphore, #tpu.memory_space<semaphore_mem>>
      %dma_start3A = arith.constant 0 : i32
      %dma_start3A_13 = arith.constant 0 : i32
      %dma_start3A_14 = tpu.memref_slice %arg2[%add3A, %dma_start3A, %dma_start3A_13] : memref<32x640x16xi32, #tpu.memory_space<hbm>> -> memref<1x640x16xi32, #tpu.memory_space<hbm>>
      %dma_start3A_15 = tpu.memref_squeeze %dma_start3A_14 : memref<1x640x16xi32, #tpu.memory_space<hbm>> -> memref<640x16xi32, #tpu.memory_space<hbm>>
      %dma_start3A_16 = arith.constant 0 : i32
      %dma_start3A_17 = arith.constant 0 : i32
      %dma_start3A_18 = tpu.memref_slice %arg2[%add3A, %dma_start3A_16, %dma_start3A_17] : memref<32x640x16xi32, #tpu.memory_space<hbm>> -> memref<1x640x16xi32, #tpu.memory_space<hbm>>
      %dma_start3A_19 = tpu.memref_squeeze %dma_start3A_18 : memref<1x640x16xi32, #tpu.memory_space<hbm>> -> memref<640x16xi32, #tpu.memory_space<hbm>>
      tpu.enqueue_dma source(%dma_start3A_19 : memref<640x16xi32, #tpu.memory_space<hbm>>) target(%arg4 : memref<640x16xi32, #tpu.memory_space<vmem>>) target_semaphore(%run_scoped3A : memref<!tpu.dma_semaphore, #tpu.memory_space<semaphore_mem>>)
      %dma_wait3A = arith.constant 0 : i32
      %dma_wait3A_20 = arith.constant 0 : i32
      %dma_wait3A_21 = tpu.memref_slice %arg2[%add3A, %dma_wait3A, %dma_wait3A_20] : memref<32x640x16xi32, #tpu.memory_space<hbm>> -> memref<1x640x16xi32, #tpu.memory_space<hbm>>
      %dma_wait3A_22 = tpu.memref_squeeze %dma_wait3A_21 : memref<1x640x16xi32, #tpu.memory_space<hbm>> -> memref<640x16xi32, #tpu.memory_space<hbm>>
      %dma_wait3A_23 = arith.constant 0 : i32
      %dma_wait3A_24 = arith.constant 0 : i32
      %dma_wait3A_25 = tpu.memref_slice %arg2[%add3A, %dma_wait3A_23, %dma_wait3A_24] : memref<32x640x16xi32, #tpu.memory_space<hbm>> -> memref<1x640x16xi32, #tpu.memory_space<hbm>>
      %dma_wait3A_26 = tpu.memref_squeeze %dma_wait3A_25 : memref<1x640x16xi32, #tpu.memory_space<hbm>> -> memref<640x16xi32, #tpu.memory_space<hbm>>
      tpu.wait_dma2 semaphore(%run_scoped3A : memref<!tpu.dma_semaphore, #tpu.memory_space<semaphore_mem>>) src(%dma_wait3A_26 : memref<640x16xi32, #tpu.memory_space<hbm>>) dst(%arg4 : memref<640x16xi32, #tpu.memory_space<vmem>>)
      tpu.yield
    }) : () -> ()
    %broadcast_in_dim3A = arith.constant 0.000000e+00 : f32
    %broadcast_in_dim3A_1 = vector.broadcast %broadcast_in_dim3A : f32 to vector<16xf32>
    %scan3A = arith.constant 0 : i32
    %scan3A_2 = arith.constant 640 : i32
    %scan3A_3 = arith.addi %scan3A, %scan3A_2 : i32
    %scan3A_4 = arith.constant 1 : i32
    scf.for %scan3A_13 = %scan3A to %scan3A_3 step %scan3A_4  : i32 {
      %mul3A_14 = arith.constant 16 : i32
      %mul3A_15 = arith.muli %scan3A_13, %mul3A_14 : i32
      %swap3A = arith.index_cast %mul3A_15 : i32 to index
      %swap3A_16 = tpu.vector_load %arg5[%swap3A] {strides = array<i32>} : memref<10240xf32, #tpu.memory_space<vmem>>, vector<16xf32>,
      tpu.vector_store %arg5[%swap3A], %broadcast_in_dim3A_1 {strides = array<i32>} : memref<10240xf32, #tpu.memory_space<vmem>>, vector<16xf32>,
    }
    %scan3A_5 = arith.constant 640 : i32
    %broadcast_in_dim3A_6 = arith.constant 1.000000e+00 : f32
    %broadcast_in_dim3A_7 = vector.broadcast %broadcast_in_dim3A_6 : f32 to vector<16xf32>
    %scan3A_8 = arith.constant 0 : i32
    %scan3A_9 = arith.constant 640 : i32
    %scan3A_10 = arith.addi %scan3A_8, %scan3A_9 : i32
    %scan3A_11 = arith.constant 1 : i32
    scf.for %scan3A_13 = %scan3A_8 to %scan3A_10 step %scan3A_11  : i32 {
      %get3A = arith.index_cast %scan3A_13 : i32 to index
      %get3A_14 = arith.constant 0 : index
      %get3A_15 = tpu.vector_load %arg4[%get3A, %get3A_14] {strides = array<i32>} : memref<640x16xi32, #tpu.memory_space<vmem>>, vector<16xi32>,
      tpu.vector_store_idx %arg5[%get3A_15], %broadcast_in_dim3A_7 {add = true} : memref<10240xf32, #tpu.memory_space<vmem>>[vector<16xi32>], vector<16xf32>,
    }
    %scan3A_12 = arith.constant 640 : i32
    "tpu.region"() ({
      %run_scoped3A = tpu.sem_alloc : memref<!tpu.dma_semaphore, #tpu.memory_space<semaphore_mem>>
      %dma_start3A = arith.constant 0 : i32
      %dma_start3A_13 = tpu.memref_slice %arg3[%add3A, %dma_start3A] : memref<32x10240xf32, #tpu.memory_space<hbm>> -> memref<1x10240xf32, #tpu.memory_space<hbm>>
      %dma_start3A_14 = tpu.memref_squeeze %dma_start3A_13 : memref<1x10240xf32, #tpu.memory_space<hbm>> -> memref<10240xf32, #tpu.memory_space<hbm>>
      %dma_start3A_15 = arith.constant 0 : i32
      %dma_start3A_16 = tpu.memref_slice %arg3[%add3A, %dma_start3A_15] : memref<32x10240xf32, #tpu.memory_space<hbm>> -> memref<1x10240xf32, #tpu.memory_space<hbm>>
      %dma_start3A_17 = tpu.memref_squeeze %dma_start3A_16 : memref<1x10240xf32, #tpu.memory_space<hbm>> -> memref<10240xf32, #tpu.memory_space<hbm>>
      tpu.enqueue_dma source(%arg5 : memref<10240xf32, #tpu.memory_space<vmem>>) target(%dma_start3A_17 : memref<10240xf32, #tpu.memory_space<hbm>>) target_semaphore(%run_scoped3A : memref<!tpu.dma_semaphore, #tpu.memory_space<semaphore_mem>>)
      %dma_wait3A = arith.constant 0 : i32
      %dma_wait3A_18 = tpu.memref_slice %arg3[%add3A, %dma_wait3A] : memref<32x10240xf32, #tpu.memory_space<hbm>> -> memref<1x10240xf32, #tpu.memory_space<hbm>>
      %dma_wait3A_19 = tpu.memref_squeeze %dma_wait3A_18 : memref<1x10240xf32, #tpu.memory_space<hbm>> -> memref<10240xf32, #tpu.memory_space<hbm>>
      %dma_wait3A_20 = arith.constant 0 : i32
      %dma_wait3A_21 = tpu.memref_slice %arg3[%add3A, %dma_wait3A_20] : memref<32x10240xf32, #tpu.memory_space<hbm>> -> memref<1x10240xf32, #tpu.memory_space<hbm>>
      %dma_wait3A_22 = tpu.memref_squeeze %dma_wait3A_21 : memref<1x10240xf32, #tpu.memory_space<hbm>> -> memref<10240xf32, #tpu.memory_space<hbm>>
      tpu.wait_dma2 semaphore(%run_scoped3A : memref<!tpu.dma_semaphore, #tpu.memory_space<semaphore_mem>>) src(%arg5 : memref<10240xf32, #tpu.memory_space<vmem>>) dst(%dma_wait3A_22 : memref<10240xf32, #tpu.memory_space<hbm>>)
      tpu.yield
    }) : () -> ()
    return
  }
}

#map = affine_map<(d0, d1) -> (0, 0)>
module attributes {stable_mosaic.version = 14 : i64} {
  func.func @_layer_body(%arg0: i32, %arg1: i32, %arg2: memref<10240x128xf32, #tpu.memory_space<hbm>>, %arg3: memref<2560x128xi32, #tpu.memory_space<hbm>>, %arg4: memref<2560x128xi32, #tpu.memory_space<hbm>>, %arg5: memref<20480x128xf32, #tpu.memory_space<hbm>>, %arg6: memref<40x128xi32, #tpu.memory_space<vmem>>, %arg7: memref<40x128xi32, #tpu.memory_space<vmem>>, %arg8: memref<128x128xf32, #tpu.memory_space<vmem>>, %arg9: memref<128x128xf32, #tpu.memory_space<vmem>>, %arg10: memref<64xi32, #tpu.memory_space<vmem>>, %arg11: memref<64xi32, #tpu.memory_space<vmem>>, %arg12: memref<64xi32, #tpu.memory_space<vmem>>, %arg13: memref<64xi32, #tpu.memory_space<vmem>>, %arg14: memref<10240x128xf32, #tpu.memory_space<vmem_shared>>, %arg15: memref<!tpu.dma_semaphore, #tpu.memory_space<semaphore_mem>>, %arg16: memref<!tpu.dma_semaphore, #tpu.memory_space<semaphore_mem>>) attributes {dimension_semantics = [#tpu.dimension_semantics<core_parallel>, #tpu.dimension_semantics<subcore_parallel>], iteration_bounds = array<i64: 2, 16>, scalar_prefetch = 0 : i64, scratch_operands = 11 : i64, tpu.core_type = #tpu.core_type<sc_vector_subcore>, window_params = [{transform_indices = #map}, {transform_indices = #map}, {transform_indices = #map}, {transform_indices = #map}]} {
    %mul3A = arith.constant 2 : i32
    %mul3A_0 = arith.muli %arg1, %mul3A : i32
    %add3A = arith.addi %mul3A_0, %arg0 : i32
    %broadcast_in_dim3A = arith.constant 0.000000e+00 : f32
    %broadcast_in_dim3A_1 = vector.broadcast %broadcast_in_dim3A : f32 to vector<16xf32>
    %scan3A = arith.constant 0 : i32
    %scan3A_2 = arith.constant 128 : i32
    %scan3A_3 = arith.addi %scan3A, %scan3A_2 : i32
    %scan3A_4 = arith.constant 1 : i32
    scf.for %scan3A_135 = %scan3A to %scan3A_3 step %scan3A_4  : i32 {
      %swap3A = arith.index_cast %scan3A_135 : i32 to index
      %swap3A_136 = arith.constant 0 : index
      %swap3A_137 = tpu.vector_load %arg8[%swap3A, %swap3A_136] {strides = array<i32>} : memref<128x128xf32, #tpu.memory_space<vmem>>, vector<16xf32>,
      tpu.vector_store %arg8[%swap3A, %swap3A_136], %broadcast_in_dim3A_1 {strides = array<i32>} : memref<128x128xf32, #tpu.memory_space<vmem>>, vector<16xf32>,
      %swap3A_138 = arith.index_cast %scan3A_135 : i32 to index
      %swap3A_139 = arith.constant 16 : index
      %swap3A_140 = tpu.vector_load %arg8[%swap3A_138, %swap3A_139] {strides = array<i32>} : memref<128x128xf32, #tpu.memory_space<vmem>>, vector<16xf32>,
      tpu.vector_store %arg8[%swap3A_138, %swap3A_139], %broadcast_in_dim3A_1 {strides = array<i32>} : memref<128x128xf32, #tpu.memory_space<vmem>>, vector<16xf32>,
      %swap3A_141 = arith.index_cast %scan3A_135 : i32 to index
      %swap3A_142 = arith.constant 32 : index
      %swap3A_143 = tpu.vector_load %arg8[%swap3A_141, %swap3A_142] {strides = array<i32>} : memref<128x128xf32, #tpu.memory_space<vmem>>, vector<16xf32>,
      tpu.vector_store %arg8[%swap3A_141, %swap3A_142], %broadcast_in_dim3A_1 {strides = array<i32>} : memref<128x128xf32, #tpu.memory_space<vmem>>, vector<16xf32>,
      %swap3A_144 = arith.index_cast %scan3A_135 : i32 to index
      %swap3A_145 = arith.constant 48 : index
      %swap3A_146 = tpu.vector_load %arg8[%swap3A_144, %swap3A_145] {strides = array<i32>} : memref<128x128xf32, #tpu.memory_space<vmem>>, vector<16xf32>,
      tpu.vector_store %arg8[%swap3A_144, %swap3A_145], %broadcast_in_dim3A_1 {strides = array<i32>} : memref<128x128xf32, #tpu.memory_space<vmem>>, vector<16xf32>,
      %swap3A_147 = arith.index_cast %scan3A_135 : i32 to index
      %swap3A_148 = arith.constant 64 : index
      %swap3A_149 = tpu.vector_load %arg8[%swap3A_147, %swap3A_148] {strides = array<i32>} : memref<128x128xf32, #tpu.memory_space<vmem>>, vector<16xf32>,
      tpu.vector_store %arg8[%swap3A_147, %swap3A_148], %broadcast_in_dim3A_1 {strides = array<i32>} : memref<128x128xf32, #tpu.memory_space<vmem>>, vector<16xf32>,
      %swap3A_150 = arith.index_cast %scan3A_135 : i32 to index
      %swap3A_151 = arith.constant 80 : index
      %swap3A_152 = tpu.vector_load %arg8[%swap3A_150, %swap3A_151] {strides = array<i32>} : memref<128x128xf32, #tpu.memory_space<vmem>>, vector<16xf32>,
      tpu.vector_store %arg8[%swap3A_150, %swap3A_151], %broadcast_in_dim3A_1 {strides = array<i32>} : memref<128x128xf32, #tpu.memory_space<vmem>>, vector<16xf32>,
      %swap3A_153 = arith.index_cast %scan3A_135 : i32 to index
      %swap3A_154 = arith.constant 96 : index
      %swap3A_155 = tpu.vector_load %arg8[%swap3A_153, %swap3A_154] {strides = array<i32>} : memref<128x128xf32, #tpu.memory_space<vmem>>, vector<16xf32>,
      tpu.vector_store %arg8[%swap3A_153, %swap3A_154], %broadcast_in_dim3A_1 {strides = array<i32>} : memref<128x128xf32, #tpu.memory_space<vmem>>, vector<16xf32>,
      %swap3A_156 = arith.index_cast %scan3A_135 : i32 to index
      %swap3A_157 = arith.constant 112 : index
      %swap3A_158 = tpu.vector_load %arg8[%swap3A_156, %swap3A_157] {strides = array<i32>} : memref<128x128xf32, #tpu.memory_space<vmem>>, vector<16xf32>,
      tpu.vector_store %arg8[%swap3A_156, %swap3A_157], %broadcast_in_dim3A_1 {strides = array<i32>} : memref<128x128xf32, #tpu.memory_space<vmem>>, vector<16xf32>,
    }
    %scan3A_5 = arith.constant 128 : i32
    %mul3A_6 = arith.constant 640 : i32
    %mul3A_7 = arith.muli %arg1, %mul3A_6 : i32
    %add3A_8 = arith.constant 0 : i32
    %add3A_9 = arith.addi %mul3A_7, %add3A_8 : i32
    "tpu.region"() ({
      %run_scoped3A = tpu.sem_alloc : memref<!tpu.dma_semaphore, #tpu.memory_space<semaphore_mem>>
      %dma_start3A_135 = arith.constant 0 : i32
      %dma_start3A_136 = tpu.memref_slice %arg14[%add3A_9, %dma_start3A_135] : memref<10240x128xf32, #tpu.memory_space<vmem_shared>> -> memref<128x128xf32, #tpu.memory_space<vmem_shared>>
      %dma_start3A_137 = arith.constant 0 : i32
      %dma_start3A_138 = tpu.memref_slice %arg14[%add3A_9, %dma_start3A_137] : memref<10240x128xf32, #tpu.memory_space<vmem_shared>> -> memref<128x128xf32, #tpu.memory_space<vmem_shared>>
      tpu.enqueue_dma source(%arg8 : memref<128x128xf32, #tpu.memory_space<vmem>>) target(%dma_start3A_138 : memref<128x128xf32, #tpu.memory_space<vmem_shared>>) target_semaphore(%run_scoped3A : memref<!tpu.dma_semaphore, #tpu.memory_space<semaphore_mem>>)
      %dma_wait3A_139 = arith.constant 0 : i32
      %dma_wait3A_140 = tpu.memref_slice %arg14[%add3A_9, %dma_wait3A_139] : memref<10240x128xf32, #tpu.memory_space<vmem_shared>> -> memref<128x128xf32, #tpu.memory_space<vmem_shared>>
      %dma_wait3A_141 = arith.constant 0 : i32
      %dma_wait3A_142 = tpu.memref_slice %arg14[%add3A_9, %dma_wait3A_141] : memref<10240x128xf32, #tpu.memory_space<vmem_shared>> -> memref<128x128xf32, #tpu.memory_space<vmem_shared>>
      tpu.wait_dma2 semaphore(%run_scoped3A : memref<!tpu.dma_semaphore, #tpu.memory_space<semaphore_mem>>) src(%arg8 : memref<128x128xf32, #tpu.memory_space<vmem>>) dst(%dma_wait3A_142 : memref<128x128xf32, #tpu.memory_space<vmem_shared>>)
      tpu.yield
    }) : () -> ()
    %mul3A_10 = arith.constant 640 : i32
    %mul3A_11 = arith.muli %arg1, %mul3A_10 : i32
    %add3A_12 = arith.constant 128 : i32
    %add3A_13 = arith.addi %mul3A_11, %add3A_12 : i32
    "tpu.region"() ({
      %run_scoped3A = tpu.sem_alloc : memref<!tpu.dma_semaphore, #tpu.memory_space<semaphore_mem>>
      %dma_start3A_135 = arith.constant 0 : i32
      %dma_start3A_136 = tpu.memref_slice %arg14[%add3A_13, %dma_start3A_135] : memref<10240x128xf32, #tpu.memory_space<vmem_shared>> -> memref<128x128xf32, #tpu.memory_space<vmem_shared>>
      %dma_start3A_137 = arith.constant 0 : i32
      %dma_start3A_138 = tpu.memref_slice %arg14[%add3A_13, %dma_start3A_137] : memref<10240x128xf32, #tpu.memory_space<vmem_shared>> -> memref<128x128xf32, #tpu.memory_space<vmem_shared>>
      tpu.enqueue_dma source(%arg8 : memref<128x128xf32, #tpu.memory_space<vmem>>) target(%dma_start3A_138 : memref<128x128xf32, #tpu.memory_space<vmem_shared>>) target_semaphore(%run_scoped3A : memref<!tpu.dma_semaphore, #tpu.memory_space<semaphore_mem>>)
      %dma_wait3A_139 = arith.constant 0 : i32
      %dma_wait3A_140 = tpu.memref_slice %arg14[%add3A_13, %dma_wait3A_139] : memref<10240x128xf32, #tpu.memory_space<vmem_shared>> -> memref<128x128xf32, #tpu.memory_space<vmem_shared>>
      %dma_wait3A_141 = arith.constant 0 : i32
      %dma_wait3A_142 = tpu.memref_slice %arg14[%add3A_13, %dma_wait3A_141] : memref<10240x128xf32, #tpu.memory_space<vmem_shared>> -> memref<128x128xf32, #tpu.memory_space<vmem_shared>>
      tpu.wait_dma2 semaphore(%run_scoped3A : memref<!tpu.dma_semaphore, #tpu.memory_space<semaphore_mem>>) src(%arg8 : memref<128x128xf32, #tpu.memory_space<vmem>>) dst(%dma_wait3A_142 : memref<128x128xf32, #tpu.memory_space<vmem_shared>>)
      tpu.yield
    }) : () -> ()
    %mul3A_14 = arith.constant 640 : i32
    %mul3A_15 = arith.muli %arg1, %mul3A_14 : i32
    %add3A_16 = arith.constant 256 : i32
    %add3A_17 = arith.addi %mul3A_15, %add3A_16 : i32
    "tpu.region"() ({
      %run_scoped3A = tpu.sem_alloc : memref<!tpu.dma_semaphore, #tpu.memory_space<semaphore_mem>>
      %dma_start3A_135 = arith.constant 0 : i32
      %dma_start3A_136 = tpu.memref_slice %arg14[%add3A_17, %dma_start3A_135] : memref<10240x128xf32, #tpu.memory_space<vmem_shared>> -> memref<128x128xf32, #tpu.memory_space<vmem_shared>>
      %dma_start3A_137 = arith.constant 0 : i32
      %dma_start3A_138 = tpu.memref_slice %arg14[%add3A_17, %dma_start3A_137] : memref<10240x128xf32, #tpu.memory_space<vmem_shared>> -> memref<128x128xf32, #tpu.memory_space<vmem_shared>>
      tpu.enqueue_dma source(%arg8 : memref<128x128xf32, #tpu.memory_space<vmem>>) target(%dma_start3A_138 : memref<128x128xf32, #tpu.memory_space<vmem_shared>>) target_semaphore(%run_scoped3A : memref<!tpu.dma_semaphore, #tpu.memory_space<semaphore_mem>>)
      %dma_wait3A_139 = arith.constant 0 : i32
      %dma_wait3A_140 = tpu.memref_slice %arg14[%add3A_17, %dma_wait3A_139] : memref<10240x128xf32, #tpu.memory_space<vmem_shared>> -> memref<128x128xf32, #tpu.memory_space<vmem_shared>>
      %dma_wait3A_141 = arith.constant 0 : i32
      %dma_wait3A_142 = tpu.memref_slice %arg14[%add3A_17, %dma_wait3A_141] : memref<10240x128xf32, #tpu.memory_space<vmem_shared>> -> memref<128x128xf32, #tpu.memory_space<vmem_shared>>
      tpu.wait_dma2 semaphore(%run_scoped3A : memref<!tpu.dma_semaphore, #tpu.memory_space<semaphore_mem>>) src(%arg8 : memref<128x128xf32, #tpu.memory_space<vmem>>) dst(%dma_wait3A_142 : memref<128x128xf32, #tpu.memory_space<vmem_shared>>)
      tpu.yield
    }) : () -> ()
    %mul3A_18 = arith.constant 640 : i32
    %mul3A_19 = arith.muli %arg1, %mul3A_18 : i32
    %add3A_20 = arith.constant 384 : i32
    %add3A_21 = arith.addi %mul3A_19, %add3A_20 : i32
    "tpu.region"() ({
      %run_scoped3A = tpu.sem_alloc : memref<!tpu.dma_semaphore, #tpu.memory_space<semaphore_mem>>
      %dma_start3A_135 = arith.constant 0 : i32
      %dma_start3A_136 = tpu.memref_slice %arg14[%add3A_21, %dma_start3A_135] : memref<10240x128xf32, #tpu.memory_space<vmem_shared>> -> memref<128x128xf32, #tpu.memory_space<vmem_shared>>
      %dma_start3A_137 = arith.constant 0 : i32
      %dma_start3A_138 = tpu.memref_slice %arg14[%add3A_21, %dma_start3A_137] : memref<10240x128xf32, #tpu.memory_space<vmem_shared>> -> memref<128x128xf32, #tpu.memory_space<vmem_shared>>
      tpu.enqueue_dma source(%arg8 : memref<128x128xf32, #tpu.memory_space<vmem>>) target(%dma_start3A_138 : memref<128x128xf32, #tpu.memory_space<vmem_shared>>) target_semaphore(%run_scoped3A : memref<!tpu.dma_semaphore, #tpu.memory_space<semaphore_mem>>)
      %dma_wait3A_139 = arith.constant 0 : i32
      %dma_wait3A_140 = tpu.memref_slice %arg14[%add3A_21, %dma_wait3A_139] : memref<10240x128xf32, #tpu.memory_space<vmem_shared>> -> memref<128x128xf32, #tpu.memory_space<vmem_shared>>
      %dma_wait3A_141 = arith.constant 0 : i32
      %dma_wait3A_142 = tpu.memref_slice %arg14[%add3A_21, %dma_wait3A_141] : memref<10240x128xf32, #tpu.memory_space<vmem_shared>> -> memref<128x128xf32, #tpu.memory_space<vmem_shared>>
      tpu.wait_dma2 semaphore(%run_scoped3A : memref<!tpu.dma_semaphore, #tpu.memory_space<semaphore_mem>>) src(%arg8 : memref<128x128xf32, #tpu.memory_space<vmem>>) dst(%dma_wait3A_142 : memref<128x128xf32, #tpu.memory_space<vmem_shared>>)
      tpu.yield
    }) : () -> ()
    %mul3A_22 = arith.constant 640 : i32
    %mul3A_23 = arith.muli %arg1, %mul3A_22 : i32
    %add3A_24 = arith.constant 512 : i32
    %add3A_25 = arith.addi %mul3A_23, %add3A_24 : i32
    "tpu.region"() ({
      %run_scoped3A = tpu.sem_alloc : memref<!tpu.dma_semaphore, #tpu.memory_space<semaphore_mem>>
      %dma_start3A_135 = arith.constant 0 : i32
      %dma_start3A_136 = tpu.memref_slice %arg14[%add3A_25, %dma_start3A_135] : memref<10240x128xf32, #tpu.memory_space<vmem_shared>> -> memref<128x128xf32, #tpu.memory_space<vmem_shared>>
      %dma_start3A_137 = arith.constant 0 : i32
      %dma_start3A_138 = tpu.memref_slice %arg14[%add3A_25, %dma_start3A_137] : memref<10240x128xf32, #tpu.memory_space<vmem_shared>> -> memref<128x128xf32, #tpu.memory_space<vmem_shared>>
      tpu.enqueue_dma source(%arg8 : memref<128x128xf32, #tpu.memory_space<vmem>>) target(%dma_start3A_138 : memref<128x128xf32, #tpu.memory_space<vmem_shared>>) target_semaphore(%run_scoped3A : memref<!tpu.dma_semaphore, #tpu.memory_space<semaphore_mem>>)
      %dma_wait3A_139 = arith.constant 0 : i32
      %dma_wait3A_140 = tpu.memref_slice %arg14[%add3A_25, %dma_wait3A_139] : memref<10240x128xf32, #tpu.memory_space<vmem_shared>> -> memref<128x128xf32, #tpu.memory_space<vmem_shared>>
      %dma_wait3A_141 = arith.constant 0 : i32
      %dma_wait3A_142 = tpu.memref_slice %arg14[%add3A_25, %dma_wait3A_141] : memref<10240x128xf32, #tpu.memory_space<vmem_shared>> -> memref<128x128xf32, #tpu.memory_space<vmem_shared>>
      tpu.wait_dma2 semaphore(%run_scoped3A : memref<!tpu.dma_semaphore, #tpu.memory_space<semaphore_mem>>) src(%arg8 : memref<128x128xf32, #tpu.memory_space<vmem>>) dst(%dma_wait3A_142 : memref<128x128xf32, #tpu.memory_space<vmem_shared>>)
      tpu.yield
    }) : () -> ()
    %barrier3A = arith.constant 0 : index
    tpu.barrier barrier_id(%barrier3A)
    %scan3A_26 = arith.constant 0 : i32
    %scan3A_27 = arith.constant 2 : i32
    %scan3A_28 = arith.addi %scan3A_26, %scan3A_27 : i32
    %scan3A_29 = arith.constant 1 : i32
    scf.for %scan3A_135 = %scan3A_26 to %scan3A_28 step %scan3A_29  : i32 {
      %mul3A_136 = arith.constant 80 : i32
      %mul3A_137 = arith.muli %add3A, %mul3A_136 : i32
      %mul3A_138 = arith.constant 40 : i32
      %mul3A_139 = arith.muli %scan3A_135, %mul3A_138 : i32
      %add3A_140 = arith.addi %mul3A_137, %mul3A_139 : i32
      "tpu.region"() ({
        %run_scoped3A = tpu.sem_alloc : memref<!tpu.dma_semaphore, #tpu.memory_space<semaphore_mem>>
        %dma_start3A_204 = arith.constant 0 : i32
        %dma_start3A_205 = tpu.memref_slice %arg3[%add3A_140, %dma_start3A_204] : memref<2560x128xi32, #tpu.memory_space<hbm>> -> memref<40x128xi32, #tpu.memory_space<hbm>>
        %dma_start3A_206 = arith.constant 0 : i32
        %dma_start3A_207 = tpu.memref_slice %arg3[%add3A_140, %dma_start3A_206] : memref<2560x128xi32, #tpu.memory_space<hbm>> -> memref<40x128xi32, #tpu.memory_space<hbm>>
        tpu.enqueue_dma source(%dma_start3A_207 : memref<40x128xi32, #tpu.memory_space<hbm>>) target(%arg6 : memref<40x128xi32, #tpu.memory_space<vmem>>) target_semaphore(%run_scoped3A : memref<!tpu.dma_semaphore, #tpu.memory_space<semaphore_mem>>)
        %dma_wait3A_208 = arith.constant 0 : i32
        %dma_wait3A_209 = tpu.memref_slice %arg3[%add3A_140, %dma_wait3A_208] : memref<2560x128xi32, #tpu.memory_space<hbm>> -> memref<40x128xi32, #tpu.memory_space<hbm>>
        %dma_wait3A_210 = arith.constant 0 : i32
        %dma_wait3A_211 = tpu.memref_slice %arg3[%add3A_140, %dma_wait3A_210] : memref<2560x128xi32, #tpu.memory_space<hbm>> -> memref<40x128xi32, #tpu.memory_space<hbm>>
        tpu.wait_dma2 semaphore(%run_scoped3A : memref<!tpu.dma_semaphore, #tpu.memory_space<semaphore_mem>>) src(%dma_wait3A_211 : memref<40x128xi32, #tpu.memory_space<hbm>>) dst(%arg6 : memref<40x128xi32, #tpu.memory_space<vmem>>)
        tpu.yield
      }) : () -> ()
      "tpu.region"() ({
        %run_scoped3A = tpu.sem_alloc : memref<!tpu.dma_semaphore, #tpu.memory_space<semaphore_mem>>
        %dma_start3A_204 = arith.constant 0 : i32
        %dma_start3A_205 = tpu.memref_slice %arg4[%add3A_140, %dma_start3A_204] : memref<2560x128xi32, #tpu.memory_space<hbm>> -> memref<40x128xi32, #tpu.memory_space<hbm>>
        %dma_start3A_206 = arith.constant 0 : i32
        %dma_start3A_207 = tpu.memref_slice %arg4[%add3A_140, %dma_start3A_206] : memref<2560x128xi32, #tpu.memory_space<hbm>> -> memref<40x128xi32, #tpu.memory_space<hbm>>
        tpu.enqueue_dma source(%dma_start3A_207 : memref<40x128xi32, #tpu.memory_space<hbm>>) target(%arg7 : memref<40x128xi32, #tpu.memory_space<vmem>>) target_semaphore(%run_scoped3A : memref<!tpu.dma_semaphore, #tpu.memory_space<semaphore_mem>>)
        %dma_wait3A_208 = arith.constant 0 : i32
        %dma_wait3A_209 = tpu.memref_slice %arg4[%add3A_140, %dma_wait3A_208] : memref<2560x128xi32, #tpu.memory_space<hbm>> -> memref<40x128xi32, #tpu.memory_space<hbm>>
        %dma_wait3A_210 = arith.constant 0 : i32
        %dma_wait3A_211 = tpu.memref_slice %arg4[%add3A_140, %dma_wait3A_210] : memref<2560x128xi32, #tpu.memory_space<hbm>> -> memref<40x128xi32, #tpu.memory_space<hbm>>
        tpu.wait_dma2 semaphore(%run_scoped3A : memref<!tpu.dma_semaphore, #tpu.memory_space<semaphore_mem>>) src(%dma_wait3A_211 : memref<40x128xi32, #tpu.memory_space<hbm>>) dst(%arg7 : memref<40x128xi32, #tpu.memory_space<vmem>>)
        tpu.yield
      }) : () -> ()
      %get3A = arith.constant 0 : i32
      %get3A_141 = arith.index_cast %get3A : i32 to index
      %get3A_142 = arith.constant 0 : index
      %get3A_143 = tpu.vector_load %arg6[%get3A_141, %get3A_142] {strides = array<i32>} : memref<40x128xi32, #tpu.memory_space<vmem>>, vector<16xi32>,
      %swap3A = arith.constant 0 : index
      %swap3A_144 = tpu.vector_load %arg10[%swap3A] {strides = array<i32>} : memref<64xi32, #tpu.memory_space<vmem>>, vector<16xi32>,
      tpu.vector_store %arg10[%swap3A], %get3A_143 {strides = array<i32>} : memref<64xi32, #tpu.memory_space<vmem>>, vector<16xi32>,
      %get3A_145 = arith.constant 0 : i32
      %get3A_146 = arith.index_cast %get3A_145 : i32 to index
      %get3A_147 = arith.constant 64 : index
      %get3A_148 = tpu.vector_load %arg6[%get3A_146, %get3A_147] {strides = array<i32>} : memref<40x128xi32, #tpu.memory_space<vmem>>, vector<16xi32>,
      %swap3A_149 = arith.constant 0 : index
      %swap3A_150 = tpu.vector_load %arg11[%swap3A_149] {strides = array<i32>} : memref<64xi32, #tpu.memory_space<vmem>>, vector<16xi32>,
      tpu.vector_store %arg11[%swap3A_149], %get3A_148 {strides = array<i32>} : memref<64xi32, #tpu.memory_space<vmem>>, vector<16xi32>,
      %get3A_151 = arith.constant 0 : i32
      %get3A_152 = arith.index_cast %get3A_151 : i32 to index
      %get3A_153 = arith.constant 16 : index
      %get3A_154 = tpu.vector_load %arg6[%get3A_152, %get3A_153] {strides = array<i32>} : memref<40x128xi32, #tpu.memory_space<vmem>>, vector<16xi32>,
      %swap3A_155 = arith.constant 16 : index
      %swap3A_156 = tpu.vector_load %arg10[%swap3A_155] {strides = array<i32>} : memref<64xi32, #tpu.memory_space<vmem>>, vector<16xi32>,
      tpu.vector_store %arg10[%swap3A_155], %get3A_154 {strides = array<i32>} : memref<64xi32, #tpu.memory_space<vmem>>, vector<16xi32>,
      %get3A_157 = arith.constant 0 : i32
      %get3A_158 = arith.index_cast %get3A_157 : i32 to index
      %get3A_159 = arith.constant 80 : index
      %get3A_160 = tpu.vector_load %arg6[%get3A_158, %get3A_159] {strides = array<i32>} : memref<40x128xi32, #tpu.memory_space<vmem>>, vector<16xi32>,
      %swap3A_161 = arith.constant 16 : index
      %swap3A_162 = tpu.vector_load %arg11[%swap3A_161] {strides = array<i32>} : memref<64xi32, #tpu.memory_space<vmem>>, vector<16xi32>,
      tpu.vector_store %arg11[%swap3A_161], %get3A_160 {strides = array<i32>} : memref<64xi32, #tpu.memory_space<vmem>>, vector<16xi32>,
      %get3A_163 = arith.constant 0 : i32
      %get3A_164 = arith.index_cast %get3A_163 : i32 to index
      %get3A_165 = arith.constant 32 : index
      %get3A_166 = tpu.vector_load %arg6[%get3A_164, %get3A_165] {strides = array<i32>} : memref<40x128xi32, #tpu.memory_space<vmem>>, vector<16xi32>,
      %swap3A_167 = arith.constant 32 : index
      %swap3A_168 = tpu.vector_load %arg10[%swap3A_167] {strides = array<i32>} : memref<64xi32, #tpu.memory_space<vmem>>, vector<16xi32>,
      tpu.vector_store %arg10[%swap3A_167], %get3A_166 {strides = array<i32>} : memref<64xi32, #tpu.memory_space<vmem>>, vector<16xi32>,
      %get3A_169 = arith.constant 0 : i32
      %get3A_170 = arith.index_cast %get3A_169 : i32 to index
      %get3A_171 = arith.constant 96 : index
      %get3A_172 = tpu.vector_load %arg6[%get3A_170, %get3A_171] {strides = array<i32>} : memref<40x128xi32, #tpu.memory_space<vmem>>, vector<16xi32>,
      %swap3A_173 = arith.constant 32 : index
      %swap3A_174 = tpu.vector_load %arg11[%swap3A_173] {strides = array<i32>} : memref<64xi32, #tpu.memory_space<vmem>>, vector<16xi32>,
      tpu.vector_store %arg11[%swap3A_173], %get3A_172 {strides = array<i32>} : memref<64xi32, #tpu.memory_space<vmem>>, vector<16xi32>,
      %get3A_175 = arith.constant 0 : i32
      %get3A_176 = arith.index_cast %get3A_175 : i32 to index
      %get3A_177 = arith.constant 48 : index
      %get3A_178 = tpu.vector_load %arg6[%get3A_176, %get3A_177] {strides = array<i32>} : memref<40x128xi32, #tpu.memory_space<vmem>>, vector<16xi32>,
      %swap3A_179 = arith.constant 48 : index
      %swap3A_180 = tpu.vector_load %arg10[%swap3A_179] {strides = array<i32>} : memref<64xi32, #tpu.memory_space<vmem>>, vector<16xi32>,
      tpu.vector_store %arg10[%swap3A_179], %get3A_178 {strides = array<i32>} : memref<64xi32, #tpu.memory_space<vmem>>, vector<16xi32>,
      %get3A_181 = arith.constant 0 : i32
      %get3A_182 = arith.index_cast %get3A_181 : i32 to index
      %get3A_183 = arith.constant 112 : index
      %get3A_184 = tpu.vector_load %arg6[%get3A_182, %get3A_183] {strides = array<i32>} : memref<40x128xi32, #tpu.memory_space<vmem>>, vector<16xi32>,
      %swap3A_185 = arith.constant 48 : index
      %swap3A_186 = tpu.vector_load %arg11[%swap3A_185] {strides = array<i32>} : memref<64xi32, #tpu.memory_space<vmem>>, vector<16xi32>,
      tpu.vector_store %arg11[%swap3A_185], %get3A_184 {strides = array<i32>} : memref<64xi32, #tpu.memory_space<vmem>>, vector<16xi32>,
      %dma_start3A_187 = arith.constant 0 : i32
      %dma_start3A_188 = arith.constant 0 : i32
      %dma_start3A_189 = tpu.memref_slice %arg8[%dma_start3A_187, %dma_start3A_188] : memref<128x128xf32, #tpu.memory_space<vmem>> -> memref<64x128xf32, #tpu.memory_space<vmem>>
      %dma_start3A_190 = arith.constant 0 : i32
      %dma_start3A_191 = arith.constant 0 : i32
      %dma_start3A_192 = tpu.memref_slice %arg2[%dma_start3A_190, %dma_start3A_191] : memref<10240x128xf32, #tpu.memory_space<hbm>> -> memref<10240x128xf32, #tpu.memory_space<hbm>>
      tpu.enqueue_indirect_dma source(%dma_start3A_192 : memref<10240x128xf32, #tpu.memory_space<hbm>>) target(%dma_start3A_189 : memref<64x128xf32, #tpu.memory_space<vmem>>) offsets(%arg10 : memref<64xi32, #tpu.memory_space<vmem>>) semaphore(%arg15 : memref<!tpu.dma_semaphore, #tpu.memory_space<semaphore_mem>>)
      %dma_start3A_193 = arith.constant 64 : i32
      %dma_start3A_194 = arith.constant 0 : i32
      %dma_start3A_195 = tpu.memref_slice %arg8[%dma_start3A_193, %dma_start3A_194] : memref<128x128xf32, #tpu.memory_space<vmem>> -> memref<64x128xf32, #tpu.memory_space<vmem>>
      %dma_start3A_196 = arith.constant 0 : i32
      %dma_start3A_197 = arith.constant 0 : i32
      %dma_start3A_198 = tpu.memref_slice %arg2[%dma_start3A_196, %dma_start3A_197] : memref<10240x128xf32, #tpu.memory_space<hbm>> -> memref<10240x128xf32, #tpu.memory_space<hbm>>
      tpu.enqueue_indirect_dma source(%dma_start3A_198 : memref<10240x128xf32, #tpu.memory_space<hbm>>) target(%dma_start3A_195 : memref<64x128xf32, #tpu.memory_space<vmem>>) offsets(%arg11 : memref<64xi32, #tpu.memory_space<vmem>>) semaphore(%arg15 : memref<!tpu.dma_semaphore, #tpu.memory_space<semaphore_mem>>)
      %scan3A_199 = arith.constant 0 : i32
      %scan3A_200 = arith.constant 20 : i32
      %scan3A_201 = arith.addi %scan3A_199, %scan3A_200 : i32
      %scan3A_202 = arith.constant 1 : i32
      scf.for %scan3A_204 = %scan3A_199 to %scan3A_201 step %scan3A_202  : i32 {
        %mul3A_205 = arith.constant 2 : i32
        %mul3A_206 = arith.muli %mul3A_205, %scan3A_204 : i32
        %add3A_207 = arith.constant 1 : i32
        %add3A_208 = arith.addi %mul3A_206, %add3A_207 : i32
        %get3A_209 = arith.index_cast %add3A_208 : i32 to index
        %get3A_210 = arith.constant 0 : index
        %get3A_211 = tpu.vector_load %arg6[%get3A_209, %get3A_210] {strides = array<i32>} : memref<40x128xi32, #tpu.memory_space<vmem>>, vector<16xi32>,
        %swap3A_212 = arith.constant 0 : index
        %swap3A_213 = tpu.vector_load %arg12[%swap3A_212] {strides = array<i32>} : memref<64xi32, #tpu.memory_space<vmem>>, vector<16xi32>,
        tpu.vector_store %arg12[%swap3A_212], %get3A_211 {strides = array<i32>} : memref<64xi32, #tpu.memory_space<vmem>>, vector<16xi32>,
        %get3A_214 = arith.index_cast %add3A_208 : i32 to index
        %get3A_215 = arith.constant 64 : index
        %get3A_216 = tpu.vector_load %arg6[%get3A_214, %get3A_215] {strides = array<i32>} : memref<40x128xi32, #tpu.memory_space<vmem>>, vector<16xi32>,
        %swap3A_217 = arith.constant 0 : index
        %swap3A_218 = tpu.vector_load %arg13[%swap3A_217] {strides = array<i32>} : memref<64xi32, #tpu.memory_space<vmem>>, vector<16xi32>,
        tpu.vector_store %arg13[%swap3A_217], %get3A_216 {strides = array<i32>} : memref<64xi32, #tpu.memory_space<vmem>>, vector<16xi32>,
        %get3A_219 = arith.index_cast %add3A_208 : i32 to index
        %get3A_220 = arith.constant 16 : index
        %get3A_221 = tpu.vector_load %arg6[%get3A_219, %get3A_220] {strides = array<i32>} : memref<40x128xi32, #tpu.memory_space<vmem>>, vector<16xi32>,
        %swap3A_222 = arith.constant 16 : index
        %swap3A_223 = tpu.vector_load %arg12[%swap3A_222] {strides = array<i32>} : memref<64xi32, #tpu.memory_space<vmem>>, vector<16xi32>,
        tpu.vector_store %arg12[%swap3A_222], %get3A_221 {strides = array<i32>} : memref<64xi32, #tpu.memory_space<vmem>>, vector<16xi32>,
        %get3A_224 = arith.index_cast %add3A_208 : i32 to index
        %get3A_225 = arith.constant 80 : index
        %get3A_226 = tpu.vector_load %arg6[%get3A_224, %get3A_225] {strides = array<i32>} : memref<40x128xi32, #tpu.memory_space<vmem>>, vector<16xi32>,
        %swap3A_227 = arith.constant 16 : index
        %swap3A_228 = tpu.vector_load %arg13[%swap3A_227] {strides = array<i32>} : memref<64xi32, #tpu.memory_space<vmem>>, vector<16xi32>,
        tpu.vector_store %arg13[%swap3A_227], %get3A_226 {strides = array<i32>} : memref<64xi32, #tpu.memory_space<vmem>>, vector<16xi32>,
        %get3A_229 = arith.index_cast %add3A_208 : i32 to index
        %get3A_230 = arith.constant 32 : index
        %get3A_231 = tpu.vector_load %arg6[%get3A_229, %get3A_230] {strides = array<i32>} : memref<40x128xi32, #tpu.memory_space<vmem>>, vector<16xi32>,
        %swap3A_232 = arith.constant 32 : index
        %swap3A_233 = tpu.vector_load %arg12[%swap3A_232] {strides = array<i32>} : memref<64xi32, #tpu.memory_space<vmem>>, vector<16xi32>,
        tpu.vector_store %arg12[%swap3A_232], %get3A_231 {strides = array<i32>} : memref<64xi32, #tpu.memory_space<vmem>>, vector<16xi32>,
        %get3A_234 = arith.index_cast %add3A_208 : i32 to index
        %get3A_235 = arith.constant 96 : index
        %get3A_236 = tpu.vector_load %arg6[%get3A_234, %get3A_235] {strides = array<i32>} : memref<40x128xi32, #tpu.memory_space<vmem>>, vector<16xi32>,
        %swap3A_237 = arith.constant 32 : index
        %swap3A_238 = tpu.vector_load %arg13[%swap3A_237] {strides = array<i32>} : memref<64xi32, #tpu.memory_space<vmem>>, vector<16xi32>,
        tpu.vector_store %arg13[%swap3A_237], %get3A_236 {strides = array<i32>} : memref<64xi32, #tpu.memory_space<vmem>>, vector<16xi32>,
        %get3A_239 = arith.index_cast %add3A_208 : i32 to index
        %get3A_240 = arith.constant 48 : index
        %get3A_241 = tpu.vector_load %arg6[%get3A_239, %get3A_240] {strides = array<i32>} : memref<40x128xi32, #tpu.memory_space<vmem>>, vector<16xi32>,
        %swap3A_242 = arith.constant 48 : index
        %swap3A_243 = tpu.vector_load %arg12[%swap3A_242] {strides = array<i32>} : memref<64xi32, #tpu.memory_space<vmem>>, vector<16xi32>,
        tpu.vector_store %arg12[%swap3A_242], %get3A_241 {strides = array<i32>} : memref<64xi32, #tpu.memory_space<vmem>>, vector<16xi32>,
        %get3A_244 = arith.index_cast %add3A_208 : i32 to index
        %get3A_245 = arith.constant 112 : index
        %get3A_246 = tpu.vector_load %arg6[%get3A_244, %get3A_245] {strides = array<i32>} : memref<40x128xi32, #tpu.memory_space<vmem>>, vector<16xi32>,
        %swap3A_247 = arith.constant 48 : index
        %swap3A_248 = tpu.vector_load %arg13[%swap3A_247] {strides = array<i32>} : memref<64xi32, #tpu.memory_space<vmem>>, vector<16xi32>,
        tpu.vector_store %arg13[%swap3A_247], %get3A_246 {strides = array<i32>} : memref<64xi32, #tpu.memory_space<vmem>>, vector<16xi32>,
        %dma_start3A_249 = arith.constant 0 : i32
        %dma_start3A_250 = arith.constant 0 : i32
        %dma_start3A_251 = tpu.memref_slice %arg9[%dma_start3A_249, %dma_start3A_250] : memref<128x128xf32, #tpu.memory_space<vmem>> -> memref<64x128xf32, #tpu.memory_space<vmem>>
        %dma_start3A_252 = arith.constant 0 : i32
        %dma_start3A_253 = arith.constant 0 : i32
        %dma_start3A_254 = tpu.memref_slice %arg2[%dma_start3A_252, %dma_start3A_253] : memref<10240x128xf32, #tpu.memory_space<hbm>> -> memref<10240x128xf32, #tpu.memory_space<hbm>>
        tpu.enqueue_indirect_dma source(%dma_start3A_254 : memref<10240x128xf32, #tpu.memory_space<hbm>>) target(%dma_start3A_251 : memref<64x128xf32, #tpu.memory_space<vmem>>) offsets(%arg12 : memref<64xi32, #tpu.memory_space<vmem>>) semaphore(%arg16 : memref<!tpu.dma_semaphore, #tpu.memory_space<semaphore_mem>>)
        %dma_start3A_255 = arith.constant 64 : i32
        %dma_start3A_256 = arith.constant 0 : i32
        %dma_start3A_257 = tpu.memref_slice %arg9[%dma_start3A_255, %dma_start3A_256] : memref<128x128xf32, #tpu.memory_space<vmem>> -> memref<64x128xf32, #tpu.memory_space<vmem>>
        %dma_start3A_258 = arith.constant 0 : i32
        %dma_start3A_259 = arith.constant 0 : i32
        %dma_start3A_260 = tpu.memref_slice %arg2[%dma_start3A_258, %dma_start3A_259] : memref<10240x128xf32, #tpu.memory_space<hbm>> -> memref<10240x128xf32, #tpu.memory_space<hbm>>
        tpu.enqueue_indirect_dma source(%dma_start3A_260 : memref<10240x128xf32, #tpu.memory_space<hbm>>) target(%dma_start3A_257 : memref<64x128xf32, #tpu.memory_space<vmem>>) offsets(%arg13 : memref<64xi32, #tpu.memory_space<vmem>>) semaphore(%arg16 : memref<!tpu.dma_semaphore, #tpu.memory_space<semaphore_mem>>)
        %dma_wait3A_261 = arith.constant 0 : i32
        %dma_wait3A_262 = arith.constant 0 : i32
        %dma_wait3A_263 = tpu.memref_slice %arg8[%dma_wait3A_261, %dma_wait3A_262] : memref<128x128xf32, #tpu.memory_space<vmem>> -> memref<64x128xf32, #tpu.memory_space<vmem>>
        %dma_wait3A_264 = arith.constant 0 : i32
        %dma_wait3A_265 = arith.constant 0 : i32
        %dma_wait3A_266 = tpu.memref_slice %arg2[%dma_wait3A_264, %dma_wait3A_265] : memref<10240x128xf32, #tpu.memory_space<hbm>> -> memref<10240x128xf32, #tpu.memory_space<hbm>>
        tpu.wait_indirect_dma semaphore(%arg15 : memref<!tpu.dma_semaphore, #tpu.memory_space<semaphore_mem>>) src(%dma_wait3A_266 : memref<10240x128xf32, #tpu.memory_space<hbm>>) dst(%dma_wait3A_263 : memref<64x128xf32, #tpu.memory_space<vmem>>)
        %dma_wait3A_267 = arith.constant 64 : i32
        %dma_wait3A_268 = arith.constant 0 : i32
        %dma_wait3A_269 = tpu.memref_slice %arg8[%dma_wait3A_267, %dma_wait3A_268] : memref<128x128xf32, #tpu.memory_space<vmem>> -> memref<64x128xf32, #tpu.memory_space<vmem>>
        %dma_wait3A_270 = arith.constant 0 : i32
        %dma_wait3A_271 = arith.constant 0 : i32
        %dma_wait3A_272 = tpu.memref_slice %arg2[%dma_wait3A_270, %dma_wait3A_271] : memref<10240x128xf32, #tpu.memory_space<hbm>> -> memref<10240x128xf32, #tpu.memory_space<hbm>>
        tpu.wait_indirect_dma semaphore(%arg15 : memref<!tpu.dma_semaphore, #tpu.memory_space<semaphore_mem>>) src(%dma_wait3A_272 : memref<10240x128xf32, #tpu.memory_space<hbm>>) dst(%dma_wait3A_269 : memref<64x128xf32, #tpu.memory_space<vmem>>)
        "tpu.region"() ({
          %run_scoped3A = tpu.sem_alloc : memref<!tpu.dma_semaphore, #tpu.memory_space<semaphore_mem>>
          %dma_start3A_289 = arith.constant 0 : i32
          %dma_start3A_290 = tpu.memref_slice %arg7[%mul3A_206, %dma_start3A_289] : memref<40x128xi32, #tpu.memory_space<vmem>> -> memref<1x128xi32, #tpu.memory_space<vmem>>
          %dma_start3A_291 = tpu.memref_squeeze %dma_start3A_290 : memref<1x128xi32, #tpu.memory_space<vmem>> -> memref<128xi32, #tpu.memory_space<vmem>>
          %dma_start3A_292 = arith.constant 0 : i32
          %dma_start3A_293 = arith.constant 0 : i32
          %dma_start3A_294 = tpu.memref_slice %arg14[%dma_start3A_292, %dma_start3A_293] : memref<10240x128xf32, #tpu.memory_space<vmem_shared>> -> memref<10240x128xf32, #tpu.memory_space<vmem_shared>>
          tpu.enqueue_indirect_dma source(%arg8 : memref<128x128xf32, #tpu.memory_space<vmem>>) target(%dma_start3A_294 : memref<10240x128xf32, #tpu.memory_space<vmem_shared>>) offsets(%dma_start3A_291 : memref<128xi32, #tpu.memory_space<vmem>>) semaphore(%run_scoped3A : memref<!tpu.dma_semaphore, #tpu.memory_space<semaphore_mem>>) {add = true}
          %dma_wait3A_295 = arith.constant 0 : i32
          %dma_wait3A_296 = tpu.memref_slice %arg7[%mul3A_206, %dma_wait3A_295] : memref<40x128xi32, #tpu.memory_space<vmem>> -> memref<1x128xi32, #tpu.memory_space<vmem>>
          %dma_wait3A_297 = tpu.memref_squeeze %dma_wait3A_296 : memref<1x128xi32, #tpu.memory_space<vmem>> -> memref<128xi32, #tpu.memory_space<vmem>>
          %dma_wait3A_298 = arith.constant 0 : i32
          %dma_wait3A_299 = arith.constant 0 : i32
          %dma_wait3A_300 = tpu.memref_slice %arg14[%dma_wait3A_298, %dma_wait3A_299] : memref<10240x128xf32, #tpu.memory_space<vmem_shared>> -> memref<10240x128xf32, #tpu.memory_space<vmem_shared>>
          tpu.wait_indirect_dma semaphore(%run_scoped3A : memref<!tpu.dma_semaphore, #tpu.memory_space<semaphore_mem>>) src(%arg8 : memref<128x128xf32, #tpu.memory_space<vmem>>) dst(%dma_wait3A_300 : memref<10240x128xf32, #tpu.memory_space<vmem_shared>>)
          tpu.yield
        }) : () -> ()
        %lt3A = arith.constant 19 : i32
        %lt3A_273 = arith.cmpi slt, %scan3A_204, %lt3A : i32
        %convert_element_type3A = arith.extui %lt3A_273 : i1 to i32
        %cond3A = arith.constant 0 : i32
        %cond3A_274 = arith.cmpi ne, %convert_element_type3A, %cond3A : i32
        scf.if %cond3A_274 {
          %add3A_289 = arith.constant 2 : i32
          %add3A_290 = arith.addi %mul3A_206, %add3A_289 : i32
          %get3A_291 = arith.index_cast %add3A_290 : i32 to index
          %get3A_292 = arith.constant 0 : index
          %get3A_293 = tpu.vector_load %arg6[%get3A_291, %get3A_292] {strides = array<i32>} : memref<40x128xi32, #tpu.memory_space<vmem>>, vector<16xi32>,
          %swap3A_294 = arith.constant 0 : index
          %swap3A_295 = tpu.vector_load %arg10[%swap3A_294] {strides = array<i32>} : memref<64xi32, #tpu.memory_space<vmem>>, vector<16xi32>,
          tpu.vector_store %arg10[%swap3A_294], %get3A_293 {strides = array<i32>} : memref<64xi32, #tpu.memory_space<vmem>>, vector<16xi32>,
          %get3A_296 = arith.index_cast %add3A_290 : i32 to index
          %get3A_297 = arith.constant 64 : index
          %get3A_298 = tpu.vector_load %arg6[%get3A_296, %get3A_297] {strides = array<i32>} : memref<40x128xi32, #tpu.memory_space<vmem>>, vector<16xi32>,
          %swap3A_299 = arith.constant 0 : index
          %swap3A_300 = tpu.vector_load %arg11[%swap3A_299] {strides = array<i32>} : memref<64xi32, #tpu.memory_space<vmem>>, vector<16xi32>,
          tpu.vector_store %arg11[%swap3A_299], %get3A_298 {strides = array<i32>} : memref<64xi32, #tpu.memory_space<vmem>>, vector<16xi32>,
          %get3A_301 = arith.index_cast %add3A_290 : i32 to index
          %get3A_302 = arith.constant 16 : index
          %get3A_303 = tpu.vector_load %arg6[%get3A_301, %get3A_302] {strides = array<i32>} : memref<40x128xi32, #tpu.memory_space<vmem>>, vector<16xi32>,
          %swap3A_304 = arith.constant 16 : index
          %swap3A_305 = tpu.vector_load %arg10[%swap3A_304] {strides = array<i32>} : memref<64xi32, #tpu.memory_space<vmem>>, vector<16xi32>,
          tpu.vector_store %arg10[%swap3A_304], %get3A_303 {strides = array<i32>} : memref<64xi32, #tpu.memory_space<vmem>>, vector<16xi32>,
          %get3A_306 = arith.index_cast %add3A_290 : i32 to index
          %get3A_307 = arith.constant 80 : index
          %get3A_308 = tpu.vector_load %arg6[%get3A_306, %get3A_307] {strides = array<i32>} : memref<40x128xi32, #tpu.memory_space<vmem>>, vector<16xi32>,
          %swap3A_309 = arith.constant 16 : index
          %swap3A_310 = tpu.vector_load %arg11[%swap3A_309] {strides = array<i32>} : memref<64xi32, #tpu.memory_space<vmem>>, vector<16xi32>,
          tpu.vector_store %arg11[%swap3A_309], %get3A_308 {strides = array<i32>} : memref<64xi32, #tpu.memory_space<vmem>>, vector<16xi32>,
          %get3A_311 = arith.index_cast %add3A_290 : i32 to index
          %get3A_312 = arith.constant 32 : index
          %get3A_313 = tpu.vector_load %arg6[%get3A_311, %get3A_312] {strides = array<i32>} : memref<40x128xi32, #tpu.memory_space<vmem>>, vector<16xi32>,
          %swap3A_314 = arith.constant 32 : index
          %swap3A_315 = tpu.vector_load %arg10[%swap3A_314] {strides = array<i32>} : memref<64xi32, #tpu.memory_space<vmem>>, vector<16xi32>,
          tpu.vector_store %arg10[%swap3A_314], %get3A_313 {strides = array<i32>} : memref<64xi32, #tpu.memory_space<vmem>>, vector<16xi32>,
          %get3A_316 = arith.index_cast %add3A_290 : i32 to index
          %get3A_317 = arith.constant 96 : index
          %get3A_318 = tpu.vector_load %arg6[%get3A_316, %get3A_317] {strides = array<i32>} : memref<40x128xi32, #tpu.memory_space<vmem>>, vector<16xi32>,
          %swap3A_319 = arith.constant 32 : index
          %swap3A_320 = tpu.vector_load %arg11[%swap3A_319] {strides = array<i32>} : memref<64xi32, #tpu.memory_space<vmem>>, vector<16xi32>,
          tpu.vector_store %arg11[%swap3A_319], %get3A_318 {strides = array<i32>} : memref<64xi32, #tpu.memory_space<vmem>>, vector<16xi32>,
          %get3A_321 = arith.index_cast %add3A_290 : i32 to index
          %get3A_322 = arith.constant 48 : index
          %get3A_323 = tpu.vector_load %arg6[%get3A_321, %get3A_322] {strides = array<i32>} : memref<40x128xi32, #tpu.memory_space<vmem>>, vector<16xi32>,
          %swap3A_324 = arith.constant 48 : index
          %swap3A_325 = tpu.vector_load %arg10[%swap3A_324] {strides = array<i32>} : memref<64xi32, #tpu.memory_space<vmem>>, vector<16xi32>,
          tpu.vector_store %arg10[%swap3A_324], %get3A_323 {strides = array<i32>} : memref<64xi32, #tpu.memory_space<vmem>>, vector<16xi32>,
          %get3A_326 = arith.index_cast %add3A_290 : i32 to index
          %get3A_327 = arith.constant 112 : index
          %get3A_328 = tpu.vector_load %arg6[%get3A_326, %get3A_327] {strides = array<i32>} : memref<40x128xi32, #tpu.memory_space<vmem>>, vector<16xi32>,
          %swap3A_329 = arith.constant 48 : index
          %swap3A_330 = tpu.vector_load %arg11[%swap3A_329] {strides = array<i32>} : memref<64xi32, #tpu.memory_space<vmem>>, vector<16xi32>,
          tpu.vector_store %arg11[%swap3A_329], %get3A_328 {strides = array<i32>} : memref<64xi32, #tpu.memory_space<vmem>>, vector<16xi32>,
          %dma_start3A_331 = arith.constant 0 : i32
          %dma_start3A_332 = arith.constant 0 : i32
          %dma_start3A_333 = tpu.memref_slice %arg8[%dma_start3A_331, %dma_start3A_332] : memref<128x128xf32, #tpu.memory_space<vmem>> -> memref<64x128xf32, #tpu.memory_space<vmem>>
          %dma_start3A_334 = arith.constant 0 : i32
          %dma_start3A_335 = arith.constant 0 : i32
          %dma_start3A_336 = tpu.memref_slice %arg2[%dma_start3A_334, %dma_start3A_335] : memref<10240x128xf32, #tpu.memory_space<hbm>> -> memref<10240x128xf32, #tpu.memory_space<hbm>>
          tpu.enqueue_indirect_dma source(%dma_start3A_336 : memref<10240x128xf32, #tpu.memory_space<hbm>>) target(%dma_start3A_333 : memref<64x128xf32, #tpu.memory_space<vmem>>) offsets(%arg10 : memref<64xi32, #tpu.memory_space<vmem>>) semaphore(%arg15 : memref<!tpu.dma_semaphore, #tpu.memory_space<semaphore_mem>>)
          %dma_start3A_337 = arith.constant 64 : i32
          %dma_start3A_338 = arith.constant 0 : i32
          %dma_start3A_339 = tpu.memref_slice %arg8[%dma_start3A_337, %dma_start3A_338] : memref<128x128xf32, #tpu.memory_space<vmem>> -> memref<64x128xf32, #tpu.memory_space<vmem>>
          %dma_start3A_340 = arith.constant 0 : i32
          %dma_start3A_341 = arith.constant 0 : i32
          %dma_start3A_342 = tpu.memref_slice %arg2[%dma_start3A_340, %dma_start3A_341] : memref<10240x128xf32, #tpu.memory_space<hbm>> -> memref<10240x128xf32, #tpu.memory_space<hbm>>
          tpu.enqueue_indirect_dma source(%dma_start3A_342 : memref<10240x128xf32, #tpu.memory_space<hbm>>) target(%dma_start3A_339 : memref<64x128xf32, #tpu.memory_space<vmem>>) offsets(%arg11 : memref<64xi32, #tpu.memory_space<vmem>>) semaphore(%arg15 : memref<!tpu.dma_semaphore, #tpu.memory_space<semaphore_mem>>)
        } else {
        }
        %dma_wait3A_275 = arith.constant 0 : i32
        %dma_wait3A_276 = arith.constant 0 : i32
        %dma_wait3A_277 = tpu.memref_slice %arg9[%dma_wait3A_275, %dma_wait3A_276] : memref<128x128xf32, #tpu.memory_space<vmem>> -> memref<64x128xf32, #tpu.memory_space<vmem>>
        %dma_wait3A_278 = arith.constant 0 : i32
        %dma_wait3A_279 = arith.constant 0 : i32
        %dma_wait3A_280 = tpu.memref_slice %arg2[%dma_wait3A_278, %dma_wait3A_279] : memref<10240x128xf32, #tpu.memory_space<hbm>> -> memref<10240x128xf32, #tpu.memory_space<hbm>>
        tpu.wait_indirect_dma semaphore(%arg16 : memref<!tpu.dma_semaphore, #tpu.memory_space<semaphore_mem>>) src(%dma_wait3A_280 : memref<10240x128xf32, #tpu.memory_space<hbm>>) dst(%dma_wait3A_277 : memref<64x128xf32, #tpu.memory_space<vmem>>)
        %dma_wait3A_281 = arith.constant 64 : i32
        %dma_wait3A_282 = arith.constant 0 : i32
        %dma_wait3A_283 = tpu.memref_slice %arg9[%dma_wait3A_281, %dma_wait3A_282] : memref<128x128xf32, #tpu.memory_space<vmem>> -> memref<64x128xf32, #tpu.memory_space<vmem>>
        %dma_wait3A_284 = arith.constant 0 : i32
        %dma_wait3A_285 = arith.constant 0 : i32
        %dma_wait3A_286 = tpu.memref_slice %arg2[%dma_wait3A_284, %dma_wait3A_285] : memref<10240x128xf32, #tpu.memory_space<hbm>> -> memref<10240x128xf32, #tpu.memory_space<hbm>>
        tpu.wait_indirect_dma semaphore(%arg16 : memref<!tpu.dma_semaphore, #tpu.memory_space<semaphore_mem>>) src(%dma_wait3A_286 : memref<10240x128xf32, #tpu.memory_space<hbm>>) dst(%dma_wait3A_283 : memref<64x128xf32, #tpu.memory_space<vmem>>)
        %add3A_287 = arith.constant 1 : i32
        %add3A_288 = arith.addi %mul3A_206, %add3A_287 : i32
        "tpu.region"() ({
          %run_scoped3A = tpu.sem_alloc : memref<!tpu.dma_semaphore, #tpu.memory_space<semaphore_mem>>
          %dma_start3A_289 = arith.constant 0 : i32
          %dma_start3A_290 = tpu.memref_slice %arg7[%add3A_288, %dma_start3A_289] : memref<40x128xi32, #tpu.memory_space<vmem>> -> memref<1x128xi32, #tpu.memory_space<vmem>>
          %dma_start3A_291 = tpu.memref_squeeze %dma_start3A_290 : memref<1x128xi32, #tpu.memory_space<vmem>> -> memref<128xi32, #tpu.memory_space<vmem>>
          %dma_start3A_292 = arith.constant 0 : i32
          %dma_start3A_293 = arith.constant 0 : i32
          %dma_start3A_294 = tpu.memref_slice %arg14[%dma_start3A_292, %dma_start3A_293] : memref<10240x128xf32, #tpu.memory_space<vmem_shared>> -> memref<10240x128xf32, #tpu.memory_space<vmem_shared>>
          tpu.enqueue_indirect_dma source(%arg9 : memref<128x128xf32, #tpu.memory_space<vmem>>) target(%dma_start3A_294 : memref<10240x128xf32, #tpu.memory_space<vmem_shared>>) offsets(%dma_start3A_291 : memref<128xi32, #tpu.memory_space<vmem>>) semaphore(%run_scoped3A : memref<!tpu.dma_semaphore, #tpu.memory_space<semaphore_mem>>) {add = true}
          %dma_wait3A_295 = arith.constant 0 : i32
          %dma_wait3A_296 = tpu.memref_slice %arg7[%add3A_288, %dma_wait3A_295] : memref<40x128xi32, #tpu.memory_space<vmem>> -> memref<1x128xi32, #tpu.memory_space<vmem>>
          %dma_wait3A_297 = tpu.memref_squeeze %dma_wait3A_296 : memref<1x128xi32, #tpu.memory_space<vmem>> -> memref<128xi32, #tpu.memory_space<vmem>>
          %dma_wait3A_298 = arith.constant 0 : i32
          %dma_wait3A_299 = arith.constant 0 : i32
          %dma_wait3A_300 = tpu.memref_slice %arg14[%dma_wait3A_298, %dma_wait3A_299] : memref<10240x128xf32, #tpu.memory_space<vmem_shared>> -> memref<10240x128xf32, #tpu.memory_space<vmem_shared>>
          tpu.wait_indirect_dma semaphore(%run_scoped3A : memref<!tpu.dma_semaphore, #tpu.memory_space<semaphore_mem>>) src(%arg9 : memref<128x128xf32, #tpu.memory_space<vmem>>) dst(%dma_wait3A_300 : memref<10240x128xf32, #tpu.memory_space<vmem_shared>>)
          tpu.yield
        }) : () -> ()
      }
      %scan3A_203 = arith.constant 20 : i32
    }
    %scan3A_30 = arith.constant 2 : i32
    %barrier3A_31 = arith.constant 0 : index
    tpu.barrier barrier_id(%barrier3A_31)
    %mul3A_32 = arith.constant 640 : i32
    %mul3A_33 = arith.muli %arg1, %mul3A_32 : i32
    %add3A_34 = arith.constant 0 : i32
    %add3A_35 = arith.addi %mul3A_33, %add3A_34 : i32
    %dma_start3A = arith.constant 0 : i32
    %dma_start3A_36 = tpu.memref_slice %arg14[%add3A_35, %dma_start3A] : memref<10240x128xf32, #tpu.memory_space<vmem_shared>> -> memref<128x128xf32, #tpu.memory_space<vmem_shared>>
    %dma_start3A_37 = arith.constant 0 : i32
    %dma_start3A_38 = tpu.memref_slice %arg14[%add3A_35, %dma_start3A_37] : memref<10240x128xf32, #tpu.memory_space<vmem_shared>> -> memref<128x128xf32, #tpu.memory_space<vmem_shared>>
    tpu.enqueue_dma source(%dma_start3A_38 : memref<128x128xf32, #tpu.memory_space<vmem_shared>>) target(%arg8 : memref<128x128xf32, #tpu.memory_space<vmem>>) target_semaphore(%arg15 : memref<!tpu.dma_semaphore, #tpu.memory_space<semaphore_mem>>)
    %mul3A_39 = arith.constant 640 : i32
    %mul3A_40 = arith.muli %arg1, %mul3A_39 : i32
    %add3A_41 = arith.constant 128 : i32
    %add3A_42 = arith.addi %mul3A_40, %add3A_41 : i32
    %dma_start3A_43 = arith.constant 0 : i32
    %dma_start3A_44 = tpu.memref_slice %arg14[%add3A_42, %dma_start3A_43] : memref<10240x128xf32, #tpu.memory_space<vmem_shared>> -> memref<128x128xf32, #tpu.memory_space<vmem_shared>>
    %dma_start3A_45 = arith.constant 0 : i32
    %dma_start3A_46 = tpu.memref_slice %arg14[%add3A_42, %dma_start3A_45] : memref<10240x128xf32, #tpu.memory_space<vmem_shared>> -> memref<128x128xf32, #tpu.memory_space<vmem_shared>>
    tpu.enqueue_dma source(%dma_start3A_46 : memref<128x128xf32, #tpu.memory_space<vmem_shared>>) target(%arg9 : memref<128x128xf32, #tpu.memory_space<vmem>>) target_semaphore(%arg16 : memref<!tpu.dma_semaphore, #tpu.memory_space<semaphore_mem>>)
    %mul3A_47 = arith.constant 640 : i32
    %mul3A_48 = arith.muli %arg1, %mul3A_47 : i32
    %dma_wait3A = arith.constant 0 : i32
    %dma_wait3A_49 = tpu.memref_slice %arg14[%mul3A_48, %dma_wait3A] : memref<10240x128xf32, #tpu.memory_space<vmem_shared>> -> memref<128x128xf32, #tpu.memory_space<vmem_shared>>
    %dma_wait3A_50 = arith.constant 0 : i32
    %dma_wait3A_51 = tpu.memref_slice %arg14[%mul3A_48, %dma_wait3A_50] : memref<10240x128xf32, #tpu.memory_space<vmem_shared>> -> memref<128x128xf32, #tpu.memory_space<vmem_shared>>
    tpu.wait_dma2 semaphore(%arg15 : memref<!tpu.dma_semaphore, #tpu.memory_space<semaphore_mem>>) src(%dma_wait3A_51 : memref<128x128xf32, #tpu.memory_space<vmem_shared>>) dst(%arg8 : memref<128x128xf32, #tpu.memory_space<vmem>>)
    %mul3A_52 = arith.constant 10240 : i32
    %mul3A_53 = arith.muli %arg0, %mul3A_52 : i32
    %mul3A_54 = arith.constant 640 : i32
    %mul3A_55 = arith.muli %arg1, %mul3A_54 : i32
    %add3A_56 = arith.addi %mul3A_53, %mul3A_55 : i32
    %add3A_57 = arith.constant 0 : i32
    %add3A_58 = arith.addi %add3A_56, %add3A_57 : i32
    "tpu.region"() ({
      %run_scoped3A = tpu.sem_alloc : memref<!tpu.dma_semaphore, #tpu.memory_space<semaphore_mem>>
      %dma_start3A_135 = arith.constant 0 : i32
      %dma_start3A_136 = tpu.memref_slice %arg5[%add3A_58, %dma_start3A_135] : memref<20480x128xf32, #tpu.memory_space<hbm>> -> memref<128x128xf32, #tpu.memory_space<hbm>>
      %dma_start3A_137 = arith.constant 0 : i32
      %dma_start3A_138 = tpu.memref_slice %arg5[%add3A_58, %dma_start3A_137] : memref<20480x128xf32, #tpu.memory_space<hbm>> -> memref<128x128xf32, #tpu.memory_space<hbm>>
      tpu.enqueue_dma source(%arg8 : memref<128x128xf32, #tpu.memory_space<vmem>>) target(%dma_start3A_138 : memref<128x128xf32, #tpu.memory_space<hbm>>) target_semaphore(%run_scoped3A : memref<!tpu.dma_semaphore, #tpu.memory_space<semaphore_mem>>)
      %dma_wait3A_139 = arith.constant 0 : i32
      %dma_wait3A_140 = tpu.memref_slice %arg5[%add3A_58, %dma_wait3A_139] : memref<20480x128xf32, #tpu.memory_space<hbm>> -> memref<128x128xf32, #tpu.memory_space<hbm>>
      %dma_wait3A_141 = arith.constant 0 : i32
      %dma_wait3A_142 = tpu.memref_slice %arg5[%add3A_58, %dma_wait3A_141] : memref<20480x128xf32, #tpu.memory_space<hbm>> -> memref<128x128xf32, #tpu.memory_space<hbm>>
      tpu.wait_dma2 semaphore(%run_scoped3A : memref<!tpu.dma_semaphore, #tpu.memory_space<semaphore_mem>>) src(%arg8 : memref<128x128xf32, #tpu.memory_space<vmem>>) dst(%dma_wait3A_142 : memref<128x128xf32, #tpu.memory_space<hbm>>)
      tpu.yield
    }) : () -> ()
    %mul3A_59 = arith.constant 640 : i32
    %mul3A_60 = arith.muli %arg1, %mul3A_59 : i32
    %add3A_61 = arith.constant 256 : i32
    %add3A_62 = arith.addi %mul3A_60, %add3A_61 : i32
    %dma_start3A_63 = arith.constant 0 : i32
    %dma_start3A_64 = tpu.memref_slice %arg14[%add3A_62, %dma_start3A_63] : memref<10240x128xf32, #tpu.memory_space<vmem_shared>> -> memref<128x128xf32, #tpu.memory_space<vmem_shared>>
    %dma_start3A_65 = arith.constant 0 : i32
    %dma_start3A_66 = tpu.memref_slice %arg14[%add3A_62, %dma_start3A_65] : memref<10240x128xf32, #tpu.memory_space<vmem_shared>> -> memref<128x128xf32, #tpu.memory_space<vmem_shared>>
    tpu.enqueue_dma source(%dma_start3A_66 : memref<128x128xf32, #tpu.memory_space<vmem_shared>>) target(%arg8 : memref<128x128xf32, #tpu.memory_space<vmem>>) target_semaphore(%arg15 : memref<!tpu.dma_semaphore, #tpu.memory_space<semaphore_mem>>)
    %mul3A_67 = arith.constant 640 : i32
    %mul3A_68 = arith.muli %arg1, %mul3A_67 : i32
    %dma_wait3A_69 = arith.constant 0 : i32
    %dma_wait3A_70 = tpu.memref_slice %arg14[%mul3A_68, %dma_wait3A_69] : memref<10240x128xf32, #tpu.memory_space<vmem_shared>> -> memref<128x128xf32, #tpu.memory_space<vmem_shared>>
    %dma_wait3A_71 = arith.constant 0 : i32
    %dma_wait3A_72 = tpu.memref_slice %arg14[%mul3A_68, %dma_wait3A_71] : memref<10240x128xf32, #tpu.memory_space<vmem_shared>> -> memref<128x128xf32, #tpu.memory_space<vmem_shared>>
    tpu.wait_dma2 semaphore(%arg16 : memref<!tpu.dma_semaphore, #tpu.memory_space<semaphore_mem>>) src(%dma_wait3A_72 : memref<128x128xf32, #tpu.memory_space<vmem_shared>>) dst(%arg9 : memref<128x128xf32, #tpu.memory_space<vmem>>)
    %mul3A_73 = arith.constant 10240 : i32
    %mul3A_74 = arith.muli %arg0, %mul3A_73 : i32
    %mul3A_75 = arith.constant 640 : i32
    %mul3A_76 = arith.muli %arg1, %mul3A_75 : i32
    %add3A_77 = arith.addi %mul3A_74, %mul3A_76 : i32
    %add3A_78 = arith.constant 128 : i32
    %add3A_79 = arith.addi %add3A_77, %add3A_78 : i32
    "tpu.region"() ({
      %run_scoped3A = tpu.sem_alloc : memref<!tpu.dma_semaphore, #tpu.memory_space<semaphore_mem>>
      %dma_start3A_135 = arith.constant 0 : i32
      %dma_start3A_136 = tpu.memref_slice %arg5[%add3A_79, %dma_start3A_135] : memref<20480x128xf32, #tpu.memory_space<hbm>> -> memref<128x128xf32, #tpu.memory_space<hbm>>
      %dma_start3A_137 = arith.constant 0 : i32
      %dma_start3A_138 = tpu.memref_slice %arg5[%add3A_79, %dma_start3A_137] : memref<20480x128xf32, #tpu.memory_space<hbm>> -> memref<128x128xf32, #tpu.memory_space<hbm>>
      tpu.enqueue_dma source(%arg9 : memref<128x128xf32, #tpu.memory_space<vmem>>) target(%dma_start3A_138 : memref<128x128xf32, #tpu.memory_space<hbm>>) target_semaphore(%run_scoped3A : memref<!tpu.dma_semaphore, #tpu.memory_space<semaphore_mem>>)
      %dma_wait3A_139 = arith.constant 0 : i32
      %dma_wait3A_140 = tpu.memref_slice %arg5[%add3A_79, %dma_wait3A_139] : memref<20480x128xf32, #tpu.memory_space<hbm>> -> memref<128x128xf32, #tpu.memory_space<hbm>>
      %dma_wait3A_141 = arith.constant 0 : i32
      %dma_wait3A_142 = tpu.memref_slice %arg5[%add3A_79, %dma_wait3A_141] : memref<20480x128xf32, #tpu.memory_space<hbm>> -> memref<128x128xf32, #tpu.memory_space<hbm>>
      tpu.wait_dma2 semaphore(%run_scoped3A : memref<!tpu.dma_semaphore, #tpu.memory_space<semaphore_mem>>) src(%arg9 : memref<128x128xf32, #tpu.memory_space<vmem>>) dst(%dma_wait3A_142 : memref<128x128xf32, #tpu.memory_space<hbm>>)
      tpu.yield
    }) : () -> ()
    %mul3A_80 = arith.constant 640 : i32
    %mul3A_81 = arith.muli %arg1, %mul3A_80 : i32
    %add3A_82 = arith.constant 384 : i32
    %add3A_83 = arith.addi %mul3A_81, %add3A_82 : i32
    %dma_start3A_84 = arith.constant 0 : i32
    %dma_start3A_85 = tpu.memref_slice %arg14[%add3A_83, %dma_start3A_84] : memref<10240x128xf32, #tpu.memory_space<vmem_shared>> -> memref<128x128xf32, #tpu.memory_space<vmem_shared>>
    %dma_start3A_86 = arith.constant 0 : i32
    %dma_start3A_87 = tpu.memref_slice %arg14[%add3A_83, %dma_start3A_86] : memref<10240x128xf32, #tpu.memory_space<vmem_shared>> -> memref<128x128xf32, #tpu.memory_space<vmem_shared>>
    tpu.enqueue_dma source(%dma_start3A_87 : memref<128x128xf32, #tpu.memory_space<vmem_shared>>) target(%arg9 : memref<128x128xf32, #tpu.memory_space<vmem>>) target_semaphore(%arg16 : memref<!tpu.dma_semaphore, #tpu.memory_space<semaphore_mem>>)
    %mul3A_88 = arith.constant 640 : i32
    %mul3A_89 = arith.muli %arg1, %mul3A_88 : i32
    %dma_wait3A_90 = arith.constant 0 : i32
    %dma_wait3A_91 = tpu.memref_slice %arg14[%mul3A_89, %dma_wait3A_90] : memref<10240x128xf32, #tpu.memory_space<vmem_shared>> -> memref<128x128xf32, #tpu.memory_space<vmem_shared>>
    %dma_wait3A_92 = arith.constant 0 : i32
    %dma_wait3A_93 = tpu.memref_slice %arg14[%mul3A_89, %dma_wait3A_92] : memref<10240x128xf32, #tpu.memory_space<vmem_shared>> -> memref<128x128xf32, #tpu.memory_space<vmem_shared>>
    tpu.wait_dma2 semaphore(%arg15 : memref<!tpu.dma_semaphore, #tpu.memory_space<semaphore_mem>>) src(%dma_wait3A_93 : memref<128x128xf32, #tpu.memory_space<vmem_shared>>) dst(%arg8 : memref<128x128xf32, #tpu.memory_space<vmem>>)
    %mul3A_94 = arith.constant 10240 : i32
    %mul3A_95 = arith.muli %arg0, %mul3A_94 : i32
    %mul3A_96 = arith.constant 640 : i32
    %mul3A_97 = arith.muli %arg1, %mul3A_96 : i32
    %add3A_98 = arith.addi %mul3A_95, %mul3A_97 : i32
    %add3A_99 = arith.constant 256 : i32
    %add3A_100 = arith.addi %add3A_98, %add3A_99 : i32
    "tpu.region"() ({
      %run_scoped3A = tpu.sem_alloc : memref<!tpu.dma_semaphore, #tpu.memory_space<semaphore_mem>>
      %dma_start3A_135 = arith.constant 0 : i32
      %dma_start3A_136 = tpu.memref_slice %arg5[%add3A_100, %dma_start3A_135] : memref<20480x128xf32, #tpu.memory_space<hbm>> -> memref<128x128xf32, #tpu.memory_space<hbm>>
      %dma_start3A_137 = arith.constant 0 : i32
      %dma_start3A_138 = tpu.memref_slice %arg5[%add3A_100, %dma_start3A_137] : memref<20480x128xf32, #tpu.memory_space<hbm>> -> memref<128x128xf32, #tpu.memory_space<hbm>>
      tpu.enqueue_dma source(%arg8 : memref<128x128xf32, #tpu.memory_space<vmem>>) target(%dma_start3A_138 : memref<128x128xf32, #tpu.memory_space<hbm>>) target_semaphore(%run_scoped3A : memref<!tpu.dma_semaphore, #tpu.memory_space<semaphore_mem>>)
      %dma_wait3A_139 = arith.constant 0 : i32
      %dma_wait3A_140 = tpu.memref_slice %arg5[%add3A_100, %dma_wait3A_139] : memref<20480x128xf32, #tpu.memory_space<hbm>> -> memref<128x128xf32, #tpu.memory_space<hbm>>
      %dma_wait3A_141 = arith.constant 0 : i32
      %dma_wait3A_142 = tpu.memref_slice %arg5[%add3A_100, %dma_wait3A_141] : memref<20480x128xf32, #tpu.memory_space<hbm>> -> memref<128x128xf32, #tpu.memory_space<hbm>>
      tpu.wait_dma2 semaphore(%run_scoped3A : memref<!tpu.dma_semaphore, #tpu.memory_space<semaphore_mem>>) src(%arg8 : memref<128x128xf32, #tpu.memory_space<vmem>>) dst(%dma_wait3A_142 : memref<128x128xf32, #tpu.memory_space<hbm>>)
      tpu.yield
    }) : () -> ()
    %mul3A_101 = arith.constant 640 : i32
    %mul3A_102 = arith.muli %arg1, %mul3A_101 : i32
    %add3A_103 = arith.constant 512 : i32
    %add3A_104 = arith.addi %mul3A_102, %add3A_103 : i32
    %dma_start3A_105 = arith.constant 0 : i32
    %dma_start3A_106 = tpu.memref_slice %arg14[%add3A_104, %dma_start3A_105] : memref<10240x128xf32, #tpu.memory_space<vmem_shared>> -> memref<128x128xf32, #tpu.memory_space<vmem_shared>>
    %dma_start3A_107 = arith.constant 0 : i32
    %dma_start3A_108 = tpu.memref_slice %arg14[%add3A_104, %dma_start3A_107] : memref<10240x128xf32, #tpu.memory_space<vmem_shared>> -> memref<128x128xf32, #tpu.memory_space<vmem_shared>>
    tpu.enqueue_dma source(%dma_start3A_108 : memref<128x128xf32, #tpu.memory_space<vmem_shared>>) target(%arg8 : memref<128x128xf32, #tpu.memory_space<vmem>>) target_semaphore(%arg15 : memref<!tpu.dma_semaphore, #tpu.memory_space<semaphore_mem>>)
    %mul3A_109 = arith.constant 640 : i32
    %mul3A_110 = arith.muli %arg1, %mul3A_109 : i32
    %dma_wait3A_111 = arith.constant 0 : i32
    %dma_wait3A_112 = tpu.memref_slice %arg14[%mul3A_110, %dma_wait3A_111] : memref<10240x128xf32, #tpu.memory_space<vmem_shared>> -> memref<128x128xf32, #tpu.memory_space<vmem_shared>>
    %dma_wait3A_113 = arith.constant 0 : i32
    %dma_wait3A_114 = tpu.memref_slice %arg14[%mul3A_110, %dma_wait3A_113] : memref<10240x128xf32, #tpu.memory_space<vmem_shared>> -> memref<128x128xf32, #tpu.memory_space<vmem_shared>>
    tpu.wait_dma2 semaphore(%arg16 : memref<!tpu.dma_semaphore, #tpu.memory_space<semaphore_mem>>) src(%dma_wait3A_114 : memref<128x128xf32, #tpu.memory_space<vmem_shared>>) dst(%arg9 : memref<128x128xf32, #tpu.memory_space<vmem>>)
    %mul3A_115 = arith.constant 10240 : i32
    %mul3A_116 = arith.muli %arg0, %mul3A_115 : i32
    %mul3A_117 = arith.constant 640 : i32
    %mul3A_118 = arith.muli %arg1, %mul3A_117 : i32
    %add3A_119 = arith.addi %mul3A_116, %mul3A_118 : i32
    %add3A_120 = arith.constant 384 : i32
    %add3A_121 = arith.addi %add3A_119, %add3A_120 : i32
    "tpu.region"() ({
      %run_scoped3A = tpu.sem_alloc : memref<!tpu.dma_semaphore, #tpu.memory_space<semaphore_mem>>
      %dma_start3A_135 = arith.constant 0 : i32
      %dma_start3A_136 = tpu.memref_slice %arg5[%add3A_121, %dma_start3A_135] : memref<20480x128xf32, #tpu.memory_space<hbm>> -> memref<128x128xf32, #tpu.memory_space<hbm>>
      %dma_start3A_137 = arith.constant 0 : i32
      %dma_start3A_138 = tpu.memref_slice %arg5[%add3A_121, %dma_start3A_137] : memref<20480x128xf32, #tpu.memory_space<hbm>> -> memref<128x128xf32, #tpu.memory_space<hbm>>
      tpu.enqueue_dma source(%arg9 : memref<128x128xf32, #tpu.memory_space<vmem>>) target(%dma_start3A_138 : memref<128x128xf32, #tpu.memory_space<hbm>>) target_semaphore(%run_scoped3A : memref<!tpu.dma_semaphore, #tpu.memory_space<semaphore_mem>>)
      %dma_wait3A_139 = arith.constant 0 : i32
      %dma_wait3A_140 = tpu.memref_slice %arg5[%add3A_121, %dma_wait3A_139] : memref<20480x128xf32, #tpu.memory_space<hbm>> -> memref<128x128xf32, #tpu.memory_space<hbm>>
      %dma_wait3A_141 = arith.constant 0 : i32
      %dma_wait3A_142 = tpu.memref_slice %arg5[%add3A_121, %dma_wait3A_141] : memref<20480x128xf32, #tpu.memory_space<hbm>> -> memref<128x128xf32, #tpu.memory_space<hbm>>
      tpu.wait_dma2 semaphore(%run_scoped3A : memref<!tpu.dma_semaphore, #tpu.memory_space<semaphore_mem>>) src(%arg9 : memref<128x128xf32, #tpu.memory_space<vmem>>) dst(%dma_wait3A_142 : memref<128x128xf32, #tpu.memory_space<hbm>>)
      tpu.yield
    }) : () -> ()
    %mul3A_122 = arith.constant 640 : i32
    %mul3A_123 = arith.muli %arg1, %mul3A_122 : i32
    %dma_wait3A_124 = arith.constant 0 : i32
    %dma_wait3A_125 = tpu.memref_slice %arg14[%mul3A_123, %dma_wait3A_124] : memref<10240x128xf32, #tpu.memory_space<vmem_shared>> -> memref<128x128xf32, #tpu.memory_space<vmem_shared>>
    %dma_wait3A_126 = arith.constant 0 : i32
    %dma_wait3A_127 = tpu.memref_slice %arg14[%mul3A_123, %dma_wait3A_126] : memref<10240x128xf32, #tpu.memory_space<vmem_shared>> -> memref<128x128xf32, #tpu.memory_space<vmem_shared>>
    tpu.wait_dma2 semaphore(%arg15 : memref<!tpu.dma_semaphore, #tpu.memory_space<semaphore_mem>>) src(%dma_wait3A_127 : memref<128x128xf32, #tpu.memory_space<vmem_shared>>) dst(%arg8 : memref<128x128xf32, #tpu.memory_space<vmem>>)
    %mul3A_128 = arith.constant 10240 : i32
    %mul3A_129 = arith.muli %arg0, %mul3A_128 : i32
    %mul3A_130 = arith.constant 640 : i32
    %mul3A_131 = arith.muli %arg1, %mul3A_130 : i32
    %add3A_132 = arith.addi %mul3A_129, %mul3A_131 : i32
    %add3A_133 = arith.constant 512 : i32
    %add3A_134 = arith.addi %add3A_132, %add3A_133 : i32
    "tpu.region"() ({
      %run_scoped3A = tpu.sem_alloc : memref<!tpu.dma_semaphore, #tpu.memory_space<semaphore_mem>>
      %dma_start3A_135 = arith.constant 0 : i32
      %dma_start3A_136 = tpu.memref_slice %arg5[%add3A_134, %dma_start3A_135] : memref<20480x128xf32, #tpu.memory_space<hbm>> -> memref<128x128xf32, #tpu.memory_space<hbm>>
      %dma_start3A_137 = arith.constant 0 : i32
      %dma_start3A_138 = tpu.memref_slice %arg5[%add3A_134, %dma_start3A_137] : memref<20480x128xf32, #tpu.memory_space<hbm>> -> memref<128x128xf32, #tpu.memory_space<hbm>>
      tpu.enqueue_dma source(%arg8 : memref<128x128xf32, #tpu.memory_space<vmem>>) target(%dma_start3A_138 : memref<128x128xf32, #tpu.memory_space<hbm>>) target_semaphore(%run_scoped3A : memref<!tpu.dma_semaphore, #tpu.memory_space<semaphore_mem>>)
      %dma_wait3A_139 = arith.constant 0 : i32
      %dma_wait3A_140 = tpu.memref_slice %arg5[%add3A_134, %dma_wait3A_139] : memref<20480x128xf32, #tpu.memory_space<hbm>> -> memref<128x128xf32, #tpu.memory_space<hbm>>
      %dma_wait3A_141 = arith.constant 0 : i32
      %dma_wait3A_142 = tpu.memref_slice %arg5[%add3A_134, %dma_wait3A_141] : memref<20480x128xf32, #tpu.memory_space<hbm>> -> memref<128x128xf32, #tpu.memory_space<hbm>>
      tpu.wait_dma2 semaphore(%run_scoped3A : memref<!tpu.dma_semaphore, #tpu.memory_space<semaphore_mem>>) src(%arg8 : memref<128x128xf32, #tpu.memory_space<vmem>>) dst(%dma_wait3A_142 : memref<128x128xf32, #tpu.memory_space<hbm>>)
      tpu.yield
    }) : () -> ()
    return
  }
}

module attributes {stable_mosaic.version = 14 : i64} {
  func.func @_h0_kernel(%arg0: i32, %arg1: memref<1024x128xf32, #tpu.memory_space<vmem>>, %arg2: memref<128x128xf32, #tpu.memory_space<vmem>>, %arg3: memref<1x128xf32, #tpu.memory_space<vmem>>, %arg4: memref<1024x128xf32, #tpu.memory_space<vmem>>) attributes {dimension_semantics = [#tpu.dimension_semantics<arbitrary>], iteration_bounds = array<i64: 10>, scalar_prefetch = 0 : i64, scratch_operands = 0 : i64, tpu.core_type = #tpu.core_type<tc>, window_params = [{transform_indices = @transform_0, window_bounds = array<i64: 1024, 128>}, {pipeline_mode = #tpu.pipeline_mode<synchronous>, transform_indices = @transform_1, window_bounds = array<i64: 128, 128>}, {pipeline_mode = #tpu.pipeline_mode<synchronous>, transform_indices = @transform_2, window_bounds = array<i64: 1, 128>}, {transform_indices = @transform_3, window_bounds = array<i64: 1024, 128>}]} {
    %get3A = arith.constant 0 : index
    %get3A_0 = arith.constant 0 : index
    %get3A_1 = vector.load %arg1[%get3A, %get3A_0] : memref<1024x128xf32, #tpu.memory_space<vmem>>, vector<1024x128xf32>
    %get3A_2 = arith.constant 0 : index
    %get3A_3 = arith.constant 0 : index
    %get3A_4 = vector.load %arg2[%get3A_2, %get3A_3] : memref<128x128xf32, #tpu.memory_space<vmem>>, vector<128x128xf32>
    %dot_general3A = arith.constant dense<0.000000e+00> : vector<1024x128xf32>
    %dot_general3A_5 = tpu.matmul %get3A_1, %get3A_4, %dot_general3A {dimension_numbers = #tpu.dot_dimension_numbers<[1], [0], [0], [1], [0, 0, 1, 1], [], []>, transpose_lhs_hint = false} : vector<1024x128xf32>, vector<128x128xf32>, vector<1024x128xf32> -> vector<1024x128xf32>
    %get3A_6 = arith.constant 0 : index
    %get3A_7 = arith.constant 0 : index
    %get3A_8 = vector.load %arg3[%get3A_6, %get3A_7] : memref<1x128xf32, #tpu.memory_space<vmem>>, vector<1x128xf32>
    %add3A = vector.broadcast %get3A_8 : vector<1x128xf32> to vector<1024x128xf32>
    %add3A_9 = arith.addf %dot_general3A_5, %add3A : vector<1024x128xf32>
    %max3A = arith.constant 0.000000e+00 : f32
    %max3A_10 = vector.broadcast %max3A : f32 to vector<1024x128xf32>
    %max3A_11 = arith.maximumf %add3A_9, %max3A_10 : vector<1024x128xf32>
    %swap3A = arith.constant 0 : index
    %swap3A_12 = arith.constant 0 : index
    %swap3A_13 = vector.load %arg4[%swap3A, %swap3A_12] : memref<1024x128xf32, #tpu.memory_space<vmem>>, vector<1024x128xf32>
    tpu.vector_store %arg4[%swap3A, %swap3A_12], %max3A_11 {strides = array<i32>} : memref<1024x128xf32, #tpu.memory_space<vmem>>, vector<1024x128xf32>,
    return
  }
  func.func @transform_0(%arg0: i32) -> (i32, i32) {
    %c0_i32 = arith.constant 0 : i32
    %c0_i32_0 = arith.constant 0 : i32
    return %arg0, %c0_i32 : i32, i32
  }
  func.func @transform_1(%arg0: i32) -> (i32, i32) {
    %c0_i32 = arith.constant 0 : i32
    %c0_i32_0 = arith.constant 0 : i32
    %c0_i32_1 = arith.constant 0 : i32
    return %c0_i32, %c0_i32_0 : i32, i32
  }
  func.func @transform_2(%arg0: i32) -> (i32, i32) {
    %c0_i32 = arith.constant 0 : i32
    %c0_i32_0 = arith.constant 0 : i32
    %c0_i32_1 = arith.constant 0 : i32
    return %c0_i32, %c0_i32_0 : i32, i32
  }
  func.func @transform_3(%arg0: i32) -> (i32, i32) {
    %c0_i32 = arith.constant 0 : i32
    %c0_i32_0 = arith.constant 0 : i32
    return %arg0, %c0_i32 : i32, i32
  }
}

module attributes {stable_mosaic.version = 14 : i64} {
  func.func @_dis_kernel(%arg0: i32, %arg1: memref<32x10240xf32, #tpu.memory_space<vmem>>, %arg2: memref<10240x1xf32, #tpu.memory_space<vmem>>) attributes {dimension_semantics = [#tpu.dimension_semantics<arbitrary>], iteration_bounds = array<i64: 1>, scalar_prefetch = 0 : i64, scratch_operands = 0 : i64, tpu.core_type = #tpu.core_type<tc>, window_params = [{pipeline_mode = #tpu.pipeline_mode<synchronous>, transform_indices = @transform_0, window_bounds = array<i64: 32, 10240>}, {pipeline_mode = #tpu.pipeline_mode<synchronous>, transform_indices = @transform_1, window_bounds = array<i64: 10240, 1>}]} {
    %broadcast_in_dim3A = arith.constant 1.000000e+00 : f32
    %broadcast_in_dim3A_0 = vector.broadcast %broadcast_in_dim3A : f32 to vector<32x1xf32>
    %get3A = arith.constant 0 : index
    %get3A_1 = arith.constant 0 : index
    %get3A_2 = vector.load %arg1[%get3A, %get3A_1] : memref<32x10240xf32, #tpu.memory_space<vmem>>, vector<32x10240xf32>
    %dot_general3A = arith.constant dense<0.000000e+00> : vector<10240x1xf32>
    %dot_general3A_3 = tpu.matmul %get3A_2, %broadcast_in_dim3A_0, %dot_general3A {dimension_numbers = #tpu.dot_dimension_numbers<[0], [0], [1], [1], [0, 1, 1, 1], [], []>, transpose_lhs_hint = false} : vector<32x10240xf32>, vector<32x1xf32>, vector<10240x1xf32> -> vector<10240x1xf32>
    %add3A = arith.constant 1.000000e+00 : f32
    %add3A_4 = vector.broadcast %add3A : f32 to vector<10240x1xf32>
    %add3A_5 = arith.addf %dot_general3A_3, %add3A_4 : vector<10240x1xf32>
    %rsqrt3A = math.rsqrt %add3A_5 : vector<10240x1xf32>
    %swap3A = arith.constant 0 : index
    %swap3A_6 = arith.constant 0 : index
    %swap3A_7 = vector.load %arg2[%swap3A, %swap3A_6] : memref<10240x1xf32, #tpu.memory_space<vmem>>, vector<10240x1xf32>
    tpu.vector_store %arg2[%swap3A, %swap3A_6], %rsqrt3A {strides = array<i32>} : memref<10240x1xf32, #tpu.memory_space<vmem>>, vector<10240x1xf32>,
    return
  }
  func.func @transform_0(%arg0: i32) -> (i32, i32) {
    %c0_i32 = arith.constant 0 : i32
    %c0_i32_0 = arith.constant 0 : i32
    %c0_i32_1 = arith.constant 0 : i32
    return %c0_i32, %c0_i32_0 : i32, i32
  }
  func.func @transform_1(%arg0: i32) -> (i32, i32) {
    %c0_i32 = arith.constant 0 : i32
    %c0_i32_0 = arith.constant 0 : i32
    %c0_i32_1 = arith.constant 0 : i32
    return %c0_i32, %c0_i32_0 : i32, i32
  }
}

module attributes {stable_mosaic.version = 14 : i64} {
  func.func @_hw1_kernel(%arg0: i32, %arg1: memref<1024x128xf32, #tpu.memory_space<vmem>>, %arg2: memref<128x128xf32, #tpu.memory_space<vmem>>, %arg3: memref<1024x1xf32, #tpu.memory_space<vmem>>, %arg4: memref<1024x128xf32, #tpu.memory_space<vmem>>) attributes {dimension_semantics = [#tpu.dimension_semantics<arbitrary>], iteration_bounds = array<i64: 10>, scalar_prefetch = 0 : i64, scratch_operands = 0 : i64, tpu.core_type = #tpu.core_type<tc>, window_params = [{transform_indices = @transform_0, window_bounds = array<i64: 1024, 128>}, {pipeline_mode = #tpu.pipeline_mode<synchronous>, transform_indices = @transform_1, window_bounds = array<i64: 128, 128>}, {transform_indices = @transform_2, window_bounds = array<i64: 1024, 1>}, {transform_indices = @transform_3, window_bounds = array<i64: 1024, 128>}]} {
    %get3A = arith.constant 0 : index
    %get3A_0 = arith.constant 0 : index
    %get3A_1 = vector.load %arg1[%get3A, %get3A_0] : memref<1024x128xf32, #tpu.memory_space<vmem>>, vector<1024x128xf32>
    %get3A_2 = arith.constant 0 : index
    %get3A_3 = arith.constant 0 : index
    %get3A_4 = vector.load %arg2[%get3A_2, %get3A_3] : memref<128x128xf32, #tpu.memory_space<vmem>>, vector<128x128xf32>
    %dot_general3A = arith.constant dense<0.000000e+00> : vector<1024x128xf32>
    %dot_general3A_5 = tpu.matmul %get3A_1, %get3A_4, %dot_general3A {dimension_numbers = #tpu.dot_dimension_numbers<[1], [0], [0], [1], [0, 0, 1, 1], [], []>, transpose_lhs_hint = false} : vector<1024x128xf32>, vector<128x128xf32>, vector<1024x128xf32> -> vector<1024x128xf32>
    %get3A_6 = arith.constant 0 : index
    %get3A_7 = arith.constant 0 : index
    %get3A_8 = vector.load %arg3[%get3A_6, %get3A_7] : memref<1024x1xf32, #tpu.memory_space<vmem>>, vector<1024x1xf32>
    %mul3A = vector.broadcast %get3A_8 : vector<1024x1xf32> to vector<1024x128xf32>
    %mul3A_9 = arith.mulf %dot_general3A_5, %mul3A : vector<1024x128xf32>
    %swap3A = arith.constant 0 : index
    %swap3A_10 = arith.constant 0 : index
    %swap3A_11 = vector.load %arg4[%swap3A, %swap3A_10] : memref<1024x128xf32, #tpu.memory_space<vmem>>, vector<1024x128xf32>
    tpu.vector_store %arg4[%swap3A, %swap3A_10], %mul3A_9 {strides = array<i32>} : memref<1024x128xf32, #tpu.memory_space<vmem>>, vector<1024x128xf32>,
    return
  }
  func.func @transform_0(%arg0: i32) -> (i32, i32) {
    %c0_i32 = arith.constant 0 : i32
    %c0_i32_0 = arith.constant 0 : i32
    return %arg0, %c0_i32 : i32, i32
  }
  func.func @transform_1(%arg0: i32) -> (i32, i32) {
    %c0_i32 = arith.constant 0 : i32
    %c0_i32_0 = arith.constant 0 : i32
    %c0_i32_1 = arith.constant 0 : i32
    return %c0_i32, %c0_i32_0 : i32, i32
  }
  func.func @transform_2(%arg0: i32) -> (i32, i32) {
    %add3A = arith.constant 0 : i32
    %add3A_0 = arith.addi %arg0, %add3A : i32
    %c0_i32 = arith.constant 0 : i32
    %c0_i32_1 = arith.constant 0 : i32
    return %add3A_0, %c0_i32 : i32, i32
  }
  func.func @transform_3(%arg0: i32) -> (i32, i32) {
    %c0_i32 = arith.constant 0 : i32
    %c0_i32_0 = arith.constant 0 : i32
    return %arg0, %c0_i32 : i32, i32
  }
}

module attributes {stable_mosaic.version = 14 : i64} {
  func.func @_comb_kernel(%arg0: i32, %arg1: memref<1024x128xf32, #tpu.memory_space<vmem>>, %arg2: memref<1024x128xf32, #tpu.memory_space<vmem>>, %arg3: memref<1024x128xf32, #tpu.memory_space<vmem>>, %arg4: memref<1024x1xf32, #tpu.memory_space<vmem>>, %arg5: memref<1x128xf32, #tpu.memory_space<vmem>>, %arg6: memref<128x128xf32, #tpu.memory_space<vmem>>, %arg7: memref<1024x128xf32, #tpu.memory_space<vmem>>) attributes {dimension_semantics = [#tpu.dimension_semantics<arbitrary>], iteration_bounds = array<i64: 10>, scalar_prefetch = 0 : i64, scratch_operands = 0 : i64, tpu.core_type = #tpu.core_type<tc>, window_params = [{transform_indices = @transform_0, window_bounds = array<i64: 1024, 128>}, {transform_indices = @transform_1, window_bounds = array<i64: 1024, 128>}, {transform_indices = @transform_2, window_bounds = array<i64: 1024, 128>}, {transform_indices = @transform_3, window_bounds = array<i64: 1024, 1>}, {pipeline_mode = #tpu.pipeline_mode<synchronous>, transform_indices = @transform_4, window_bounds = array<i64: 1, 128>}, {pipeline_mode = #tpu.pipeline_mode<synchronous>, transform_indices = @transform_5, window_bounds = array<i64: 128, 128>}, {transform_indices = @transform_6, window_bounds = array<i64: 1024, 128>}]} {
    %get3A = arith.constant 0 : index
    %get3A_0 = arith.constant 0 : index
    %get3A_1 = vector.load %arg4[%get3A, %get3A_0] : memref<1024x1xf32, #tpu.memory_space<vmem>>, vector<1024x1xf32>
    %get3A_2 = arith.constant 0 : index
    %get3A_3 = arith.constant 0 : index
    %get3A_4 = vector.load %arg1[%get3A_2, %get3A_3] : memref<1024x128xf32, #tpu.memory_space<vmem>>, vector<1024x128xf32>
    %get3A_5 = arith.constant 0 : index
    %get3A_6 = arith.constant 0 : index
    %get3A_7 = vector.load %arg2[%get3A_5, %get3A_6] : memref<1024x128xf32, #tpu.memory_space<vmem>>, vector<1024x128xf32>
    %add3A = arith.addf %get3A_4, %get3A_7 : vector<1024x128xf32>
    %get3A_8 = arith.constant 0 : index
    %get3A_9 = arith.constant 0 : index
    %get3A_10 = vector.load %arg3[%get3A_8, %get3A_9] : memref<1024x128xf32, #tpu.memory_space<vmem>>, vector<1024x128xf32>
    %add3A_11 = arith.addf %add3A, %get3A_10 : vector<1024x128xf32>
    %mul3A = vector.broadcast %get3A_1 : vector<1024x1xf32> to vector<1024x128xf32>
    %mul3A_12 = arith.mulf %add3A_11, %mul3A : vector<1024x128xf32>
    %get3A_13 = arith.constant 0 : index
    %get3A_14 = arith.constant 0 : index
    %get3A_15 = vector.load %arg5[%get3A_13, %get3A_14] : memref<1x128xf32, #tpu.memory_space<vmem>>, vector<1x128xf32>
    %add3A_16 = vector.broadcast %get3A_15 : vector<1x128xf32> to vector<1024x128xf32>
    %add3A_17 = arith.addf %mul3A_12, %add3A_16 : vector<1024x128xf32>
    %max3A = arith.constant 0.000000e+00 : f32
    %max3A_18 = vector.broadcast %max3A : f32 to vector<1024x128xf32>
    %max3A_19 = arith.maximumf %add3A_17, %max3A_18 : vector<1024x128xf32>
    %get3A_20 = arith.constant 0 : index
    %get3A_21 = arith.constant 0 : index
    %get3A_22 = vector.load %arg6[%get3A_20, %get3A_21] : memref<128x128xf32, #tpu.memory_space<vmem>>, vector<128x128xf32>
    %dot_general3A = arith.constant dense<0.000000e+00> : vector<1024x128xf32>
    %dot_general3A_23 = tpu.matmul %max3A_19, %get3A_22, %dot_general3A {dimension_numbers = #tpu.dot_dimension_numbers<[1], [0], [0], [1], [0, 0, 1, 1], [], []>, transpose_lhs_hint = false} : vector<1024x128xf32>, vector<128x128xf32>, vector<1024x128xf32> -> vector<1024x128xf32>
    %mul3A_24 = vector.broadcast %get3A_1 : vector<1024x1xf32> to vector<1024x128xf32>
    %mul3A_25 = arith.mulf %dot_general3A_23, %mul3A_24 : vector<1024x128xf32>
    %swap3A = arith.constant 0 : index
    %swap3A_26 = arith.constant 0 : index
    %swap3A_27 = vector.load %arg7[%swap3A, %swap3A_26] : memref<1024x128xf32, #tpu.memory_space<vmem>>, vector<1024x128xf32>
    tpu.vector_store %arg7[%swap3A, %swap3A_26], %mul3A_25 {strides = array<i32>} : memref<1024x128xf32, #tpu.memory_space<vmem>>, vector<1024x128xf32>,
    return
  }
  func.func @transform_0(%arg0: i32) -> (i32, i32) {
    %c0_i32 = arith.constant 0 : i32
    %c0_i32_0 = arith.constant 0 : i32
    return %arg0, %c0_i32 : i32, i32
  }
  func.func @transform_1(%arg0: i32) -> (i32, i32) {
    %c0_i32 = arith.constant 0 : i32
    %c0_i32_0 = arith.constant 0 : i32
    return %arg0, %c0_i32 : i32, i32
  }
  func.func @transform_2(%arg0: i32) -> (i32, i32) {
    %c0_i32 = arith.constant 0 : i32
    %c0_i32_0 = arith.constant 0 : i32
    return %arg0, %c0_i32 : i32, i32
  }
  func.func @transform_3(%arg0: i32) -> (i32, i32) {
    %add3A = arith.constant 0 : i32
    %add3A_0 = arith.addi %arg0, %add3A : i32
    %c0_i32 = arith.constant 0 : i32
    %c0_i32_1 = arith.constant 0 : i32
    return %add3A_0, %c0_i32 : i32, i32
  }
  func.func @transform_4(%arg0: i32) -> (i32, i32) {
    %c0_i32 = arith.constant 0 : i32
    %c0_i32_0 = arith.constant 0 : i32
    %c0_i32_1 = arith.constant 0 : i32
    return %c0_i32, %c0_i32_0 : i32, i32
  }
  func.func @transform_5(%arg0: i32) -> (i32, i32) {
    %c0_i32 = arith.constant 0 : i32
    %c0_i32_0 = arith.constant 0 : i32
    %c0_i32_1 = arith.constant 0 : i32
    return %c0_i32, %c0_i32_0 : i32, i32
  }
  func.func @transform_6(%arg0: i32) -> (i32, i32) {
    %c0_i32 = arith.constant 0 : i32
    %c0_i32_0 = arith.constant 0 : i32
    return %arg0, %c0_i32 : i32, i32
  }
}

module attributes {stable_mosaic.version = 14 : i64} {
  func.func @_final_kernel(%arg0: i32, %arg1: memref<1000x128xf32, #tpu.memory_space<vmem>>, %arg2: memref<1000x128xf32, #tpu.memory_space<vmem>>, %arg3: memref<1000x128xf32, #tpu.memory_space<vmem>>, %arg4: memref<1000x1xf32, #tpu.memory_space<vmem>>, %arg5: memref<1000x128xf32, #tpu.memory_space<vmem>>, %arg6: memref<1000x128xf32, #tpu.memory_space<vmem>>, %arg7: memref<1000x128xf32, #tpu.memory_space<vmem>>, %arg8: memref<1000x1xf32, #tpu.memory_space<vmem>>, %arg9: memref<1x128xf32, #tpu.memory_space<vmem>>, %arg10: memref<128x128xf32, #tpu.memory_space<vmem>>, %arg11: memref<128x128xf32, #tpu.memory_space<vmem>>, %arg12: memref<1x128xf32, #tpu.memory_space<vmem>>, %arg13: memref<128x128xf32, #tpu.memory_space<vmem>>, %arg14: memref<1x128xf32, #tpu.memory_space<vmem>>, %arg15: memref<1000x128xf32, #tpu.memory_space<vmem>>) attributes {dimension_semantics = [#tpu.dimension_semantics<arbitrary>], iteration_bounds = array<i64: 5>, scalar_prefetch = 0 : i64, scratch_operands = 0 : i64, tpu.core_type = #tpu.core_type<tc>, window_params = [{transform_indices = @transform_0, window_bounds = array<i64: 1000, 128>}, {transform_indices = @transform_1, window_bounds = array<i64: 1000, 128>}, {transform_indices = @transform_2, window_bounds = array<i64: 1000, 128>}, {transform_indices = @transform_3, window_bounds = array<i64: 1000, 1>}, {transform_indices = @transform_4, window_bounds = array<i64: 1000, 128>}, {transform_indices = @transform_5, window_bounds = array<i64: 1000, 128>}, {transform_indices = @transform_6, window_bounds = array<i64: 1000, 128>}, {transform_indices = @transform_7, window_bounds = array<i64: 1000, 1>}, {pipeline_mode = #tpu.pipeline_mode<synchronous>, transform_indices = @transform_8, window_bounds = array<i64: 1, 128>}, {pipeline_mode = #tpu.pipeline_mode<synchronous>, transform_indices = @transform_9, window_bounds = array<i64: 128, 128>}, {pipeline_mode = #tpu.pipeline_mode<synchronous>, transform_indices = @transform_10, window_bounds = array<i64: 128, 128>}, {pipeline_mode = #tpu.pipeline_mode<synchronous>, transform_indices = @transform_11, window_bounds = array<i64: 1, 128>}, {pipeline_mode = #tpu.pipeline_mode<synchronous>, transform_indices = @transform_12, window_bounds = array<i64: 128, 128>}, {pipeline_mode = #tpu.pipeline_mode<synchronous>, transform_indices = @transform_13, window_bounds = array<i64: 1, 128>}, {transform_indices = @transform_14, window_bounds = array<i64: 1000, 128>}]} {
    %get3A = arith.constant 0 : index
    %get3A_0 = arith.constant 0 : index
    %get3A_1 = vector.load %arg1[%get3A, %get3A_0] : memref<1000x128xf32, #tpu.memory_space<vmem>>, vector<1000x128xf32>
    %get3A_2 = arith.constant 0 : index
    %get3A_3 = arith.constant 0 : index
    %get3A_4 = vector.load %arg2[%get3A_2, %get3A_3] : memref<1000x128xf32, #tpu.memory_space<vmem>>, vector<1000x128xf32>
    %add3A = arith.addf %get3A_1, %get3A_4 : vector<1000x128xf32>
    %get3A_5 = arith.constant 0 : index
    %get3A_6 = arith.constant 0 : index
    %get3A_7 = vector.load %arg3[%get3A_5, %get3A_6] : memref<1000x128xf32, #tpu.memory_space<vmem>>, vector<1000x128xf32>
    %add3A_8 = arith.addf %add3A, %get3A_7 : vector<1000x128xf32>
    %get3A_9 = arith.constant 0 : index
    %get3A_10 = arith.constant 0 : index
    %get3A_11 = vector.load %arg4[%get3A_9, %get3A_10] : memref<1000x1xf32, #tpu.memory_space<vmem>>, vector<1000x1xf32>
    %mul3A = vector.broadcast %get3A_11 : vector<1000x1xf32> to vector<1000x128xf32>
    %mul3A_12 = arith.mulf %add3A_8, %mul3A : vector<1000x128xf32>
    %get3A_13 = arith.constant 0 : index
    %get3A_14 = arith.constant 0 : index
    %get3A_15 = vector.load %arg9[%get3A_13, %get3A_14] : memref<1x128xf32, #tpu.memory_space<vmem>>, vector<1x128xf32>
    %add3A_16 = vector.broadcast %get3A_15 : vector<1x128xf32> to vector<1000x128xf32>
    %add3A_17 = arith.addf %mul3A_12, %add3A_16 : vector<1000x128xf32>
    %max3A = arith.constant 0.000000e+00 : f32
    %max3A_18 = vector.broadcast %max3A : f32 to vector<1000x128xf32>
    %max3A_19 = arith.maximumf %add3A_17, %max3A_18 : vector<1000x128xf32>
    %get3A_20 = arith.constant 0 : index
    %get3A_21 = arith.constant 0 : index
    %get3A_22 = vector.load %arg5[%get3A_20, %get3A_21] : memref<1000x128xf32, #tpu.memory_space<vmem>>, vector<1000x128xf32>
    %get3A_23 = arith.constant 0 : index
    %get3A_24 = arith.constant 0 : index
    %get3A_25 = vector.load %arg6[%get3A_23, %get3A_24] : memref<1000x128xf32, #tpu.memory_space<vmem>>, vector<1000x128xf32>
    %add3A_26 = arith.addf %get3A_22, %get3A_25 : vector<1000x128xf32>
    %get3A_27 = arith.constant 0 : index
    %get3A_28 = arith.constant 0 : index
    %get3A_29 = vector.load %arg7[%get3A_27, %get3A_28] : memref<1000x128xf32, #tpu.memory_space<vmem>>, vector<1000x128xf32>
    %add3A_30 = arith.addf %add3A_26, %get3A_29 : vector<1000x128xf32>
    %get3A_31 = arith.constant 0 : index
    %get3A_32 = arith.constant 0 : index
    %get3A_33 = vector.load %arg8[%get3A_31, %get3A_32] : memref<1000x1xf32, #tpu.memory_space<vmem>>, vector<1000x1xf32>
    %mul3A_34 = vector.broadcast %get3A_33 : vector<1000x1xf32> to vector<1000x128xf32>
    %mul3A_35 = arith.mulf %add3A_30, %mul3A_34 : vector<1000x128xf32>
    %get3A_36 = arith.constant 0 : index
    %get3A_37 = arith.constant 0 : index
    %get3A_38 = vector.load %arg9[%get3A_36, %get3A_37] : memref<1x128xf32, #tpu.memory_space<vmem>>, vector<1x128xf32>
    %add3A_39 = vector.broadcast %get3A_38 : vector<1x128xf32> to vector<1000x128xf32>
    %add3A_40 = arith.addf %mul3A_35, %add3A_39 : vector<1000x128xf32>
    %max3A_41 = arith.constant 0.000000e+00 : f32
    %max3A_42 = vector.broadcast %max3A_41 : f32 to vector<1000x128xf32>
    %max3A_43 = arith.maximumf %add3A_40, %max3A_42 : vector<1000x128xf32>
    %get3A_44 = arith.constant 0 : index
    %get3A_45 = arith.constant 0 : index
    %get3A_46 = vector.load %arg10[%get3A_44, %get3A_45] : memref<128x128xf32, #tpu.memory_space<vmem>>, vector<128x128xf32>
    %dot_general3A = arith.constant dense<0.000000e+00> : vector<1000x128xf32>
    %dot_general3A_47 = tpu.matmul %max3A_19, %get3A_46, %dot_general3A {dimension_numbers = #tpu.dot_dimension_numbers<[1], [0], [0], [1], [0, 0, 1, 1], [], []>, transpose_lhs_hint = false} : vector<1000x128xf32>, vector<128x128xf32>, vector<1000x128xf32> -> vector<1000x128xf32>
    %get3A_48 = arith.constant 0 : index
    %get3A_49 = arith.constant 0 : index
    %get3A_50 = vector.load %arg11[%get3A_48, %get3A_49] : memref<128x128xf32, #tpu.memory_space<vmem>>, vector<128x128xf32>
    %dot_general3A_51 = arith.constant dense<0.000000e+00> : vector<1000x128xf32>
    %dot_general3A_52 = tpu.matmul %max3A_43, %get3A_50, %dot_general3A_51 {dimension_numbers = #tpu.dot_dimension_numbers<[1], [0], [0], [1], [0, 0, 1, 1], [], []>, transpose_lhs_hint = false} : vector<1000x128xf32>, vector<128x128xf32>, vector<1000x128xf32> -> vector<1000x128xf32>
    %add3A_53 = arith.addf %dot_general3A_47, %dot_general3A_52 : vector<1000x128xf32>
    %get3A_54 = arith.constant 0 : index
    %get3A_55 = arith.constant 0 : index
    %get3A_56 = vector.load %arg12[%get3A_54, %get3A_55] : memref<1x128xf32, #tpu.memory_space<vmem>>, vector<1x128xf32>
    %add3A_57 = vector.broadcast %get3A_56 : vector<1x128xf32> to vector<1000x128xf32>
    %add3A_58 = arith.addf %add3A_53, %add3A_57 : vector<1000x128xf32>
    %max3A_59 = arith.constant 0.000000e+00 : f32
    %max3A_60 = vector.broadcast %max3A_59 : f32 to vector<1000x128xf32>
    %max3A_61 = arith.maximumf %add3A_58, %max3A_60 : vector<1000x128xf32>
    %get3A_62 = arith.constant 0 : index
    %get3A_63 = arith.constant 0 : index
    %get3A_64 = vector.load %arg13[%get3A_62, %get3A_63] : memref<128x128xf32, #tpu.memory_space<vmem>>, vector<128x128xf32>
    %dot_general3A_65 = arith.constant dense<0.000000e+00> : vector<1000x128xf32>
    %dot_general3A_66 = tpu.matmul %max3A_61, %get3A_64, %dot_general3A_65 {dimension_numbers = #tpu.dot_dimension_numbers<[1], [0], [0], [1], [0, 0, 1, 1], [], []>, transpose_lhs_hint = false} : vector<1000x128xf32>, vector<128x128xf32>, vector<1000x128xf32> -> vector<1000x128xf32>
    %get3A_67 = arith.constant 0 : index
    %get3A_68 = arith.constant 0 : index
    %get3A_69 = vector.load %arg14[%get3A_67, %get3A_68] : memref<1x128xf32, #tpu.memory_space<vmem>>, vector<1x128xf32>
    %add3A_70 = vector.broadcast %get3A_69 : vector<1x128xf32> to vector<1000x128xf32>
    %add3A_71 = arith.addf %dot_general3A_66, %add3A_70 : vector<1000x128xf32>
    %swap3A = arith.constant 0 : index
    %swap3A_72 = arith.constant 0 : index
    %swap3A_73 = vector.load %arg15[%swap3A, %swap3A_72] : memref<1000x128xf32, #tpu.memory_space<vmem>>, vector<1000x128xf32>
    tpu.vector_store %arg15[%swap3A, %swap3A_72], %add3A_71 {strides = array<i32>} : memref<1000x128xf32, #tpu.memory_space<vmem>>, vector<1000x128xf32>,
    return
  }
  func.func @transform_0(%arg0: i32) -> (i32, i32) {
    %c0_i32 = arith.constant 0 : i32
    %c0_i32_0 = arith.constant 0 : i32
    return %arg0, %c0_i32 : i32, i32
  }
  func.func @transform_1(%arg0: i32) -> (i32, i32) {
    %c0_i32 = arith.constant 0 : i32
    %c0_i32_0 = arith.constant 0 : i32
    return %arg0, %c0_i32 : i32, i32
  }
  func.func @transform_2(%arg0: i32) -> (i32, i32) {
    %c0_i32 = arith.constant 0 : i32
    %c0_i32_0 = arith.constant 0 : i32
    return %arg0, %c0_i32 : i32, i32
  }
  func.func @transform_3(%arg0: i32) -> (i32, i32) {
    %add3A = arith.constant 0 : i32
    %add3A_0 = arith.addi %arg0, %add3A : i32
    %c0_i32 = arith.constant 0 : i32
    %c0_i32_1 = arith.constant 0 : i32
    return %add3A_0, %c0_i32 : i32, i32
  }
  func.func @transform_4(%arg0: i32) -> (i32, i32) {
    %add3A = arith.constant 5 : i32
    %add3A_0 = arith.addi %arg0, %add3A : i32
    %c0_i32 = arith.constant 0 : i32
    %c0_i32_1 = arith.constant 0 : i32
    return %add3A_0, %c0_i32 : i32, i32
  }
  func.func @transform_5(%arg0: i32) -> (i32, i32) {
    %add3A = arith.constant 5 : i32
    %add3A_0 = arith.addi %arg0, %add3A : i32
    %c0_i32 = arith.constant 0 : i32
    %c0_i32_1 = arith.constant 0 : i32
    return %add3A_0, %c0_i32 : i32, i32
  }
  func.func @transform_6(%arg0: i32) -> (i32, i32) {
    %add3A = arith.constant 5 : i32
    %add3A_0 = arith.addi %arg0, %add3A : i32
    %c0_i32 = arith.constant 0 : i32
    %c0_i32_1 = arith.constant 0 : i32
    return %add3A_0, %c0_i32 : i32, i32
  }
  func.func @transform_7(%arg0: i32) -> (i32, i32) {
    %add3A = arith.constant 5 : i32
    %add3A_0 = arith.addi %arg0, %add3A : i32
    %c0_i32 = arith.constant 0 : i32
    %c0_i32_1 = arith.constant 0 : i32
    return %add3A_0, %c0_i32 : i32, i32
  }
  func.func @transform_8(%arg0: i32) -> (i32, i32) {
    %c0_i32 = arith.constant 0 : i32
    %c0_i32_0 = arith.constant 0 : i32
    %c0_i32_1 = arith.constant 0 : i32
    return %c0_i32, %c0_i32_0 : i32, i32
  }
  func.func @transform_9(%arg0: i32) -> (i32, i32) {
    %c0_i32 = arith.constant 0 : i32
    %c0_i32_0 = arith.constant 0 : i32
    %c0_i32_1 = arith.constant 0 : i32
    return %c0_i32, %c0_i32_0 : i32, i32
  }
  func.func @transform_10(%arg0: i32) -> (i32, i32) {
    %c0_i32 = arith.constant 0 : i32
    %c0_i32_0 = arith.constant 0 : i32
    %c0_i32_1 = arith.constant 0 : i32
    return %c0_i32, %c0_i32_0 : i32, i32
  }
  func.func @transform_11(%arg0: i32) -> (i32, i32) {
    %c0_i32 = arith.constant 0 : i32
    %c0_i32_0 = arith.constant 0 : i32
    %c0_i32_1 = arith.constant 0 : i32
    return %c0_i32, %c0_i32_0 : i32, i32
  }
  func.func @transform_12(%arg0: i32) -> (i32, i32) {
    %c0_i32 = arith.constant 0 : i32
    %c0_i32_0 = arith.constant 0 : i32
    %c0_i32_1 = arith.constant 0 : i32
    return %c0_i32, %c0_i32_0 : i32, i32
  }
  func.func @transform_13(%arg0: i32) -> (i32, i32) {
    %c0_i32 = arith.constant 0 : i32
    %c0_i32_0 = arith.constant 0 : i32
    %c0_i32_1 = arith.constant 0 : i32
    return %c0_i32, %c0_i32_0 : i32, i32
  }
  func.func @transform_14(%arg0: i32) -> (i32, i32) {
    %c0_i32 = arith.constant 0 : i32
    %c0_i32_0 = arith.constant 0 : i32
    return %arg0, %c0_i32 : i32, i32
  }
}

</mosaic_0001>

<sc_bundles>
// kernel: kernel.12.cloned.1.call-start
scs
__scs_entry_jumppad:
0x0: {  	(pc) =	sbr.rel $0x88, $3  }
0x1: {  	(tag) =	ssettag $0x0;
	lr =	simm.s32 $0x1  }
0x2: {  	[smem:$0x3F93] =	sst lr;
	_ =	strace $0xD0000000  }
0x3: {  	_ = 	snop  }
0x4: {  	_ = 	snop  }
0x5: {  	_ = 	snop  }
0x6: {  	_ = 	snop  }
0x7: {  	_ = 	snop  }
__scs_overlays_trampoline_lowered:
0x8: {  	[smem:$0x3FA2] =	sst s0  }
0x9: {  	[smem:$0x3FA3] =	sst s1  }
0xa: {  	[smem:$0x3FA4] =	sst s2  }
0xb: {  	[smem:$0x3FA5] =	sst s3  }
0xc: {  	[smem:$0x3FA6] =	sst s4  }
0xd: {  	[smem:$0x3FA7] =	sst s5  }
0xe: {  	[smem:$0x3FA8] =	sst s6  }
0xf: {  	[smem:$0x3FA9] =	sst s7  }
0x10: {  	[smem:$0x3FAA] =	sst s8  }
0x11: {  	[smem:$0x3FAB] =	sst s9;
	s0 =	simm.s32 @!p0 $0x0  }
0x12: {  	s1 =	sld [smem:$0x3F91];
	s0 =	simm.s32 @p0 $0x1  }
0x13: {  	[smem:$0x3FAC] =	sst s0;
	s0 =	simm.s32 @!p1 $0x0  }
0x14: {  	s2 =	sld [smem:$0x3F90];
	s0 =	simm.s32 @p1 $0x1  }
0x15: {  	[smem:$0x3FAD] =	sst s0;
	s0 =	simm.s32 @!p2 $0x0  }
0x16: {  	s3 =	sld [smem:$0x3FDB];
	s0 =	simm.s32 @p2 $0x1  }
0x17: {  	s4 =	simm.s32 $0x1BF5;
	[smem:$0x3FAF] =	sst s0  }
0x18: {  	s0 =	sld [smem:$0x3F92];
	_ =	swait.ge [sflag:s4], $0x0  }
0x19: {  	s7 =	sld [smem:$0x3F93]  }
0x1a: {  	s8 =	sadd.s32 $0xFFFFE003, lr  }
0x1b: {  	s9 =	sadd.s32 $0xFFFFFEF7, lr;
	s5 =	simm.s32 $0xFFFFFFFF;
	p2 =	slt.u32 s8, $0xFFFFF086  }
0x1c: {  	p1 =	slt.u32 s9, $0xF7A;
	s5 =	simm.s32 @!p2 $0x0  }
0x1d: {  	s5 =	simm.s32 @p1 $0x1;
	p0 =	seq.s32 s7, s2  }
0x1e: {  	s7 =	smul.u32 @!p0 $0xF7A, s2;
	p2 =	seq.s32 @!p0 s5, $0x0  }
0x1f: {  	s9 =	smul.u32 $0xF7A, s1;
	s8 =	simm.s32 @!p0 $0x1BF5;
	p2 =	por !p2, p0  }
0x20: {  	[sflag:s8] =	ssyncset.s32 @!p0 $0xFFFFF086;
	s6 =	sadd.s32 @!p0 s3, s7;
	s7 =	simm.s32 @!p0 $0x108  }
0x21: {  	s3 =	sadd.s32 s3, s9;
	s6 =	sadd.s32 @!p0 $0x88, s6;
	s7 =	simm.s32 @p2 $0x1082  }
0x22: {  	[simem:s7], [sflag:s8] =	dma.local @!p0 [hbm:s6], $0xF7A  }
0x23: {  	s9 =	sor.u32 $0xD0000000, s2;
	s6 =	simm.s32 $0x108;
	_ =	swait.ge @!p0 [sflag:s8], $0x0  }
0x24: {  	s3 =	sadd.s32 $0x88, s3;
	s6 =	simm.s32 @!p1 $0x1082;
	[sflag:s4] =	ssyncset.s32 $0xFFFFF086  }
0x25: {  	[simem:s6], [sflag:s4] =	dma.local [hbm:s3], $0xF7A  }
0x26: {  	[smem:$0x3F93] =	sst s1;
	(tag) =	ssettag s2;
	_ =	strace s9  }
0x27: {  	s1 =	sld [smem:$0x3FA3]  }
0x28: {  	s2 =	sld [smem:$0x3FA4]  }
0x29: {  	s4 =	sld [smem:$0x3FA6]  }
0x2a: {  	p0 =	seq.s32 s5, $0x0;
	s5 =	sld [smem:$0x3FA7]  }
0x2b: {  	s6 =	sld [smem:$0x3FA8]  }
0x2c: {  	s7 =	sld [smem:$0x3FA9]  }
0x2d: {  	s3 =	simm.s32 $0x108;
	s8 =	sld [smem:$0x3FAA]  }
0x2e: {  	s3 =	simm.s32 @!p0 $0x1082;
	s9 =	sld [smem:$0x3FAB]  }
0x2f: {  	lr =	sadd.s32 s0, s3;
	s0 =	sld [smem:$0x3FA2]  }
0x30: {  	s3 =	sld [smem:$0x3FA5]  }
0x31: {  	[smem:$0x3FAE] =	sst s10  }
0x32: {  	s10 =	sld [smem:$0x3FAC];
	_ =	sdelay $0x3  }
0x33: {  	p0 =	seq.s32 s10, $0x1;
	s10 =	sld [smem:$0x3FAE];
	_ =	sdelay $0x3  }
0x34: {  	[smem:$0x3FAE] =	sst s10  }
0x35: {  	s10 =	sld [smem:$0x3FAD];
	_ =	sdelay $0x3  }
0x36: {  	p1 =	seq.s32 s10, $0x1;
	s10 =	sld [smem:$0x3FAE];
	_ =	sdelay $0x3  }
0x37: {  	[smem:$0x3FAE] =	sst s10  }
0x38: {  	s10 =	sld [smem:$0x3FAF]  }
0x39: {  	_ = 	snop;
	(pc) =	sbr.ind lr, $3  }
0x3a: {  	_ = 	snop  }
0x3b: {  	_ = 	snop  }
0x3c: {  	p2 =	seq.s32 s10, $0x1;
	s10 =	sld [smem:$0x3FAE]  }
0x3d: {  	_ =	shalt  }
0x3e: {  	_ =	shalt  }
0x3f: {  	_ =	shalt  }
0x40: {  	_ =	shalt  }
0x41: {  	_ =	shalt  }
0x42: {  	_ =	shalt  }
0x43: {  	_ =	shalt  }
0x44: {  	_ =	shalt  }
0x45: {  	_ =	shalt  }
0x46: {  	_ =	shalt  }
0x47: {  	_ =	shalt  }
0x48: {  	_ =	shalt  }
0x49: {  	_ =	shalt  }
0x4a: {  	_ =	shalt  }
0x4b: {  	_ =	shalt  }
0x4c: {  	_ =	shalt  }
0x4d: {  	_ =	shalt  }
0x4e: {  	_ =	shalt  }
0x4f: {  	_ =	shalt  }
0x50: {  	_ =	shalt  }
0x51: {  	_ =	shalt  }
0x52: {  	_ =	shalt  }
0x53: {  	_ =	shalt  }
0x54: {  	_ =	shalt  }
0x55: {  	_ =	shalt  }
0x56: {  	_ =	shalt  }
0x57: {  	_ =	shalt  }
0x58: {  	_ =	shalt  }
0x59: {  	_ =	shalt  }
0x5a: {  	_ =	shalt  }
0x5b: {  	_ =	shalt  }
0x5c: {  	_ =	shalt  }
0x5d: {  	_ =	shalt  }
0x5e: {  	_ =	shalt  }
0x5f: {  	_ =	shalt  }
0x60: {  	_ =	shalt  }
0x61: {  	_ =	shalt  }
0x62: {  	_ =	shalt  }
0x63: {  	_ =	shalt  }
0x64: {  	_ =	shalt  }
0x65: {  	_ =	shalt  }
0x66: {  	_ =	shalt  }
0x67: {  	_ =	shalt  }
0x68: {  	_ =	shalt  }
0x69: {  	_ =	shalt  }
0x6a: {  	_ =	shalt  }
0x6b: {  	_ =	shalt  }
0x6c: {  	_ =	shalt  }
0x6d: {  	_ =	shalt  }
0x6e: {  	_ =	shalt  }
0x6f: {  	_ =	shalt  }
0x70: {  	_ =	shalt  }
0x71: {  	_ =	shalt  }
0x72: {  	_ =	shalt  }
0x73: {  	_ =	shalt  }
0x74: {  	_ =	shalt  }
0x75: {  	_ =	shalt  }
0x76: {  	_ =	shalt  }
0x77: {  	_ =	shalt  }
0x78: {  	_ =	shalt  }
0x79: {  	_ =	shalt  }
0x7a: {  	_ =	shalt  }
0x7b: {  	_ =	shalt  }
0x7c: {  	_ =	shalt  }
0x7d: {  	_ =	shalt  }
0x7e: {  	_ =	shalt  }
0x7f: {  	_ =	shalt  }
0x80: {  	_ =	shalt  }
0x81: {  	_ =	shalt  }
0x82: {  	_ =	shalt  }
0x83: {  	_ =	shalt  }
0x84: {  	_ =	shalt  }
0x85: {  	_ =	shalt  }
0x86: {  	_ =	shalt  }
0x87: {  	_ =	shalt  }
.Lfunc_end0:
.L_simem_size_0:
called_computation_lowered:
.L_overlay_start_0:
0x88: {  	s2 =	sld [smem:$0x3FD9]  }
0x89: {  	s3 =	sld [smem:$0x3FFE];
	_ =	sdelay $0x1  }
0x8a: {  	s1 =	srdreg.scid  }
0x8b: {  	s0 =	sand.u32 $0x1, s1  }
0x8c: {  	s16 =	sshll.u32 s0, $0xA;
	s2 =	sadd.s32 s3, s2  }
0x8d: {  	s2 =	sadd.s32 s2, s16  }
0x8e: {  	[smem:$0x3FBA] =	sst s2  }
0x8f: {  	_ = 	snop  }
0x90: {  	(tm) =	ssettm $0x1  }
0x91: {  	s17 =	sld [smem:$0x3FFB];
	_ =	sdelay $0x3  }
0x92: {  	_ =	strace s17  }
0x93: {  	s2 =	sld [smem:$0x3FFC];
	_ =	sdelay $0x3  }
0x94: {  	_ =	strace s2  }
0x95: {  	s2 =	sld [smem:$0x3FFD];
	_ =	sdelay $0x3  }
0x96: {  	_ =	strace s2  }
0x97: {  	_ =	strace $0x8FFFFFFF  }
0x98: {  	s18 =	sld [smem:$0x3FDB];
	_ =	sdelay $0x1  }
0x99: {  	s19 =	simm.s32 $_scs_section_size  }
0x9a: {  	s4 =	simm.s32 $_size__tile_overlayer_lowered;
	s5 =	simm.s32 $_tile_overlayer_lowered  }
0x9b: {  	s22 =	simm.s32 $0x1BFF;
	s21 =	sshll.u32 s5, $0x1;
	s2 =	sadd.s32 s19, s18  }
0x9c: {  	s6 =	simm.s32 $0x0;
	s20 =	sshll.u32 s4, $0x1;
	s4 =	sadd.s32 s21, s2  }
0x9d: {  	[timem:s6], [sflag:s22] =	dma.local [hbm:s4], s20  }
0x9e: {  	_ =	swait.ge [sflag:s22], s20  }
0x9f: {  	s3 =	ssub.s32 $0x0, s20;
	[sflag:s22] =	ssyncset.done $0x0  }
0xa0: {  	[sflag:s22] =	ssyncadd.s32 s3;
	_ =	sdelay $0x1  }
0xa1: {  	s23 =	simm.s32 $0x1B8B  }
0xa2: {  	_ =	swait.ge [sflag:s23], $0x1  }
0xa3: {  	[sflag:s23] =	ssyncset.done $0x0  }
0xa4: {  	s25 =	simm.s32 $0x1B8E;
	s24 =	sld [smem:$0x3FFE];
	[sflag:s23] =	ssyncadd.s32 $0xFFFFFFFF  }
0xa5: {  	s26 =	simm.s32 $execute0_lowered;
	[smem:$0x3FD2] =	sst s25  }
0xa6: {  	s4 =	sshll.u32 s26, $0x1;
	_ =	strace $0x80000046;
	[dreg:$0x1] =	wrdreg $0xFFFFFFFF  }
0xa7: {  	s28 =	simm.s32 $_size_execute0_lowered;
	s2 =	sadd.s32 s2, s4;
	[dreg:$0x0] =	wrdreg $0x0  }
0xa8: {  	s4 =	sshll.u32 s28, $0x1;
	[dreg:$0x2] =	wrdreg s2  }
0xa9: {  	[dreg:$0x3] =	wrdreg s4  }
0xaa: {  	[dreg:$0x4] =	wrdreg $0xC0  }
0xab: {  	_ =	task [dreg:s6], $0x5FFFF  }
0xac: {  	[dreg:$0x1] =	wrdreg $0xFFFFFFFF  }
0xad: {  	[dreg:$0x0] =	wrdreg $0x60  }
0xae: {  	[dreg:$0x2] =	wrdreg s24  }
0xaf: {  	[dreg:$0x3] =	wrdreg $0x9  }
0xb0: {  	_ =	task.clear_ibuf [dreg:s6], $0x4FFFF;
	_ =	strace $0x90000046  }
0xb1: {  	s29 =	simm.s32 $0x9;
	_ =	strace $0x80000048  }
0xb2: {  	_ =	swait.ge [sflag:s29], $0x1  }
0xb3: {  	[sflag:s29] =	ssyncadd.s32 $0xFFFFFFFF  }
0xb4: {  	_ =	strace $0x90000048  }
0xb5: {  	_ =	sfence  }
0xb6: {  	s30 =	sld [smem:$0x0];
	_ =	sdelay $0x2  }
0xb7: {  	s31 =	sshll.u32 s1, $0xD;
	s1 =	sshrl.u32 s1, $0x2  }
0xb8: {  	s3 =	sand.u32 $0x4000, s31;
	s1 =	sadd.s32 s1, s30  }
0xb9: {  	s0 =	sor.u32 s3, s0;
	s1 =	sshll.u32 s1, $0x11  }
0xba: {  	s0 =	sor.u32 s1, s0  }
0xbb: {  	s0 =	sadd.s32 $0x8F2B, s0  }
0xbc: {  	[sflag:s0] =	ssyncadd.remote.s32 $0x1  }
0xbd: {  	_ =	sfence.sel $0xFFFF  }
0xbe: {  	[dreg:$0x0] =	wrdreg $0xFFFFFFFF;
	(pc) =	sbr.abs _section_cstart, $3  }
0xbf: {  	[dreg:$0x1] =	wrdreg $0xFFFFFFFF  }
0xc0: {  	_ =	task.clear_ibuf [dreg:s6], $0x2FFFF;
	_ =	strace $0x9FFFFFFF  }
0xc1: {  	(tm) =	ssettm $0x7FFFFFFF  }
tec
execute0_lowered:
.L_overlay_start_1:
0x0: {  	(tag) =	ssettag $0x1  }
0x1: {  	s1 =	srdreg.scid  }
0x2: {  	s0 =	stileid.u32;
	s5 =	rddreg [dreg:$0x0]  }
0x3: {  	s2 =	simm.s32 $0x0;
	s8 =	simm.s32 $0x80;
	s9 =	simm.s32 $0x400  }
0x4: {  	s10 =	simm.s32 $0x0;
	s3 =	sand.u32 $0x1, s1;
	s29 =	sshll.u32 s0, $0x1  }
0x5: {  	s30 =	sshrl.u32 s0, $0x2;
	s1 =	rddreg [dreg:$0x1];
	s4 =	sor.u32 s3, s29  }
0x6: {  	[smem:$0x7FF] =	sst s2;
	s6 =	smul.u32 $0x14000, s30;
	s7 =	sshll.u32 s4, $0x7  }
0x7: {  	s3 =	ssub.s32 $0x2, s3;
	s4 =	smul.u32 $0x2800, s4;
	s7 =	sand.u32 $0x380, s7  }
0x8: {  	_ =	strace $0x80000047;
	s31 =	sshrl.u32 s3, $0x1;
	s6 =	sor.u32 s6, s7  }
0x9: {  	s4 =	sadd.s32 s4, s5;
	s7 =	simm.s32 $0x14000;
	s6 =	sshrl.u32 s6, $0x3  }
0xa: {  	s5 =	sadd.s32 s6, s5;
	s6 =	ssub.s32 s3, s31;
	s3 =	sadd.s32 $0xEE00, s4  }
0xb: {  	v0 =	vimm.f32 $0.0e+00;
	v1 =	vimm.f32 $1.000000000e+00;
	s4 =	sadd.s32 $0x5EE00, s5;
	s5 =	smax.u32 s6, $0x1;
	s6 =	simm.s32 $0x1  }
.LBB2_1:
0xc: {  	[tilespmem:s2], [sflag:$0x1] =	stream.linear.gather [hbm4b:s3+s2], $0x14000, $0x38;
	[tilespmem:$0x16800] =	vst v63  }
0xd: {  	_ =	swait.ge [sflag:s6], $0x14000  }
0xe: {  	[sflag:s6] =	ssyncset.done $0x0  }
0xf: {  	s11 =	simm.s32 $0x0;
	[sflag:s6] =	ssyncadd.s32 $0xFFFEC000  }
.LBB2_2:
0x10: {  	p0 =	sne.s32 s11, $0x9FC0  }
.Ltmp0:
0x11: {  	_ = 	snop;
	(pc) =	sbr.rel @p0 .LBB2_2-.Ltmp0, $3  }
0x12: {  	_ =	sdelay $0x1  }
0x13: {  	s12 =	sshra.s32 s11, $0x2  }
0x14: {  	s11 =	sadd.s32 $0x40, s11;
	[tilespmem:s12+$0x14000] =	vst v0  }
0x15: {  	s12 =	simm.s32 $0x0;
	s11 =	simm.s32 $0x200  }
.LBB2_4:
0x16: {  	p0 =	sne.s32 s11, $0x4FE00;
	v2 =	vld [tilespmem:s12+$0x0];
	_ =	sdelay $0x3  }
.Ltmp1:
0x17: {  	(pc) =	sbr.rel @p0 .LBB2_4-.Ltmp1, $2  }
0x18: {  	_ =	sdelay $0x2  }
0x19: {  	s12 =	sshra.s32 s11, $0x2;
	s11 =	sadd.s32 $0x200, s11;
	[tilespmem:v2+s7+$0x0] =	vst.idx.add.f32.msk $0xffff, v1  }
0x1a: {  	v2 =	vld [tilespmem:s12+$0x0];
	_ =	sdelay $0x5  }
0x1b: {  	s10 =	sadd.s32 $0x1, s10  }
0x1c: {  	p0 =	sne.s32 s10, s5  }
.Ltmp2:
0x1d: {  	[tilespmem:v2+s7+$0x0] =	vst.idx.add.f32.msk $0xffff, v1;
	(pc) =	sbr.rel @p0 .LBB2_1-.Ltmp2, $4  }
0x1e: {  	[hbm4b:s4+s8] =	stream.strided.scatter [tilespmem:s7], [sflag:$0x1], $0x2800, s9, s8, $0x38;
	[tilespmem:$0x16800] =	vst v63  }
0x1f: {  	_ =	swait.ge [sflag:s6], $0x2800  }
0x20: {  	[sflag:s6] =	ssyncset.done $0x0  }
0x21: {  	[sflag:s6] =	ssyncadd.s32 $0xFFFFD800  }
0x22: {  	_ =	sfence.sel $0x180000  }
0x23: {  	[bflag:$0x0] =	sbarrier.arrive $0xFFFF  }
0x24: {  	p0 =	sne.s32 s0, $0x0;
	_ =	strace $0x90000047  }
0x25: {  	s0 =	sadd.s32 @!p0 $0x100000, s1;
	[bflag:$0x2] =	sbarrier.arrive $0xFFFF  }
0x26: {  	[sflag:s0] =	ssyncadd.tile.s32 @!p0 $0x1;
	_ =	shalt  }
.Lfunc_end2:
_tile_overlayer_lowered:
.L_overlay_start_2:
0x27: {  	(tag) =	ssettag $0x2  }
0x28: {  	s0 =	rddreg [dreg:$0x0];
	s2 =	stileid.u32  }
0x29: {  	s1 =	rddreg [dreg:$0x1];
	p0 =	sne.s32 s2, $0x0  }
0x2a: {  	s3 =	rddreg [dreg:$0x2];
	[bflag:$0x3] =	sbarrier.arrive $0xFFFF;
	s2 =	simm.s32 @!p0 $0x1C01  }
0x2b: {  	[timem:s3], [sflag:s2] =	dma.local @!p0 [hbm:s0], s1  }
0x2c: {  	s0 =	simm.s32 @!p0 $0x1  }
0x2d: {  	_ =	swait.ge @!p0 [sflag:s0], s1  }
0x2e: {  	s1 =	ssub.s32 @!p0 $0x0, s1;
	[sflag:s0] =	ssyncset.done @!p0 $0x0  }
0x2f: {  	[sflag:s0] =	ssyncadd.s32 @!p0 s1  }
0x30: {  	[bflag:$0x3] =	sbarrier.arrive $0xFFFF  }
0x31: {  	_ =	shalt  }

// kernel: kernel.15.cloned.1.call-start
scs
__scs_entry_jumppad:
0x0: {  	(pc) =	sbr.rel $0x88, $3  }
0x1: {  	(tag) =	ssettag $0x0;
	lr =	simm.s32 $0x1  }
0x2: {  	[smem:$0x3F93] =	sst lr;
	_ =	strace $0xD0000000  }
0x3: {  	_ = 	snop  }
0x4: {  	_ = 	snop  }
0x5: {  	_ = 	snop  }
0x6: {  	_ = 	snop  }
0x7: {  	_ = 	snop  }
__scs_overlays_trampoline_lowered:
0x8: {  	[smem:$0x3FA2] =	sst s0  }
0x9: {  	[smem:$0x3FA3] =	sst s1  }
0xa: {  	[smem:$0x3FA4] =	sst s2  }
0xb: {  	[smem:$0x3FA5] =	sst s3  }
0xc: {  	[smem:$0x3FA6] =	sst s4  }
0xd: {  	[smem:$0x3FA7] =	sst s5  }
0xe: {  	[smem:$0x3FA8] =	sst s6  }
0xf: {  	[smem:$0x3FA9] =	sst s7  }
0x10: {  	[smem:$0x3FAA] =	sst s8  }
0x11: {  	[smem:$0x3FAB] =	sst s9;
	s0 =	simm.s32 @!p0 $0x0  }
0x12: {  	s1 =	sld [smem:$0x3F91];
	s0 =	simm.s32 @p0 $0x1  }
0x13: {  	[smem:$0x3FAC] =	sst s0;
	s0 =	simm.s32 @!p1 $0x0  }
0x14: {  	s2 =	sld [smem:$0x3F90];
	s0 =	simm.s32 @p1 $0x1  }
0x15: {  	[smem:$0x3FAD] =	sst s0;
	s0 =	simm.s32 @!p2 $0x0  }
0x16: {  	s3 =	sld [smem:$0x3FDB];
	s0 =	simm.s32 @p2 $0x1  }
0x17: {  	s4 =	simm.s32 $0x1BF5;
	[smem:$0x3FAF] =	sst s0  }
0x18: {  	s0 =	sld [smem:$0x3F92];
	_ =	swait.ge [sflag:s4], $0x0  }
0x19: {  	s7 =	sld [smem:$0x3F93]  }
0x1a: {  	s8 =	sadd.s32 $0xFFFFE003, lr  }
0x1b: {  	s9 =	sadd.s32 $0xFFFFFEF7, lr;
	s5 =	simm.s32 $0xFFFFFFFF;
	p2 =	slt.u32 s8, $0xFFFFF086  }
0x1c: {  	p1 =	slt.u32 s9, $0xF7A;
	s5 =	simm.s32 @!p2 $0x0  }
0x1d: {  	s5 =	simm.s32 @p1 $0x1;
	p0 =	seq.s32 s7, s2  }
0x1e: {  	s7 =	smul.u32 @!p0 $0xF7A, s2;
	p2 =	seq.s32 @!p0 s5, $0x0  }
0x1f: {  	s9 =	smul.u32 $0xF7A, s1;
	s8 =	simm.s32 @!p0 $0x1BF5;
	p2 =	por !p2, p0  }
0x20: {  	[sflag:s8] =	ssyncset.s32 @!p0 $0xFFFFF086;
	s6 =	sadd.s32 @!p0 s3, s7;
	s7 =	simm.s32 @!p0 $0x108  }
0x21: {  	s3 =	sadd.s32 s3, s9;
	s6 =	sadd.s32 @!p0 $0x88, s6;
	s7 =	simm.s32 @p2 $0x1082  }
0x22: {  	[simem:s7], [sflag:s8] =	dma.local @!p0 [hbm:s6], $0xF7A  }
0x23: {  	s9 =	sor.u32 $0xD0000000, s2;
	s6 =	simm.s32 $0x108;
	_ =	swait.ge @!p0 [sflag:s8], $0x0  }
0x24: {  	s3 =	sadd.s32 $0x88, s3;
	s6 =	simm.s32 @!p1 $0x1082;
	[sflag:s4] =	ssyncset.s32 $0xFFFFF086  }
0x25: {  	[simem:s6], [sflag:s4] =	dma.local [hbm:s3], $0xF7A  }
0x26: {  	[smem:$0x3F93] =	sst s1;
	(tag) =	ssettag s2;
	_ =	strace s9  }
0x27: {  	s1 =	sld [smem:$0x3FA3]  }
0x28: {  	s2 =	sld [smem:$0x3FA4]  }
0x29: {  	s4 =	sld [smem:$0x3FA6]  }
0x2a: {  	p0 =	seq.s32 s5, $0x0;
	s5 =	sld [smem:$0x3FA7]  }
0x2b: {  	s6 =	sld [smem:$0x3FA8]  }
0x2c: {  	s7 =	sld [smem:$0x3FA9]  }
0x2d: {  	s3 =	simm.s32 $0x108;
	s8 =	sld [smem:$0x3FAA]  }
0x2e: {  	s3 =	simm.s32 @!p0 $0x1082;
	s9 =	sld [smem:$0x3FAB]  }
0x2f: {  	lr =	sadd.s32 s0, s3;
	s0 =	sld [smem:$0x3FA2]  }
0x30: {  	s3 =	sld [smem:$0x3FA5]  }
0x31: {  	[smem:$0x3FAE] =	sst s10  }
0x32: {  	s10 =	sld [smem:$0x3FAC];
	_ =	sdelay $0x3  }
0x33: {  	p0 =	seq.s32 s10, $0x1;
	s10 =	sld [smem:$0x3FAE];
	_ =	sdelay $0x3  }
0x34: {  	[smem:$0x3FAE] =	sst s10  }
0x35: {  	s10 =	sld [smem:$0x3FAD];
	_ =	sdelay $0x3  }
0x36: {  	p1 =	seq.s32 s10, $0x1;
	s10 =	sld [smem:$0x3FAE];
	_ =	sdelay $0x3  }
0x37: {  	[smem:$0x3FAE] =	sst s10  }
0x38: {  	s10 =	sld [smem:$0x3FAF]  }
0x39: {  	_ = 	snop;
	(pc) =	sbr.ind lr, $3  }
0x3a: {  	_ = 	snop  }
0x3b: {  	_ = 	snop  }
0x3c: {  	p2 =	seq.s32 s10, $0x1;
	s10 =	sld [smem:$0x3FAE]  }
0x3d: {  	_ =	shalt  }
0x3e: {  	_ =	shalt  }
0x3f: {  	_ =	shalt  }
0x40: {  	_ =	shalt  }
0x41: {  	_ =	shalt  }
0x42: {  	_ =	shalt  }
0x43: {  	_ =	shalt  }
0x44: {  	_ =	shalt  }
0x45: {  	_ =	shalt  }
0x46: {  	_ =	shalt  }
0x47: {  	_ =	shalt  }
0x48: {  	_ =	shalt  }
0x49: {  	_ =	shalt  }
0x4a: {  	_ =	shalt  }
0x4b: {  	_ =	shalt  }
0x4c: {  	_ =	shalt  }
0x4d: {  	_ =	shalt  }
0x4e: {  	_ =	shalt  }
0x4f: {  	_ =	shalt  }
0x50: {  	_ =	shalt  }
0x51: {  	_ =	shalt  }
0x52: {  	_ =	shalt  }
0x53: {  	_ =	shalt  }
0x54: {  	_ =	shalt  }
0x55: {  	_ =	shalt  }
0x56: {  	_ =	shalt  }
0x57: {  	_ =	shalt  }
0x58: {  	_ =	shalt  }
0x59: {  	_ =	shalt  }
0x5a: {  	_ =	shalt  }
0x5b: {  	_ =	shalt  }
0x5c: {  	_ =	shalt  }
0x5d: {  	_ =	shalt  }
0x5e: {  	_ =	shalt  }
0x5f: {  	_ =	shalt  }
0x60: {  	_ =	shalt  }
0x61: {  	_ =	shalt  }
0x62: {  	_ =	shalt  }
0x63: {  	_ =	shalt  }
0x64: {  	_ =	shalt  }
0x65: {  	_ =	shalt  }
0x66: {  	_ =	shalt  }
0x67: {  	_ =	shalt  }
0x68: {  	_ =	shalt  }
0x69: {  	_ =	shalt  }
0x6a: {  	_ =	shalt  }
0x6b: {  	_ =	shalt  }
0x6c: {  	_ =	shalt  }
0x6d: {  	_ =	shalt  }
0x6e: {  	_ =	shalt  }
0x6f: {  	_ =	shalt  }
0x70: {  	_ =	shalt  }
0x71: {  	_ =	shalt  }
0x72: {  	_ =	shalt  }
0x73: {  	_ =	shalt  }
0x74: {  	_ =	shalt  }
0x75: {  	_ =	shalt  }
0x76: {  	_ =	shalt  }
0x77: {  	_ =	shalt  }
0x78: {  	_ =	shalt  }
0x79: {  	_ =	shalt  }
0x7a: {  	_ =	shalt  }
0x7b: {  	_ =	shalt  }
0x7c: {  	_ =	shalt  }
0x7d: {  	_ =	shalt  }
0x7e: {  	_ =	shalt  }
0x7f: {  	_ =	shalt  }
0x80: {  	_ =	shalt  }
0x81: {  	_ =	shalt  }
0x82: {  	_ =	shalt  }
0x83: {  	_ =	shalt  }
0x84: {  	_ =	shalt  }
0x85: {  	_ =	shalt  }
0x86: {  	_ =	shalt  }
0x87: {  	_ =	shalt  }
.Lfunc_end0:
.L_simem_size_0:
called_computation.1_lowered:
.L_overlay_start_0:
0x88: {  	s2 =	sld [smem:$0x3FD9]  }
0x89: {  	s3 =	sld [smem:$0x3FFE];
	_ =	sdelay $0x1  }
0x8a: {  	s1 =	srdreg.scid  }
0x8b: {  	s0 =	sand.u32 $0x1, s1  }
0x8c: {  	s16 =	sshll.u32 s0, $0xA;
	s2 =	sadd.s32 s3, s2  }
0x8d: {  	s2 =	sadd.s32 s2, s16  }
0x8e: {  	[smem:$0x3FBA] =	sst s2  }
0x8f: {  	_ = 	snop  }
0x90: {  	(tm) =	ssettm $0x1  }
0x91: {  	s17 =	sld [smem:$0x3FFB];
	_ =	sdelay $0x3  }
0x92: {  	_ =	strace s17  }
0x93: {  	s2 =	sld [smem:$0x3FFC];
	_ =	sdelay $0x3  }
0x94: {  	_ =	strace s2  }
0x95: {  	s2 =	sld [smem:$0x3FFD];
	_ =	sdelay $0x3  }
0x96: {  	_ =	strace s2  }
0x97: {  	_ =	strace $0x8FFFFFFF  }
0x98: {  	s18 =	sld [smem:$0x3FDB];
	_ =	sdelay $0x1  }
0x99: {  	s19 =	simm.s32 $_scs_section_size  }
0x9a: {  	s4 =	simm.s32 $_size__tile_overlayer_lowered;
	s5 =	simm.s32 $_tile_overlayer_lowered  }
0x9b: {  	s22 =	simm.s32 $0x1BFF;
	s21 =	sshll.u32 s5, $0x1;
	s2 =	sadd.s32 s19, s18  }
0x9c: {  	s6 =	simm.s32 $0x0;
	s20 =	sshll.u32 s4, $0x1;
	s4 =	sadd.s32 s21, s2  }
0x9d: {  	[timem:s6], [sflag:s22] =	dma.local [hbm:s4], s20  }
0x9e: {  	_ =	swait.ge [sflag:s22], s20  }
0x9f: {  	s3 =	ssub.s32 $0x0, s20;
	[sflag:s22] =	ssyncset.done $0x0  }
0xa0: {  	[sflag:s22] =	ssyncadd.s32 s3;
	_ =	sdelay $0x1  }
0xa1: {  	s23 =	simm.s32 $0x1B8B  }
0xa2: {  	_ =	swait.ge [sflag:s23], $0x1  }
0xa3: {  	[sflag:s23] =	ssyncset.done $0x0  }
0xa4: {  	s25 =	simm.s32 $0x1B8E;
	s24 =	sld [smem:$0x3FFE];
	[sflag:s23] =	ssyncadd.s32 $0xFFFFFFFF  }
0xa5: {  	s26 =	simm.s32 $execute0_lowered;
	[smem:$0x3FD2] =	sst s25  }
0xa6: {  	s4 =	sshll.u32 s26, $0x1;
	_ =	strace $0x80000049;
	[dreg:$0x1] =	wrdreg $0xFFFFFFFF  }
0xa7: {  	s28 =	simm.s32 $_size_execute0_lowered;
	s2 =	sadd.s32 s2, s4;
	[dreg:$0x0] =	wrdreg $0x0  }
0xa8: {  	s4 =	sshll.u32 s28, $0x1;
	[dreg:$0x2] =	wrdreg s2  }
0xa9: {  	[dreg:$0x3] =	wrdreg s4  }
0xaa: {  	[dreg:$0x4] =	wrdreg $0xC0  }
0xab: {  	_ =	task [dreg:s6], $0x5FFFF  }
0xac: {  	[dreg:$0x1] =	wrdreg $0xFFFFFFFF  }
0xad: {  	[dreg:$0x0] =	wrdreg $0x60  }
0xae: {  	[dreg:$0x2] =	wrdreg s24  }
0xaf: {  	[dreg:$0x3] =	wrdreg $0xAA000  }
0xb0: {  	[dreg:$0x4] =	wrdreg $0x9  }
0xb1: {  	_ =	task.clear_ibuf [dreg:s6], $0x5FFFF;
	_ =	strace $0x90000049  }
0xb2: {  	s29 =	simm.s32 $0x9;
	_ =	strace $0x8000004B  }
0xb3: {  	_ =	swait.ge [sflag:s29], $0x1  }
0xb4: {  	[sflag:s29] =	ssyncadd.s32 $0xFFFFFFFF  }
0xb5: {  	_ =	strace $0x9000004B  }
0xb6: {  	_ =	sfence  }
0xb7: {  	s30 =	sld [smem:$0x0];
	_ =	sdelay $0x2  }
0xb8: {  	s31 =	sshll.u32 s1, $0xD;
	s1 =	sshrl.u32 s1, $0x2  }
0xb9: {  	s3 =	sand.u32 $0x4000, s31;
	s1 =	sadd.s32 s1, s30  }
0xba: {  	s0 =	sor.u32 s3, s0;
	s1 =	sshll.u32 s1, $0x11  }
0xbb: {  	s0 =	sor.u32 s1, s0  }
0xbc: {  	s0 =	sadd.s32 $0x8F2B, s0  }
0xbd: {  	[sflag:s0] =	ssyncadd.remote.s32 $0x1  }
0xbe: {  	_ =	sfence.sel $0xFFFF  }
0xbf: {  	[dreg:$0x0] =	wrdreg $0xFFFFFFFF;
	(pc) =	sbr.abs _section_cstart, $3  }
0xc0: {  	[dreg:$0x1] =	wrdreg $0xFFFFFFFF  }
0xc1: {  	_ =	task.clear_ibuf [dreg:s6], $0x2FFFF;
	_ =	strace $0x9FFFFFFF  }
0xc2: {  	(tm) =	ssettm $0x7FFFFFFF  }
0xc3: {  	_ =	shalt  }
tec
execute0_lowered:
.L_overlay_start_1:
0x0: {  	(tag) =	ssettag $0x1  }
0x1: {  	s0 =	rddreg [dreg:$0x0]  }
0x2: {  	s2 =	rddreg [dreg:$0x1];
	s1 =	srdreg.scid  }
0x3: {  	s10 =	stileid.u32;
	s3 =	simm.s32 $0x0;
	s19 =	simm.s32 $0x2800  }
0x4: {  	s28 =	simm.s32 $0x6800;
	s29 =	simm.s32 $0xA980;
	s30 =	simm.s32 $0x8800  }
0x5: {  	s31 =	simm.s32 $0x1;
	s13 =	simm.s32 $0x2700;
	s14 =	simm.s32 $0x2780  }
0x6: {  	s15 =	simm.s32 $0x0;
	s1 =	sand.u32 $0x1, s1;
	s5 =	smul.u32 $0x280, s10  }
0x7: {  	[smem:$0x7FF] =	sst s3;
	s4 =	sadd.s32 $0x36E00, s0;
	s8 =	smul.u32 $0x50000, s10  }
0x8: {  	s10 =	sshll.u32 s10, $0x1;
	s6 =	smul.u32 $0x2800, s1;
	_ =	strace $0x8000004A  }
0x9: {  	s9 =	ssub.s32 $0x2, s1;
	s1 =	sor.u32 s1, s10;
	s20 =	sshrl.u32 s8, $0x2  }
0xa: {  	s21 =	sshrl.u32 s9, $0x1;
	s7 =	sadd.s32 s5, s6;
	s5 =	sadd.s32 $0x68E00, s0  }
0xb: {  	s6 =	sadd.s32 $0x4E00, s0;
	s8 =	ssub.s32 s9, s21;
	s7 =	sshll.u32 s7, $0x4  }
0xc: {  	s26 =	smax.u32 s8, $0x1;
	s0 =	sadd.s32 s7, s0;
	s7 =	sadd.s32 s20, s2  }
0xd: {  	[dreg:$0xa] =	wrdreg s26;
	s9 =	sadd.s32 $0x4000, s7;
	s17 =	sadd.s32 $0x8000, s7  }
0xe: {  	s18 =	sadd.s32 $0xC000, s7;
	[dreg:$0x3] =	wrdreg s7;
	s7 =	sadd.s32 $0x10000, s7  }
0xf: {  	s12 =	smul.u32 $0x50, s1;
	s22 =	sadd.s32 $0x72E00, s0;
	[dreg:$0x4] =	wrdreg s7  }
0x10: {  	s1 =	simm.s32 $0x2;
	s23 =	sadd.s32 $0x73600, s0;
	[dreg:$0x5] =	wrdreg s22  }
0x11: {  	s21 =	simm.s32 $0x1400;
	s24 =	sadd.s32 $0x73E00, s0;
	[dreg:$0x6] =	wrdreg s23  }
0x12: {  	s20 =	simm.s32 $0x3;
	s25 =	sadd.s32 $0x74600, s0;
	[dreg:$0x7] =	wrdreg s24  }
0x13: {  	s26 =	simm.s32 $0xA900;
	s0 =	sadd.s32 $0x74E00, s0;
	[dreg:$0x8] =	wrdreg s25  }
0x14: {  	[dreg:$0x9] =	wrdreg s0;
	s22 =	simm.s32 $0x40;
	s23 =	simm.s32 $0xA800  }
0x15: {  	v0 =	vimm.f32 $0.0e+00;
	s24 =	simm.s32 $0xA880;
	s25 =	simm.s32 $0x4800;
	s0 =	simm.s32 $0x80  }
.LBB2_1:
0x16: {  	s8 =	simm.s32 $0x0;
	s16 =	simm.s32 $0x200  }
.LBB2_2:
0x17: {  	p0 =	sne.s32 s16, $0xFE00;
	[tilespmem:s8+$0x2870] =	vst v0  }
0x18: {  	[tilespmem:s8+$0x2800] =	vst v0  }
0x19: {  	[tilespmem:s8+$0x2810] =	vst v0  }
.Ltmp0:
0x1a: {  	[tilespmem:s8+$0x2820] =	vst v0;
	(pc) =	sbr.rel @p0 .LBB2_2-.Ltmp0, $4  }
0x1b: {  	[tilespmem:s8+$0x2830] =	vst v0  }
0x1c: {  	[tilespmem:s8+$0x2840] =	vst v0  }
0x1d: {  	[tilespmem:s8+$0x2850] =	vst v0  }
0x1e: {  	[tilespmem:s8+$0x2860] =	vst v0;
	s8 =	sshra.s32 s16, $0x2;
	s16 =	sadd.s32 $0x200, s16  }
0x1f: {  	[tilespmem:s8+$0x2870] =	vst v0  }
0x20: {  	[tilespmem:s8+$0x2800] =	vst v0  }
0x21: {  	[tilespmem:s8+$0x2810] =	vst v0  }
0x22: {  	[tilespmem:s8+$0x2820] =	vst v0  }
0x23: {  	[tilespmem:s8+$0x2830] =	vst v0  }
0x24: {  	[tilespmem:s8+$0x2840] =	vst v0  }
0x25: {  	[tilespmem:s8+$0x2850] =	vst v0  }
0x26: {  	[tilespmem:s8+$0x2860] =	vst v0;
	s7 =	rddreg [dreg:$0x3]  }
0x27: {  	[spmem:s7] =	stream.linear.scatter [tilespmem:s19], [sflag:$0x3], $0x4000, $0x38;
	[tilespmem:$0x1EA00] =	vst v63  }
0x28: {  	_ =	swait.ge [sflag:s20], $0x4000  }
0x29: {  	[sflag:s20] =	ssyncset.done $0x0  }
0x2a: {  	[sflag:s20] =	ssyncadd.s32 $0xFFFFC000  }
0x2b: {  	[spmem:s9] =	stream.linear.scatter [tilespmem:s19], [sflag:$0x3], $0x4000, $0x38;
	[tilespmem:$0x1EA00] =	vst v63  }
0x2c: {  	_ =	swait.ge [sflag:s20], $0x4000  }
0x2d: {  	[sflag:s20] =	ssyncset.done $0x0  }
0x2e: {  	[sflag:s20] =	ssyncadd.s32 $0xFFFFC000  }
0x2f: {  	[spmem:s17] =	stream.linear.scatter [tilespmem:s19], [sflag:$0x3], $0x4000, $0x38;
	[tilespmem:$0x1EA00] =	vst v63  }
0x30: {  	_ =	swait.ge [sflag:s20], $0x4000  }
0x31: {  	[sflag:s20] =	ssyncset.done $0x0  }
0x32: {  	[sflag:s20] =	ssyncadd.s32 $0xFFFFC000  }
0x33: {  	[spmem:s18] =	stream.linear.scatter [tilespmem:s19], [sflag:$0x3], $0x4000, $0x38;
	[tilespmem:$0x1EA00] =	vst v63  }
0x34: {  	_ =	swait.ge [sflag:s20], $0x4000  }
0x35: {  	[sflag:s20] =	ssyncset.done $0x0  }
0x36: {  	s7 =	smov.u32 s18;
	s18 =	rddreg [dreg:$0x4];
	[sflag:s20] =	ssyncadd.s32 $0xFFFFC000  }
0x37: {  	[spmem:s18] =	stream.linear.scatter [tilespmem:s19], [sflag:$0x3], $0x4000, $0x38;
	[tilespmem:$0x1EA00] =	vst v63  }
0x38: {  	_ =	swait.ge [sflag:s20], $0x4000  }
0x39: {  	s10 =	smov.u32 s9;
	[sflag:s20] =	ssyncset.done $0x0  }
0x3a: {  	s11 =	smov.u32 s17;
	s16 =	simm.s32 $0x0;
	[sflag:s20] =	ssyncadd.s32 $0xFFFFC000  }
0x3b: {  	p1 =	por $0x1, $0x1;
	s8 =	simm.s32 $0x0;
	[bflag:$0x0] =	sbarrier.arrive $0xFFFF  }
.LBB2_4:
0x3c: {  	s8 =	sadd.s32 s12, s8  }
0x3d: {  	s8 =	sshll.u32 s8, $0x4  }
0x3e: {  	s9 =	sadd.s32 s5, s8  }
0x3f: {  	[tilespmem:s16], [sflag:$0x3] =	stream.linear.gather [hbm4b:s9+s16], $0x1400, $0x38;
	[tilespmem:$0x1EA00] =	vst v63  }
0x40: {  	_ =	swait.ge [sflag:s20], $0x1400  }
0x41: {  	[sflag:s20] =	ssyncset.done $0x0  }
0x42: {  	s8 =	sadd.s32 s6, s8;
	[sflag:s20] =	ssyncadd.s32 $0xFFFFEC00  }
0x43: {  	[tilespmem:s21], [sflag:$0x3] =	stream.linear.gather [hbm4b:s8+s16], $0x1400, $0x38;
	[tilespmem:$0x1EA00] =	vst v63  }
0x44: {  	_ =	swait.ge [sflag:s20], $0x1400  }
0x45: {  	[sflag:s20] =	ssyncset.done $0x0  }
0x46: {  	[sflag:s20] =	ssyncadd.s32 $0xFFFFEC00  }
0x47: {  	v1 =	vld [tilespmem:$0x0]  }
0x48: {  	v2 =	vld [tilespmem:$0x40]  }
0x49: {  	v3 =	vld [tilespmem:$0x10]  }
0x4a: {  	v4 =	vld [tilespmem:$0x50]  }
0x4b: {  	v5 =	vld [tilespmem:$0x20]  }
0x4c: {  	[tilespmem:$0xA800] =	vst v1;
	v1 =	vld [tilespmem:$0x60]  }
0x4d: {  	[tilespmem:$0xA880] =	vst v2;
	v2 =	vld [tilespmem:$0x30]  }
0x4e: {  	[tilespmem:$0xA810] =	vst v3;
	v3 =	vld [tilespmem:$0x70]  }
0x4f: {  	[tilespmem:$0xA890] =	vst v4  }
0x50: {  	[tilespmem:$0xA820] =	vst v5  }
0x51: {  	[tilespmem:$0xA8A0] =	vst v1  }
0x52: {  	[tilespmem:$0xA830] =	vst v2  }
0x53: {  	[tilespmem:$0xA8B0] =	vst v3  }
0x54: {  	[tilespmem:s19], [sflag:$0x1] =	stream.indirect.gather [hbm4b:s4+s22], $0x80, s23, s22, $0xb8;
	[tilespmem:$0x1EA00] =	vst v63  }
0x55: {  	s18 =	simm.s32 $0x0  }
0x56: {  	[tilespmem:s25], [sflag:$0x1] =	stream.indirect.gather [hbm4b:s4+s22], $0x80, s24, s22, $0xb8;
	[tilespmem:$0x1EA00] =	vst v63  }
0x57: {  	v1 =	vld [tilespmem:s18+$0x80];
	_ =	sdelay $0x4  }
0x58: {  	[tilespmem:$0xA900] =	vst v1  }
0x59: {  	v1 =	vld [tilespmem:s18+$0xC0];
	_ =	sdelay $0x4  }
0x5a: {  	[tilespmem:$0xA980] =	vst v1  }
0x5b: {  	v1 =	vld [tilespmem:s18+$0x90];
	_ =	sdelay $0x4  }
0x5c: {  	[tilespmem:$0xA910] =	vst v1  }
0x5d: {  	v1 =	vld [tilespmem:s18+$0xD0];
	_ =	sdelay $0x4  }
0x5e: {  	[tilespmem:$0xA990] =	vst v1  }
0x5f: {  	v1 =	vld [tilespmem:s18+$0xA0];
	_ =	sdelay $0x4  }
0x60: {  	[tilespmem:$0xA920] =	vst v1  }
0x61: {  	v1 =	vld [tilespmem:s18+$0xE0];
	_ =	sdelay $0x4  }
0x62: {  	[tilespmem:$0xA9A0] =	vst v1  }
0x63: {  	v1 =	vld [tilespmem:s18+$0xB0];
	_ =	sdelay $0x4  }
0x64: {  	[tilespmem:$0xA930] =	vst v1  }
0x65: {  	v1 =	vld [tilespmem:s18+$0xF0];
	_ =	sdelay $0x4  }
0x66: {  	[tilespmem:$0xA9B0] =	vst v1  }
0x67: {  	[tilespmem:s28], [sflag:$0x2] =	stream.indirect.gather [hbm4b:s4+s22], $0x80, s26, s22, $0xb8;
	[tilespmem:$0x1EA00] =	vst v63  }
0x68: {  	_ = 	snop  }
0x69: {  	[tilespmem:s30], [sflag:$0x2] =	stream.indirect.gather [hbm4b:s4+s22], $0x80, s29, s22, $0xb8;
	[tilespmem:$0x1EA00] =	vst v63  }
0x6a: {  	_ =	swait.ge [sflag:s31], $0x2000  }
0x6b: {  	[sflag:s31] =	ssyncset.done $0x0  }
0x6c: {  	[sflag:s31] =	ssyncadd.s32 $0xFFFFE000  }
0x6d: {  	_ =	swait.ge [sflag:s31], $0x2000  }
0x6e: {  	[sflag:s31] =	ssyncset.done $0x0  }
0x6f: {  	s17 =	simm.s32 $0x1400;
	[sflag:s31] =	ssyncadd.s32 $0xFFFFE000  }
0x70: {  	[spmem:s2] =	stream.indirect.scatter.add.f32 [tilespmem:s19], [sflag:$0x3], $0x80, s17, s0, $0xb8;
	[tilespmem:$0x1EA00] =	vst v63  }
0x71: {  	_ =	swait.ge [sflag:s20], $0x4000  }
0x72: {  	[sflag:s20] =	ssyncset.done $0x0  }
0x73: {  	[sflag:s20] =	ssyncadd.s32 $0xFFFFC000  }
0x74: {  	v1 =	vld [tilespmem:s18+$0x100];
	_ =	sdelay $0x4  }
0x75: {  	[tilespmem:$0xA800] =	vst v1  }
0x76: {  	v1 =	vld [tilespmem:s18+$0x140];
	_ =	sdelay $0x4  }
0x77: {  	[tilespmem:$0xA880] =	vst v1  }
0x78: {  	v1 =	vld [tilespmem:s18+$0x110];
	_ =	sdelay $0x4  }
0x79: {  	[tilespmem:$0xA810] =	vst v1  }
0x7a: {  	v1 =	vld [tilespmem:s18+$0x150];
	_ =	sdelay $0x4  }
0x7b: {  	[tilespmem:$0xA890] =	vst v1  }
0x7c: {  	v1 =	vld [tilespmem:s18+$0x120];
	_ =	sdelay $0x4  }
0x7d: {  	[tilespmem:$0xA820] =	vst v1  }
0x7e: {  	v1 =	vld [tilespmem:s18+$0x160];
	_ =	sdelay $0x4  }
0x7f: {  	[tilespmem:$0xA8A0] =	vst v1  }
0x80: {  	v1 =	vld [tilespmem:s18+$0x130];
	_ =	sdelay $0x4  }
0x81: {  	[tilespmem:$0xA830] =	vst v1  }
0x82: {  	v1 =	vld [tilespmem:s18+$0x170];
	_ =	sdelay $0x4  }
0x83: {  	[tilespmem:$0xA8B0] =	vst v1  }
0x84: {  	[tilespmem:s19], [sflag:$0x1] =	stream.indirect.gather [hbm4b:s4+s22], $0x80, s23, s22, $0xb8;
	[tilespmem:$0x1EA00] =	vst v63  }
0x85: {  	_ = 	snop  }
0x86: {  	[tilespmem:s25], [sflag:$0x1] =	stream.indirect.gather [hbm4b:s4+s22], $0x80, s24, s22, $0xb8;
	[tilespmem:$0x1EA00] =	vst v63  }
0x87: {  	_ =	swait.ge [sflag:s1], $0x2000  }
0x88: {  	[sflag:s1] =	ssyncset.done $0x0  }
0x89: {  	[sflag:s1] =	ssyncadd.s32 $0xFFFFE000  }
0x8a: {  	_ =	swait.ge [sflag:s1], $0x2000  }
0x8b: {  	[sflag:s1] =	ssyncset.done $0x0  }
0x8c: {  	s18 =	simm.s32 $0x1480;
	[sflag:s1] =	ssyncadd.s32 $0xFFFFE000  }
0x8d: {  	[spmem:s2] =	stream.indirect.scatter.add.f32 [tilespmem:s28], [sflag:$0x3], $0x80, s18, s0, $0xb8;
	[tilespmem:$0x1EA00] =	vst v63  }
0x8e: {  	p0 =	por p1, p1;
	_ =	swait.ge [sflag:s20], $0x4000  }
0x8f: {  	s17 =	simm.s32 $0x400;
	s18 =	simm.s32 $0x800;
	[sflag:s20] =	ssyncset.done $0x0  }
.LBB2_5:
0x90: {  	s8 =	sshra.s32 s17, $0x2  }
0x91: {  	[sflag:s20] =	ssyncadd.s32 $0xFFFFC000;
	s17 =	smov.u32 s18;
	s9 =	sadd.s32 $0x400, s18  }
0x92: {  	p1 =	sne.s32 s18, $0x4800;
	v1 =	vld [tilespmem:s8+$0x80];
	_ =	sdelay $0x4  }
0x93: {  	[tilespmem:$0xA900] =	vst v1  }
0x94: {  	v1 =	vld [tilespmem:s8+$0xC0];
	_ =	sdelay $0x4  }
0x95: {  	[tilespmem:$0xA980] =	vst v1  }
0x96: {  	v1 =	vld [tilespmem:s8+$0x90];
	_ =	sdelay $0x4  }
0x97: {  	[tilespmem:$0xA910] =	vst v1  }
0x98: {  	v1 =	vld [tilespmem:s8+$0xD0];
	_ =	sdelay $0x4  }
0x99: {  	[tilespmem:$0xA990] =	vst v1  }
0x9a: {  	v1 =	vld [tilespmem:s8+$0xA0];
	_ =	sdelay $0x4  }
0x9b: {  	[tilespmem:$0xA920] =	vst v1  }
0x9c: {  	v1 =	vld [tilespmem:s8+$0xE0];
	_ =	sdelay $0x4  }
0x9d: {  	[tilespmem:$0xA9A0] =	vst v1  }
0x9e: {  	v1 =	vld [tilespmem:s8+$0xB0];
	_ =	sdelay $0x4  }
0x9f: {  	[tilespmem:$0xA930] =	vst v1  }
0xa0: {  	v1 =	vld [tilespmem:s8+$0xF0];
	_ =	sdelay $0x4  }
0xa1: {  	[tilespmem:$0xA9B0] =	vst v1  }
0xa2: {  	[tilespmem:s28], [sflag:$0x2] =	stream.indirect.gather [hbm4b:s4+s22], $0x80, s26, s22, $0xb8;
	[tilespmem:$0x1EA00] =	vst v63  }
0xa3: {  	_ = 	snop  }
0xa4: {  	[tilespmem:s30], [sflag:$0x2] =	stream.indirect.gather [hbm4b:s4+s22], $0x80, s29, s22, $0xb8;
	[tilespmem:$0x1EA00] =	vst v63  }
0xa5: {  	_ =	swait.ge [sflag:s31], $0x2000  }
0xa6: {  	[sflag:s31] =	ssyncset.done $0x0  }
0xa7: {  	[sflag:s31] =	ssyncadd.s32 $0xFFFFE000  }
0xa8: {  	_ =	swait.ge [sflag:s31], $0x2000  }
0xa9: {  	[sflag:s31] =	ssyncset.done $0x0  }
0xaa: {  	s18 =	sadd.s32 $0x1400, s8;
	[sflag:s31] =	ssyncadd.s32 $0xFFFFE000  }
0xab: {  	[spmem:s2] =	stream.indirect.scatter.add.f32 [tilespmem:s19], [sflag:$0x3], $0x80, s18, s0, $0xb8;
	[tilespmem:$0x1EA00] =	vst v63  }
0xac: {  	_ =	swait.ge [sflag:s20], $0x4000  }
0xad: {  	[sflag:s20] =	ssyncset.done $0x0  }
0xae: {  	[sflag:s20] =	ssyncadd.s32 $0xFFFFC000  }
0xaf: {  	v1 =	vld [tilespmem:s8+$0x100];
	_ =	sdelay $0x4  }
0xb0: {  	[tilespmem:$0xA800] =	vst v1  }
0xb1: {  	v1 =	vld [tilespmem:s8+$0x140];
	_ =	sdelay $0x4  }
0xb2: {  	[tilespmem:$0xA880] =	vst v1  }
0xb3: {  	v1 =	vld [tilespmem:s8+$0x110];
	_ =	sdelay $0x4  }
0xb4: {  	[tilespmem:$0xA810] =	vst v1  }
0xb5: {  	v1 =	vld [tilespmem:s8+$0x150];
	_ =	sdelay $0x4  }
0xb6: {  	[tilespmem:$0xA890] =	vst v1  }
0xb7: {  	v1 =	vld [tilespmem:s8+$0x120];
	_ =	sdelay $0x4  }
0xb8: {  	[tilespmem:$0xA820] =	vst v1  }
0xb9: {  	v1 =	vld [tilespmem:s8+$0x160];
	_ =	sdelay $0x4  }
0xba: {  	[tilespmem:$0xA8A0] =	vst v1  }
0xbb: {  	v1 =	vld [tilespmem:s8+$0x130];
	_ =	sdelay $0x4  }
0xbc: {  	[tilespmem:$0xA830] =	vst v1  }
0xbd: {  	v1 =	vld [tilespmem:s8+$0x170];
	_ =	sdelay $0x4  }
0xbe: {  	[tilespmem:$0xA8B0] =	vst v1  }
0xbf: {  	[tilespmem:s19], [sflag:$0x1] =	stream.indirect.gather [hbm4b:s4+s22], $0x80, s23, s22, $0xb8;
	[tilespmem:$0x1EA00] =	vst v63  }
0xc0: {  	_ = 	snop  }
0xc1: {  	[tilespmem:s25], [sflag:$0x1] =	stream.indirect.gather [hbm4b:s4+s22], $0x80, s24, s22, $0xb8;
	[tilespmem:$0x1EA00] =	vst v63  }
0xc2: {  	_ =	swait.ge [sflag:s1], $0x2000  }
0xc3: {  	[sflag:s1] =	ssyncset.done $0x0  }
0xc4: {  	[sflag:s1] =	ssyncadd.s32 $0xFFFFE000  }
0xc5: {  	_ =	swait.ge [sflag:s1], $0x2000  }
.Ltmp1:
0xc6: {  	[sflag:s1] =	ssyncset.done $0x0;
	(pc) =	sbr.rel @p1 .LBB2_5-.Ltmp1, $4  }
0xc7: {  	s8 =	sadd.s32 $0x1480, s8;
	[sflag:s1] =	ssyncadd.s32 $0xFFFFE000  }
0xc8: {  	[spmem:s2] =	stream.indirect.scatter.add.f32 [tilespmem:s28], [sflag:$0x3], $0x80, s8, s0, $0xb8;
	[tilespmem:$0x1EA00] =	vst v63  }
0xc9: {  	_ =	swait.ge [sflag:s20], $0x4000  }
0xca: {  	s18 =	smov.u32 s9;
	[sflag:s20] =	ssyncset.done $0x0  }
0xcb: {  	s8 =	sshra.s32 s17, $0x2;
	[sflag:s20] =	ssyncadd.s32 $0xFFFFC000  }
0xcc: {  	v1 =	vld [tilespmem:s8+$0x80];
	_ =	sdelay $0x4  }
0xcd: {  	[tilespmem:$0xA900] =	vst v1  }
0xce: {  	v1 =	vld [tilespmem:s8+$0xC0];
	_ =	sdelay $0x4  }
0xcf: {  	[tilespmem:$0xA980] =	vst v1  }
0xd0: {  	v1 =	vld [tilespmem:s8+$0x90];
	_ =	sdelay $0x4  }
0xd1: {  	[tilespmem:$0xA910] =	vst v1  }
0xd2: {  	v1 =	vld [tilespmem:s8+$0xD0];
	_ =	sdelay $0x4  }
0xd3: {  	[tilespmem:$0xA990] =	vst v1  }
0xd4: {  	v1 =	vld [tilespmem:s8+$0xA0];
	_ =	sdelay $0x4  }
0xd5: {  	[tilespmem:$0xA920] =	vst v1  }
0xd6: {  	v1 =	vld [tilespmem:s8+$0xE0];
	_ =	sdelay $0x4  }
0xd7: {  	[tilespmem:$0xA9A0] =	vst v1  }
0xd8: {  	v1 =	vld [tilespmem:s8+$0xB0];
	_ =	sdelay $0x4  }
0xd9: {  	[tilespmem:$0xA930] =	vst v1  }
0xda: {  	v1 =	vld [tilespmem:s8+$0xF0];
	_ =	sdelay $0x4  }
0xdb: {  	[tilespmem:$0xA9B0] =	vst v1  }
0xdc: {  	[tilespmem:s28], [sflag:$0x2] =	stream.indirect.gather [hbm4b:s4+s22], $0x80, s26, s22, $0xb8;
	[tilespmem:$0x1EA00] =	vst v63  }
0xdd: {  	_ = 	snop  }
0xde: {  	[tilespmem:s30], [sflag:$0x2] =	stream.indirect.gather [hbm4b:s4+s22], $0x80, s29, s22, $0xb8;
	[tilespmem:$0x1EA00] =	vst v63  }
0xdf: {  	_ =	swait.ge [sflag:s31], $0x2000  }
0xe0: {  	[sflag:s31] =	ssyncset.done $0x0  }
0xe1: {  	[sflag:s31] =	ssyncadd.s32 $0xFFFFE000  }
0xe2: {  	_ =	swait.ge [sflag:s31], $0x2000  }
0xe3: {  	[sflag:s31] =	ssyncset.done $0x0  }
0xe4: {  	s9 =	sadd.s32 $0x1400, s8;
	[sflag:s31] =	ssyncadd.s32 $0xFFFFE000  }
0xe5: {  	[spmem:s2] =	stream.indirect.scatter.add.f32 [tilespmem:s19], [sflag:$0x3], $0x80, s9, s0, $0xb8;
	[tilespmem:$0x1EA00] =	vst v63  }
0xe6: {  	_ =	swait.ge [sflag:s20], $0x4000  }
0xe7: {  	[sflag:s20] =	ssyncset.done $0x0  }
0xe8: {  	[sflag:s20] =	ssyncadd.s32 $0xFFFFC000  }
0xe9: {  	v1 =	vld [tilespmem:s8+$0x100];
	_ =	sdelay $0x4  }
0xea: {  	[tilespmem:$0xA800] =	vst v1  }
0xeb: {  	v1 =	vld [tilespmem:s8+$0x140];
	_ =	sdelay $0x4  }
0xec: {  	[tilespmem:$0xA880] =	vst v1  }
0xed: {  	v1 =	vld [tilespmem:s8+$0x110];
	_ =	sdelay $0x4  }
0xee: {  	[tilespmem:$0xA810] =	vst v1  }
0xef: {  	v1 =	vld [tilespmem:s8+$0x150];
	_ =	sdelay $0x4  }
0xf0: {  	[tilespmem:$0xA890] =	vst v1  }
0xf1: {  	v1 =	vld [tilespmem:s8+$0x120];
	_ =	sdelay $0x4  }
0xf2: {  	[tilespmem:$0xA820] =	vst v1  }
0xf3: {  	v1 =	vld [tilespmem:s8+$0x160];
	_ =	sdelay $0x4  }
0xf4: {  	[tilespmem:$0xA8A0] =	vst v1  }
0xf5: {  	v1 =	vld [tilespmem:s8+$0x130];
	_ =	sdelay $0x4  }
0xf6: {  	[tilespmem:$0xA830] =	vst v1  }
0xf7: {  	v1 =	vld [tilespmem:s8+$0x170];
	_ =	sdelay $0x4  }
0xf8: {  	[tilespmem:$0xA8B0] =	vst v1  }
0xf9: {  	[tilespmem:s19], [sflag:$0x1] =	stream.indirect.gather [hbm4b:s4+s22], $0x80, s23, s22, $0xb8;
	[tilespmem:$0x1EA00] =	vst v63  }
0xfa: {  	_ = 	snop  }
0xfb: {  	[tilespmem:s25], [sflag:$0x1] =	stream.indirect.gather [hbm4b:s4+s22], $0x80, s24, s22, $0xb8;
	[tilespmem:$0x1EA00] =	vst v63  }
0xfc: {  	_ =	swait.ge [sflag:s1], $0x2000  }
0xfd: {  	[sflag:s1] =	ssyncset.done $0x0  }
0xfe: {  	[sflag:s1] =	ssyncadd.s32 $0xFFFFE000  }
0xff: {  	_ =	swait.ge [sflag:s1], $0x2000  }
0x100: {  	[sflag:s1] =	ssyncset.done $0x0  }
0x101: {  	s8 =	sadd.s32 $0x1480, s8;
	[sflag:s1] =	ssyncadd.s32 $0xFFFFE000  }
0x102: {  	[spmem:s2] =	stream.indirect.scatter.add.f32 [tilespmem:s28], [sflag:$0x3], $0x80, s8, s0, $0xb8;
	[tilespmem:$0x1EA00] =	vst v63  }
0x103: {  	_ =	swait.ge [sflag:s20], $0x4000  }
0x104: {  	[sflag:s20] =	ssyncset.done $0x0  }
0x105: {  	[sflag:s20] =	ssyncadd.s32 $0xFFFFC000  }
0x106: {  	v1 =	vld [tilespmem:$0x1380]  }
0x107: {  	v2 =	vld [tilespmem:$0x13C0]  }
0x108: {  	v3 =	vld [tilespmem:$0x1390]  }
0x109: {  	v4 =	vld [tilespmem:$0x13D0]  }
0x10a: {  	v5 =	vld [tilespmem:$0x13A0]  }
0x10b: {  	[tilespmem:$0xA900] =	vst v1;
	v1 =	vld [tilespmem:$0x13E0]  }
0x10c: {  	[tilespmem:$0xA980] =	vst v2;
	v2 =	vld [tilespmem:$0x13B0]  }
0x10d: {  	[tilespmem:$0xA910] =	vst v3;
	v3 =	vld [tilespmem:$0x13F0]  }
0x10e: {  	[tilespmem:$0xA990] =	vst v4  }
0x10f: {  	[tilespmem:$0xA920] =	vst v5  }
0x110: {  	[tilespmem:$0xA9A0] =	vst v1  }
0x111: {  	[tilespmem:$0xA930] =	vst v2  }
0x112: {  	[tilespmem:$0xA9B0] =	vst v3  }
0x113: {  	[tilespmem:s28], [sflag:$0x2] =	stream.indirect.gather [hbm4b:s4+s22], $0x80, s26, s22, $0xb8;
	[tilespmem:$0x1EA00] =	vst v63  }
0x114: {  	_ = 	snop  }
0x115: {  	[tilespmem:s30], [sflag:$0x2] =	stream.indirect.gather [hbm4b:s4+s22], $0x80, s29, s22, $0xb8;
	[tilespmem:$0x1EA00] =	vst v63  }
0x116: {  	_ =	swait.ge [sflag:s31], $0x2000  }
0x117: {  	[sflag:s31] =	ssyncset.done $0x0  }
0x118: {  	[sflag:s31] =	ssyncadd.s32 $0xFFFFE000  }
0x119: {  	_ =	swait.ge [sflag:s31], $0x2000  }
0x11a: {  	[sflag:s31] =	ssyncset.done $0x0  }
0x11b: {  	[sflag:s31] =	ssyncadd.s32 $0xFFFFE000  }
0x11c: {  	[spmem:s2] =	stream.indirect.scatter.add.f32 [tilespmem:s19], [sflag:$0x3], $0x80, s13, s0, $0xb8;
	[tilespmem:$0x1EA00] =	vst v63  }
0x11d: {  	_ =	swait.ge [sflag:s20], $0x4000  }
0x11e: {  	[sflag:s20] =	ssyncset.done $0x0  }
0x11f: {  	[sflag:s20] =	ssyncadd.s32 $0xFFFFC000  }
0x120: {  	_ =	swait.ge [sflag:s1], $0x2000  }
0x121: {  	[sflag:s1] =	ssyncset.done $0x0  }
0x122: {  	[sflag:s1] =	ssyncadd.s32 $0xFFFFE000  }
0x123: {  	_ =	swait.ge [sflag:s1], $0x2000  }
0x124: {  	[sflag:s1] =	ssyncset.done $0x0  }
.Ltmp2:
0x125: {  	[sflag:s1] =	ssyncadd.s32 $0xFFFFE000;
	(pc) =	sbr.rel @p0 .LBB2_4-.Ltmp2, $4  }
0x126: {  	[spmem:s2] =	stream.indirect.scatter.add.f32 [tilespmem:s28], [sflag:$0x3], $0x80, s14, s0, $0xb8;
	[tilespmem:$0x1EA00] =	vst v63  }
0x127: {  	_ =	swait.ge [sflag:s20], $0x4000  }
0x128: {  	[sflag:s20] =	ssyncset.done $0x0  }
0x129: {  	p1 =	por $0x0, $0x0;
	s8 =	simm.s32 $0x28;
	[sflag:s20] =	ssyncadd.s32 $0xFFFFC000  }
0x12a: {  	[bflag:$0x0] =	sbarrier.arrive $0xFFFF  }
0x12b: {  	s8 =	rddreg [dreg:$0x3]  }
0x12c: {  	[tilespmem:s19], [sflag:$0x1] =	stream.linear.gather [spmem:s8], $0x4000, $0x38;
	[tilespmem:$0x1EA00] =	vst v63  }
0x12d: {  	_ = 	snop  }
0x12e: {  	[tilespmem:s28], [sflag:$0x2] =	stream.linear.gather [spmem:s10], $0x4000, $0x38;
	[tilespmem:$0x1EA00] =	vst v63  }
0x12f: {  	_ =	swait.ge [sflag:s31], $0x4000  }
0x130: {  	[sflag:s31] =	ssyncset.done $0x0  }
0x131: {  	s9 =	smov.u32 s10;
	s10 =	rddreg [dreg:$0x5];
	[sflag:s31] =	ssyncadd.s32 $0xFFFFC000  }
0x132: {  	[hbm4b:s10+s3] =	stream.linear.scatter [tilespmem:s19], [sflag:$0x3], $0x4000, $0x38;
	[tilespmem:$0x1EA00] =	vst v63  }
0x133: {  	_ =	swait.ge [sflag:s20], $0x4000  }
0x134: {  	[sflag:s20] =	ssyncset.done $0x0  }
0x135: {  	[sflag:s20] =	ssyncadd.s32 $0xFFFFC000  }
0x136: {  	[tilespmem:s19], [sflag:$0x1] =	stream.linear.gather [spmem:s11], $0x4000, $0x38;
	[tilespmem:$0x1EA00] =	vst v63  }
0x137: {  	_ =	swait.ge [sflag:s1], $0x4000  }
0x138: {  	[sflag:s1] =	ssyncset.done $0x0  }
0x139: {  	s17 =	smov.u32 s11;
	s11 =	rddreg [dreg:$0x6];
	[sflag:s1] =	ssyncadd.s32 $0xFFFFC000  }
0x13a: {  	[hbm4b:s11+s3] =	stream.linear.scatter [tilespmem:s28], [sflag:$0x3], $0x4000, $0x38;
	[tilespmem:$0x1EA00] =	vst v63  }
0x13b: {  	_ =	swait.ge [sflag:s20], $0x4000  }
0x13c: {  	[sflag:s20] =	ssyncset.done $0x0  }
0x13d: {  	[sflag:s20] =	ssyncadd.s32 $0xFFFFC000  }
0x13e: {  	[tilespmem:s28], [sflag:$0x2] =	stream.linear.gather [spmem:s7], $0x4000, $0x38;
	[tilespmem:$0x1EA00] =	vst v63  }
0x13f: {  	_ =	swait.ge [sflag:s31], $0x4000  }
0x140: {  	[sflag:s31] =	ssyncset.done $0x0  }
0x141: {  	s16 =	rddreg [dreg:$0x7];
	[sflag:s31] =	ssyncadd.s32 $0xFFFFC000  }
0x142: {  	[hbm4b:s16+s3] =	stream.linear.scatter [tilespmem:s19], [sflag:$0x3], $0x4000, $0x38;
	[tilespmem:$0x1EA00] =	vst v63  }
0x143: {  	_ =	swait.ge [sflag:s20], $0x4000  }
0x144: {  	[sflag:s20] =	ssyncset.done $0x0  }
0x145: {  	s8 =	rddreg [dreg:$0x4];
	[sflag:s20] =	ssyncadd.s32 $0xFFFFC000  }
0x146: {  	[tilespmem:s19], [sflag:$0x1] =	stream.linear.gather [spmem:s8], $0x4000, $0x38;
	[tilespmem:$0x1EA00] =	vst v63  }
0x147: {  	_ =	swait.ge [sflag:s1], $0x4000  }
0x148: {  	[sflag:s1] =	ssyncset.done $0x0  }
0x149: {  	s10 =	rddreg [dreg:$0x8];
	[sflag:s1] =	ssyncadd.s32 $0xFFFFC000  }
0x14a: {  	[hbm4b:s10+s3] =	stream.linear.scatter [tilespmem:s28], [sflag:$0x3], $0x4000, $0x38;
	[tilespmem:$0x1EA00] =	vst v63  }
0x14b: {  	_ =	swait.ge [sflag:s20], $0x4000  }
0x14c: {  	[sflag:s20] =	ssyncset.done $0x0  }
0x14d: {  	[sflag:s20] =	ssyncadd.s32 $0xFFFFC000  }
0x14e: {  	_ =	swait.ge [sflag:s31], $0x4000  }
0x14f: {  	[sflag:s31] =	ssyncset.done $0x0  }
0x150: {  	s11 =	rddreg [dreg:$0x9];
	[sflag:s31] =	ssyncadd.s32 $0xFFFFC000  }
0x151: {  	[hbm4b:s11+s3] =	stream.linear.scatter [tilespmem:s19], [sflag:$0x3], $0x4000, $0x38;
	[tilespmem:$0x1EA00] =	vst v63  }
0x152: {  	_ =	swait.ge [sflag:s20], $0x4000  }
0x153: {  	s15 =	sadd.s32 $0x1, s15;
	s16 =	rddreg [dreg:$0xa]  }
0x154: {  	p0 =	sne.s32 s15, s16  }
.Ltmp3:
0x155: {  	_ = 	snop;
	(pc) =	sbr.rel @p0 .LBB2_1-.Ltmp3, $3  }
0x156: {  	_ =	sdelay $0x1  }
0x157: {  	[sflag:s20] =	ssyncset.done $0x0  }
0x158: {  	s18 =	smov.u32 s7;
	[sflag:s20] =	ssyncadd.s32 $0xFFFFC000  }
0x159: {  	_ =	sfence.sel $0x180000  }
0x15a: {  	[bflag:$0x0] =	sbarrier.arrive $0xFFFF  }
0x15b: {  	_ =	strace $0x9000004A  }
0x15c: {  	s0 =	stileid.u32;
	[bflag:$0x2] =	sbarrier.arrive $0xFFFF  }
0x15d: {  	p0 =	sne.s32 s0, $0x0;
	s0 =	rddreg [dreg:$0x2]  }
0x15e: {  	s0 =	sadd.s32 @!p0 $0x100000, s0  }
0x15f: {  	[sflag:s0] =	ssyncadd.tile.s32 @!p0 $0x1;
	_ =	shalt  }
.Lfunc_end2:
_tile_overlayer_lowered:
.L_overlay_start_2:
0x160: {  	(tag) =	ssettag $0x2  }
0x161: {  	s0 =	rddreg [dreg:$0x0];
	s2 =	stileid.u32  }
0x162: {  	s1 =	rddreg [dreg:$0x1];
	p0 =	sne.s32 s2, $0x0  }
0x163: {  	s3 =	rddreg [dreg:$0x2];
	[bflag:$0x3] =	sbarrier.arrive $0xFFFF;
	s2 =	simm.s32 @!p0 $0x1C03  }
0x164: {  	[timem:s3], [sflag:s2] =	dma.local @!p0 [hbm:s0], s1  }
0x165: {  	s0 =	simm.s32 @!p0 $0x3  }
0x166: {  	_ =	swait.ge @!p0 [sflag:s0], s1  }
0x167: {  	s1 =	ssub.s32 @!p0 $0x0, s1;
	[sflag:s0] =	ssyncset.done @!p0 $0x0  }
0x168: {  	[sflag:s0] =	ssyncadd.s32 @!p0 s1  }
0x169: {  	[bflag:$0x3] =	sbarrier.arrive $0xFFFF  }
0x16a: {  	_ =	shalt  }

// kernel: kernel.18.cloned.1.call-start
scs
__scs_entry_jumppad:
0x0: {  	(pc) =	sbr.rel $0x88, $3  }
0x1: {  	(tag) =	ssettag $0x0;
	lr =	simm.s32 $0x1  }
0x2: {  	[smem:$0x3F93] =	sst lr;
	_ =	strace $0xD0000000  }
0x3: {  	_ = 	snop  }
0x4: {  	_ = 	snop  }
0x5: {  	_ = 	snop  }
0x6: {  	_ = 	snop  }
0x7: {  	_ = 	snop  }
__scs_overlays_trampoline_lowered:
0x8: {  	[smem:$0x3FA2] =	sst s0  }
0x9: {  	[smem:$0x3FA3] =	sst s1  }
0xa: {  	[smem:$0x3FA4] =	sst s2  }
0xb: {  	[smem:$0x3FA5] =	sst s3  }
0xc: {  	[smem:$0x3FA6] =	sst s4  }
0xd: {  	[smem:$0x3FA7] =	sst s5  }
0xe: {  	[smem:$0x3FA8] =	sst s6  }
0xf: {  	[smem:$0x3FA9] =	sst s7  }
0x10: {  	[smem:$0x3FAA] =	sst s8  }
0x11: {  	[smem:$0x3FAB] =	sst s9;
	s0 =	simm.s32 @!p0 $0x0  }
0x12: {  	s1 =	sld [smem:$0x3F91];
	s0 =	simm.s32 @p0 $0x1  }
0x13: {  	[smem:$0x3FAC] =	sst s0;
	s0 =	simm.s32 @!p1 $0x0  }
0x14: {  	s2 =	sld [smem:$0x3F90];
	s0 =	simm.s32 @p1 $0x1  }
0x15: {  	[smem:$0x3FAD] =	sst s0;
	s0 =	simm.s32 @!p2 $0x0  }
0x16: {  	s3 =	sld [smem:$0x3FDB];
	s0 =	simm.s32 @p2 $0x1  }
0x17: {  	s4 =	simm.s32 $0x1BF5;
	[smem:$0x3FAF] =	sst s0  }
0x18: {  	s0 =	sld [smem:$0x3F92];
	_ =	swait.ge [sflag:s4], $0x0  }
0x19: {  	s7 =	sld [smem:$0x3F93]  }
0x1a: {  	s8 =	sadd.s32 $0xFFFFE003, lr  }
0x1b: {  	s9 =	sadd.s32 $0xFFFFFEF7, lr;
	s5 =	simm.s32 $0xFFFFFFFF;
	p2 =	slt.u32 s8, $0xFFFFF086  }
0x1c: {  	p1 =	slt.u32 s9, $0xF7A;
	s5 =	simm.s32 @!p2 $0x0  }
0x1d: {  	s5 =	simm.s32 @p1 $0x1;
	p0 =	seq.s32 s7, s2  }
0x1e: {  	s7 =	smul.u32 @!p0 $0xF7A, s2;
	p2 =	seq.s32 @!p0 s5, $0x0  }
0x1f: {  	s9 =	smul.u32 $0xF7A, s1;
	s8 =	simm.s32 @!p0 $0x1BF5;
	p2 =	por !p2, p0  }
0x20: {  	[sflag:s8] =	ssyncset.s32 @!p0 $0xFFFFF086;
	s6 =	sadd.s32 @!p0 s3, s7;
	s7 =	simm.s32 @!p0 $0x108  }
0x21: {  	s3 =	sadd.s32 s3, s9;
	s6 =	sadd.s32 @!p0 $0x88, s6;
	s7 =	simm.s32 @p2 $0x1082  }
0x22: {  	[simem:s7], [sflag:s8] =	dma.local @!p0 [hbm:s6], $0xF7A  }
0x23: {  	s9 =	sor.u32 $0xD0000000, s2;
	s6 =	simm.s32 $0x108;
	_ =	swait.ge @!p0 [sflag:s8], $0x0  }
0x24: {  	s3 =	sadd.s32 $0x88, s3;
	s6 =	simm.s32 @!p1 $0x1082;
	[sflag:s4] =	ssyncset.s32 $0xFFFFF086  }
0x25: {  	[simem:s6], [sflag:s4] =	dma.local [hbm:s3], $0xF7A  }
0x26: {  	[smem:$0x3F93] =	sst s1;
	(tag) =	ssettag s2;
	_ =	strace s9  }
0x27: {  	s1 =	sld [smem:$0x3FA3]  }
0x28: {  	s2 =	sld [smem:$0x3FA4]  }
0x29: {  	s4 =	sld [smem:$0x3FA6]  }
0x2a: {  	p0 =	seq.s32 s5, $0x0;
	s5 =	sld [smem:$0x3FA7]  }
0x2b: {  	s6 =	sld [smem:$0x3FA8]  }
0x2c: {  	s7 =	sld [smem:$0x3FA9]  }
0x2d: {  	s3 =	simm.s32 $0x108;
	s8 =	sld [smem:$0x3FAA]  }
0x2e: {  	s3 =	simm.s32 @!p0 $0x1082;
	s9 =	sld [smem:$0x3FAB]  }
0x2f: {  	lr =	sadd.s32 s0, s3;
	s0 =	sld [smem:$0x3FA2]  }
0x30: {  	s3 =	sld [smem:$0x3FA5]  }
0x31: {  	[smem:$0x3FAE] =	sst s10  }
0x32: {  	s10 =	sld [smem:$0x3FAC];
	_ =	sdelay $0x3  }
0x33: {  	p0 =	seq.s32 s10, $0x1;
	s10 =	sld [smem:$0x3FAE];
	_ =	sdelay $0x3  }
0x34: {  	[smem:$0x3FAE] =	sst s10  }
0x35: {  	s10 =	sld [smem:$0x3FAD];
	_ =	sdelay $0x3  }
0x36: {  	p1 =	seq.s32 s10, $0x1;
	s10 =	sld [smem:$0x3FAE];
	_ =	sdelay $0x3  }
0x37: {  	[smem:$0x3FAE] =	sst s10  }
0x38: {  	s10 =	sld [smem:$0x3FAF]  }
0x39: {  	_ = 	snop;
	(pc) =	sbr.ind lr, $3  }
0x3a: {  	_ = 	snop  }
0x3b: {  	_ = 	snop  }
0x3c: {  	p2 =	seq.s32 s10, $0x1;
	s10 =	sld [smem:$0x3FAE]  }
0x3d: {  	_ =	shalt  }
0x3e: {  	_ =	shalt  }
0x3f: {  	_ =	shalt  }
0x40: {  	_ =	shalt  }
0x41: {  	_ =	shalt  }
0x42: {  	_ =	shalt  }
0x43: {  	_ =	shalt  }
0x44: {  	_ =	shalt  }
0x45: {  	_ =	shalt  }
0x46: {  	_ =	shalt  }
0x47: {  	_ =	shalt  }
0x48: {  	_ =	shalt  }
0x49: {  	_ =	shalt  }
0x4a: {  	_ =	shalt  }
0x4b: {  	_ =	shalt  }
0x4c: {  	_ =	shalt  }
0x4d: {  	_ =	shalt  }
0x4e: {  	_ =	shalt  }
0x4f: {  	_ =	shalt  }
0x50: {  	_ =	shalt  }
0x51: {  	_ =	shalt  }
0x52: {  	_ =	shalt  }
0x53: {  	_ =	shalt  }
0x54: {  	_ =	shalt  }
0x55: {  	_ =	shalt  }
0x56: {  	_ =	shalt  }
0x57: {  	_ =	shalt  }
0x58: {  	_ =	shalt  }
0x59: {  	_ =	shalt  }
0x5a: {  	_ =	shalt  }
0x5b: {  	_ =	shalt  }
0x5c: {  	_ =	shalt  }
0x5d: {  	_ =	shalt  }
0x5e: {  	_ =	shalt  }
0x5f: {  	_ =	shalt  }
0x60: {  	_ =	shalt  }
0x61: {  	_ =	shalt  }
0x62: {  	_ =	shalt  }
0x63: {  	_ =	shalt  }
0x64: {  	_ =	shalt  }
0x65: {  	_ =	shalt  }
0x66: {  	_ =	shalt  }
0x67: {  	_ =	shalt  }
0x68: {  	_ =	shalt  }
0x69: {  	_ =	shalt  }
0x6a: {  	_ =	shalt  }
0x6b: {  	_ =	shalt  }
0x6c: {  	_ =	shalt  }
0x6d: {  	_ =	shalt  }
0x6e: {  	_ =	shalt  }
0x6f: {  	_ =	shalt  }
0x70: {  	_ =	shalt  }
0x71: {  	_ =	shalt  }
0x72: {  	_ =	shalt  }
0x73: {  	_ =	shalt  }
0x74: {  	_ =	shalt  }
0x75: {  	_ =	shalt  }
0x76: {  	_ =	shalt  }
0x77: {  	_ =	shalt  }
0x78: {  	_ =	shalt  }
0x79: {  	_ =	shalt  }
0x7a: {  	_ =	shalt  }
0x7b: {  	_ =	shalt  }
0x7c: {  	_ =	shalt  }
0x7d: {  	_ =	shalt  }
0x7e: {  	_ =	shalt  }
0x7f: {  	_ =	shalt  }
0x80: {  	_ =	shalt  }
0x81: {  	_ =	shalt  }
0x82: {  	_ =	shalt  }
0x83: {  	_ =	shalt  }
0x84: {  	_ =	shalt  }
0x85: {  	_ =	shalt  }
0x86: {  	_ =	shalt  }
0x87: {  	_ =	shalt  }
.Lfunc_end0:
.L_simem_size_0:
called_computation.2_lowered:
.L_overlay_start_0:
0x88: {  	s2 =	sld [smem:$0x3FD9]  }
0x89: {  	s3 =	sld [smem:$0x3FFE];
	_ =	sdelay $0x1  }
0x8a: {  	s1 =	srdreg.scid  }
0x8b: {  	s0 =	sand.u32 $0x1, s1  }
0x8c: {  	s16 =	sshll.u32 s0, $0xA;
	s2 =	sadd.s32 s3, s2  }
0x8d: {  	s2 =	sadd.s32 s2, s16  }
0x8e: {  	[smem:$0x3FBA] =	sst s2  }
0x8f: {  	_ = 	snop  }
0x90: {  	(tm) =	ssettm $0x1  }
0x91: {  	s17 =	sld [smem:$0x3FFB];
	_ =	sdelay $0x3  }
0x92: {  	_ =	strace s17  }
0x93: {  	s2 =	sld [smem:$0x3FFC];
	_ =	sdelay $0x3  }
0x94: {  	_ =	strace s2  }
0x95: {  	s2 =	sld [smem:$0x3FFD];
	_ =	sdelay $0x3  }
0x96: {  	_ =	strace s2  }
0x97: {  	_ =	strace $0x8FFFFFFF  }
0x98: {  	s18 =	sld [smem:$0x3FDB];
	_ =	sdelay $0x1  }
0x99: {  	s19 =	simm.s32 $_scs_section_size  }
0x9a: {  	s4 =	simm.s32 $_size__tile_overlayer_lowered;
	s5 =	simm.s32 $_tile_overlayer_lowered  }
0x9b: {  	s22 =	simm.s32 $0x1BFF;
	s21 =	sshll.u32 s5, $0x1;
	s2 =	sadd.s32 s19, s18  }
0x9c: {  	s6 =	simm.s32 $0x0;
	s20 =	sshll.u32 s4, $0x1;
	s4 =	sadd.s32 s21, s2  }
0x9d: {  	[timem:s6], [sflag:s22] =	dma.local [hbm:s4], s20  }
0x9e: {  	_ =	swait.ge [sflag:s22], s20  }
0x9f: {  	s3 =	ssub.s32 $0x0, s20;
	[sflag:s22] =	ssyncset.done $0x0  }
0xa0: {  	[sflag:s22] =	ssyncadd.s32 s3;
	_ =	sdelay $0x1  }
0xa1: {  	s23 =	simm.s32 $0x1B8B  }
0xa2: {  	_ =	swait.ge [sflag:s23], $0x1  }
0xa3: {  	[sflag:s23] =	ssyncset.done $0x0  }
0xa4: {  	s25 =	simm.s32 $0x1B8E;
	s24 =	sld [smem:$0x3FFE];
	[sflag:s23] =	ssyncadd.s32 $0xFFFFFFFF  }
0xa5: {  	s26 =	simm.s32 $execute0_lowered;
	[smem:$0x3FD2] =	sst s25  }
0xa6: {  	s4 =	sshll.u32 s26, $0x1;
	_ =	strace $0x8000004C;
	[dreg:$0x1] =	wrdreg $0xFFFFFFFF  }
0xa7: {  	s28 =	simm.s32 $_size_execute0_lowered;
	s2 =	sadd.s32 s2, s4;
	[dreg:$0x0] =	wrdreg $0x0  }
0xa8: {  	s4 =	sshll.u32 s28, $0x1;
	[dreg:$0x2] =	wrdreg s2  }
0xa9: {  	[dreg:$0x3] =	wrdreg s4  }
0xaa: {  	[dreg:$0x4] =	wrdreg $0xC0  }
0xab: {  	_ =	task [dreg:s6], $0x5FFFF  }
0xac: {  	[dreg:$0x1] =	wrdreg $0xFFFFFFFF  }
0xad: {  	[dreg:$0x0] =	wrdreg $0x60  }
0xae: {  	[dreg:$0x2] =	wrdreg s24  }
0xaf: {  	[dreg:$0x3] =	wrdreg $0xAA000  }
0xb0: {  	[dreg:$0x4] =	wrdreg $0x9  }
0xb1: {  	_ =	task.clear_ibuf [dreg:s6], $0x5FFFF;
	_ =	strace $0x9000004C  }
0xb2: {  	s29 =	simm.s32 $0x9;
	_ =	strace $0x8000004E  }
0xb3: {  	_ =	swait.ge [sflag:s29], $0x1  }
0xb4: {  	[sflag:s29] =	ssyncadd.s32 $0xFFFFFFFF  }
0xb5: {  	_ =	strace $0x9000004E  }
0xb6: {  	_ =	sfence  }
0xb7: {  	s30 =	sld [smem:$0x0];
	_ =	sdelay $0x2  }
0xb8: {  	s31 =	sshll.u32 s1, $0xD;
	s1 =	sshrl.u32 s1, $0x2  }
0xb9: {  	s3 =	sand.u32 $0x4000, s31;
	s1 =	sadd.s32 s1, s30  }
0xba: {  	s0 =	sor.u32 s3, s0;
	s1 =	sshll.u32 s1, $0x11  }
0xbb: {  	s0 =	sor.u32 s1, s0  }
0xbc: {  	s0 =	sadd.s32 $0x8F2B, s0  }
0xbd: {  	[sflag:s0] =	ssyncadd.remote.s32 $0x1  }
0xbe: {  	_ =	sfence.sel $0xFFFF  }
0xbf: {  	[dreg:$0x0] =	wrdreg $0xFFFFFFFF;
	(pc) =	sbr.abs _section_cstart, $3  }
0xc0: {  	[dreg:$0x1] =	wrdreg $0xFFFFFFFF  }
0xc1: {  	_ =	task.clear_ibuf [dreg:s6], $0x2FFFF;
	_ =	strace $0x9FFFFFFF  }
0xc2: {  	(tm) =	ssettm $0x7FFFFFFF  }
0xc3: {  	_ =	shalt  }
tec
execute0_lowered:
.L_overlay_start_1:
0x0: {  	(tag) =	ssettag $0x1  }
0x1: {  	s0 =	rddreg [dreg:$0x0]  }
0x2: {  	s2 =	rddreg [dreg:$0x1];
	s1 =	srdreg.scid  }
0x3: {  	s10 =	stileid.u32;
	s3 =	simm.s32 $0x0;
	s19 =	simm.s32 $0x2800  }
0x4: {  	s28 =	simm.s32 $0x6800;
	s29 =	simm.s32 $0xA980;
	s30 =	simm.s32 $0x8800  }
0x5: {  	s31 =	simm.s32 $0x1;
	s13 =	simm.s32 $0x2700;
	s14 =	simm.s32 $0x2780  }
0x6: {  	s15 =	simm.s32 $0x0;
	s1 =	sand.u32 $0x1, s1;
	s5 =	smul.u32 $0x280, s10  }
0x7: {  	[smem:$0x7FF] =	sst s3;
	s4 =	sadd.s32 $0x36E00, s0;
	s8 =	smul.u32 $0x50000, s10  }
0x8: {  	s10 =	sshll.u32 s10, $0x1;
	s6 =	smul.u32 $0x2800, s1;
	_ =	strace $0x8000004D  }
0x9: {  	s9 =	ssub.s32 $0x2, s1;
	s1 =	sor.u32 s1, s10;
	s20 =	sshrl.u32 s8, $0x2  }
0xa: {  	s21 =	sshrl.u32 s9, $0x1;
	s7 =	sadd.s32 s5, s6;
	s5 =	sadd.s32 $0x68E00, s0  }
0xb: {  	s6 =	sadd.s32 $0x4E00, s0;
	s8 =	ssub.s32 s9, s21;
	s7 =	sshll.u32 s7, $0x4  }
0xc: {  	s26 =	smax.u32 s8, $0x1;
	s0 =	sadd.s32 s7, s0;
	s7 =	sadd.s32 s20, s2  }
0xd: {  	[dreg:$0xa] =	wrdreg s26;
	s9 =	sadd.s32 $0x4000, s7;
	s17 =	sadd.s32 $0x8000, s7  }
0xe: {  	s18 =	sadd.s32 $0xC000, s7;
	[dreg:$0x3] =	wrdreg s7;
	s7 =	sadd.s32 $0x10000, s7  }
0xf: {  	s12 =	smul.u32 $0x50, s1;
	s22 =	sadd.s32 $0x72E00, s0;
	[dreg:$0x4] =	wrdreg s7  }
0x10: {  	s1 =	simm.s32 $0x2;
	s23 =	sadd.s32 $0x73600, s0;
	[dreg:$0x5] =	wrdreg s22  }
0x11: {  	s21 =	simm.s32 $0x1400;
	s24 =	sadd.s32 $0x73E00, s0;
	[dreg:$0x6] =	wrdreg s23  }
0x12: {  	s20 =	simm.s32 $0x3;
	s25 =	sadd.s32 $0x74600, s0;
	[dreg:$0x7] =	wrdreg s24  }
0x13: {  	s26 =	simm.s32 $0xA900;
	s0 =	sadd.s32 $0x74E00, s0;
	[dreg:$0x8] =	wrdreg s25  }
0x14: {  	[dreg:$0x9] =	wrdreg s0;
	s22 =	simm.s32 $0x40;
	s23 =	simm.s32 $0xA800  }
0x15: {  	v0 =	vimm.f32 $0.0e+00;
	s24 =	simm.s32 $0xA880;
	s25 =	simm.s32 $0x4800;
	s0 =	simm.s32 $0x80  }
.LBB2_1:
0x16: {  	s8 =	simm.s32 $0x0;
	s16 =	simm.s32 $0x200  }
.LBB2_2:
0x17: {  	p0 =	sne.s32 s16, $0xFE00;
	[tilespmem:s8+$0x2870] =	vst v0  }
0x18: {  	[tilespmem:s8+$0x2800] =	vst v0  }
0x19: {  	[tilespmem:s8+$0x2810] =	vst v0  }
.Ltmp0:
0x1a: {  	[tilespmem:s8+$0x2820] =	vst v0;
	(pc) =	sbr.rel @p0 .LBB2_2-.Ltmp0, $4  }
0x1b: {  	[tilespmem:s8+$0x2830] =	vst v0  }
0x1c: {  	[tilespmem:s8+$0x2840] =	vst v0  }
0x1d: {  	[tilespmem:s8+$0x2850] =	vst v0  }
0x1e: {  	[tilespmem:s8+$0x2860] =	vst v0;
	s8 =	sshra.s32 s16, $0x2;
	s16 =	sadd.s32 $0x200, s16  }
0x1f: {  	[tilespmem:s8+$0x2870] =	vst v0  }
0x20: {  	[tilespmem:s8+$0x2800] =	vst v0  }
0x21: {  	[tilespmem:s8+$0x2810] =	vst v0  }
0x22: {  	[tilespmem:s8+$0x2820] =	vst v0  }
0x23: {  	[tilespmem:s8+$0x2830] =	vst v0  }
0x24: {  	[tilespmem:s8+$0x2840] =	vst v0  }
0x25: {  	[tilespmem:s8+$0x2850] =	vst v0  }
0x26: {  	[tilespmem:s8+$0x2860] =	vst v0;
	s7 =	rddreg [dreg:$0x3]  }
0x27: {  	[spmem:s7] =	stream.linear.scatter [tilespmem:s19], [sflag:$0x3], $0x4000, $0x38;
	[tilespmem:$0x1EA00] =	vst v63  }
0x28: {  	_ =	swait.ge [sflag:s20], $0x4000  }
0x29: {  	[sflag:s20] =	ssyncset.done $0x0  }
0x2a: {  	[sflag:s20] =	ssyncadd.s32 $0xFFFFC000  }
0x2b: {  	[spmem:s9] =	stream.linear.scatter [tilespmem:s19], [sflag:$0x3], $0x4000, $0x38;
	[tilespmem:$0x1EA00] =	vst v63  }
0x2c: {  	_ =	swait.ge [sflag:s20], $0x4000  }
0x2d: {  	[sflag:s20] =	ssyncset.done $0x0  }
0x2e: {  	[sflag:s20] =	ssyncadd.s32 $0xFFFFC000  }
0x2f: {  	[spmem:s17] =	stream.linear.scatter [tilespmem:s19], [sflag:$0x3], $0x4000, $0x38;
	[tilespmem:$0x1EA00] =	vst v63  }
0x30: {  	_ =	swait.ge [sflag:s20], $0x4000  }
0x31: {  	[sflag:s20] =	ssyncset.done $0x0  }
0x32: {  	[sflag:s20] =	ssyncadd.s32 $0xFFFFC000  }
0x33: {  	[spmem:s18] =	stream.linear.scatter [tilespmem:s19], [sflag:$0x3], $0x4000, $0x38;
	[tilespmem:$0x1EA00] =	vst v63  }
0x34: {  	_ =	swait.ge [sflag:s20], $0x4000  }
0x35: {  	[sflag:s20] =	ssyncset.done $0x0  }
0x36: {  	s7 =	smov.u32 s18;
	s18 =	rddreg [dreg:$0x4];
	[sflag:s20] =	ssyncadd.s32 $0xFFFFC000  }
0x37: {  	[spmem:s18] =	stream.linear.scatter [tilespmem:s19], [sflag:$0x3], $0x4000, $0x38;
	[tilespmem:$0x1EA00] =	vst v63  }
0x38: {  	_ =	swait.ge [sflag:s20], $0x4000  }
0x39: {  	s10 =	smov.u32 s9;
	[sflag:s20] =	ssyncset.done $0x0  }
0x3a: {  	s11 =	smov.u32 s17;
	s16 =	simm.s32 $0x0;
	[sflag:s20] =	ssyncadd.s32 $0xFFFFC000  }
0x3b: {  	p1 =	por $0x1, $0x1;
	s8 =	simm.s32 $0x0;
	[bflag:$0x0] =	sbarrier.arrive $0xFFFF  }
.LBB2_4:
0x3c: {  	s8 =	sadd.s32 s12, s8  }
0x3d: {  	s8 =	sshll.u32 s8, $0x4  }
0x3e: {  	s9 =	sadd.s32 s5, s8  }
0x3f: {  	[tilespmem:s16], [sflag:$0x3] =	stream.linear.gather [hbm4b:s9+s16], $0x1400, $0x38;
	[tilespmem:$0x1EA00] =	vst v63  }
0x40: {  	_ =	swait.ge [sflag:s20], $0x1400  }
0x41: {  	[sflag:s20] =	ssyncset.done $0x0  }
0x42: {  	s8 =	sadd.s32 s6, s8;
	[sflag:s20] =	ssyncadd.s32 $0xFFFFEC00  }
0x43: {  	[tilespmem:s21], [sflag:$0x3] =	stream.linear.gather [hbm4b:s8+s16], $0x1400, $0x38;
	[tilespmem:$0x1EA00] =	vst v63  }
0x44: {  	_ =	swait.ge [sflag:s20], $0x1400  }
0x45: {  	[sflag:s20] =	ssyncset.done $0x0  }
0x46: {  	[sflag:s20] =	ssyncadd.s32 $0xFFFFEC00  }
0x47: {  	v1 =	vld [tilespmem:$0x0]  }
0x48: {  	v2 =	vld [tilespmem:$0x40]  }
0x49: {  	v3 =	vld [tilespmem:$0x10]  }
0x4a: {  	v4 =	vld [tilespmem:$0x50]  }
0x4b: {  	v5 =	vld [tilespmem:$0x20]  }
0x4c: {  	[tilespmem:$0xA800] =	vst v1;
	v1 =	vld [tilespmem:$0x60]  }
0x4d: {  	[tilespmem:$0xA880] =	vst v2;
	v2 =	vld [tilespmem:$0x30]  }
0x4e: {  	[tilespmem:$0xA810] =	vst v3;
	v3 =	vld [tilespmem:$0x70]  }
0x4f: {  	[tilespmem:$0xA890] =	vst v4  }
0x50: {  	[tilespmem:$0xA820] =	vst v5  }
0x51: {  	[tilespmem:$0xA8A0] =	vst v1  }
0x52: {  	[tilespmem:$0xA830] =	vst v2  }
0x53: {  	[tilespmem:$0xA8B0] =	vst v3  }
0x54: {  	[tilespmem:s19], [sflag:$0x1] =	stream.indirect.gather [hbm4b:s4+s22], $0x80, s23, s22, $0xb8;
	[tilespmem:$0x1EA00] =	vst v63  }
0x55: {  	s18 =	simm.s32 $0x0  }
0x56: {  	[tilespmem:s25], [sflag:$0x1] =	stream.indirect.gather [hbm4b:s4+s22], $0x80, s24, s22, $0xb8;
	[tilespmem:$0x1EA00] =	vst v63  }
0x57: {  	v1 =	vld [tilespmem:s18+$0x80];
	_ =	sdelay $0x4  }
0x58: {  	[tilespmem:$0xA900] =	vst v1  }
0x59: {  	v1 =	vld [tilespmem:s18+$0xC0];
	_ =	sdelay $0x4  }
0x5a: {  	[tilespmem:$0xA980] =	vst v1  }
0x5b: {  	v1 =	vld [tilespmem:s18+$0x90];
	_ =	sdelay $0x4  }
0x5c: {  	[tilespmem:$0xA910] =	vst v1  }
0x5d: {  	v1 =	vld [tilespmem:s18+$0xD0];
	_ =	sdelay $0x4  }
0x5e: {  	[tilespmem:$0xA990] =	vst v1  }
0x5f: {  	v1 =	vld [tilespmem:s18+$0xA0];
	_ =	sdelay $0x4  }
0x60: {  	[tilespmem:$0xA920] =	vst v1  }
0x61: {  	v1 =	vld [tilespmem:s18+$0xE0];
	_ =	sdelay $0x4  }
0x62: {  	[tilespmem:$0xA9A0] =	vst v1  }
0x63: {  	v1 =	vld [tilespmem:s18+$0xB0];
	_ =	sdelay $0x4  }
0x64: {  	[tilespmem:$0xA930] =	vst v1  }
0x65: {  	v1 =	vld [tilespmem:s18+$0xF0];
	_ =	sdelay $0x4  }
0x66: {  	[tilespmem:$0xA9B0] =	vst v1  }
0x67: {  	[tilespmem:s28], [sflag:$0x2] =	stream.indirect.gather [hbm4b:s4+s22], $0x80, s26, s22, $0xb8;
	[tilespmem:$0x1EA00] =	vst v63  }
0x68: {  	_ = 	snop  }
0x69: {  	[tilespmem:s30], [sflag:$0x2] =	stream.indirect.gather [hbm4b:s4+s22], $0x80, s29, s22, $0xb8;
	[tilespmem:$0x1EA00] =	vst v63  }
0x6a: {  	_ =	swait.ge [sflag:s31], $0x2000  }
0x6b: {  	[sflag:s31] =	ssyncset.done $0x0  }
0x6c: {  	[sflag:s31] =	ssyncadd.s32 $0xFFFFE000  }
0x6d: {  	_ =	swait.ge [sflag:s31], $0x2000  }
0x6e: {  	[sflag:s31] =	ssyncset.done $0x0  }
0x6f: {  	s17 =	simm.s32 $0x1400;
	[sflag:s31] =	ssyncadd.s32 $0xFFFFE000  }
0x70: {  	[spmem:s2] =	stream.indirect.scatter.add.f32 [tilespmem:s19], [sflag:$0x3], $0x80, s17, s0, $0xb8;
	[tilespmem:$0x1EA00] =	vst v63  }
0x71: {  	_ =	swait.ge [sflag:s20], $0x4000  }
0x72: {  	[sflag:s20] =	ssyncset.done $0x0  }
0x73: {  	[sflag:s20] =	ssyncadd.s32 $0xFFFFC000  }
0x74: {  	v1 =	vld [tilespmem:s18+$0x100];
	_ =	sdelay $0x4  }
0x75: {  	[tilespmem:$0xA800] =	vst v1  }
0x76: {  	v1 =	vld [tilespmem:s18+$0x140];
	_ =	sdelay $0x4  }
0x77: {  	[tilespmem:$0xA880] =	vst v1  }
0x78: {  	v1 =	vld [tilespmem:s18+$0x110];
	_ =	sdelay $0x4  }
0x79: {  	[tilespmem:$0xA810] =	vst v1  }
0x7a: {  	v1 =	vld [tilespmem:s18+$0x150];
	_ =	sdelay $0x4  }
0x7b: {  	[tilespmem:$0xA890] =	vst v1  }
0x7c: {  	v1 =	vld [tilespmem:s18+$0x120];
	_ =	sdelay $0x4  }
0x7d: {  	[tilespmem:$0xA820] =	vst v1  }
0x7e: {  	v1 =	vld [tilespmem:s18+$0x160];
	_ =	sdelay $0x4  }
0x7f: {  	[tilespmem:$0xA8A0] =	vst v1  }
0x80: {  	v1 =	vld [tilespmem:s18+$0x130];
	_ =	sdelay $0x4  }
0x81: {  	[tilespmem:$0xA830] =	vst v1  }
0x82: {  	v1 =	vld [tilespmem:s18+$0x170];
	_ =	sdelay $0x4  }
0x83: {  	[tilespmem:$0xA8B0] =	vst v1  }
0x84: {  	[tilespmem:s19], [sflag:$0x1] =	stream.indirect.gather [hbm4b:s4+s22], $0x80, s23, s22, $0xb8;
	[tilespmem:$0x1EA00] =	vst v63  }
0x85: {  	_ = 	snop  }
0x86: {  	[tilespmem:s25], [sflag:$0x1] =	stream.indirect.gather [hbm4b:s4+s22], $0x80, s24, s22, $0xb8;
	[tilespmem:$0x1EA00] =	vst v63  }
0x87: {  	_ =	swait.ge [sflag:s1], $0x2000  }
0x88: {  	[sflag:s1] =	ssyncset.done $0x0  }
0x89: {  	[sflag:s1] =	ssyncadd.s32 $0xFFFFE000  }
0x8a: {  	_ =	swait.ge [sflag:s1], $0x2000  }
0x8b: {  	[sflag:s1] =	ssyncset.done $0x0  }
0x8c: {  	s18 =	simm.s32 $0x1480;
	[sflag:s1] =	ssyncadd.s32 $0xFFFFE000  }
0x8d: {  	[spmem:s2] =	stream.indirect.scatter.add.f32 [tilespmem:s28], [sflag:$0x3], $0x80, s18, s0, $0xb8;
	[tilespmem:$0x1EA00] =	vst v63  }
0x8e: {  	p0 =	por p1, p1;
	_ =	swait.ge [sflag:s20], $0x4000  }
0x8f: {  	s17 =	simm.s32 $0x400;
	s18 =	simm.s32 $0x800;
	[sflag:s20] =	ssyncset.done $0x0  }
.LBB2_5:
0x90: {  	s8 =	sshra.s32 s17, $0x2  }
0x91: {  	[sflag:s20] =	ssyncadd.s32 $0xFFFFC000;
	s17 =	smov.u32 s18;
	s9 =	sadd.s32 $0x400, s18  }
0x92: {  	p1 =	sne.s32 s18, $0x4800;
	v1 =	vld [tilespmem:s8+$0x80];
	_ =	sdelay $0x4  }
0x93: {  	[tilespmem:$0xA900] =	vst v1  }
0x94: {  	v1 =	vld [tilespmem:s8+$0xC0];
	_ =	sdelay $0x4  }
0x95: {  	[tilespmem:$0xA980] =	vst v1  }
0x96: {  	v1 =	vld [tilespmem:s8+$0x90];
	_ =	sdelay $0x4  }
0x97: {  	[tilespmem:$0xA910] =	vst v1  }
0x98: {  	v1 =	vld [tilespmem:s8+$0xD0];
	_ =	sdelay $0x4  }
0x99: {  	[tilespmem:$0xA990] =	vst v1  }
0x9a: {  	v1 =	vld [tilespmem:s8+$0xA0];
	_ =	sdelay $0x4  }
0x9b: {  	[tilespmem:$0xA920] =	vst v1  }
0x9c: {  	v1 =	vld [tilespmem:s8+$0xE0];
	_ =	sdelay $0x4  }
0x9d: {  	[tilespmem:$0xA9A0] =	vst v1  }
0x9e: {  	v1 =	vld [tilespmem:s8+$0xB0];
	_ =	sdelay $0x4  }
0x9f: {  	[tilespmem:$0xA930] =	vst v1  }
0xa0: {  	v1 =	vld [tilespmem:s8+$0xF0];
	_ =	sdelay $0x4  }
0xa1: {  	[tilespmem:$0xA9B0] =	vst v1  }
0xa2: {  	[tilespmem:s28], [sflag:$0x2] =	stream.indirect.gather [hbm4b:s4+s22], $0x80, s26, s22, $0xb8;
	[tilespmem:$0x1EA00] =	vst v63  }
0xa3: {  	_ = 	snop  }
0xa4: {  	[tilespmem:s30], [sflag:$0x2] =	stream.indirect.gather [hbm4b:s4+s22], $0x80, s29, s22, $0xb8;
	[tilespmem:$0x1EA00] =	vst v63  }
0xa5: {  	_ =	swait.ge [sflag:s31], $0x2000  }
0xa6: {  	[sflag:s31] =	ssyncset.done $0x0  }
0xa7: {  	[sflag:s31] =	ssyncadd.s32 $0xFFFFE000  }
0xa8: {  	_ =	swait.ge [sflag:s31], $0x2000  }
0xa9: {  	[sflag:s31] =	ssyncset.done $0x0  }
0xaa: {  	s18 =	sadd.s32 $0x1400, s8;
	[sflag:s31] =	ssyncadd.s32 $0xFFFFE000  }
0xab: {  	[spmem:s2] =	stream.indirect.scatter.add.f32 [tilespmem:s19], [sflag:$0x3], $0x80, s18, s0, $0xb8;
	[tilespmem:$0x1EA00] =	vst v63  }
0xac: {  	_ =	swait.ge [sflag:s20], $0x4000  }
0xad: {  	[sflag:s20] =	ssyncset.done $0x0  }
0xae: {  	[sflag:s20] =	ssyncadd.s32 $0xFFFFC000  }
0xaf: {  	v1 =	vld [tilespmem:s8+$0x100];
	_ =	sdelay $0x4  }
0xb0: {  	[tilespmem:$0xA800] =	vst v1  }
0xb1: {  	v1 =	vld [tilespmem:s8+$0x140];
	_ =	sdelay $0x4  }
0xb2: {  	[tilespmem:$0xA880] =	vst v1  }
0xb3: {  	v1 =	vld [tilespmem:s8+$0x110];
	_ =	sdelay $0x4  }
0xb4: {  	[tilespmem:$0xA810] =	vst v1  }
0xb5: {  	v1 =	vld [tilespmem:s8+$0x150];
	_ =	sdelay $0x4  }
0xb6: {  	[tilespmem:$0xA890] =	vst v1  }
0xb7: {  	v1 =	vld [tilespmem:s8+$0x120];
	_ =	sdelay $0x4  }
0xb8: {  	[tilespmem:$0xA820] =	vst v1  }
0xb9: {  	v1 =	vld [tilespmem:s8+$0x160];
	_ =	sdelay $0x4  }
0xba: {  	[tilespmem:$0xA8A0] =	vst v1  }
0xbb: {  	v1 =	vld [tilespmem:s8+$0x130];
	_ =	sdelay $0x4  }
0xbc: {  	[tilespmem:$0xA830] =	vst v1  }
0xbd: {  	v1 =	vld [tilespmem:s8+$0x170];
	_ =	sdelay $0x4  }
0xbe: {  	[tilespmem:$0xA8B0] =	vst v1  }
0xbf: {  	[tilespmem:s19], [sflag:$0x1] =	stream.indirect.gather [hbm4b:s4+s22], $0x80, s23, s22, $0xb8;
	[tilespmem:$0x1EA00] =	vst v63  }
0xc0: {  	_ = 	snop  }
0xc1: {  	[tilespmem:s25], [sflag:$0x1] =	stream.indirect.gather [hbm4b:s4+s22], $0x80, s24, s22, $0xb8;
	[tilespmem:$0x1EA00] =	vst v63  }
0xc2: {  	_ =	swait.ge [sflag:s1], $0x2000  }
0xc3: {  	[sflag:s1] =	ssyncset.done $0x0  }
0xc4: {  	[sflag:s1] =	ssyncadd.s32 $0xFFFFE000  }
0xc5: {  	_ =	swait.ge [sflag:s1], $0x2000  }
.Ltmp1:
0xc6: {  	[sflag:s1] =	ssyncset.done $0x0;
	(pc) =	sbr.rel @p1 .LBB2_5-.Ltmp1, $4  }
0xc7: {  	s8 =	sadd.s32 $0x1480, s8;
	[sflag:s1] =	ssyncadd.s32 $0xFFFFE000  }
0xc8: {  	[spmem:s2] =	stream.indirect.scatter.add.f32 [tilespmem:s28], [sflag:$0x3], $0x80, s8, s0, $0xb8;
	[tilespmem:$0x1EA00] =	vst v63  }
0xc9: {  	_ =	swait.ge [sflag:s20], $0x4000  }
0xca: {  	s18 =	smov.u32 s9;
	[sflag:s20] =	ssyncset.done $0x0  }
0xcb: {  	s8 =	sshra.s32 s17, $0x2;
	[sflag:s20] =	ssyncadd.s32 $0xFFFFC000  }
0xcc: {  	v1 =	vld [tilespmem:s8+$0x80];
	_ =	sdelay $0x4  }
0xcd: {  	[tilespmem:$0xA900] =	vst v1  }
0xce: {  	v1 =	vld [tilespmem:s8+$0xC0];
	_ =	sdelay $0x4  }
0xcf: {  	[tilespmem:$0xA980] =	vst v1  }
0xd0: {  	v1 =	vld [tilespmem:s8+$0x90];
	_ =	sdelay $0x4  }
0xd1: {  	[tilespmem:$0xA910] =	vst v1  }
0xd2: {  	v1 =	vld [tilespmem:s8+$0xD0];
	_ =	sdelay $0x4  }
0xd3: {  	[tilespmem:$0xA990] =	vst v1  }
0xd4: {  	v1 =	vld [tilespmem:s8+$0xA0];
	_ =	sdelay $0x4  }
0xd5: {  	[tilespmem:$0xA920] =	vst v1  }
0xd6: {  	v1 =	vld [tilespmem:s8+$0xE0];
	_ =	sdelay $0x4  }
0xd7: {  	[tilespmem:$0xA9A0] =	vst v1  }
0xd8: {  	v1 =	vld [tilespmem:s8+$0xB0];
	_ =	sdelay $0x4  }
0xd9: {  	[tilespmem:$0xA930] =	vst v1  }
0xda: {  	v1 =	vld [tilespmem:s8+$0xF0];
	_ =	sdelay $0x4  }
0xdb: {  	[tilespmem:$0xA9B0] =	vst v1  }
0xdc: {  	[tilespmem:s28], [sflag:$0x2] =	stream.indirect.gather [hbm4b:s4+s22], $0x80, s26, s22, $0xb8;
	[tilespmem:$0x1EA00] =	vst v63  }
0xdd: {  	_ = 	snop  }
0xde: {  	[tilespmem:s30], [sflag:$0x2] =	stream.indirect.gather [hbm4b:s4+s22], $0x80, s29, s22, $0xb8;
	[tilespmem:$0x1EA00] =	vst v63  }
0xdf: {  	_ =	swait.ge [sflag:s31], $0x2000  }
0xe0: {  	[sflag:s31] =	ssyncset.done $0x0  }
0xe1: {  	[sflag:s31] =	ssyncadd.s32 $0xFFFFE000  }
0xe2: {  	_ =	swait.ge [sflag:s31], $0x2000  }
0xe3: {  	[sflag:s31] =	ssyncset.done $0x0  }
0xe4: {  	s9 =	sadd.s32 $0x1400, s8;
	[sflag:s31] =	ssyncadd.s32 $0xFFFFE000  }
0xe5: {  	[spmem:s2] =	stream.indirect.scatter.add.f32 [tilespmem:s19], [sflag:$0x3], $0x80, s9, s0, $0xb8;
	[tilespmem:$0x1EA00] =	vst v63  }
0xe6: {  	_ =	swait.ge [sflag:s20], $0x4000  }
0xe7: {  	[sflag:s20] =	ssyncset.done $0x0  }
0xe8: {  	[sflag:s20] =	ssyncadd.s32 $0xFFFFC000  }
0xe9: {  	v1 =	vld [tilespmem:s8+$0x100];
	_ =	sdelay $0x4  }
0xea: {  	[tilespmem:$0xA800] =	vst v1  }
0xeb: {  	v1 =	vld [tilespmem:s8+$0x140];
	_ =	sdelay $0x4  }
0xec: {  	[tilespmem:$0xA880] =	vst v1  }
0xed: {  	v1 =	vld [tilespmem:s8+$0x110];
	_ =	sdelay $0x4  }
0xee: {  	[tilespmem:$0xA810] =	vst v1  }
0xef: {  	v1 =	vld [tilespmem:s8+$0x150];
	_ =	sdelay $0x4  }
0xf0: {  	[tilespmem:$0xA890] =	vst v1  }
0xf1: {  	v1 =	vld [tilespmem:s8+$0x120];
	_ =	sdelay $0x4  }
0xf2: {  	[tilespmem:$0xA820] =	vst v1  }
0xf3: {  	v1 =	vld [tilespmem:s8+$0x160];
	_ =	sdelay $0x4  }
0xf4: {  	[tilespmem:$0xA8A0] =	vst v1  }
0xf5: {  	v1 =	vld [tilespmem:s8+$0x130];
	_ =	sdelay $0x4  }
0xf6: {  	[tilespmem:$0xA830] =	vst v1  }
0xf7: {  	v1 =	vld [tilespmem:s8+$0x170];
	_ =	sdelay $0x4  }
0xf8: {  	[tilespmem:$0xA8B0] =	vst v1  }
0xf9: {  	[tilespmem:s19], [sflag:$0x1] =	stream.indirect.gather [hbm4b:s4+s22], $0x80, s23, s22, $0xb8;
	[tilespmem:$0x1EA00] =	vst v63  }
0xfa: {  	_ = 	snop  }
0xfb: {  	[tilespmem:s25], [sflag:$0x1] =	stream.indirect.gather [hbm4b:s4+s22], $0x80, s24, s22, $0xb8;
	[tilespmem:$0x1EA00] =	vst v63  }
0xfc: {  	_ =	swait.ge [sflag:s1], $0x2000  }
0xfd: {  	[sflag:s1] =	ssyncset.done $0x0  }
0xfe: {  	[sflag:s1] =	ssyncadd.s32 $0xFFFFE000  }
0xff: {  	_ =	swait.ge [sflag:s1], $0x2000  }
0x100: {  	[sflag:s1] =	ssyncset.done $0x0  }
0x101: {  	s8 =	sadd.s32 $0x1480, s8;
	[sflag:s1] =	ssyncadd.s32 $0xFFFFE000  }
0x102: {  	[spmem:s2] =	stream.indirect.scatter.add.f32 [tilespmem:s28], [sflag:$0x3], $0x80, s8, s0, $0xb8;
	[tilespmem:$0x1EA00] =	vst v63  }
0x103: {  	_ =	swait.ge [sflag:s20], $0x4000  }
0x104: {  	[sflag:s20] =	ssyncset.done $0x0  }
0x105: {  	[sflag:s20] =	ssyncadd.s32 $0xFFFFC000  }
0x106: {  	v1 =	vld [tilespmem:$0x1380]  }
0x107: {  	v2 =	vld [tilespmem:$0x13C0]  }
0x108: {  	v3 =	vld [tilespmem:$0x1390]  }
0x109: {  	v4 =	vld [tilespmem:$0x13D0]  }
0x10a: {  	v5 =	vld [tilespmem:$0x13A0]  }
0x10b: {  	[tilespmem:$0xA900] =	vst v1;
	v1 =	vld [tilespmem:$0x13E0]  }
0x10c: {  	[tilespmem:$0xA980] =	vst v2;
	v2 =	vld [tilespmem:$0x13B0]  }
0x10d: {  	[tilespmem:$0xA910] =	vst v3;
	v3 =	vld [tilespmem:$0x13F0]  }
0x10e: {  	[tilespmem:$0xA990] =	vst v4  }
0x10f: {  	[tilespmem:$0xA920] =	vst v5  }
0x110: {  	[tilespmem:$0xA9A0] =	vst v1  }
0x111: {  	[tilespmem:$0xA930] =	vst v2  }
0x112: {  	[tilespmem:$0xA9B0] =	vst v3  }
0x113: {  	[tilespmem:s28], [sflag:$0x2] =	stream.indirect.gather [hbm4b:s4+s22], $0x80, s26, s22, $0xb8;
	[tilespmem:$0x1EA00] =	vst v63  }
0x114: {  	_ = 	snop  }
0x115: {  	[tilespmem:s30], [sflag:$0x2] =	stream.indirect.gather [hbm4b:s4+s22], $0x80, s29, s22, $0xb8;
	[tilespmem:$0x1EA00] =	vst v63  }
0x116: {  	_ =	swait.ge [sflag:s31], $0x2000  }
0x117: {  	[sflag:s31] =	ssyncset.done $0x0  }
0x118: {  	[sflag:s31] =	ssyncadd.s32 $0xFFFFE000  }
0x119: {  	_ =	swait.ge [sflag:s31], $0x2000  }
0x11a: {  	[sflag:s31] =	ssyncset.done $0x0  }
0x11b: {  	[sflag:s31] =	ssyncadd.s32 $0xFFFFE000  }
0x11c: {  	[spmem:s2] =	stream.indirect.scatter.add.f32 [tilespmem:s19], [sflag:$0x3], $0x80, s13, s0, $0xb8;
	[tilespmem:$0x1EA00] =	vst v63  }
0x11d: {  	_ =	swait.ge [sflag:s20], $0x4000  }
0x11e: {  	[sflag:s20] =	ssyncset.done $0x0  }
0x11f: {  	[sflag:s20] =	ssyncadd.s32 $0xFFFFC000  }
0x120: {  	_ =	swait.ge [sflag:s1], $0x2000  }
0x121: {  	[sflag:s1] =	ssyncset.done $0x0  }
0x122: {  	[sflag:s1] =	ssyncadd.s32 $0xFFFFE000  }
0x123: {  	_ =	swait.ge [sflag:s1], $0x2000  }
0x124: {  	[sflag:s1] =	ssyncset.done $0x0  }
.Ltmp2:
0x125: {  	[sflag:s1] =	ssyncadd.s32 $0xFFFFE000;
	(pc) =	sbr.rel @p0 .LBB2_4-.Ltmp2, $4  }
0x126: {  	[spmem:s2] =	stream.indirect.scatter.add.f32 [tilespmem:s28], [sflag:$0x3], $0x80, s14, s0, $0xb8;
	[tilespmem:$0x1EA00] =	vst v63  }
0x127: {  	_ =	swait.ge [sflag:s20], $0x4000  }
0x128: {  	[sflag:s20] =	ssyncset.done $0x0  }
0x129: {  	p1 =	por $0x0, $0x0;
	s8 =	simm.s32 $0x28;
	[sflag:s20] =	ssyncadd.s32 $0xFFFFC000  }
0x12a: {  	[bflag:$0x0] =	sbarrier.arrive $0xFFFF  }
0x12b: {  	s8 =	rddreg [dreg:$0x3]  }
0x12c: {  	[tilespmem:s19], [sflag:$0x1] =	stream.linear.gather [spmem:s8], $0x4000, $0x38;
	[tilespmem:$0x1EA00] =	vst v63  }
0x12d: {  	_ = 	snop  }
0x12e: {  	[tilespmem:s28], [sflag:$0x2] =	stream.linear.gather [spmem:s10], $0x4000, $0x38;
	[tilespmem:$0x1EA00] =	vst v63  }
0x12f: {  	_ =	swait.ge [sflag:s31], $0x4000  }
0x130: {  	[sflag:s31] =	ssyncset.done $0x0  }
0x131: {  	s9 =	smov.u32 s10;
	s10 =	rddreg [dreg:$0x5];
	[sflag:s31] =	ssyncadd.s32 $0xFFFFC000  }
0x132: {  	[hbm4b:s10+s3] =	stream.linear.scatter [tilespmem:s19], [sflag:$0x3], $0x4000, $0x38;
	[tilespmem:$0x1EA00] =	vst v63  }
0x133: {  	_ =	swait.ge [sflag:s20], $0x4000  }
0x134: {  	[sflag:s20] =	ssyncset.done $0x0  }
0x135: {  	[sflag:s20] =	ssyncadd.s32 $0xFFFFC000  }
0x136: {  	[tilespmem:s19], [sflag:$0x1] =	stream.linear.gather [spmem:s11], $0x4000, $0x38;
	[tilespmem:$0x1EA00] =	vst v63  }
0x137: {  	_ =	swait.ge [sflag:s1], $0x4000  }
0x138: {  	[sflag:s1] =	ssyncset.done $0x0  }
0x139: {  	s17 =	smov.u32 s11;
	s11 =	rddreg [dreg:$0x6];
	[sflag:s1] =	ssyncadd.s32 $0xFFFFC000  }
0x13a: {  	[hbm4b:s11+s3] =	stream.linear.scatter [tilespmem:s28], [sflag:$0x3], $0x4000, $0x38;
	[tilespmem:$0x1EA00] =	vst v63  }
0x13b: {  	_ =	swait.ge [sflag:s20], $0x4000  }
0x13c: {  	[sflag:s20] =	ssyncset.done $0x0  }
0x13d: {  	[sflag:s20] =	ssyncadd.s32 $0xFFFFC000  }
0x13e: {  	[tilespmem:s28], [sflag:$0x2] =	stream.linear.gather [spmem:s7], $0x4000, $0x38;
	[tilespmem:$0x1EA00] =	vst v63  }
0x13f: {  	_ =	swait.ge [sflag:s31], $0x4000  }
0x140: {  	[sflag:s31] =	ssyncset.done $0x0  }
0x141: {  	s16 =	rddreg [dreg:$0x7];
	[sflag:s31] =	ssyncadd.s32 $0xFFFFC000  }
0x142: {  	[hbm4b:s16+s3] =	stream.linear.scatter [tilespmem:s19], [sflag:$0x3], $0x4000, $0x38;
	[tilespmem:$0x1EA00] =	vst v63  }
0x143: {  	_ =	swait.ge [sflag:s20], $0x4000  }
0x144: {  	[sflag:s20] =	ssyncset.done $0x0  }
0x145: {  	s8 =	rddreg [dreg:$0x4];
	[sflag:s20] =	ssyncadd.s32 $0xFFFFC000  }
0x146: {  	[tilespmem:s19], [sflag:$0x1] =	stream.linear.gather [spmem:s8], $0x4000, $0x38;
	[tilespmem:$0x1EA00] =	vst v63  }
0x147: {  	_ =	swait.ge [sflag:s1], $0x4000  }
0x148: {  	[sflag:s1] =	ssyncset.done $0x0  }
0x149: {  	s10 =	rddreg [dreg:$0x8];
	[sflag:s1] =	ssyncadd.s32 $0xFFFFC000  }
0x14a: {  	[hbm4b:s10+s3] =	stream.linear.scatter [tilespmem:s28], [sflag:$0x3], $0x4000, $0x38;
	[tilespmem:$0x1EA00] =	vst v63  }
0x14b: {  	_ =	swait.ge [sflag:s20], $0x4000  }
0x14c: {  	[sflag:s20] =	ssyncset.done $0x0  }
0x14d: {  	[sflag:s20] =	ssyncadd.s32 $0xFFFFC000  }
0x14e: {  	_ =	swait.ge [sflag:s31], $0x4000  }
0x14f: {  	[sflag:s31] =	ssyncset.done $0x0  }
0x150: {  	s11 =	rddreg [dreg:$0x9];
	[sflag:s31] =	ssyncadd.s32 $0xFFFFC000  }
0x151: {  	[hbm4b:s11+s3] =	stream.linear.scatter [tilespmem:s19], [sflag:$0x3], $0x4000, $0x38;
	[tilespmem:$0x1EA00] =	vst v63  }
0x152: {  	_ =	swait.ge [sflag:s20], $0x4000  }
0x153: {  	s15 =	sadd.s32 $0x1, s15;
	s16 =	rddreg [dreg:$0xa]  }
0x154: {  	p0 =	sne.s32 s15, s16  }
.Ltmp3:
0x155: {  	_ = 	snop;
	(pc) =	sbr.rel @p0 .LBB2_1-.Ltmp3, $3  }
0x156: {  	_ =	sdelay $0x1  }
0x157: {  	[sflag:s20] =	ssyncset.done $0x0  }
0x158: {  	s18 =	smov.u32 s7;
	[sflag:s20] =	ssyncadd.s32 $0xFFFFC000  }
0x159: {  	_ =	sfence.sel $0x180000  }
0x15a: {  	[bflag:$0x0] =	sbarrier.arrive $0xFFFF  }
0x15b: {  	_ =	strace $0x9000004D  }
0x15c: {  	s0 =	stileid.u32;
	[bflag:$0x2] =	sbarrier.arrive $0xFFFF  }
0x15d: {  	p0 =	sne.s32 s0, $0x0;
	s0 =	rddreg [dreg:$0x2]  }
0x15e: {  	s0 =	sadd.s32 @!p0 $0x100000, s0  }
0x15f: {  	[sflag:s0] =	ssyncadd.tile.s32 @!p0 $0x1;
	_ =	shalt  }
.Lfunc_end2:
_tile_overlayer_lowered:
.L_overlay_start_2:
0x160: {  	(tag) =	ssettag $0x2  }
0x161: {  	s0 =	rddreg [dreg:$0x0];
	s2 =	stileid.u32  }
0x162: {  	s1 =	rddreg [dreg:$0x1];
	p0 =	sne.s32 s2, $0x0  }
0x163: {  	s3 =	rddreg [dreg:$0x2];
	[bflag:$0x3] =	sbarrier.arrive $0xFFFF;
	s2 =	simm.s32 @!p0 $0x1C03  }
0x164: {  	[timem:s3], [sflag:s2] =	dma.local @!p0 [hbm:s0], s1  }
0x165: {  	s0 =	simm.s32 @!p0 $0x3  }
0x166: {  	_ =	swait.ge @!p0 [sflag:s0], s1  }
0x167: {  	s1 =	ssub.s32 @!p0 $0x0, s1;
	[sflag:s0] =	ssyncset.done @!p0 $0x0  }
0x168: {  	[sflag:s0] =	ssyncadd.s32 @!p0 s1  }
0x169: {  	[bflag:$0x3] =	sbarrier.arrive $0xFFFF  }
0x16a: {  	_ =	shalt  }

// kernel: kernel.21.cloned.1.call-start
scs
__scs_entry_jumppad:
0x0: {  	(pc) =	sbr.rel $0x88, $3  }
0x1: {  	(tag) =	ssettag $0x0;
	lr =	simm.s32 $0x1  }
0x2: {  	[smem:$0x3F93] =	sst lr;
	_ =	strace $0xD0000000  }
0x3: {  	_ = 	snop  }
0x4: {  	_ = 	snop  }
0x5: {  	_ = 	snop  }
0x6: {  	_ = 	snop  }
0x7: {  	_ = 	snop  }
__scs_overlays_trampoline_lowered:
0x8: {  	[smem:$0x3FA2] =	sst s0  }
0x9: {  	[smem:$0x3FA3] =	sst s1  }
0xa: {  	[smem:$0x3FA4] =	sst s2  }
0xb: {  	[smem:$0x3FA5] =	sst s3  }
0xc: {  	[smem:$0x3FA6] =	sst s4  }
0xd: {  	[smem:$0x3FA7] =	sst s5  }
0xe: {  	[smem:$0x3FA8] =	sst s6  }
0xf: {  	[smem:$0x3FA9] =	sst s7  }
0x10: {  	[smem:$0x3FAA] =	sst s8  }
0x11: {  	[smem:$0x3FAB] =	sst s9;
	s0 =	simm.s32 @!p0 $0x0  }
0x12: {  	s1 =	sld [smem:$0x3F91];
	s0 =	simm.s32 @p0 $0x1  }
0x13: {  	[smem:$0x3FAC] =	sst s0;
	s0 =	simm.s32 @!p1 $0x0  }
0x14: {  	s2 =	sld [smem:$0x3F90];
	s0 =	simm.s32 @p1 $0x1  }
0x15: {  	[smem:$0x3FAD] =	sst s0;
	s0 =	simm.s32 @!p2 $0x0  }
0x16: {  	s3 =	sld [smem:$0x3FDB];
	s0 =	simm.s32 @p2 $0x1  }
0x17: {  	s4 =	simm.s32 $0x1BF5;
	[smem:$0x3FAF] =	sst s0  }
0x18: {  	s0 =	sld [smem:$0x3F92];
	_ =	swait.ge [sflag:s4], $0x0  }
0x19: {  	s7 =	sld [smem:$0x3F93]  }
0x1a: {  	s8 =	sadd.s32 $0xFFFFE003, lr  }
0x1b: {  	s9 =	sadd.s32 $0xFFFFFEF7, lr;
	s5 =	simm.s32 $0xFFFFFFFF;
	p2 =	slt.u32 s8, $0xFFFFF086  }
0x1c: {  	p1 =	slt.u32 s9, $0xF7A;
	s5 =	simm.s32 @!p2 $0x0  }
0x1d: {  	s5 =	simm.s32 @p1 $0x1;
	p0 =	seq.s32 s7, s2  }
0x1e: {  	s7 =	smul.u32 @!p0 $0xF7A, s2;
	p2 =	seq.s32 @!p0 s5, $0x0  }
0x1f: {  	s9 =	smul.u32 $0xF7A, s1;
	s8 =	simm.s32 @!p0 $0x1BF5;
	p2 =	por !p2, p0  }
0x20: {  	[sflag:s8] =	ssyncset.s32 @!p0 $0xFFFFF086;
	s6 =	sadd.s32 @!p0 s3, s7;
	s7 =	simm.s32 @!p0 $0x108  }
0x21: {  	s3 =	sadd.s32 s3, s9;
	s6 =	sadd.s32 @!p0 $0x88, s6;
	s7 =	simm.s32 @p2 $0x1082  }
0x22: {  	[simem:s7], [sflag:s8] =	dma.local @!p0 [hbm:s6], $0xF7A  }
0x23: {  	s9 =	sor.u32 $0xD0000000, s2;
	s6 =	simm.s32 $0x108;
	_ =	swait.ge @!p0 [sflag:s8], $0x0  }
0x24: {  	s3 =	sadd.s32 $0x88, s3;
	s6 =	simm.s32 @!p1 $0x1082;
	[sflag:s4] =	ssyncset.s32 $0xFFFFF086  }
0x25: {  	[simem:s6], [sflag:s4] =	dma.local [hbm:s3], $0xF7A  }
0x26: {  	[smem:$0x3F93] =	sst s1;
	(tag) =	ssettag s2;
	_ =	strace s9  }
0x27: {  	s1 =	sld [smem:$0x3FA3]  }
0x28: {  	s2 =	sld [smem:$0x3FA4]  }
0x29: {  	s4 =	sld [smem:$0x3FA6]  }
0x2a: {  	p0 =	seq.s32 s5, $0x0;
	s5 =	sld [smem:$0x3FA7]  }
0x2b: {  	s6 =	sld [smem:$0x3FA8]  }
0x2c: {  	s7 =	sld [smem:$0x3FA9]  }
0x2d: {  	s3 =	simm.s32 $0x108;
	s8 =	sld [smem:$0x3FAA]  }
0x2e: {  	s3 =	simm.s32 @!p0 $0x1082;
	s9 =	sld [smem:$0x3FAB]  }
0x2f: {  	lr =	sadd.s32 s0, s3;
	s0 =	sld [smem:$0x3FA2]  }
0x30: {  	s3 =	sld [smem:$0x3FA5]  }
0x31: {  	[smem:$0x3FAE] =	sst s10  }
0x32: {  	s10 =	sld [smem:$0x3FAC];
	_ =	sdelay $0x3  }
0x33: {  	p0 =	seq.s32 s10, $0x1;
	s10 =	sld [smem:$0x3FAE];
	_ =	sdelay $0x3  }
0x34: {  	[smem:$0x3FAE] =	sst s10  }
0x35: {  	s10 =	sld [smem:$0x3FAD];
	_ =	sdelay $0x3  }
0x36: {  	p1 =	seq.s32 s10, $0x1;
	s10 =	sld [smem:$0x3FAE];
	_ =	sdelay $0x3  }
0x37: {  	[smem:$0x3FAE] =	sst s10  }
0x38: {  	s10 =	sld [smem:$0x3FAF]  }
0x39: {  	_ = 	snop;
	(pc) =	sbr.ind lr, $3  }
0x3a: {  	_ = 	snop  }
0x3b: {  	_ = 	snop  }
0x3c: {  	p2 =	seq.s32 s10, $0x1;
	s10 =	sld [smem:$0x3FAE]  }
0x3d: {  	_ =	shalt  }
0x3e: {  	_ =	shalt  }
0x3f: {  	_ =	shalt  }
0x40: {  	_ =	shalt  }
0x41: {  	_ =	shalt  }
0x42: {  	_ =	shalt  }
0x43: {  	_ =	shalt  }
0x44: {  	_ =	shalt  }
0x45: {  	_ =	shalt  }
0x46: {  	_ =	shalt  }
0x47: {  	_ =	shalt  }
0x48: {  	_ =	shalt  }
0x49: {  	_ =	shalt  }
0x4a: {  	_ =	shalt  }
0x4b: {  	_ =	shalt  }
0x4c: {  	_ =	shalt  }
0x4d: {  	_ =	shalt  }
0x4e: {  	_ =	shalt  }
0x4f: {  	_ =	shalt  }
0x50: {  	_ =	shalt  }
0x51: {  	_ =	shalt  }
0x52: {  	_ =	shalt  }
0x53: {  	_ =	shalt  }
0x54: {  	_ =	shalt  }
0x55: {  	_ =	shalt  }
0x56: {  	_ =	shalt  }
0x57: {  	_ =	shalt  }
0x58: {  	_ =	shalt  }
0x59: {  	_ =	shalt  }
0x5a: {  	_ =	shalt  }
0x5b: {  	_ =	shalt  }
0x5c: {  	_ =	shalt  }
0x5d: {  	_ =	shalt  }
0x5e: {  	_ =	shalt  }
0x5f: {  	_ =	shalt  }
0x60: {  	_ =	shalt  }
0x61: {  	_ =	shalt  }
0x62: {  	_ =	shalt  }
0x63: {  	_ =	shalt  }
0x64: {  	_ =	shalt  }
0x65: {  	_ =	shalt  }
0x66: {  	_ =	shalt  }
0x67: {  	_ =	shalt  }
0x68: {  	_ =	shalt  }
0x69: {  	_ =	shalt  }
0x6a: {  	_ =	shalt  }
0x6b: {  	_ =	shalt  }
0x6c: {  	_ =	shalt  }
0x6d: {  	_ =	shalt  }
0x6e: {  	_ =	shalt  }
0x6f: {  	_ =	shalt  }
0x70: {  	_ =	shalt  }
0x71: {  	_ =	shalt  }
0x72: {  	_ =	shalt  }
0x73: {  	_ =	shalt  }
0x74: {  	_ =	shalt  }
0x75: {  	_ =	shalt  }
0x76: {  	_ =	shalt  }
0x77: {  	_ =	shalt  }
0x78: {  	_ =	shalt  }
0x79: {  	_ =	shalt  }
0x7a: {  	_ =	shalt  }
0x7b: {  	_ =	shalt  }
0x7c: {  	_ =	shalt  }
0x7d: {  	_ =	shalt  }
0x7e: {  	_ =	shalt  }
0x7f: {  	_ =	shalt  }
0x80: {  	_ =	shalt  }
0x81: {  	_ =	shalt  }
0x82: {  	_ =	shalt  }
0x83: {  	_ =	shalt  }
0x84: {  	_ =	shalt  }
0x85: {  	_ =	shalt  }
0x86: {  	_ =	shalt  }
0x87: {  	_ =	shalt  }
.Lfunc_end0:
.L_simem_size_0:
called_computation.3_lowered:
.L_overlay_start_0:
0x88: {  	s2 =	sld [smem:$0x3FD9]  }
0x89: {  	s3 =	sld [smem:$0x3FFE];
	_ =	sdelay $0x1  }
0x8a: {  	s1 =	srdreg.scid  }
0x8b: {  	s0 =	sand.u32 $0x1, s1  }
0x8c: {  	s16 =	sshll.u32 s0, $0xA;
	s2 =	sadd.s32 s3, s2  }
0x8d: {  	s2 =	sadd.s32 s2, s16  }
0x8e: {  	[smem:$0x3FBA] =	sst s2  }
0x8f: {  	_ = 	snop  }
0x90: {  	(tm) =	ssettm $0x1  }
0x91: {  	s17 =	sld [smem:$0x3FFB];
	_ =	sdelay $0x3  }
0x92: {  	_ =	strace s17  }
0x93: {  	s2 =	sld [smem:$0x3FFC];
	_ =	sdelay $0x3  }
0x94: {  	_ =	strace s2  }
0x95: {  	s2 =	sld [smem:$0x3FFD];
	_ =	sdelay $0x3  }
0x96: {  	_ =	strace s2  }
0x97: {  	_ =	strace $0x8FFFFFFF  }
0x98: {  	s18 =	sld [smem:$0x3FDB];
	_ =	sdelay $0x1  }
0x99: {  	s19 =	simm.s32 $_scs_section_size  }
0x9a: {  	s4 =	simm.s32 $_size__tile_overlayer_lowered;
	s5 =	simm.s32 $_tile_overlayer_lowered  }
0x9b: {  	s22 =	simm.s32 $0x1BFF;
	s21 =	sshll.u32 s5, $0x1;
	s2 =	sadd.s32 s19, s18  }
0x9c: {  	s6 =	simm.s32 $0x0;
	s20 =	sshll.u32 s4, $0x1;
	s4 =	sadd.s32 s21, s2  }
0x9d: {  	[timem:s6], [sflag:s22] =	dma.local [hbm:s4], s20  }
0x9e: {  	_ =	swait.ge [sflag:s22], s20  }
0x9f: {  	s3 =	ssub.s32 $0x0, s20;
	[sflag:s22] =	ssyncset.done $0x0  }
0xa0: {  	[sflag:s22] =	ssyncadd.s32 s3;
	_ =	sdelay $0x1  }
0xa1: {  	s23 =	simm.s32 $0x1B8B  }
0xa2: {  	_ =	swait.ge [sflag:s23], $0x1  }
0xa3: {  	[sflag:s23] =	ssyncset.done $0x0  }
0xa4: {  	s25 =	simm.s32 $0x1B8E;
	s24 =	sld [smem:$0x3FFE];
	[sflag:s23] =	ssyncadd.s32 $0xFFFFFFFF  }
0xa5: {  	s26 =	simm.s32 $execute0_lowered;
	[smem:$0x3FD2] =	sst s25  }
0xa6: {  	s4 =	sshll.u32 s26, $0x1;
	_ =	strace $0x8000004F;
	[dreg:$0x1] =	wrdreg $0xFFFFFFFF  }
0xa7: {  	s28 =	simm.s32 $_size_execute0_lowered;
	s2 =	sadd.s32 s2, s4;
	[dreg:$0x0] =	wrdreg $0x0  }
0xa8: {  	s4 =	sshll.u32 s28, $0x1;
	[dreg:$0x2] =	wrdreg s2  }
0xa9: {  	[dreg:$0x3] =	wrdreg s4  }
0xaa: {  	[dreg:$0x4] =	wrdreg $0xC0  }
0xab: {  	_ =	task [dreg:s6], $0x5FFFF  }
0xac: {  	[dreg:$0x1] =	wrdreg $0xFFFFFFFF  }
0xad: {  	[dreg:$0x0] =	wrdreg $0x60  }
0xae: {  	[dreg:$0x2] =	wrdreg s24  }
0xaf: {  	[dreg:$0x3] =	wrdreg $0xAA000  }
0xb0: {  	[dreg:$0x4] =	wrdreg $0x9  }
0xb1: {  	_ =	task.clear_ibuf [dreg:s6], $0x5FFFF;
	_ =	strace $0x9000004F  }
0xb2: {  	s29 =	simm.s32 $0x9;
	_ =	strace $0x80000051  }
0xb3: {  	_ =	swait.ge [sflag:s29], $0x1  }
0xb4: {  	[sflag:s29] =	ssyncadd.s32 $0xFFFFFFFF  }
0xb5: {  	_ =	strace $0x90000051  }
0xb6: {  	_ =	sfence  }
0xb7: {  	s30 =	sld [smem:$0x0];
	_ =	sdelay $0x2  }
0xb8: {  	s31 =	sshll.u32 s1, $0xD;
	s1 =	sshrl.u32 s1, $0x2  }
0xb9: {  	s3 =	sand.u32 $0x4000, s31;
	s1 =	sadd.s32 s1, s30  }
0xba: {  	s0 =	sor.u32 s3, s0;
	s1 =	sshll.u32 s1, $0x11  }
0xbb: {  	s0 =	sor.u32 s1, s0  }
0xbc: {  	s0 =	sadd.s32 $0x8F2B, s0  }
0xbd: {  	[sflag:s0] =	ssyncadd.remote.s32 $0x1  }
0xbe: {  	_ =	sfence.sel $0xFFFF  }
0xbf: {  	[dreg:$0x0] =	wrdreg $0xFFFFFFFF;
	(pc) =	sbr.abs _section_cstart, $3  }
0xc0: {  	[dreg:$0x1] =	wrdreg $0xFFFFFFFF  }
0xc1: {  	_ =	task.clear_ibuf [dreg:s6], $0x2FFFF;
	_ =	strace $0x9FFFFFFF  }
0xc2: {  	(tm) =	ssettm $0x7FFFFFFF  }
0xc3: {  	_ =	shalt  }
tec
execute0_lowered:
.L_overlay_start_1:
0x0: {  	(tag) =	ssettag $0x1  }
0x1: {  	s0 =	rddreg [dreg:$0x0]  }
0x2: {  	s2 =	rddreg [dreg:$0x1];
	s1 =	srdreg.scid  }
0x3: {  	s10 =	stileid.u32;
	s3 =	simm.s32 $0x0;
	s19 =	simm.s32 $0x2800  }
0x4: {  	s28 =	simm.s32 $0x6800;
	s29 =	simm.s32 $0xA980;
	s30 =	simm.s32 $0x8800  }
0x5: {  	s31 =	simm.s32 $0x1;
	s13 =	simm.s32 $0x2700;
	s14 =	simm.s32 $0x2780  }
0x6: {  	s15 =	simm.s32 $0x0;
	s1 =	sand.u32 $0x1, s1;
	s5 =	smul.u32 $0x280, s10  }
0x7: {  	[smem:$0x7FF] =	sst s3;
	s4 =	sadd.s32 $0x36E00, s0;
	s8 =	smul.u32 $0x50000, s10  }
0x8: {  	s10 =	sshll.u32 s10, $0x1;
	s6 =	smul.u32 $0x2800, s1;
	_ =	strace $0x80000050  }
0x9: {  	s9 =	ssub.s32 $0x2, s1;
	s1 =	sor.u32 s1, s10;
	s20 =	sshrl.u32 s8, $0x2  }
0xa: {  	s21 =	sshrl.u32 s9, $0x1;
	s7 =	sadd.s32 s5, s6;
	s5 =	sadd.s32 $0x68E00, s0  }
0xb: {  	s6 =	sadd.s32 $0x4E00, s0;
	s8 =	ssub.s32 s9, s21;
	s7 =	sshll.u32 s7, $0x4  }
0xc: {  	s26 =	smax.u32 s8, $0x1;
	s0 =	sadd.s32 s7, s0;
	s7 =	sadd.s32 s20, s2  }
0xd: {  	[dreg:$0xa] =	wrdreg s26;
	s9 =	sadd.s32 $0x4000, s7;
	s17 =	sadd.s32 $0x8000, s7  }
0xe: {  	s18 =	sadd.s32 $0xC000, s7;
	[dreg:$0x3] =	wrdreg s7;
	s7 =	sadd.s32 $0x10000, s7  }
0xf: {  	s12 =	smul.u32 $0x50, s1;
	s22 =	sadd.s32 $0x72E00, s0;
	[dreg:$0x4] =	wrdreg s7  }
0x10: {  	s1 =	simm.s32 $0x2;
	s23 =	sadd.s32 $0x73600, s0;
	[dreg:$0x5] =	wrdreg s22  }
0x11: {  	s21 =	simm.s32 $0x1400;
	s24 =	sadd.s32 $0x73E00, s0;
	[dreg:$0x6] =	wrdreg s23  }
0x12: {  	s20 =	simm.s32 $0x3;
	s25 =	sadd.s32 $0x74600, s0;
	[dreg:$0x7] =	wrdreg s24  }
0x13: {  	s26 =	simm.s32 $0xA900;
	s0 =	sadd.s32 $0x74E00, s0;
	[dreg:$0x8] =	wrdreg s25  }
0x14: {  	[dreg:$0x9] =	wrdreg s0;
	s22 =	simm.s32 $0x40;
	s23 =	simm.s32 $0xA800  }
0x15: {  	v0 =	vimm.f32 $0.0e+00;
	s24 =	simm.s32 $0xA880;
	s25 =	simm.s32 $0x4800;
	s0 =	simm.s32 $0x80  }
.LBB2_1:
0x16: {  	s8 =	simm.s32 $0x0;
	s16 =	simm.s32 $0x200  }
.LBB2_2:
0x17: {  	p0 =	sne.s32 s16, $0xFE00;
	[tilespmem:s8+$0x2870] =	vst v0  }
0x18: {  	[tilespmem:s8+$0x2800] =	vst v0  }
0x19: {  	[tilespmem:s8+$0x2810] =	vst v0  }
.Ltmp0:
0x1a: {  	[tilespmem:s8+$0x2820] =	vst v0;
	(pc) =	sbr.rel @p0 .LBB2_2-.Ltmp0, $4  }
0x1b: {  	[tilespmem:s8+$0x2830] =	vst v0  }
0x1c: {  	[tilespmem:s8+$0x2840] =	vst v0  }
0x1d: {  	[tilespmem:s8+$0x2850] =	vst v0  }
0x1e: {  	[tilespmem:s8+$0x2860] =	vst v0;
	s8 =	sshra.s32 s16, $0x2;
	s16 =	sadd.s32 $0x200, s16  }
0x1f: {  	[tilespmem:s8+$0x2870] =	vst v0  }
0x20: {  	[tilespmem:s8+$0x2800] =	vst v0  }
0x21: {  	[tilespmem:s8+$0x2810] =	vst v0  }
0x22: {  	[tilespmem:s8+$0x2820] =	vst v0  }
0x23: {  	[tilespmem:s8+$0x2830] =	vst v0  }
0x24: {  	[tilespmem:s8+$0x2840] =	vst v0  }
0x25: {  	[tilespmem:s8+$0x2850] =	vst v0  }
0x26: {  	[tilespmem:s8+$0x2860] =	vst v0;
	s7 =	rddreg [dreg:$0x3]  }
0x27: {  	[spmem:s7] =	stream.linear.scatter [tilespmem:s19], [sflag:$0x3], $0x4000, $0x38;
	[tilespmem:$0x1EA00] =	vst v63  }
0x28: {  	_ =	swait.ge [sflag:s20], $0x4000  }
0x29: {  	[sflag:s20] =	ssyncset.done $0x0  }
0x2a: {  	[sflag:s20] =	ssyncadd.s32 $0xFFFFC000  }
0x2b: {  	[spmem:s9] =	stream.linear.scatter [tilespmem:s19], [sflag:$0x3], $0x4000, $0x38;
	[tilespmem:$0x1EA00] =	vst v63  }
0x2c: {  	_ =	swait.ge [sflag:s20], $0x4000  }
0x2d: {  	[sflag:s20] =	ssyncset.done $0x0  }
0x2e: {  	[sflag:s20] =	ssyncadd.s32 $0xFFFFC000  }
0x2f: {  	[spmem:s17] =	stream.linear.scatter [tilespmem:s19], [sflag:$0x3], $0x4000, $0x38;
	[tilespmem:$0x1EA00] =	vst v63  }
0x30: {  	_ =	swait.ge [sflag:s20], $0x4000  }
0x31: {  	[sflag:s20] =	ssyncset.done $0x0  }
0x32: {  	[sflag:s20] =	ssyncadd.s32 $0xFFFFC000  }
0x33: {  	[spmem:s18] =	stream.linear.scatter [tilespmem:s19], [sflag:$0x3], $0x4000, $0x38;
	[tilespmem:$0x1EA00] =	vst v63  }
0x34: {  	_ =	swait.ge [sflag:s20], $0x4000  }
0x35: {  	[sflag:s20] =	ssyncset.done $0x0  }
0x36: {  	s7 =	smov.u32 s18;
	s18 =	rddreg [dreg:$0x4];
	[sflag:s20] =	ssyncadd.s32 $0xFFFFC000  }
0x37: {  	[spmem:s18] =	stream.linear.scatter [tilespmem:s19], [sflag:$0x3], $0x4000, $0x38;
	[tilespmem:$0x1EA00] =	vst v63  }
0x38: {  	_ =	swait.ge [sflag:s20], $0x4000  }
0x39: {  	s10 =	smov.u32 s9;
	[sflag:s20] =	ssyncset.done $0x0  }
0x3a: {  	s11 =	smov.u32 s17;
	s16 =	simm.s32 $0x0;
	[sflag:s20] =	ssyncadd.s32 $0xFFFFC000  }
0x3b: {  	p1 =	por $0x1, $0x1;
	s8 =	simm.s32 $0x0;
	[bflag:$0x0] =	sbarrier.arrive $0xFFFF  }
.LBB2_4:
0x3c: {  	s8 =	sadd.s32 s12, s8  }
0x3d: {  	s8 =	sshll.u32 s8, $0x4  }
0x3e: {  	s9 =	sadd.s32 s5, s8  }
0x3f: {  	[tilespmem:s16], [sflag:$0x3] =	stream.linear.gather [hbm4b:s9+s16], $0x1400, $0x38;
	[tilespmem:$0x1EA00] =	vst v63  }
0x40: {  	_ =	swait.ge [sflag:s20], $0x1400  }
0x41: {  	[sflag:s20] =	ssyncset.done $0x0  }
0x42: {  	s8 =	sadd.s32 s6, s8;
	[sflag:s20] =	ssyncadd.s32 $0xFFFFEC00  }
0x43: {  	[tilespmem:s21], [sflag:$0x3] =	stream.linear.gather [hbm4b:s8+s16], $0x1400, $0x38;
	[tilespmem:$0x1EA00] =	vst v63  }
0x44: {  	_ =	swait.ge [sflag:s20], $0x1400  }
0x45: {  	[sflag:s20] =	ssyncset.done $0x0  }
0x46: {  	[sflag:s20] =	ssyncadd.s32 $0xFFFFEC00  }
0x47: {  	v1 =	vld [tilespmem:$0x0]  }
0x48: {  	v2 =	vld [tilespmem:$0x40]  }
0x49: {  	v3 =	vld [tilespmem:$0x10]  }
0x4a: {  	v4 =	vld [tilespmem:$0x50]  }
0x4b: {  	v5 =	vld [tilespmem:$0x20]  }
0x4c: {  	[tilespmem:$0xA800] =	vst v1;
	v1 =	vld [tilespmem:$0x60]  }
0x4d: {  	[tilespmem:$0xA880] =	vst v2;
	v2 =	vld [tilespmem:$0x30]  }
0x4e: {  	[tilespmem:$0xA810] =	vst v3;
	v3 =	vld [tilespmem:$0x70]  }
0x4f: {  	[tilespmem:$0xA890] =	vst v4  }
0x50: {  	[tilespmem:$0xA820] =	vst v5  }
0x51: {  	[tilespmem:$0xA8A0] =	vst v1  }
0x52: {  	[tilespmem:$0xA830] =	vst v2  }
0x53: {  	[tilespmem:$0xA8B0] =	vst v3  }
0x54: {  	[tilespmem:s19], [sflag:$0x1] =	stream.indirect.gather [hbm4b:s4+s22], $0x80, s23, s22, $0xb8;
	[tilespmem:$0x1EA00] =	vst v63  }
0x55: {  	s18 =	simm.s32 $0x0  }
0x56: {  	[tilespmem:s25], [sflag:$0x1] =	stream.indirect.gather [hbm4b:s4+s22], $0x80, s24, s22, $0xb8;
	[tilespmem:$0x1EA00] =	vst v63  }
0x57: {  	v1 =	vld [tilespmem:s18+$0x80];
	_ =	sdelay $0x4  }
0x58: {  	[tilespmem:$0xA900] =	vst v1  }
0x59: {  	v1 =	vld [tilespmem:s18+$0xC0];
	_ =	sdelay $0x4  }
0x5a: {  	[tilespmem:$0xA980] =	vst v1  }
0x5b: {  	v1 =	vld [tilespmem:s18+$0x90];
	_ =	sdelay $0x4  }
0x5c: {  	[tilespmem:$0xA910] =	vst v1  }
0x5d: {  	v1 =	vld [tilespmem:s18+$0xD0];
	_ =	sdelay $0x4  }
0x5e: {  	[tilespmem:$0xA990] =	vst v1  }
0x5f: {  	v1 =	vld [tilespmem:s18+$0xA0];
	_ =	sdelay $0x4  }
0x60: {  	[tilespmem:$0xA920] =	vst v1  }
0x61: {  	v1 =	vld [tilespmem:s18+$0xE0];
	_ =	sdelay $0x4  }
0x62: {  	[tilespmem:$0xA9A0] =	vst v1  }
0x63: {  	v1 =	vld [tilespmem:s18+$0xB0];
	_ =	sdelay $0x4  }
0x64: {  	[tilespmem:$0xA930] =	vst v1  }
0x65: {  	v1 =	vld [tilespmem:s18+$0xF0];
	_ =	sdelay $0x4  }
0x66: {  	[tilespmem:$0xA9B0] =	vst v1  }
0x67: {  	[tilespmem:s28], [sflag:$0x2] =	stream.indirect.gather [hbm4b:s4+s22], $0x80, s26, s22, $0xb8;
	[tilespmem:$0x1EA00] =	vst v63  }
0x68: {  	_ = 	snop  }
0x69: {  	[tilespmem:s30], [sflag:$0x2] =	stream.indirect.gather [hbm4b:s4+s22], $0x80, s29, s22, $0xb8;
	[tilespmem:$0x1EA00] =	vst v63  }
0x6a: {  	_ =	swait.ge [sflag:s31], $0x2000  }
0x6b: {  	[sflag:s31] =	ssyncset.done $0x0  }
0x6c: {  	[sflag:s31] =	ssyncadd.s32 $0xFFFFE000  }
0x6d: {  	_ =	swait.ge [sflag:s31], $0x2000  }
0x6e: {  	[sflag:s31] =	ssyncset.done $0x0  }
0x6f: {  	s17 =	simm.s32 $0x1400;
	[sflag:s31] =	ssyncadd.s32 $0xFFFFE000  }
0x70: {  	[spmem:s2] =	stream.indirect.scatter.add.f32 [tilespmem:s19], [sflag:$0x3], $0x80, s17, s0, $0xb8;
	[tilespmem:$0x1EA00] =	vst v63  }
0x71: {  	_ =	swait.ge [sflag:s20], $0x4000  }
0x72: {  	[sflag:s20] =	ssyncset.done $0x0  }
0x73: {  	[sflag:s20] =	ssyncadd.s32 $0xFFFFC000  }
0x74: {  	v1 =	vld [tilespmem:s18+$0x100];
	_ =	sdelay $0x4  }
0x75: {  	[tilespmem:$0xA800] =	vst v1  }
0x76: {  	v1 =	vld [tilespmem:s18+$0x140];
	_ =	sdelay $0x4  }
0x77: {  	[tilespmem:$0xA880] =	vst v1  }
0x78: {  	v1 =	vld [tilespmem:s18+$0x110];
	_ =	sdelay $0x4  }
0x79: {  	[tilespmem:$0xA810] =	vst v1  }
0x7a: {  	v1 =	vld [tilespmem:s18+$0x150];
	_ =	sdelay $0x4  }
0x7b: {  	[tilespmem:$0xA890] =	vst v1  }
0x7c: {  	v1 =	vld [tilespmem:s18+$0x120];
	_ =	sdelay $0x4  }
0x7d: {  	[tilespmem:$0xA820] =	vst v1  }
0x7e: {  	v1 =	vld [tilespmem:s18+$0x160];
	_ =	sdelay $0x4  }
0x7f: {  	[tilespmem:$0xA8A0] =	vst v1  }
0x80: {  	v1 =	vld [tilespmem:s18+$0x130];
	_ =	sdelay $0x4  }
0x81: {  	[tilespmem:$0xA830] =	vst v1  }
0x82: {  	v1 =	vld [tilespmem:s18+$0x170];
	_ =	sdelay $0x4  }
0x83: {  	[tilespmem:$0xA8B0] =	vst v1  }
0x84: {  	[tilespmem:s19], [sflag:$0x1] =	stream.indirect.gather [hbm4b:s4+s22], $0x80, s23, s22, $0xb8;
	[tilespmem:$0x1EA00] =	vst v63  }
0x85: {  	_ = 	snop  }
0x86: {  	[tilespmem:s25], [sflag:$0x1] =	stream.indirect.gather [hbm4b:s4+s22], $0x80, s24, s22, $0xb8;
	[tilespmem:$0x1EA00] =	vst v63  }
0x87: {  	_ =	swait.ge [sflag:s1], $0x2000  }
0x88: {  	[sflag:s1] =	ssyncset.done $0x0  }
0x89: {  	[sflag:s1] =	ssyncadd.s32 $0xFFFFE000  }
0x8a: {  	_ =	swait.ge [sflag:s1], $0x2000  }
0x8b: {  	[sflag:s1] =	ssyncset.done $0x0  }
0x8c: {  	s18 =	simm.s32 $0x1480;
	[sflag:s1] =	ssyncadd.s32 $0xFFFFE000  }
0x8d: {  	[spmem:s2] =	stream.indirect.scatter.add.f32 [tilespmem:s28], [sflag:$0x3], $0x80, s18, s0, $0xb8;
	[tilespmem:$0x1EA00] =	vst v63  }
0x8e: {  	p0 =	por p1, p1;
	_ =	swait.ge [sflag:s20], $0x4000  }
0x8f: {  	s17 =	simm.s32 $0x400;
	s18 =	simm.s32 $0x800;
	[sflag:s20] =	ssyncset.done $0x0  }
.LBB2_5:
0x90: {  	s8 =	sshra.s32 s17, $0x2  }
0x91: {  	[sflag:s20] =	ssyncadd.s32 $0xFFFFC000;
	s17 =	smov.u32 s18;
	s9 =	sadd.s32 $0x400, s18  }
0x92: {  	p1 =	sne.s32 s18, $0x4800;
	v1 =	vld [tilespmem:s8+$0x80];
	_ =	sdelay $0x4  }
0x93: {  	[tilespmem:$0xA900] =	vst v1  }
0x94: {  	v1 =	vld [tilespmem:s8+$0xC0];
	_ =	sdelay $0x4  }
0x95: {  	[tilespmem:$0xA980] =	vst v1  }
0x96: {  	v1 =	vld [tilespmem:s8+$0x90];
	_ =	sdelay $0x4  }
0x97: {  	[tilespmem:$0xA910] =	vst v1  }
0x98: {  	v1 =	vld [tilespmem:s8+$0xD0];
	_ =	sdelay $0x4  }
0x99: {  	[tilespmem:$0xA990] =	vst v1  }
0x9a: {  	v1 =	vld [tilespmem:s8+$0xA0];
	_ =	sdelay $0x4  }
0x9b: {  	[tilespmem:$0xA920] =	vst v1  }
0x9c: {  	v1 =	vld [tilespmem:s8+$0xE0];
	_ =	sdelay $0x4  }
0x9d: {  	[tilespmem:$0xA9A0] =	vst v1  }
0x9e: {  	v1 =	vld [tilespmem:s8+$0xB0];
	_ =	sdelay $0x4  }
0x9f: {  	[tilespmem:$0xA930] =	vst v1  }
0xa0: {  	v1 =	vld [tilespmem:s8+$0xF0];
	_ =	sdelay $0x4  }
0xa1: {  	[tilespmem:$0xA9B0] =	vst v1  }
0xa2: {  	[tilespmem:s28], [sflag:$0x2] =	stream.indirect.gather [hbm4b:s4+s22], $0x80, s26, s22, $0xb8;
	[tilespmem:$0x1EA00] =	vst v63  }
0xa3: {  	_ = 	snop  }
0xa4: {  	[tilespmem:s30], [sflag:$0x2] =	stream.indirect.gather [hbm4b:s4+s22], $0x80, s29, s22, $0xb8;
	[tilespmem:$0x1EA00] =	vst v63  }
0xa5: {  	_ =	swait.ge [sflag:s31], $0x2000  }
0xa6: {  	[sflag:s31] =	ssyncset.done $0x0  }
0xa7: {  	[sflag:s31] =	ssyncadd.s32 $0xFFFFE000  }
0xa8: {  	_ =	swait.ge [sflag:s31], $0x2000  }
0xa9: {  	[sflag:s31] =	ssyncset.done $0x0  }
0xaa: {  	s18 =	sadd.s32 $0x1400, s8;
	[sflag:s31] =	ssyncadd.s32 $0xFFFFE000  }
0xab: {  	[spmem:s2] =	stream.indirect.scatter.add.f32 [tilespmem:s19], [sflag:$0x3], $0x80, s18, s0, $0xb8;
	[tilespmem:$0x1EA00] =	vst v63  }
0xac: {  	_ =	swait.ge [sflag:s20], $0x4000  }
0xad: {  	[sflag:s20] =	ssyncset.done $0x0  }
0xae: {  	[sflag:s20] =	ssyncadd.s32 $0xFFFFC000  }
0xaf: {  	v1 =	vld [tilespmem:s8+$0x100];
	_ =	sdelay $0x4  }
0xb0: {  	[tilespmem:$0xA800] =	vst v1  }
0xb1: {  	v1 =	vld [tilespmem:s8+$0x140];
	_ =	sdelay $0x4  }
0xb2: {  	[tilespmem:$0xA880] =	vst v1  }
0xb3: {  	v1 =	vld [tilespmem:s8+$0x110];
	_ =	sdelay $0x4  }
0xb4: {  	[tilespmem:$0xA810] =	vst v1  }
0xb5: {  	v1 =	vld [tilespmem:s8+$0x150];
	_ =	sdelay $0x4  }
0xb6: {  	[tilespmem:$0xA890] =	vst v1  }
0xb7: {  	v1 =	vld [tilespmem:s8+$0x120];
	_ =	sdelay $0x4  }
0xb8: {  	[tilespmem:$0xA820] =	vst v1  }
0xb9: {  	v1 =	vld [tilespmem:s8+$0x160];
	_ =	sdelay $0x4  }
0xba: {  	[tilespmem:$0xA8A0] =	vst v1  }
0xbb: {  	v1 =	vld [tilespmem:s8+$0x130];
	_ =	sdelay $0x4  }
0xbc: {  	[tilespmem:$0xA830] =	vst v1  }
0xbd: {  	v1 =	vld [tilespmem:s8+$0x170];
	_ =	sdelay $0x4  }
0xbe: {  	[tilespmem:$0xA8B0] =	vst v1  }
0xbf: {  	[tilespmem:s19], [sflag:$0x1] =	stream.indirect.gather [hbm4b:s4+s22], $0x80, s23, s22, $0xb8;
	[tilespmem:$0x1EA00] =	vst v63  }
0xc0: {  	_ = 	snop  }
0xc1: {  	[tilespmem:s25], [sflag:$0x1] =	stream.indirect.gather [hbm4b:s4+s22], $0x80, s24, s22, $0xb8;
	[tilespmem:$0x1EA00] =	vst v63  }
0xc2: {  	_ =	swait.ge [sflag:s1], $0x2000  }
0xc3: {  	[sflag:s1] =	ssyncset.done $0x0  }
0xc4: {  	[sflag:s1] =	ssyncadd.s32 $0xFFFFE000  }
0xc5: {  	_ =	swait.ge [sflag:s1], $0x2000  }
.Ltmp1:
0xc6: {  	[sflag:s1] =	ssyncset.done $0x0;
	(pc) =	sbr.rel @p1 .LBB2_5-.Ltmp1, $4  }
0xc7: {  	s8 =	sadd.s32 $0x1480, s8;
	[sflag:s1] =	ssyncadd.s32 $0xFFFFE000  }
0xc8: {  	[spmem:s2] =	stream.indirect.scatter.add.f32 [tilespmem:s28], [sflag:$0x3], $0x80, s8, s0, $0xb8;
	[tilespmem:$0x1EA00] =	vst v63  }
0xc9: {  	_ =	swait.ge [sflag:s20], $0x4000  }
0xca: {  	s18 =	smov.u32 s9;
	[sflag:s20] =	ssyncset.done $0x0  }
0xcb: {  	s8 =	sshra.s32 s17, $0x2;
	[sflag:s20] =	ssyncadd.s32 $0xFFFFC000  }
0xcc: {  	v1 =	vld [tilespmem:s8+$0x80];
	_ =	sdelay $0x4  }
0xcd: {  	[tilespmem:$0xA900] =	vst v1  }
0xce: {  	v1 =	vld [tilespmem:s8+$0xC0];
	_ =	sdelay $0x4  }
0xcf: {  	[tilespmem:$0xA980] =	vst v1  }
0xd0: {  	v1 =	vld [tilespmem:s8+$0x90];
	_ =	sdelay $0x4  }
0xd1: {  	[tilespmem:$0xA910] =	vst v1  }
0xd2: {  	v1 =	vld [tilespmem:s8+$0xD0];
	_ =	sdelay $0x4  }
0xd3: {  	[tilespmem:$0xA990] =	vst v1  }
0xd4: {  	v1 =	vld [tilespmem:s8+$0xA0];
	_ =	sdelay $0x4  }
0xd5: {  	[tilespmem:$0xA920] =	vst v1  }
0xd6: {  	v1 =	vld [tilespmem:s8+$0xE0];
	_ =	sdelay $0x4  }
0xd7: {  	[tilespmem:$0xA9A0] =	vst v1  }
0xd8: {  	v1 =	vld [tilespmem:s8+$0xB0];
	_ =	sdelay $0x4  }
0xd9: {  	[tilespmem:$0xA930] =	vst v1  }
0xda: {  	v1 =	vld [tilespmem:s8+$0xF0];
	_ =	sdelay $0x4  }
0xdb: {  	[tilespmem:$0xA9B0] =	vst v1  }
0xdc: {  	[tilespmem:s28], [sflag:$0x2] =	stream.indirect.gather [hbm4b:s4+s22], $0x80, s26, s22, $0xb8;
	[tilespmem:$0x1EA00] =	vst v63  }
0xdd: {  	_ = 	snop  }
0xde: {  	[tilespmem:s30], [sflag:$0x2] =	stream.indirect.gather [hbm4b:s4+s22], $0x80, s29, s22, $0xb8;
	[tilespmem:$0x1EA00] =	vst v63  }
0xdf: {  	_ =	swait.ge [sflag:s31], $0x2000  }
0xe0: {  	[sflag:s31] =	ssyncset.done $0x0  }
0xe1: {  	[sflag:s31] =	ssyncadd.s32 $0xFFFFE000  }
0xe2: {  	_ =	swait.ge [sflag:s31], $0x2000  }
0xe3: {  	[sflag:s31] =	ssyncset.done $0x0  }
0xe4: {  	s9 =	sadd.s32 $0x1400, s8;
	[sflag:s31] =	ssyncadd.s32 $0xFFFFE000  }
0xe5: {  	[spmem:s2] =	stream.indirect.scatter.add.f32 [tilespmem:s19], [sflag:$0x3], $0x80, s9, s0, $0xb8;
	[tilespmem:$0x1EA00] =	vst v63  }
0xe6: {  	_ =	swait.ge [sflag:s20], $0x4000  }
0xe7: {  	[sflag:s20] =	ssyncset.done $0x0  }
0xe8: {  	[sflag:s20] =	ssyncadd.s32 $0xFFFFC000  }
0xe9: {  	v1 =	vld [tilespmem:s8+$0x100];
	_ =	sdelay $0x4  }
0xea: {  	[tilespmem:$0xA800] =	vst v1  }
0xeb: {  	v1 =	vld [tilespmem:s8+$0x140];
	_ =	sdelay $0x4  }
0xec: {  	[tilespmem:$0xA880] =	vst v1  }
0xed: {  	v1 =	vld [tilespmem:s8+$0x110];
	_ =	sdelay $0x4  }
0xee: {  	[tilespmem:$0xA810] =	vst v1  }
0xef: {  	v1 =	vld [tilespmem:s8+$0x150];
	_ =	sdelay $0x4  }
0xf0: {  	[tilespmem:$0xA890] =	vst v1  }
0xf1: {  	v1 =	vld [tilespmem:s8+$0x120];
	_ =	sdelay $0x4  }
0xf2: {  	[tilespmem:$0xA820] =	vst v1  }
0xf3: {  	v1 =	vld [tilespmem:s8+$0x160];
	_ =	sdelay $0x4  }
0xf4: {  	[tilespmem:$0xA8A0] =	vst v1  }
0xf5: {  	v1 =	vld [tilespmem:s8+$0x130];
	_ =	sdelay $0x4  }
0xf6: {  	[tilespmem:$0xA830] =	vst v1  }
0xf7: {  	v1 =	vld [tilespmem:s8+$0x170];
	_ =	sdelay $0x4  }
0xf8: {  	[tilespmem:$0xA8B0] =	vst v1  }
0xf9: {  	[tilespmem:s19], [sflag:$0x1] =	stream.indirect.gather [hbm4b:s4+s22], $0x80, s23, s22, $0xb8;
	[tilespmem:$0x1EA00] =	vst v63  }
0xfa: {  	_ = 	snop  }
0xfb: {  	[tilespmem:s25], [sflag:$0x1] =	stream.indirect.gather [hbm4b:s4+s22], $0x80, s24, s22, $0xb8;
	[tilespmem:$0x1EA00] =	vst v63  }
0xfc: {  	_ =	swait.ge [sflag:s1], $0x2000  }
0xfd: {  	[sflag:s1] =	ssyncset.done $0x0  }
0xfe: {  	[sflag:s1] =	ssyncadd.s32 $0xFFFFE000  }
0xff: {  	_ =	swait.ge [sflag:s1], $0x2000  }
0x100: {  	[sflag:s1] =	ssyncset.done $0x0  }
0x101: {  	s8 =	sadd.s32 $0x1480, s8;
	[sflag:s1] =	ssyncadd.s32 $0xFFFFE000  }
0x102: {  	[spmem:s2] =	stream.indirect.scatter.add.f32 [tilespmem:s28], [sflag:$0x3], $0x80, s8, s0, $0xb8;
	[tilespmem:$0x1EA00] =	vst v63  }
0x103: {  	_ =	swait.ge [sflag:s20], $0x4000  }
0x104: {  	[sflag:s20] =	ssyncset.done $0x0  }
0x105: {  	[sflag:s20] =	ssyncadd.s32 $0xFFFFC000  }
0x106: {  	v1 =	vld [tilespmem:$0x1380]  }
0x107: {  	v2 =	vld [tilespmem:$0x13C0]  }
0x108: {  	v3 =	vld [tilespmem:$0x1390]  }
0x109: {  	v4 =	vld [tilespmem:$0x13D0]  }
0x10a: {  	v5 =	vld [tilespmem:$0x13A0]  }
0x10b: {  	[tilespmem:$0xA900] =	vst v1;
	v1 =	vld [tilespmem:$0x13E0]  }
0x10c: {  	[tilespmem:$0xA980] =	vst v2;
	v2 =	vld [tilespmem:$0x13B0]  }
0x10d: {  	[tilespmem:$0xA910] =	vst v3;
	v3 =	vld [tilespmem:$0x13F0]  }
0x10e: {  	[tilespmem:$0xA990] =	vst v4  }
0x10f: {  	[tilespmem:$0xA920] =	vst v5  }
0x110: {  	[tilespmem:$0xA9A0] =	vst v1  }
0x111: {  	[tilespmem:$0xA930] =	vst v2  }
0x112: {  	[tilespmem:$0xA9B0] =	vst v3  }
0x113: {  	[tilespmem:s28], [sflag:$0x2] =	stream.indirect.gather [hbm4b:s4+s22], $0x80, s26, s22, $0xb8;
	[tilespmem:$0x1EA00] =	vst v63  }
0x114: {  	_ = 	snop  }
0x115: {  	[tilespmem:s30], [sflag:$0x2] =	stream.indirect.gather [hbm4b:s4+s22], $0x80, s29, s22, $0xb8;
	[tilespmem:$0x1EA00] =	vst v63  }
0x116: {  	_ =	swait.ge [sflag:s31], $0x2000  }
0x117: {  	[sflag:s31] =	ssyncset.done $0x0  }
0x118: {  	[sflag:s31] =	ssyncadd.s32 $0xFFFFE000  }
0x119: {  	_ =	swait.ge [sflag:s31], $0x2000  }
0x11a: {  	[sflag:s31] =	ssyncset.done $0x0  }
0x11b: {  	[sflag:s31] =	ssyncadd.s32 $0xFFFFE000  }
0x11c: {  	[spmem:s2] =	stream.indirect.scatter.add.f32 [tilespmem:s19], [sflag:$0x3], $0x80, s13, s0, $0xb8;
	[tilespmem:$0x1EA00] =	vst v63  }
0x11d: {  	_ =	swait.ge [sflag:s20], $0x4000  }
0x11e: {  	[sflag:s20] =	ssyncset.done $0x0  }
0x11f: {  	[sflag:s20] =	ssyncadd.s32 $0xFFFFC000  }
0x120: {  	_ =	swait.ge [sflag:s1], $0x2000  }
0x121: {  	[sflag:s1] =	ssyncset.done $0x0  }
0x122: {  	[sflag:s1] =	ssyncadd.s32 $0xFFFFE000  }
0x123: {  	_ =	swait.ge [sflag:s1], $0x2000  }
0x124: {  	[sflag:s1] =	ssyncset.done $0x0  }
.Ltmp2:
0x125: {  	[sflag:s1] =	ssyncadd.s32 $0xFFFFE000;
	(pc) =	sbr.rel @p0 .LBB2_4-.Ltmp2, $4  }
0x126: {  	[spmem:s2] =	stream.indirect.scatter.add.f32 [tilespmem:s28], [sflag:$0x3], $0x80, s14, s0, $0xb8;
	[tilespmem:$0x1EA00] =	vst v63  }
0x127: {  	_ =	swait.ge [sflag:s20], $0x4000  }
0x128: {  	[sflag:s20] =	ssyncset.done $0x0  }
0x129: {  	p1 =	por $0x0, $0x0;
	s8 =	simm.s32 $0x28;
	[sflag:s20] =	ssyncadd.s32 $0xFFFFC000  }
0x12a: {  	[bflag:$0x0] =	sbarrier.arrive $0xFFFF  }
0x12b: {  	s8 =	rddreg [dreg:$0x3]  }
0x12c: {  	[tilespmem:s19], [sflag:$0x1] =	stream.linear.gather [spmem:s8], $0x4000, $0x38;
	[tilespmem:$0x1EA00] =	vst v63  }
0x12d: {  	_ = 	snop  }
0x12e: {  	[tilespmem:s28], [sflag:$0x2] =	stream.linear.gather [spmem:s10], $0x4000, $0x38;
	[tilespmem:$0x1EA00] =	vst v63  }
0x12f: {  	_ =	swait.ge [sflag:s31], $0x4000  }
0x130: {  	[sflag:s31] =	ssyncset.done $0x0  }
0x131: {  	s9 =	smov.u32 s10;
	s10 =	rddreg [dreg:$0x5];
	[sflag:s31] =	ssyncadd.s32 $0xFFFFC000  }
0x132: {  	[hbm4b:s10+s3] =	stream.linear.scatter [tilespmem:s19], [sflag:$0x3], $0x4000, $0x38;
	[tilespmem:$0x1EA00] =	vst v63  }
0x133: {  	_ =	swait.ge [sflag:s20], $0x4000  }
0x134: {  	[sflag:s20] =	ssyncset.done $0x0  }
0x135: {  	[sflag:s20] =	ssyncadd.s32 $0xFFFFC000  }
0x136: {  	[tilespmem:s19], [sflag:$0x1] =	stream.linear.gather [spmem:s11], $0x4000, $0x38;
	[tilespmem:$0x1EA00] =	vst v63  }
0x137: {  	_ =	swait.ge [sflag:s1], $0x4000  }
0x138: {  	[sflag:s1] =	ssyncset.done $0x0  }
0x139: {  	s17 =	smov.u32 s11;
	s11 =	rddreg [dreg:$0x6];
	[sflag:s1] =	ssyncadd.s32 $0xFFFFC000  }
0x13a: {  	[hbm4b:s11+s3] =	stream.linear.scatter [tilespmem:s28], [sflag:$0x3], $0x4000, $0x38;
	[tilespmem:$0x1EA00] =	vst v63  }
0x13b: {  	_ =	swait.ge [sflag:s20], $0x4000  }
0x13c: {  	[sflag:s20] =	ssyncset.done $0x0  }
0x13d: {  	[sflag:s20] =	ssyncadd.s32 $0xFFFFC000  }
0x13e: {  	[tilespmem:s28], [sflag:$0x2] =	stream.linear.gather [spmem:s7], $0x4000, $0x38;
	[tilespmem:$0x1EA00] =	vst v63  }
0x13f: {  	_ =	swait.ge [sflag:s31], $0x4000  }
0x140: {  	[sflag:s31] =	ssyncset.done $0x0  }
0x141: {  	s16 =	rddreg [dreg:$0x7];
	[sflag:s31] =	ssyncadd.s32 $0xFFFFC000  }
0x142: {  	[hbm4b:s16+s3] =	stream.linear.scatter [tilespmem:s19], [sflag:$0x3], $0x4000, $0x38;
	[tilespmem:$0x1EA00] =	vst v63  }
0x143: {  	_ =	swait.ge [sflag:s20], $0x4000  }
0x144: {  	[sflag:s20] =	ssyncset.done $0x0  }
0x145: {  	s8 =	rddreg [dreg:$0x4];
	[sflag:s20] =	ssyncadd.s32 $0xFFFFC000  }
0x146: {  	[tilespmem:s19], [sflag:$0x1] =	stream.linear.gather [spmem:s8], $0x4000, $0x38;
	[tilespmem:$0x1EA00] =	vst v63  }
0x147: {  	_ =	swait.ge [sflag:s1], $0x4000  }
0x148: {  	[sflag:s1] =	ssyncset.done $0x0  }
0x149: {  	s10 =	rddreg [dreg:$0x8];
	[sflag:s1] =	ssyncadd.s32 $0xFFFFC000  }
0x14a: {  	[hbm4b:s10+s3] =	stream.linear.scatter [tilespmem:s28], [sflag:$0x3], $0x4000, $0x38;
	[tilespmem:$0x1EA00] =	vst v63  }
0x14b: {  	_ =	swait.ge [sflag:s20], $0x4000  }
0x14c: {  	[sflag:s20] =	ssyncset.done $0x0  }
0x14d: {  	[sflag:s20] =	ssyncadd.s32 $0xFFFFC000  }
0x14e: {  	_ =	swait.ge [sflag:s31], $0x4000  }
0x14f: {  	[sflag:s31] =	ssyncset.done $0x0  }
0x150: {  	s11 =	rddreg [dreg:$0x9];
	[sflag:s31] =	ssyncadd.s32 $0xFFFFC000  }
0x151: {  	[hbm4b:s11+s3] =	stream.linear.scatter [tilespmem:s19], [sflag:$0x3], $0x4000, $0x38;
	[tilespmem:$0x1EA00] =	vst v63  }
0x152: {  	_ =	swait.ge [sflag:s20], $0x4000  }
0x153: {  	s15 =	sadd.s32 $0x1, s15;
	s16 =	rddreg [dreg:$0xa]  }
0x154: {  	p0 =	sne.s32 s15, s16  }
.Ltmp3:
0x155: {  	_ = 	snop;
	(pc) =	sbr.rel @p0 .LBB2_1-.Ltmp3, $3  }
0x156: {  	_ =	sdelay $0x1  }
0x157: {  	[sflag:s20] =	ssyncset.done $0x0  }
0x158: {  	s18 =	smov.u32 s7;
	[sflag:s20] =	ssyncadd.s32 $0xFFFFC000  }
0x159: {  	_ =	sfence.sel $0x180000  }
0x15a: {  	[bflag:$0x0] =	sbarrier.arrive $0xFFFF  }
0x15b: {  	_ =	strace $0x90000050  }
0x15c: {  	s0 =	stileid.u32;
	[bflag:$0x2] =	sbarrier.arrive $0xFFFF  }
0x15d: {  	p0 =	sne.s32 s0, $0x0;
	s0 =	rddreg [dreg:$0x2]  }
0x15e: {  	s0 =	sadd.s32 @!p0 $0x100000, s0  }
0x15f: {  	[sflag:s0] =	ssyncadd.tile.s32 @!p0 $0x1;
	_ =	shalt  }
.Lfunc_end2:
_tile_overlayer_lowered:
.L_overlay_start_2:
0x160: {  	(tag) =	ssettag $0x2  }
0x161: {  	s0 =	rddreg [dreg:$0x0];
	s2 =	stileid.u32  }
0x162: {  	s1 =	rddreg [dreg:$0x1];
	p0 =	sne.s32 s2, $0x0  }
0x163: {  	s3 =	rddreg [dreg:$0x2];
	[bflag:$0x3] =	sbarrier.arrive $0xFFFF;
	s2 =	simm.s32 @!p0 $0x1C03  }
0x164: {  	[timem:s3], [sflag:s2] =	dma.local @!p0 [hbm:s0], s1  }
0x165: {  	s0 =	simm.s32 @!p0 $0x3  }
0x166: {  	_ =	swait.ge @!p0 [sflag:s0], s1  }
0x167: {  	s1 =	ssub.s32 @!p0 $0x0, s1;
	[sflag:s0] =	ssyncset.done @!p0 $0x0  }
0x168: {  	[sflag:s0] =	ssyncadd.s32 @!p0 s1  }
0x169: {  	[bflag:$0x3] =	sbarrier.arrive $0xFFFF  }
0x16a: {  	_ =	shalt  }

</sc_bundles>
